<compile_context>
chip_gen: v7x
topology: tpu7x:2x2x1
jax: 0.10.2.dev20260603
libtpu: 0.0.44.dev20260713+nightly
codegen_flags: <defaults>
</compile_context>

<pallas_src>
import functools

import jax
import jax.numpy as jnp
from jax import lax
from jax.experimental import pallas as pl
from jax.experimental.pallas import tpu as pltpu
from jax.experimental.pallas import tpu_sc as plsc

NC = 2
NS = 16
K = 64
NBUF = 8
DH = 64
NCNT = 10240


def _sc_accumulate(x, ep, zeros, czeros, *, n, n_pad, ept):
    nch = ept // K
    rows_per_tile = n_pad // NS
    tload = n // NS
    mesh = plsc.VectorSubcoreMesh(core_axis_name="c", subcore_axis_name="s")

    @functools.partial(
        pl.kernel,
        out_type=(jax.ShapeDtypeStruct((NC, n_pad, DH), jnp.float32),
                  jax.ShapeDtypeStruct((NC, NS, NCNT), jnp.float32)),
        mesh=mesh,
        scratch_types=[
            pltpu.VMEM_SHARED((n_pad, DH), jnp.float32),
            pltpu.VMEM_SHARED((n_pad, DH), jnp.float32),
            pltpu.VMEM((NCNT,), jnp.float32),
        ]
        + [pltpu.VMEM((2, K), jnp.int32) for _ in range(2 * NBUF)]
        + [pltpu.VMEM((K, DH), jnp.float32) for _ in range(NBUF)]
        + [pltpu.SemaphoreType.DMA for _ in range(3 * NBUF)],
        compiler_params=pltpu.CompilerParams(use_tc_tiling_on_sc=False,
                                             needs_layout_passes=False),
    )
    def sc_kernel(x_hbm, ep_hbm, z_hbm, zc_hbm, part_hbm, cnt_hbm,
                  table, accum, counts, *rest):
        idxs = rest[:2 * NBUF]
        bufs = rest[2 * NBUF:3 * NBUF]
        isems = rest[3 * NBUF:4 * NBUF]
        gsems = rest[4 * NBUF:5 * NBUF]
        ssems = rest[5 * NBUF:]
        c = lax.axis_index("c")
        s = lax.axis_index("s")
        base = s * ept
        ones16 = jnp.ones((16,), jnp.float32)

        pltpu.sync_copy(x_hbm.at[pl.ds(s * tload, tload), pl.ds(c * DH, DH)],
                        table.at[pl.ds(s * tload, tload)])
        row0 = s * rows_per_tile
        pltpu.sync_copy(z_hbm.at[pl.ds(row0, rows_per_tile)],
                        accum.at[pl.ds(row0, rows_per_tile)])
        pltpu.sync_copy(zc_hbm, counts)
        plsc.subcore_barrier()

        def idx_load(ci, slot):
            off = base + ci * K
            pltpu.async_copy(ep_hbm.at[0, pl.ds(off, K)], idxs[slot].at[0],
                             isems[slot % NBUF])
            pltpu.async_copy(ep_hbm.at[1, pl.ds(off, K)], idxs[slot].at[1],
                             isems[slot % NBUF])

        def idx_wait(ci, slot):
            off = base + ci * K
            pltpu.make_async_copy(ep_hbm.at[0, pl.ds(off, K)],
                                  idxs[slot].at[0], isems[slot % NBUF]).wait()
            pltpu.make_async_copy(ep_hbm.at[1, pl.ds(off, K)],
                                  idxs[slot].at[1], isems[slot % NBUF]).wait()

        for b in range(NBUF):
            idx_load(b, b)

        def body(g, _):
            for p in range(2):
                i = g * 2 + p
                for b in range(NBUF):
                    ci = i * NBUF + b
                    ib = idxs[p * NBUF + b]
                    idx_wait(ci, p * NBUF + b)
                    pltpu.async_copy(table.at[ib.at[0]], bufs[b], gsems[b])

                    @pl.when(ci + NBUF < nch)
                    def _():
                        idx_load(ci + NBUF, (1 - p) * NBUF + b)

                    for j in range(K // 16):
                        plsc.addupdate_scatter(
                            counts, [ib[1, pl.ds(j * 16, 16)]], ones16)
                for b in range(NBUF):
                    ib = idxs[p * NBUF + b]
                    pltpu.make_async_copy(table.at[ib.at[0]], bufs[b],
                                          gsems[b]).wait()
                    pltpu.async_copy(bufs[b], accum.at[ib.at[1]], ssems[b],
                                     add=True)
                for b in range(NBUF):
                    ib = idxs[p * NBUF + b]
                    pltpu.make_async_copy(bufs[b], accum.at[ib.at[1]],
                                          ssems[b]).wait()
            return _

        lax.fori_loop(0, nch // (2 * NBUF), body, None)
        plsc.subcore_barrier()
        pltpu.sync_copy(accum.at[pl.ds(row0, rows_per_tile)],
                        part_hbm.at[c, pl.ds(row0, rows_per_tile)])
        pltpu.sync_copy(counts, cnt_hbm.at[c, s])

    return sc_kernel(x, ep, zeros, czeros)


def _tc_combine(x, parts, cnts, *, n, d, n_pad):
    blk = 1024
    grid = (-(-n // blk),)
    dh = d // 2

    def body(x_ref, p_ref, c_ref, o_ref):
        cnt = jnp.maximum(jnp.sum(c_ref[0], axis=0), 1.0)[:, None]
        o_ref[:, :d] = x_ref[...]
        o_ref[:, d:d + dh] = p_ref[0] / cnt
        o_ref[:, d + dh:] = p_ref[1] / cnt

    return pl.pallas_call(
        body,
        grid=grid,
        in_specs=[
            pl.BlockSpec((blk, d), lambda i: (i, 0)),
            pl.BlockSpec((NC, blk, DH), lambda i: (0, i, 0)),
            pl.BlockSpec((1, NS, blk), lambda i: (0, 0, i)),
        ],
        out_specs=pl.BlockSpec((blk, 2 * d), lambda i: (i, 0)),
        out_shape=jax.ShapeDtypeStruct((n, 2 * d), jnp.float32),
    )(x, parts, cnts)


def kernel(edge_index, x):
    n, d = x.shape
    e = edge_index.shape[1]
    n_pad = 10240
    ept = -(-e // (NS * K * 2 * NBUF)) * K * 2 * NBUF
    e_pad = ept * NS

    ep = jnp.pad(edge_index, ((0, 0), (0, e_pad - e)), constant_values=n)
    zeros = jnp.zeros((n_pad, DH), jnp.float32)
    czeros = jnp.zeros((NCNT,), jnp.float32)

    parts, cnt = _sc_accumulate(x, ep, zeros, czeros,
                                n=n, n_pad=n_pad, ept=ept)
    return _tc_combine(x, parts, cnt, n=n, d=d, n_pad=n_pad)

# --- scband reference (transcript-rebuilt; emitter-appended) ---
"""Pipeline reference for scband-graph-mean-aggregation-module-75050258530502 (READ-ONLY COPY).

The authoritative reference and input builder live on the scoring server;
editing this copy changes nothing except your own understanding.
"""

import jax, jax.numpy as jnp
import numpy as np


def setup_inputs(seed: int = 0) -> dict:
    key = jax.random.key(seed)
    k1, k2 = jax.random.split(key)
    n_nodes = 10000
    n_edges = 320000
    d_feat = 128
    edge_index = jax.random.randint(k1, (2, n_edges), 0, n_nodes, dtype=jnp.int64 if jax.config.jax_enable_x64 else jnp.int32).astype(jnp.int32)
    x = jax.random.normal(k2, (n_nodes, d_feat), dtype=jnp.float32)
    return {"edge_index": edge_index, "x": x}


def reference(edge_index, x):
    # copy_u_mean: message = x[src]; mean-reduce messages at dst node.
    src = edge_index[0]
    dst = edge_index[1]
    n_nodes = x.shape[0]
    msgs = jnp.take(x, src, axis=0)                      # gather source features per edge
    summed = jax.ops.segment_sum(msgs, dst, num_segments=n_nodes)
    counts = jax.ops.segment_sum(jnp.ones((msgs.shape[0],), dtype=x.dtype), dst, num_segments=n_nodes)
    x_aggregated = summed / jnp.maximum(counts, 1.0)[:, None]  # zero in-degree -> 0
    out = jnp.concatenate([x, x_aggregated], axis=-1)
    return out

if __name__ == "__main__":
    import jax
    _d = setup_inputs()
    print(jax.jit(kernel)(*tuple(_d.values())))

</pallas_src>

<mosaic_0001>
#map = affine_map<(d0, d1) -> (0, 0)>
#map1 = affine_map<(d0, d1) -> (0)>
#map2 = affine_map<(d0, d1) -> (0, 0, 0)>
module attributes {stable_mosaic.version = 14 : i64} {
  func.func @sc_kernel(%arg0: i32, %arg1: i32, %arg2: memref<10000x128xf32, #tpu.memory_space<hbm>>, %arg3: memref<2x327680xi32, #tpu.memory_space<hbm>>, %arg4: memref<10240x64xf32, #tpu.memory_space<hbm>>, %arg5: memref<10240xf32, #tpu.memory_space<hbm>>, %arg6: memref<2x10240x64xf32, #tpu.memory_space<hbm>>, %arg7: memref<2x16x10240xf32, #tpu.memory_space<hbm>>, %arg8: memref<10240x64xf32, #tpu.memory_space<vmem_shared>>, %arg9: memref<10240x64xf32, #tpu.memory_space<vmem_shared>>, %arg10: memref<10240xf32, #tpu.memory_space<vmem>>, %arg11: memref<2x64xi32, #tpu.memory_space<vmem>>, %arg12: memref<2x64xi32, #tpu.memory_space<vmem>>, %arg13: memref<2x64xi32, #tpu.memory_space<vmem>>, %arg14: memref<2x64xi32, #tpu.memory_space<vmem>>, %arg15: memref<2x64xi32, #tpu.memory_space<vmem>>, %arg16: memref<2x64xi32, #tpu.memory_space<vmem>>, %arg17: memref<2x64xi32, #tpu.memory_space<vmem>>, %arg18: memref<2x64xi32, #tpu.memory_space<vmem>>, %arg19: memref<2x64xi32, #tpu.memory_space<vmem>>, %arg20: memref<2x64xi32, #tpu.memory_space<vmem>>, %arg21: memref<2x64xi32, #tpu.memory_space<vmem>>, %arg22: memref<2x64xi32, #tpu.memory_space<vmem>>, %arg23: memref<2x64xi32, #tpu.memory_space<vmem>>, %arg24: memref<2x64xi32, #tpu.memory_space<vmem>>, %arg25: memref<2x64xi32, #tpu.memory_space<vmem>>, %arg26: memref<2x64xi32, #tpu.memory_space<vmem>>, %arg27: memref<64x64xf32, #tpu.memory_space<vmem>>, %arg28: memref<64x64xf32, #tpu.memory_space<vmem>>, %arg29: memref<64x64xf32, #tpu.memory_space<vmem>>, %arg30: memref<64x64xf32, #tpu.memory_space<vmem>>, %arg31: memref<64x64xf32, #tpu.memory_space<vmem>>, %arg32: memref<64x64xf32, #tpu.memory_space<vmem>>, %arg33: memref<64x64xf32, #tpu.memory_space<vmem>>, %arg34: memref<64x64xf32, #tpu.memory_space<vmem>>, %arg35: memref<!tpu.dma_semaphore, #tpu.memory_space<semaphore_mem>>, %arg36: memref<!tpu.dma_semaphore, #tpu.memory_space<semaphore_mem>>, %arg37: memref<!tpu.dma_semaphore, #tpu.memory_space<semaphore_mem>>, %arg38: memref<!tpu.dma_semaphore, #tpu.memory_space<semaphore_mem>>, %arg39: memref<!tpu.dma_semaphore, #tpu.memory_space<semaphore_mem>>, %arg40: memref<!tpu.dma_semaphore, #tpu.memory_space<semaphore_mem>>, %arg41: memref<!tpu.dma_semaphore, #tpu.memory_space<semaphore_mem>>, %arg42: memref<!tpu.dma_semaphore, #tpu.memory_space<semaphore_mem>>, %arg43: memref<!tpu.dma_semaphore, #tpu.memory_space<semaphore_mem>>, %arg44: memref<!tpu.dma_semaphore, #tpu.memory_space<semaphore_mem>>, %arg45: memref<!tpu.dma_semaphore, #tpu.memory_space<semaphore_mem>>, %arg46: memref<!tpu.dma_semaphore, #tpu.memory_space<semaphore_mem>>, %arg47: memref<!tpu.dma_semaphore, #tpu.memory_space<semaphore_mem>>, %arg48: memref<!tpu.dma_semaphore, #tpu.memory_space<semaphore_mem>>, %arg49: memref<!tpu.dma_semaphore, #tpu.memory_space<semaphore_mem>>, %arg50: memref<!tpu.dma_semaphore, #tpu.memory_space<semaphore_mem>>, %arg51: memref<!tpu.dma_semaphore, #tpu.memory_space<semaphore_mem>>, %arg52: memref<!tpu.dma_semaphore, #tpu.memory_space<semaphore_mem>>, %arg53: memref<!tpu.dma_semaphore, #tpu.memory_space<semaphore_mem>>, %arg54: memref<!tpu.dma_semaphore, #tpu.memory_space<semaphore_mem>>, %arg55: memref<!tpu.dma_semaphore, #tpu.memory_space<semaphore_mem>>, %arg56: memref<!tpu.dma_semaphore, #tpu.memory_space<semaphore_mem>>, %arg57: memref<!tpu.dma_semaphore, #tpu.memory_space<semaphore_mem>>, %arg58: memref<!tpu.dma_semaphore, #tpu.memory_space<semaphore_mem>>) attributes {dimension_semantics = [#tpu.dimension_semantics<core_parallel>, #tpu.dimension_semantics<subcore_parallel>], iteration_bounds = array<i64: 2, 16>, scalar_prefetch = 0 : i64, scratch_operands = 51 : i64, tpu.core_type = #tpu.core_type<sc_vector_subcore>, window_params = [{transform_indices = #map}, {transform_indices = #map}, {transform_indices = #map}, {transform_indices = #map1}, {transform_indices = #map2}, {transform_indices = #map2}]} {
    %mul3A = arith.constant 20480 : i32
    %mul3A_0 = arith.muli %arg1, %mul3A : i32
    %broadcast_in_dim3A = arith.constant 1.000000e+00 : f32
    %broadcast_in_dim3A_1 = vector.broadcast %broadcast_in_dim3A : f32 to vector<16xf32>
    %mul3A_2 = arith.constant 625 : i32
    %mul3A_3 = arith.muli %arg1, %mul3A_2 : i32
    %mul3A_4 = arith.constant 64 : i32
    %mul3A_5 = arith.muli %arg0, %mul3A_4 : i32
    %mul3A_6 = arith.constant 625 : i32
    %mul3A_7 = arith.muli %arg1, %mul3A_6 : i32
    "tpu.region"() ({
      %run_scoped3A = tpu.sem_alloc : memref<!tpu.dma_semaphore, #tpu.memory_space<semaphore_mem>>
      %dma_start3A_221 = arith.constant 0 : i32
      %dma_start3A_222 = tpu.memref_slice %arg8[%mul3A_7, %dma_start3A_221] : memref<10240x64xf32, #tpu.memory_space<vmem_shared>> -> memref<625x64xf32, #tpu.memory_space<vmem_shared>>
      %dma_start3A_223 = tpu.memref_slice %arg2[%mul3A_3, %mul3A_5] : memref<10000x128xf32, #tpu.memory_space<hbm>> -> memref<625x64xf32, #tpu.memory_space<hbm>>
      tpu.enqueue_dma source(%dma_start3A_223 : memref<625x64xf32, #tpu.memory_space<hbm>>) target(%dma_start3A_222 : memref<625x64xf32, #tpu.memory_space<vmem_shared>>) target_semaphore(%run_scoped3A : memref<!tpu.dma_semaphore, #tpu.memory_space<semaphore_mem>>)
      %dma_wait3A = arith.constant 0 : i32
      %dma_wait3A_224 = tpu.memref_slice %arg8[%mul3A_7, %dma_wait3A] : memref<10240x64xf32, #tpu.memory_space<vmem_shared>> -> memref<625x64xf32, #tpu.memory_space<vmem_shared>>
      %dma_wait3A_225 = tpu.memref_slice %arg2[%mul3A_3, %mul3A_5] : memref<10000x128xf32, #tpu.memory_space<hbm>> -> memref<625x64xf32, #tpu.memory_space<hbm>>
      tpu.wait_dma2 semaphore(%run_scoped3A : memref<!tpu.dma_semaphore, #tpu.memory_space<semaphore_mem>>) src(%dma_wait3A_225 : memref<625x64xf32, #tpu.memory_space<hbm>>) dst(%dma_wait3A_224 : memref<625x64xf32, #tpu.memory_space<vmem_shared>>)
      tpu.yield
    }) : () -> ()
    %mul3A_8 = arith.constant 640 : i32
    %mul3A_9 = arith.muli %arg1, %mul3A_8 : i32
    "tpu.region"() ({
      %run_scoped3A = tpu.sem_alloc : memref<!tpu.dma_semaphore, #tpu.memory_space<semaphore_mem>>
      %dma_start3A_221 = arith.constant 0 : i32
      %dma_start3A_222 = tpu.memref_slice %arg9[%mul3A_9, %dma_start3A_221] : memref<10240x64xf32, #tpu.memory_space<vmem_shared>> -> memref<640x64xf32, #tpu.memory_space<vmem_shared>>
      %dma_start3A_223 = arith.constant 0 : i32
      %dma_start3A_224 = tpu.memref_slice %arg4[%mul3A_9, %dma_start3A_223] : memref<10240x64xf32, #tpu.memory_space<hbm>> -> memref<640x64xf32, #tpu.memory_space<hbm>>
      tpu.enqueue_dma source(%dma_start3A_224 : memref<640x64xf32, #tpu.memory_space<hbm>>) target(%dma_start3A_222 : memref<640x64xf32, #tpu.memory_space<vmem_shared>>) target_semaphore(%run_scoped3A : memref<!tpu.dma_semaphore, #tpu.memory_space<semaphore_mem>>)
      %dma_wait3A = arith.constant 0 : i32
      %dma_wait3A_225 = tpu.memref_slice %arg9[%mul3A_9, %dma_wait3A] : memref<10240x64xf32, #tpu.memory_space<vmem_shared>> -> memref<640x64xf32, #tpu.memory_space<vmem_shared>>
      %dma_wait3A_226 = arith.constant 0 : i32
      %dma_wait3A_227 = tpu.memref_slice %arg4[%mul3A_9, %dma_wait3A_226] : memref<10240x64xf32, #tpu.memory_space<hbm>> -> memref<640x64xf32, #tpu.memory_space<hbm>>
      tpu.wait_dma2 semaphore(%run_scoped3A : memref<!tpu.dma_semaphore, #tpu.memory_space<semaphore_mem>>) src(%dma_wait3A_227 : memref<640x64xf32, #tpu.memory_space<hbm>>) dst(%dma_wait3A_225 : memref<640x64xf32, #tpu.memory_space<vmem_shared>>)
      tpu.yield
    }) : () -> ()
    "tpu.region"() ({
      %run_scoped3A = tpu.sem_alloc : memref<!tpu.dma_semaphore, #tpu.memory_space<semaphore_mem>>
      tpu.enqueue_dma source(%arg5 : memref<10240xf32, #tpu.memory_space<hbm>>) target(%arg10 : memref<10240xf32, #tpu.memory_space<vmem>>) target_semaphore(%run_scoped3A : memref<!tpu.dma_semaphore, #tpu.memory_space<semaphore_mem>>)
      tpu.wait_dma2 semaphore(%run_scoped3A : memref<!tpu.dma_semaphore, #tpu.memory_space<semaphore_mem>>) src(%arg5 : memref<10240xf32, #tpu.memory_space<hbm>>) dst(%arg10 : memref<10240xf32, #tpu.memory_space<vmem>>)
      tpu.yield
    }) : () -> ()
    %barrier3A = arith.constant 0 : index
    tpu.barrier barrier_id(%barrier3A)
    %add3A = arith.constant 0 : i32
    %add3A_10 = arith.addi %mul3A_0, %add3A : i32
    %dma_start3A = arith.constant 0 : i32
    %dma_start3A_11 = arith.constant 0 : i32
    %dma_start3A_12 = arith.constant 0 : i32
    %dma_start3A_13 = tpu.memref_slice %arg11[%dma_start3A_11, %dma_start3A_12] : memref<2x64xi32, #tpu.memory_space<vmem>> -> memref<1x64xi32, #tpu.memory_space<vmem>>
    %dma_start3A_14 = tpu.memref_squeeze %dma_start3A_13 : memref<1x64xi32, #tpu.memory_space<vmem>> -> memref<64xi32, #tpu.memory_space<vmem>>
    %dma_start3A_15 = tpu.memref_slice %arg3[%dma_start3A, %add3A_10] : memref<2x327680xi32, #tpu.memory_space<hbm>> -> memref<1x64xi32, #tpu.memory_space<hbm>>
    %dma_start3A_16 = tpu.memref_squeeze %dma_start3A_15 : memref<1x64xi32, #tpu.memory_space<hbm>> -> memref<64xi32, #tpu.memory_space<hbm>>
    %dma_start3A_17 = arith.constant 0 : i32
    %dma_start3A_18 = tpu.memref_slice %arg11[%dma_start3A_11, %dma_start3A_17] : memref<2x64xi32, #tpu.memory_space<vmem>> -> memref<1x64xi32, #tpu.memory_space<vmem>>
    %dma_start3A_19 = tpu.memref_squeeze %dma_start3A_18 : memref<1x64xi32, #tpu.memory_space<vmem>> -> memref<64xi32, #tpu.memory_space<vmem>>
    %dma_start3A_20 = tpu.memref_slice %arg3[%dma_start3A, %add3A_10] : memref<2x327680xi32, #tpu.memory_space<hbm>> -> memref<1x64xi32, #tpu.memory_space<hbm>>
    %dma_start3A_21 = tpu.memref_squeeze %dma_start3A_20 : memref<1x64xi32, #tpu.memory_space<hbm>> -> memref<64xi32, #tpu.memory_space<hbm>>
    tpu.enqueue_dma source(%dma_start3A_21 : memref<64xi32, #tpu.memory_space<hbm>>) target(%dma_start3A_19 : memref<64xi32, #tpu.memory_space<vmem>>) target_semaphore(%arg35 : memref<!tpu.dma_semaphore, #tpu.memory_space<semaphore_mem>>)
    %dma_start3A_22 = arith.constant 1 : i32
    %dma_start3A_23 = arith.constant 1 : i32
    %dma_start3A_24 = arith.constant 0 : i32
    %dma_start3A_25 = tpu.memref_slice %arg11[%dma_start3A_23, %dma_start3A_24] : memref<2x64xi32, #tpu.memory_space<vmem>> -> memref<1x64xi32, #tpu.memory_space<vmem>>
    %dma_start3A_26 = tpu.memref_squeeze %dma_start3A_25 : memref<1x64xi32, #tpu.memory_space<vmem>> -> memref<64xi32, #tpu.memory_space<vmem>>
    %dma_start3A_27 = tpu.memref_slice %arg3[%dma_start3A_22, %add3A_10] : memref<2x327680xi32, #tpu.memory_space<hbm>> -> memref<1x64xi32, #tpu.memory_space<hbm>>
    %dma_start3A_28 = tpu.memref_squeeze %dma_start3A_27 : memref<1x64xi32, #tpu.memory_space<hbm>> -> memref<64xi32, #tpu.memory_space<hbm>>
    %dma_start3A_29 = arith.constant 0 : i32
    %dma_start3A_30 = tpu.memref_slice %arg11[%dma_start3A_23, %dma_start3A_29] : memref<2x64xi32, #tpu.memory_space<vmem>> -> memref<1x64xi32, #tpu.memory_space<vmem>>
    %dma_start3A_31 = tpu.memref_squeeze %dma_start3A_30 : memref<1x64xi32, #tpu.memory_space<vmem>> -> memref<64xi32, #tpu.memory_space<vmem>>
    %dma_start3A_32 = tpu.memref_slice %arg3[%dma_start3A_22, %add3A_10] : memref<2x327680xi32, #tpu.memory_space<hbm>> -> memref<1x64xi32, #tpu.memory_space<hbm>>
    %dma_start3A_33 = tpu.memref_squeeze %dma_start3A_32 : memref<1x64xi32, #tpu.memory_space<hbm>> -> memref<64xi32, #tpu.memory_space<hbm>>
    tpu.enqueue_dma source(%dma_start3A_33 : memref<64xi32, #tpu.memory_space<hbm>>) target(%dma_start3A_31 : memref<64xi32, #tpu.memory_space<vmem>>) target_semaphore(%arg35 : memref<!tpu.dma_semaphore, #tpu.memory_space<semaphore_mem>>)
    %add3A_34 = arith.constant 64 : i32
    %add3A_35 = arith.addi %mul3A_0, %add3A_34 : i32
    %dma_start3A_36 = arith.constant 0 : i32
    %dma_start3A_37 = arith.constant 0 : i32
    %dma_start3A_38 = arith.constant 0 : i32
    %dma_start3A_39 = tpu.memref_slice %arg12[%dma_start3A_37, %dma_start3A_38] : memref<2x64xi32, #tpu.memory_space<vmem>> -> memref<1x64xi32, #tpu.memory_space<vmem>>
    %dma_start3A_40 = tpu.memref_squeeze %dma_start3A_39 : memref<1x64xi32, #tpu.memory_space<vmem>> -> memref<64xi32, #tpu.memory_space<vmem>>
    %dma_start3A_41 = tpu.memref_slice %arg3[%dma_start3A_36, %add3A_35] : memref<2x327680xi32, #tpu.memory_space<hbm>> -> memref<1x64xi32, #tpu.memory_space<hbm>>
    %dma_start3A_42 = tpu.memref_squeeze %dma_start3A_41 : memref<1x64xi32, #tpu.memory_space<hbm>> -> memref<64xi32, #tpu.memory_space<hbm>>
    %dma_start3A_43 = arith.constant 0 : i32
    %dma_start3A_44 = tpu.memref_slice %arg12[%dma_start3A_37, %dma_start3A_43] : memref<2x64xi32, #tpu.memory_space<vmem>> -> memref<1x64xi32, #tpu.memory_space<vmem>>
    %dma_start3A_45 = tpu.memref_squeeze %dma_start3A_44 : memref<1x64xi32, #tpu.memory_space<vmem>> -> memref<64xi32, #tpu.memory_space<vmem>>
    %dma_start3A_46 = tpu.memref_slice %arg3[%dma_start3A_36, %add3A_35] : memref<2x327680xi32, #tpu.memory_space<hbm>> -> memref<1x64xi32, #tpu.memory_space<hbm>>
    %dma_start3A_47 = tpu.memref_squeeze %dma_start3A_46 : memref<1x64xi32, #tpu.memory_space<hbm>> -> memref<64xi32, #tpu.memory_space<hbm>>
    tpu.enqueue_dma source(%dma_start3A_47 : memref<64xi32, #tpu.memory_space<hbm>>) target(%dma_start3A_45 : memref<64xi32, #tpu.memory_space<vmem>>) target_semaphore(%arg36 : memref<!tpu.dma_semaphore, #tpu.memory_space<semaphore_mem>>)
    %dma_start3A_48 = arith.constant 1 : i32
    %dma_start3A_49 = arith.constant 1 : i32
    %dma_start3A_50 = arith.constant 0 : i32
    %dma_start3A_51 = tpu.memref_slice %arg12[%dma_start3A_49, %dma_start3A_50] : memref<2x64xi32, #tpu.memory_space<vmem>> -> memref<1x64xi32, #tpu.memory_space<vmem>>
    %dma_start3A_52 = tpu.memref_squeeze %dma_start3A_51 : memref<1x64xi32, #tpu.memory_space<vmem>> -> memref<64xi32, #tpu.memory_space<vmem>>
    %dma_start3A_53 = tpu.memref_slice %arg3[%dma_start3A_48, %add3A_35] : memref<2x327680xi32, #tpu.memory_space<hbm>> -> memref<1x64xi32, #tpu.memory_space<hbm>>
    %dma_start3A_54 = tpu.memref_squeeze %dma_start3A_53 : memref<1x64xi32, #tpu.memory_space<hbm>> -> memref<64xi32, #tpu.memory_space<hbm>>
    %dma_start3A_55 = arith.constant 0 : i32
    %dma_start3A_56 = tpu.memref_slice %arg12[%dma_start3A_49, %dma_start3A_55] : memref<2x64xi32, #tpu.memory_space<vmem>> -> memref<1x64xi32, #tpu.memory_space<vmem>>
    %dma_start3A_57 = tpu.memref_squeeze %dma_start3A_56 : memref<1x64xi32, #tpu.memory_space<vmem>> -> memref<64xi32, #tpu.memory_space<vmem>>
    %dma_start3A_58 = tpu.memref_slice %arg3[%dma_start3A_48, %add3A_35] : memref<2x327680xi32, #tpu.memory_space<hbm>> -> memref<1x64xi32, #tpu.memory_space<hbm>>
    %dma_start3A_59 = tpu.memref_squeeze %dma_start3A_58 : memref<1x64xi32, #tpu.memory_space<hbm>> -> memref<64xi32, #tpu.memory_space<hbm>>
    tpu.enqueue_dma source(%dma_start3A_59 : memref<64xi32, #tpu.memory_space<hbm>>) target(%dma_start3A_57 : memref<64xi32, #tpu.memory_space<vmem>>) target_semaphore(%arg36 : memref<!tpu.dma_semaphore, #tpu.memory_space<semaphore_mem>>)
    %add3A_60 = arith.constant 128 : i32
    %add3A_61 = arith.addi %mul3A_0, %add3A_60 : i32
    %dma_start3A_62 = arith.constant 0 : i32
    %dma_start3A_63 = arith.constant 0 : i32
    %dma_start3A_64 = arith.constant 0 : i32
    %dma_start3A_65 = tpu.memref_slice %arg13[%dma_start3A_63, %dma_start3A_64] : memref<2x64xi32, #tpu.memory_space<vmem>> -> memref<1x64xi32, #tpu.memory_space<vmem>>
    %dma_start3A_66 = tpu.memref_squeeze %dma_start3A_65 : memref<1x64xi32, #tpu.memory_space<vmem>> -> memref<64xi32, #tpu.memory_space<vmem>>
    %dma_start3A_67 = tpu.memref_slice %arg3[%dma_start3A_62, %add3A_61] : memref<2x327680xi32, #tpu.memory_space<hbm>> -> memref<1x64xi32, #tpu.memory_space<hbm>>
    %dma_start3A_68 = tpu.memref_squeeze %dma_start3A_67 : memref<1x64xi32, #tpu.memory_space<hbm>> -> memref<64xi32, #tpu.memory_space<hbm>>
    %dma_start3A_69 = arith.constant 0 : i32
    %dma_start3A_70 = tpu.memref_slice %arg13[%dma_start3A_63, %dma_start3A_69] : memref<2x64xi32, #tpu.memory_space<vmem>> -> memref<1x64xi32, #tpu.memory_space<vmem>>
    %dma_start3A_71 = tpu.memref_squeeze %dma_start3A_70 : memref<1x64xi32, #tpu.memory_space<vmem>> -> memref<64xi32, #tpu.memory_space<vmem>>
    %dma_start3A_72 = tpu.memref_slice %arg3[%dma_start3A_62, %add3A_61] : memref<2x327680xi32, #tpu.memory_space<hbm>> -> memref<1x64xi32, #tpu.memory_space<hbm>>
    %dma_start3A_73 = tpu.memref_squeeze %dma_start3A_72 : memref<1x64xi32, #tpu.memory_space<hbm>> -> memref<64xi32, #tpu.memory_space<hbm>>
    tpu.enqueue_dma source(%dma_start3A_73 : memref<64xi32, #tpu.memory_space<hbm>>) target(%dma_start3A_71 : memref<64xi32, #tpu.memory_space<vmem>>) target_semaphore(%arg37 : memref<!tpu.dma_semaphore, #tpu.memory_space<semaphore_mem>>)
    %dma_start3A_74 = arith.constant 1 : i32
    %dma_start3A_75 = arith.constant 1 : i32
    %dma_start3A_76 = arith.constant 0 : i32
    %dma_start3A_77 = tpu.memref_slice %arg13[%dma_start3A_75, %dma_start3A_76] : memref<2x64xi32, #tpu.memory_space<vmem>> -> memref<1x64xi32, #tpu.memory_space<vmem>>
    %dma_start3A_78 = tpu.memref_squeeze %dma_start3A_77 : memref<1x64xi32, #tpu.memory_space<vmem>> -> memref<64xi32, #tpu.memory_space<vmem>>
    %dma_start3A_79 = tpu.memref_slice %arg3[%dma_start3A_74, %add3A_61] : memref<2x327680xi32, #tpu.memory_space<hbm>> -> memref<1x64xi32, #tpu.memory_space<hbm>>
    %dma_start3A_80 = tpu.memref_squeeze %dma_start3A_79 : memref<1x64xi32, #tpu.memory_space<hbm>> -> memref<64xi32, #tpu.memory_space<hbm>>
    %dma_start3A_81 = arith.constant 0 : i32
    %dma_start3A_82 = tpu.memref_slice %arg13[%dma_start3A_75, %dma_start3A_81] : memref<2x64xi32, #tpu.memory_space<vmem>> -> memref<1x64xi32, #tpu.memory_space<vmem>>
    %dma_start3A_83 = tpu.memref_squeeze %dma_start3A_82 : memref<1x64xi32, #tpu.memory_space<vmem>> -> memref<64xi32, #tpu.memory_space<vmem>>
    %dma_start3A_84 = tpu.memref_slice %arg3[%dma_start3A_74, %add3A_61] : memref<2x327680xi32, #tpu.memory_space<hbm>> -> memref<1x64xi32, #tpu.memory_space<hbm>>
    %dma_start3A_85 = tpu.memref_squeeze %dma_start3A_84 : memref<1x64xi32, #tpu.memory_space<hbm>> -> memref<64xi32, #tpu.memory_space<hbm>>
    tpu.enqueue_dma source(%dma_start3A_85 : memref<64xi32, #tpu.memory_space<hbm>>) target(%dma_start3A_83 : memref<64xi32, #tpu.memory_space<vmem>>) target_semaphore(%arg37 : memref<!tpu.dma_semaphore, #tpu.memory_space<semaphore_mem>>)
    %add3A_86 = arith.constant 192 : i32
    %add3A_87 = arith.addi %mul3A_0, %add3A_86 : i32
    %dma_start3A_88 = arith.constant 0 : i32
    %dma_start3A_89 = arith.constant 0 : i32
    %dma_start3A_90 = arith.constant 0 : i32
    %dma_start3A_91 = tpu.memref_slice %arg14[%dma_start3A_89, %dma_start3A_90] : memref<2x64xi32, #tpu.memory_space<vmem>> -> memref<1x64xi32, #tpu.memory_space<vmem>>
    %dma_start3A_92 = tpu.memref_squeeze %dma_start3A_91 : memref<1x64xi32, #tpu.memory_space<vmem>> -> memref<64xi32, #tpu.memory_space<vmem>>
    %dma_start3A_93 = tpu.memref_slice %arg3[%dma_start3A_88, %add3A_87] : memref<2x327680xi32, #tpu.memory_space<hbm>> -> memref<1x64xi32, #tpu.memory_space<hbm>>
    %dma_start3A_94 = tpu.memref_squeeze %dma_start3A_93 : memref<1x64xi32, #tpu.memory_space<hbm>> -> memref<64xi32, #tpu.memory_space<hbm>>
    %dma_start3A_95 = arith.constant 0 : i32
    %dma_start3A_96 = tpu.memref_slice %arg14[%dma_start3A_89, %dma_start3A_95] : memref<2x64xi32, #tpu.memory_space<vmem>> -> memref<1x64xi32, #tpu.memory_space<vmem>>
    %dma_start3A_97 = tpu.memref_squeeze %dma_start3A_96 : memref<1x64xi32, #tpu.memory_space<vmem>> -> memref<64xi32, #tpu.memory_space<vmem>>
    %dma_start3A_98 = tpu.memref_slice %arg3[%dma_start3A_88, %add3A_87] : memref<2x327680xi32, #tpu.memory_space<hbm>> -> memref<1x64xi32, #tpu.memory_space<hbm>>
    %dma_start3A_99 = tpu.memref_squeeze %dma_start3A_98 : memref<1x64xi32, #tpu.memory_space<hbm>> -> memref<64xi32, #tpu.memory_space<hbm>>
    tpu.enqueue_dma source(%dma_start3A_99 : memref<64xi32, #tpu.memory_space<hbm>>) target(%dma_start3A_97 : memref<64xi32, #tpu.memory_space<vmem>>) target_semaphore(%arg38 : memref<!tpu.dma_semaphore, #tpu.memory_space<semaphore_mem>>)
    %dma_start3A_100 = arith.constant 1 : i32
    %dma_start3A_101 = arith.constant 1 : i32
    %dma_start3A_102 = arith.constant 0 : i32
    %dma_start3A_103 = tpu.memref_slice %arg14[%dma_start3A_101, %dma_start3A_102] : memref<2x64xi32, #tpu.memory_space<vmem>> -> memref<1x64xi32, #tpu.memory_space<vmem>>
    %dma_start3A_104 = tpu.memref_squeeze %dma_start3A_103 : memref<1x64xi32, #tpu.memory_space<vmem>> -> memref<64xi32, #tpu.memory_space<vmem>>
    %dma_start3A_105 = tpu.memref_slice %arg3[%dma_start3A_100, %add3A_87] : memref<2x327680xi32, #tpu.memory_space<hbm>> -> memref<1x64xi32, #tpu.memory_space<hbm>>
    %dma_start3A_106 = tpu.memref_squeeze %dma_start3A_105 : memref<1x64xi32, #tpu.memory_space<hbm>> -> memref<64xi32, #tpu.memory_space<hbm>>
    %dma_start3A_107 = arith.constant 0 : i32
    %dma_start3A_108 = tpu.memref_slice %arg14[%dma_start3A_101, %dma_start3A_107] : memref<2x64xi32, #tpu.memory_space<vmem>> -> memref<1x64xi32, #tpu.memory_space<vmem>>
    %dma_start3A_109 = tpu.memref_squeeze %dma_start3A_108 : memref<1x64xi32, #tpu.memory_space<vmem>> -> memref<64xi32, #tpu.memory_space<vmem>>
    %dma_start3A_110 = tpu.memref_slice %arg3[%dma_start3A_100, %add3A_87] : memref<2x327680xi32, #tpu.memory_space<hbm>> -> memref<1x64xi32, #tpu.memory_space<hbm>>
    %dma_start3A_111 = tpu.memref_squeeze %dma_start3A_110 : memref<1x64xi32, #tpu.memory_space<hbm>> -> memref<64xi32, #tpu.memory_space<hbm>>
    tpu.enqueue_dma source(%dma_start3A_111 : memref<64xi32, #tpu.memory_space<hbm>>) target(%dma_start3A_109 : memref<64xi32, #tpu.memory_space<vmem>>) target_semaphore(%arg38 : memref<!tpu.dma_semaphore, #tpu.memory_space<semaphore_mem>>)
    %add3A_112 = arith.constant 256 : i32
    %add3A_113 = arith.addi %mul3A_0, %add3A_112 : i32
    %dma_start3A_114 = arith.constant 0 : i32
    %dma_start3A_115 = arith.constant 0 : i32
    %dma_start3A_116 = arith.constant 0 : i32
    %dma_start3A_117 = tpu.memref_slice %arg15[%dma_start3A_115, %dma_start3A_116] : memref<2x64xi32, #tpu.memory_space<vmem>> -> memref<1x64xi32, #tpu.memory_space<vmem>>
    %dma_start3A_118 = tpu.memref_squeeze %dma_start3A_117 : memref<1x64xi32, #tpu.memory_space<vmem>> -> memref<64xi32, #tpu.memory_space<vmem>>
    %dma_start3A_119 = tpu.memref_slice %arg3[%dma_start3A_114, %add3A_113] : memref<2x327680xi32, #tpu.memory_space<hbm>> -> memref<1x64xi32, #tpu.memory_space<hbm>>
    %dma_start3A_120 = tpu.memref_squeeze %dma_start3A_119 : memref<1x64xi32, #tpu.memory_space<hbm>> -> memref<64xi32, #tpu.memory_space<hbm>>
    %dma_start3A_121 = arith.constant 0 : i32
    %dma_start3A_122 = tpu.memref_slice %arg15[%dma_start3A_115, %dma_start3A_121] : memref<2x64xi32, #tpu.memory_space<vmem>> -> memref<1x64xi32, #tpu.memory_space<vmem>>
    %dma_start3A_123 = tpu.memref_squeeze %dma_start3A_122 : memref<1x64xi32, #tpu.memory_space<vmem>> -> memref<64xi32, #tpu.memory_space<vmem>>
    %dma_start3A_124 = tpu.memref_slice %arg3[%dma_start3A_114, %add3A_113] : memref<2x327680xi32, #tpu.memory_space<hbm>> -> memref<1x64xi32, #tpu.memory_space<hbm>>
    %dma_start3A_125 = tpu.memref_squeeze %dma_start3A_124 : memref<1x64xi32, #tpu.memory_space<hbm>> -> memref<64xi32, #tpu.memory_space<hbm>>
    tpu.enqueue_dma source(%dma_start3A_125 : memref<64xi32, #tpu.memory_space<hbm>>) target(%dma_start3A_123 : memref<64xi32, #tpu.memory_space<vmem>>) target_semaphore(%arg39 : memref<!tpu.dma_semaphore, #tpu.memory_space<semaphore_mem>>)
    %dma_start3A_126 = arith.constant 1 : i32
    %dma_start3A_127 = arith.constant 1 : i32
    %dma_start3A_128 = arith.constant 0 : i32
    %dma_start3A_129 = tpu.memref_slice %arg15[%dma_start3A_127, %dma_start3A_128] : memref<2x64xi32, #tpu.memory_space<vmem>> -> memref<1x64xi32, #tpu.memory_space<vmem>>
    %dma_start3A_130 = tpu.memref_squeeze %dma_start3A_129 : memref<1x64xi32, #tpu.memory_space<vmem>> -> memref<64xi32, #tpu.memory_space<vmem>>
    %dma_start3A_131 = tpu.memref_slice %arg3[%dma_start3A_126, %add3A_113] : memref<2x327680xi32, #tpu.memory_space<hbm>> -> memref<1x64xi32, #tpu.memory_space<hbm>>
    %dma_start3A_132 = tpu.memref_squeeze %dma_start3A_131 : memref<1x64xi32, #tpu.memory_space<hbm>> -> memref<64xi32, #tpu.memory_space<hbm>>
    %dma_start3A_133 = arith.constant 0 : i32
    %dma_start3A_134 = tpu.memref_slice %arg15[%dma_start3A_127, %dma_start3A_133] : memref<2x64xi32, #tpu.memory_space<vmem>> -> memref<1x64xi32, #tpu.memory_space<vmem>>
    %dma_start3A_135 = tpu.memref_squeeze %dma_start3A_134 : memref<1x64xi32, #tpu.memory_space<vmem>> -> memref<64xi32, #tpu.memory_space<vmem>>
    %dma_start3A_136 = tpu.memref_slice %arg3[%dma_start3A_126, %add3A_113] : memref<2x327680xi32, #tpu.memory_space<hbm>> -> memref<1x64xi32, #tpu.memory_space<hbm>>
    %dma_start3A_137 = tpu.memref_squeeze %dma_start3A_136 : memref<1x64xi32, #tpu.memory_space<hbm>> -> memref<64xi32, #tpu.memory_space<hbm>>
    tpu.enqueue_dma source(%dma_start3A_137 : memref<64xi32, #tpu.memory_space<hbm>>) target(%dma_start3A_135 : memref<64xi32, #tpu.memory_space<vmem>>) target_semaphore(%arg39 : memref<!tpu.dma_semaphore, #tpu.memory_space<semaphore_mem>>)
    %add3A_138 = arith.constant 320 : i32
    %add3A_139 = arith.addi %mul3A_0, %add3A_138 : i32
    %dma_start3A_140 = arith.constant 0 : i32
    %dma_start3A_141 = arith.constant 0 : i32
    %dma_start3A_142 = arith.constant 0 : i32
    %dma_start3A_143 = tpu.memref_slice %arg16[%dma_start3A_141, %dma_start3A_142] : memref<2x64xi32, #tpu.memory_space<vmem>> -> memref<1x64xi32, #tpu.memory_space<vmem>>
    %dma_start3A_144 = tpu.memref_squeeze %dma_start3A_143 : memref<1x64xi32, #tpu.memory_space<vmem>> -> memref<64xi32, #tpu.memory_space<vmem>>
    %dma_start3A_145 = tpu.memref_slice %arg3[%dma_start3A_140, %add3A_139] : memref<2x327680xi32, #tpu.memory_space<hbm>> -> memref<1x64xi32, #tpu.memory_space<hbm>>
    %dma_start3A_146 = tpu.memref_squeeze %dma_start3A_145 : memref<1x64xi32, #tpu.memory_space<hbm>> -> memref<64xi32, #tpu.memory_space<hbm>>
    %dma_start3A_147 = arith.constant 0 : i32
    %dma_start3A_148 = tpu.memref_slice %arg16[%dma_start3A_141, %dma_start3A_147] : memref<2x64xi32, #tpu.memory_space<vmem>> -> memref<1x64xi32, #tpu.memory_space<vmem>>
    %dma_start3A_149 = tpu.memref_squeeze %dma_start3A_148 : memref<1x64xi32, #tpu.memory_space<vmem>> -> memref<64xi32, #tpu.memory_space<vmem>>
    %dma_start3A_150 = tpu.memref_slice %arg3[%dma_start3A_140, %add3A_139] : memref<2x327680xi32, #tpu.memory_space<hbm>> -> memref<1x64xi32, #tpu.memory_space<hbm>>
    %dma_start3A_151 = tpu.memref_squeeze %dma_start3A_150 : memref<1x64xi32, #tpu.memory_space<hbm>> -> memref<64xi32, #tpu.memory_space<hbm>>
    tpu.enqueue_dma source(%dma_start3A_151 : memref<64xi32, #tpu.memory_space<hbm>>) target(%dma_start3A_149 : memref<64xi32, #tpu.memory_space<vmem>>) target_semaphore(%arg40 : memref<!tpu.dma_semaphore, #tpu.memory_space<semaphore_mem>>)
    %dma_start3A_152 = arith.constant 1 : i32
    %dma_start3A_153 = arith.constant 1 : i32
    %dma_start3A_154 = arith.constant 0 : i32
    %dma_start3A_155 = tpu.memref_slice %arg16[%dma_start3A_153, %dma_start3A_154] : memref<2x64xi32, #tpu.memory_space<vmem>> -> memref<1x64xi32, #tpu.memory_space<vmem>>
    %dma_start3A_156 = tpu.memref_squeeze %dma_start3A_155 : memref<1x64xi32, #tpu.memory_space<vmem>> -> memref<64xi32, #tpu.memory_space<vmem>>
    %dma_start3A_157 = tpu.memref_slice %arg3[%dma_start3A_152, %add3A_139] : memref<2x327680xi32, #tpu.memory_space<hbm>> -> memref<1x64xi32, #tpu.memory_space<hbm>>
    %dma_start3A_158 = tpu.memref_squeeze %dma_start3A_157 : memref<1x64xi32, #tpu.memory_space<hbm>> -> memref<64xi32, #tpu.memory_space<hbm>>
    %dma_start3A_159 = arith.constant 0 : i32
    %dma_start3A_160 = tpu.memref_slice %arg16[%dma_start3A_153, %dma_start3A_159] : memref<2x64xi32, #tpu.memory_space<vmem>> -> memref<1x64xi32, #tpu.memory_space<vmem>>
    %dma_start3A_161 = tpu.memref_squeeze %dma_start3A_160 : memref<1x64xi32, #tpu.memory_space<vmem>> -> memref<64xi32, #tpu.memory_space<vmem>>
    %dma_start3A_162 = tpu.memref_slice %arg3[%dma_start3A_152, %add3A_139] : memref<2x327680xi32, #tpu.memory_space<hbm>> -> memref<1x64xi32, #tpu.memory_space<hbm>>
    %dma_start3A_163 = tpu.memref_squeeze %dma_start3A_162 : memref<1x64xi32, #tpu.memory_space<hbm>> -> memref<64xi32, #tpu.memory_space<hbm>>
    tpu.enqueue_dma source(%dma_start3A_163 : memref<64xi32, #tpu.memory_space<hbm>>) target(%dma_start3A_161 : memref<64xi32, #tpu.memory_space<vmem>>) target_semaphore(%arg40 : memref<!tpu.dma_semaphore, #tpu.memory_space<semaphore_mem>>)
    %add3A_164 = arith.constant 384 : i32
    %add3A_165 = arith.addi %mul3A_0, %add3A_164 : i32
    %dma_start3A_166 = arith.constant 0 : i32
    %dma_start3A_167 = arith.constant 0 : i32
    %dma_start3A_168 = arith.constant 0 : i32
    %dma_start3A_169 = tpu.memref_slice %arg17[%dma_start3A_167, %dma_start3A_168] : memref<2x64xi32, #tpu.memory_space<vmem>> -> memref<1x64xi32, #tpu.memory_space<vmem>>
    %dma_start3A_170 = tpu.memref_squeeze %dma_start3A_169 : memref<1x64xi32, #tpu.memory_space<vmem>> -> memref<64xi32, #tpu.memory_space<vmem>>
    %dma_start3A_171 = tpu.memref_slice %arg3[%dma_start3A_166, %add3A_165] : memref<2x327680xi32, #tpu.memory_space<hbm>> -> memref<1x64xi32, #tpu.memory_space<hbm>>
    %dma_start3A_172 = tpu.memref_squeeze %dma_start3A_171 : memref<1x64xi32, #tpu.memory_space<hbm>> -> memref<64xi32, #tpu.memory_space<hbm>>
    %dma_start3A_173 = arith.constant 0 : i32
    %dma_start3A_174 = tpu.memref_slice %arg17[%dma_start3A_167, %dma_start3A_173] : memref<2x64xi32, #tpu.memory_space<vmem>> -> memref<1x64xi32, #tpu.memory_space<vmem>>
    %dma_start3A_175 = tpu.memref_squeeze %dma_start3A_174 : memref<1x64xi32, #tpu.memory_space<vmem>> -> memref<64xi32, #tpu.memory_space<vmem>>
    %dma_start3A_176 = tpu.memref_slice %arg3[%dma_start3A_166, %add3A_165] : memref<2x327680xi32, #tpu.memory_space<hbm>> -> memref<1x64xi32, #tpu.memory_space<hbm>>
    %dma_start3A_177 = tpu.memref_squeeze %dma_start3A_176 : memref<1x64xi32, #tpu.memory_space<hbm>> -> memref<64xi32, #tpu.memory_space<hbm>>
    tpu.enqueue_dma source(%dma_start3A_177 : memref<64xi32, #tpu.memory_space<hbm>>) target(%dma_start3A_175 : memref<64xi32, #tpu.memory_space<vmem>>) target_semaphore(%arg41 : memref<!tpu.dma_semaphore, #tpu.memory_space<semaphore_mem>>)
    %dma_start3A_178 = arith.constant 1 : i32
    %dma_start3A_179 = arith.constant 1 : i32
    %dma_start3A_180 = arith.constant 0 : i32
    %dma_start3A_181 = tpu.memref_slice %arg17[%dma_start3A_179, %dma_start3A_180] : memref<2x64xi32, #tpu.memory_space<vmem>> -> memref<1x64xi32, #tpu.memory_space<vmem>>
    %dma_start3A_182 = tpu.memref_squeeze %dma_start3A_181 : memref<1x64xi32, #tpu.memory_space<vmem>> -> memref<64xi32, #tpu.memory_space<vmem>>
    %dma_start3A_183 = tpu.memref_slice %arg3[%dma_start3A_178, %add3A_165] : memref<2x327680xi32, #tpu.memory_space<hbm>> -> memref<1x64xi32, #tpu.memory_space<hbm>>
    %dma_start3A_184 = tpu.memref_squeeze %dma_start3A_183 : memref<1x64xi32, #tpu.memory_space<hbm>> -> memref<64xi32, #tpu.memory_space<hbm>>
    %dma_start3A_185 = arith.constant 0 : i32
    %dma_start3A_186 = tpu.memref_slice %arg17[%dma_start3A_179, %dma_start3A_185] : memref<2x64xi32, #tpu.memory_space<vmem>> -> memref<1x64xi32, #tpu.memory_space<vmem>>
    %dma_start3A_187 = tpu.memref_squeeze %dma_start3A_186 : memref<1x64xi32, #tpu.memory_space<vmem>> -> memref<64xi32, #tpu.memory_space<vmem>>
    %dma_start3A_188 = tpu.memref_slice %arg3[%dma_start3A_178, %add3A_165] : memref<2x327680xi32, #tpu.memory_space<hbm>> -> memref<1x64xi32, #tpu.memory_space<hbm>>
    %dma_start3A_189 = tpu.memref_squeeze %dma_start3A_188 : memref<1x64xi32, #tpu.memory_space<hbm>> -> memref<64xi32, #tpu.memory_space<hbm>>
    tpu.enqueue_dma source(%dma_start3A_189 : memref<64xi32, #tpu.memory_space<hbm>>) target(%dma_start3A_187 : memref<64xi32, #tpu.memory_space<vmem>>) target_semaphore(%arg41 : memref<!tpu.dma_semaphore, #tpu.memory_space<semaphore_mem>>)
    %add3A_190 = arith.constant 448 : i32
    %add3A_191 = arith.addi %mul3A_0, %add3A_190 : i32
    %dma_start3A_192 = arith.constant 0 : i32
    %dma_start3A_193 = arith.constant 0 : i32
    %dma_start3A_194 = arith.constant 0 : i32
    %dma_start3A_195 = tpu.memref_slice %arg18[%dma_start3A_193, %dma_start3A_194] : memref<2x64xi32, #tpu.memory_space<vmem>> -> memref<1x64xi32, #tpu.memory_space<vmem>>
    %dma_start3A_196 = tpu.memref_squeeze %dma_start3A_195 : memref<1x64xi32, #tpu.memory_space<vmem>> -> memref<64xi32, #tpu.memory_space<vmem>>
    %dma_start3A_197 = tpu.memref_slice %arg3[%dma_start3A_192, %add3A_191] : memref<2x327680xi32, #tpu.memory_space<hbm>> -> memref<1x64xi32, #tpu.memory_space<hbm>>
    %dma_start3A_198 = tpu.memref_squeeze %dma_start3A_197 : memref<1x64xi32, #tpu.memory_space<hbm>> -> memref<64xi32, #tpu.memory_space<hbm>>
    %dma_start3A_199 = arith.constant 0 : i32
    %dma_start3A_200 = tpu.memref_slice %arg18[%dma_start3A_193, %dma_start3A_199] : memref<2x64xi32, #tpu.memory_space<vmem>> -> memref<1x64xi32, #tpu.memory_space<vmem>>
    %dma_start3A_201 = tpu.memref_squeeze %dma_start3A_200 : memref<1x64xi32, #tpu.memory_space<vmem>> -> memref<64xi32, #tpu.memory_space<vmem>>
    %dma_start3A_202 = tpu.memref_slice %arg3[%dma_start3A_192, %add3A_191] : memref<2x327680xi32, #tpu.memory_space<hbm>> -> memref<1x64xi32, #tpu.memory_space<hbm>>
    %dma_start3A_203 = tpu.memref_squeeze %dma_start3A_202 : memref<1x64xi32, #tpu.memory_space<hbm>> -> memref<64xi32, #tpu.memory_space<hbm>>
    tpu.enqueue_dma source(%dma_start3A_203 : memref<64xi32, #tpu.memory_space<hbm>>) target(%dma_start3A_201 : memref<64xi32, #tpu.memory_space<vmem>>) target_semaphore(%arg42 : memref<!tpu.dma_semaphore, #tpu.memory_space<semaphore_mem>>)
    %dma_start3A_204 = arith.constant 1 : i32
    %dma_start3A_205 = arith.constant 1 : i32
    %dma_start3A_206 = arith.constant 0 : i32
    %dma_start3A_207 = tpu.memref_slice %arg18[%dma_start3A_205, %dma_start3A_206] : memref<2x64xi32, #tpu.memory_space<vmem>> -> memref<1x64xi32, #tpu.memory_space<vmem>>
    %dma_start3A_208 = tpu.memref_squeeze %dma_start3A_207 : memref<1x64xi32, #tpu.memory_space<vmem>> -> memref<64xi32, #tpu.memory_space<vmem>>
    %dma_start3A_209 = tpu.memref_slice %arg3[%dma_start3A_204, %add3A_191] : memref<2x327680xi32, #tpu.memory_space<hbm>> -> memref<1x64xi32, #tpu.memory_space<hbm>>
    %dma_start3A_210 = tpu.memref_squeeze %dma_start3A_209 : memref<1x64xi32, #tpu.memory_space<hbm>> -> memref<64xi32, #tpu.memory_space<hbm>>
    %dma_start3A_211 = arith.constant 0 : i32
    %dma_start3A_212 = tpu.memref_slice %arg18[%dma_start3A_205, %dma_start3A_211] : memref<2x64xi32, #tpu.memory_space<vmem>> -> memref<1x64xi32, #tpu.memory_space<vmem>>
    %dma_start3A_213 = tpu.memref_squeeze %dma_start3A_212 : memref<1x64xi32, #tpu.memory_space<vmem>> -> memref<64xi32, #tpu.memory_space<vmem>>
    %dma_start3A_214 = tpu.memref_slice %arg3[%dma_start3A_204, %add3A_191] : memref<2x327680xi32, #tpu.memory_space<hbm>> -> memref<1x64xi32, #tpu.memory_space<hbm>>
    %dma_start3A_215 = tpu.memref_squeeze %dma_start3A_214 : memref<1x64xi32, #tpu.memory_space<hbm>> -> memref<64xi32, #tpu.memory_space<hbm>>
    tpu.enqueue_dma source(%dma_start3A_215 : memref<64xi32, #tpu.memory_space<hbm>>) target(%dma_start3A_213 : memref<64xi32, #tpu.memory_space<vmem>>) target_semaphore(%arg42 : memref<!tpu.dma_semaphore, #tpu.memory_space<semaphore_mem>>)
    %scan3A = arith.constant 0 : i32
    %scan3A_216 = arith.constant 20 : i32
    %scan3A_217 = arith.addi %scan3A, %scan3A_216 : i32
    %scan3A_218 = arith.constant 1 : i32
    scf.for %scan3A_221 = %scan3A to %scan3A_217 step %scan3A_218  : i32 {
      %mul3A_222 = arith.constant 2 : i32
      %mul3A_223 = arith.muli %scan3A_221, %mul3A_222 : i32
      %add3A_224 = arith.constant 0 : i32
      %add3A_225 = arith.addi %mul3A_223, %add3A_224 : i32
      %mul3A_226 = arith.constant 8 : i32
      %mul3A_227 = arith.muli %add3A_225, %mul3A_226 : i32
      %add3A_228 = arith.constant 0 : i32
      %add3A_229 = arith.addi %mul3A_227, %add3A_228 : i32
      %mul3A_230 = arith.constant 64 : i32
      %mul3A_231 = arith.muli %add3A_229, %mul3A_230 : i32
      %add3A_232 = arith.addi %mul3A_0, %mul3A_231 : i32
      %dma_wait3A = arith.constant 0 : i32
      %dma_wait3A_233 = arith.constant 0 : i32
      %dma_wait3A_234 = arith.constant 0 : i32
      %dma_wait3A_235 = tpu.memref_slice %arg11[%dma_wait3A_233, %dma_wait3A_234] : memref<2x64xi32, #tpu.memory_space<vmem>> -> memref<1x64xi32, #tpu.memory_space<vmem>>
      %dma_wait3A_236 = tpu.memref_squeeze %dma_wait3A_235 : memref<1x64xi32, #tpu.memory_space<vmem>> -> memref<64xi32, #tpu.memory_space<vmem>>
      %dma_wait3A_237 = tpu.memref_slice %arg3[%dma_wait3A, %add3A_232] : memref<2x327680xi32, #tpu.memory_space<hbm>> -> memref<1x64xi32, #tpu.memory_space<hbm>>
      %dma_wait3A_238 = tpu.memref_squeeze %dma_wait3A_237 : memref<1x64xi32, #tpu.memory_space<hbm>> -> memref<64xi32, #tpu.memory_space<hbm>>
      %dma_wait3A_239 = arith.constant 0 : i32
      %dma_wait3A_240 = tpu.memref_slice %arg11[%dma_wait3A_233, %dma_wait3A_239] : memref<2x64xi32, #tpu.memory_space<vmem>> -> memref<1x64xi32, #tpu.memory_space<vmem>>
      %dma_wait3A_241 = tpu.memref_squeeze %dma_wait3A_240 : memref<1x64xi32, #tpu.memory_space<vmem>> -> memref<64xi32, #tpu.memory_space<vmem>>
      %dma_wait3A_242 = tpu.memref_slice %arg3[%dma_wait3A, %add3A_232] : memref<2x327680xi32, #tpu.memory_space<hbm>> -> memref<1x64xi32, #tpu.memory_space<hbm>>
      %dma_wait3A_243 = tpu.memref_squeeze %dma_wait3A_242 : memref<1x64xi32, #tpu.memory_space<hbm>> -> memref<64xi32, #tpu.memory_space<hbm>>
      tpu.wait_dma2 semaphore(%arg35 : memref<!tpu.dma_semaphore, #tpu.memory_space<semaphore_mem>>) src(%dma_wait3A_243 : memref<64xi32, #tpu.memory_space<hbm>>) dst(%dma_wait3A_241 : memref<64xi32, #tpu.memory_space<vmem>>)
      %dma_wait3A_244 = arith.constant 1 : i32
      %dma_wait3A_245 = arith.constant 1 : i32
      %dma_wait3A_246 = arith.constant 0 : i32
      %dma_wait3A_247 = tpu.memref_slice %arg11[%dma_wait3A_245, %dma_wait3A_246] : memref<2x64xi32, #tpu.memory_space<vmem>> -> memref<1x64xi32, #tpu.memory_space<vmem>>
      %dma_wait3A_248 = tpu.memref_squeeze %dma_wait3A_247 : memref<1x64xi32, #tpu.memory_space<vmem>> -> memref<64xi32, #tpu.memory_space<vmem>>
      %dma_wait3A_249 = tpu.memref_slice %arg3[%dma_wait3A_244, %add3A_232] : memref<2x327680xi32, #tpu.memory_space<hbm>> -> memref<1x64xi32, #tpu.memory_space<hbm>>
      %dma_wait3A_250 = tpu.memref_squeeze %dma_wait3A_249 : memref<1x64xi32, #tpu.memory_space<hbm>> -> memref<64xi32, #tpu.memory_space<hbm>>
      %dma_wait3A_251 = arith.constant 0 : i32
      %dma_wait3A_252 = tpu.memref_slice %arg11[%dma_wait3A_245, %dma_wait3A_251] : memref<2x64xi32, #tpu.memory_space<vmem>> -> memref<1x64xi32, #tpu.memory_space<vmem>>
      %dma_wait3A_253 = tpu.memref_squeeze %dma_wait3A_252 : memref<1x64xi32, #tpu.memory_space<vmem>> -> memref<64xi32, #tpu.memory_space<vmem>>
      %dma_wait3A_254 = tpu.memref_slice %arg3[%dma_wait3A_244, %add3A_232] : memref<2x327680xi32, #tpu.memory_space<hbm>> -> memref<1x64xi32, #tpu.memory_space<hbm>>
      %dma_wait3A_255 = tpu.memref_squeeze %dma_wait3A_254 : memref<1x64xi32, #tpu.memory_space<hbm>> -> memref<64xi32, #tpu.memory_space<hbm>>
      tpu.wait_dma2 semaphore(%arg35 : memref<!tpu.dma_semaphore, #tpu.memory_space<semaphore_mem>>) src(%dma_wait3A_255 : memref<64xi32, #tpu.memory_space<hbm>>) dst(%dma_wait3A_253 : memref<64xi32, #tpu.memory_space<vmem>>)
      %dma_start3A_256 = arith.constant 0 : i32
      %dma_start3A_257 = arith.constant 0 : i32
      %dma_start3A_258 = tpu.memref_slice %arg11[%dma_start3A_256, %dma_start3A_257] : memref<2x64xi32, #tpu.memory_space<vmem>> -> memref<1x64xi32, #tpu.memory_space<vmem>>
      %dma_start3A_259 = tpu.memref_squeeze %dma_start3A_258 : memref<1x64xi32, #tpu.memory_space<vmem>> -> memref<64xi32, #tpu.memory_space<vmem>>
      %dma_start3A_260 = arith.constant 0 : i32
      %dma_start3A_261 = arith.constant 0 : i32
      %dma_start3A_262 = tpu.memref_slice %arg8[%dma_start3A_260, %dma_start3A_261] : memref<10240x64xf32, #tpu.memory_space<vmem_shared>> -> memref<10240x64xf32, #tpu.memory_space<vmem_shared>>
      tpu.enqueue_indirect_dma source(%dma_start3A_262 : memref<10240x64xf32, #tpu.memory_space<vmem_shared>>) target(%arg27 : memref<64x64xf32, #tpu.memory_space<vmem>>) offsets(%dma_start3A_259 : memref<64xi32, #tpu.memory_space<vmem>>) semaphore(%arg43 : memref<!tpu.dma_semaphore, #tpu.memory_space<semaphore_mem>>)
      %add3A_263 = arith.constant 8 : i32
      %add3A_264 = arith.addi %add3A_229, %add3A_263 : i32
      %lt3A = arith.constant 320 : i32
      %lt3A_265 = arith.cmpi slt, %add3A_264, %lt3A : i32
      %convert_element_type3A = arith.extui %lt3A_265 : i1 to i32
      %cond3A = arith.constant 0 : i32
      %cond3A_266 = arith.cmpi ne, %convert_element_type3A, %cond3A : i32
      scf.if %cond3A_266 {
        %add3A_1537 = arith.constant 8 : i32
        %add3A_1538 = arith.addi %add3A_229, %add3A_1537 : i32
        %mul3A_1539 = arith.constant 64 : i32
        %mul3A_1540 = arith.muli %add3A_1538, %mul3A_1539 : i32
        %add3A_1541 = arith.addi %mul3A_0, %mul3A_1540 : i32
        %dma_start3A_1542 = arith.constant 0 : i32
        %dma_start3A_1543 = arith.constant 0 : i32
        %dma_start3A_1544 = arith.constant 0 : i32
        %dma_start3A_1545 = tpu.memref_slice %arg19[%dma_start3A_1543, %dma_start3A_1544] : memref<2x64xi32, #tpu.memory_space<vmem>> -> memref<1x64xi32, #tpu.memory_space<vmem>>
        %dma_start3A_1546 = tpu.memref_squeeze %dma_start3A_1545 : memref<1x64xi32, #tpu.memory_space<vmem>> -> memref<64xi32, #tpu.memory_space<vmem>>
        %dma_start3A_1547 = tpu.memref_slice %arg3[%dma_start3A_1542, %add3A_1541] : memref<2x327680xi32, #tpu.memory_space<hbm>> -> memref<1x64xi32, #tpu.memory_space<hbm>>
        %dma_start3A_1548 = tpu.memref_squeeze %dma_start3A_1547 : memref<1x64xi32, #tpu.memory_space<hbm>> -> memref<64xi32, #tpu.memory_space<hbm>>
        %dma_start3A_1549 = arith.constant 0 : i32
        %dma_start3A_1550 = tpu.memref_slice %arg19[%dma_start3A_1543, %dma_start3A_1549] : memref<2x64xi32, #tpu.memory_space<vmem>> -> memref<1x64xi32, #tpu.memory_space<vmem>>
        %dma_start3A_1551 = tpu.memref_squeeze %dma_start3A_1550 : memref<1x64xi32, #tpu.memory_space<vmem>> -> memref<64xi32, #tpu.memory_space<vmem>>
        %dma_start3A_1552 = tpu.memref_slice %arg3[%dma_start3A_1542, %add3A_1541] : memref<2x327680xi32, #tpu.memory_space<hbm>> -> memref<1x64xi32, #tpu.memory_space<hbm>>
        %dma_start3A_1553 = tpu.memref_squeeze %dma_start3A_1552 : memref<1x64xi32, #tpu.memory_space<hbm>> -> memref<64xi32, #tpu.memory_space<hbm>>
        tpu.enqueue_dma source(%dma_start3A_1553 : memref<64xi32, #tpu.memory_space<hbm>>) target(%dma_start3A_1551 : memref<64xi32, #tpu.memory_space<vmem>>) target_semaphore(%arg35 : memref<!tpu.dma_semaphore, #tpu.memory_space<semaphore_mem>>)
        %dma_start3A_1554 = arith.constant 1 : i32
        %dma_start3A_1555 = arith.constant 1 : i32
        %dma_start3A_1556 = arith.constant 0 : i32
        %dma_start3A_1557 = tpu.memref_slice %arg19[%dma_start3A_1555, %dma_start3A_1556] : memref<2x64xi32, #tpu.memory_space<vmem>> -> memref<1x64xi32, #tpu.memory_space<vmem>>
        %dma_start3A_1558 = tpu.memref_squeeze %dma_start3A_1557 : memref<1x64xi32, #tpu.memory_space<vmem>> -> memref<64xi32, #tpu.memory_space<vmem>>
        %dma_start3A_1559 = tpu.memref_slice %arg3[%dma_start3A_1554, %add3A_1541] : memref<2x327680xi32, #tpu.memory_space<hbm>> -> memref<1x64xi32, #tpu.memory_space<hbm>>
        %dma_start3A_1560 = tpu.memref_squeeze %dma_start3A_1559 : memref<1x64xi32, #tpu.memory_space<hbm>> -> memref<64xi32, #tpu.memory_space<hbm>>
        %dma_start3A_1561 = arith.constant 0 : i32
        %dma_start3A_1562 = tpu.memref_slice %arg19[%dma_start3A_1555, %dma_start3A_1561] : memref<2x64xi32, #tpu.memory_space<vmem>> -> memref<1x64xi32, #tpu.memory_space<vmem>>
        %dma_start3A_1563 = tpu.memref_squeeze %dma_start3A_1562 : memref<1x64xi32, #tpu.memory_space<vmem>> -> memref<64xi32, #tpu.memory_space<vmem>>
        %dma_start3A_1564 = tpu.memref_slice %arg3[%dma_start3A_1554, %add3A_1541] : memref<2x327680xi32, #tpu.memory_space<hbm>> -> memref<1x64xi32, #tpu.memory_space<hbm>>
        %dma_start3A_1565 = tpu.memref_squeeze %dma_start3A_1564 : memref<1x64xi32, #tpu.memory_space<hbm>> -> memref<64xi32, #tpu.memory_space<hbm>>
        tpu.enqueue_dma source(%dma_start3A_1565 : memref<64xi32, #tpu.memory_space<hbm>>) target(%dma_start3A_1563 : memref<64xi32, #tpu.memory_space<vmem>>) target_semaphore(%arg35 : memref<!tpu.dma_semaphore, #tpu.memory_space<semaphore_mem>>)
      } else {
      }
      %get3A = arith.constant 1 : i32
      %get3A_267 = arith.index_cast %get3A : i32 to index
      %get3A_268 = arith.constant 0 : index
      %get3A_269 = tpu.vector_load %arg11[%get3A_267, %get3A_268] {strides = array<i32>} : memref<2x64xi32, #tpu.memory_space<vmem>>, vector<16xi32>,
      tpu.vector_store_idx %arg10[%get3A_269], %broadcast_in_dim3A_1 {add = true} : memref<10240xf32, #tpu.memory_space<vmem>>[vector<16xi32>], vector<16xf32>,
      %get3A_270 = arith.constant 1 : i32
      %get3A_271 = arith.index_cast %get3A_270 : i32 to index
      %get3A_272 = arith.constant 16 : index
      %get3A_273 = tpu.vector_load %arg11[%get3A_271, %get3A_272] {strides = array<i32>} : memref<2x64xi32, #tpu.memory_space<vmem>>, vector<16xi32>,
      tpu.vector_store_idx %arg10[%get3A_273], %broadcast_in_dim3A_1 {add = true} : memref<10240xf32, #tpu.memory_space<vmem>>[vector<16xi32>], vector<16xf32>,
      %get3A_274 = arith.constant 1 : i32
      %get3A_275 = arith.index_cast %get3A_274 : i32 to index
      %get3A_276 = arith.constant 32 : index
      %get3A_277 = tpu.vector_load %arg11[%get3A_275, %get3A_276] {strides = array<i32>} : memref<2x64xi32, #tpu.memory_space<vmem>>, vector<16xi32>,
      tpu.vector_store_idx %arg10[%get3A_277], %broadcast_in_dim3A_1 {add = true} : memref<10240xf32, #tpu.memory_space<vmem>>[vector<16xi32>], vector<16xf32>,
      %get3A_278 = arith.constant 1 : i32
      %get3A_279 = arith.index_cast %get3A_278 : i32 to index
      %get3A_280 = arith.constant 48 : index
      %get3A_281 = tpu.vector_load %arg11[%get3A_279, %get3A_280] {strides = array<i32>} : memref<2x64xi32, #tpu.memory_space<vmem>>, vector<16xi32>,
      tpu.vector_store_idx %arg10[%get3A_281], %broadcast_in_dim3A_1 {add = true} : memref<10240xf32, #tpu.memory_space<vmem>>[vector<16xi32>], vector<16xf32>,
      %mul3A_282 = arith.constant 8 : i32
      %mul3A_283 = arith.muli %add3A_225, %mul3A_282 : i32
      %add3A_284 = arith.constant 1 : i32
      %add3A_285 = arith.addi %mul3A_283, %add3A_284 : i32
      %mul3A_286 = arith.constant 64 : i32
      %mul3A_287 = arith.muli %add3A_285, %mul3A_286 : i32
      %add3A_288 = arith.addi %mul3A_0, %mul3A_287 : i32
      %dma_wait3A_289 = arith.constant 0 : i32
      %dma_wait3A_290 = arith.constant 0 : i32
      %dma_wait3A_291 = arith.constant 0 : i32
      %dma_wait3A_292 = tpu.memref_slice %arg12[%dma_wait3A_290, %dma_wait3A_291] : memref<2x64xi32, #tpu.memory_space<vmem>> -> memref<1x64xi32, #tpu.memory_space<vmem>>
      %dma_wait3A_293 = tpu.memref_squeeze %dma_wait3A_292 : memref<1x64xi32, #tpu.memory_space<vmem>> -> memref<64xi32, #tpu.memory_space<vmem>>
      %dma_wait3A_294 = tpu.memref_slice %arg3[%dma_wait3A_289, %add3A_288] : memref<2x327680xi32, #tpu.memory_space<hbm>> -> memref<1x64xi32, #tpu.memory_space<hbm>>
      %dma_wait3A_295 = tpu.memref_squeeze %dma_wait3A_294 : memref<1x64xi32, #tpu.memory_space<hbm>> -> memref<64xi32, #tpu.memory_space<hbm>>
      %dma_wait3A_296 = arith.constant 0 : i32
      %dma_wait3A_297 = tpu.memref_slice %arg12[%dma_wait3A_290, %dma_wait3A_296] : memref<2x64xi32, #tpu.memory_space<vmem>> -> memref<1x64xi32, #tpu.memory_space<vmem>>
      %dma_wait3A_298 = tpu.memref_squeeze %dma_wait3A_297 : memref<1x64xi32, #tpu.memory_space<vmem>> -> memref<64xi32, #tpu.memory_space<vmem>>
      %dma_wait3A_299 = tpu.memref_slice %arg3[%dma_wait3A_289, %add3A_288] : memref<2x327680xi32, #tpu.memory_space<hbm>> -> memref<1x64xi32, #tpu.memory_space<hbm>>
      %dma_wait3A_300 = tpu.memref_squeeze %dma_wait3A_299 : memref<1x64xi32, #tpu.memory_space<hbm>> -> memref<64xi32, #tpu.memory_space<hbm>>
      tpu.wait_dma2 semaphore(%arg36 : memref<!tpu.dma_semaphore, #tpu.memory_space<semaphore_mem>>) src(%dma_wait3A_300 : memref<64xi32, #tpu.memory_space<hbm>>) dst(%dma_wait3A_298 : memref<64xi32, #tpu.memory_space<vmem>>)
      %dma_wait3A_301 = arith.constant 1 : i32
      %dma_wait3A_302 = arith.constant 1 : i32
      %dma_wait3A_303 = arith.constant 0 : i32
      %dma_wait3A_304 = tpu.memref_slice %arg12[%dma_wait3A_302, %dma_wait3A_303] : memref<2x64xi32, #tpu.memory_space<vmem>> -> memref<1x64xi32, #tpu.memory_space<vmem>>
      %dma_wait3A_305 = tpu.memref_squeeze %dma_wait3A_304 : memref<1x64xi32, #tpu.memory_space<vmem>> -> memref<64xi32, #tpu.memory_space<vmem>>
      %dma_wait3A_306 = tpu.memref_slice %arg3[%dma_wait3A_301, %add3A_288] : memref<2x327680xi32, #tpu.memory_space<hbm>> -> memref<1x64xi32, #tpu.memory_space<hbm>>
      %dma_wait3A_307 = tpu.memref_squeeze %dma_wait3A_306 : memref<1x64xi32, #tpu.memory_space<hbm>> -> memref<64xi32, #tpu.memory_space<hbm>>
      %dma_wait3A_308 = arith.constant 0 : i32
      %dma_wait3A_309 = tpu.memref_slice %arg12[%dma_wait3A_302, %dma_wait3A_308] : memref<2x64xi32, #tpu.memory_space<vmem>> -> memref<1x64xi32, #tpu.memory_space<vmem>>
      %dma_wait3A_310 = tpu.memref_squeeze %dma_wait3A_309 : memref<1x64xi32, #tpu.memory_space<vmem>> -> memref<64xi32, #tpu.memory_space<vmem>>
      %dma_wait3A_311 = tpu.memref_slice %arg3[%dma_wait3A_301, %add3A_288] : memref<2x327680xi32, #tpu.memory_space<hbm>> -> memref<1x64xi32, #tpu.memory_space<hbm>>
      %dma_wait3A_312 = tpu.memref_squeeze %dma_wait3A_311 : memref<1x64xi32, #tpu.memory_space<hbm>> -> memref<64xi32, #tpu.memory_space<hbm>>
      tpu.wait_dma2 semaphore(%arg36 : memref<!tpu.dma_semaphore, #tpu.memory_space<semaphore_mem>>) src(%dma_wait3A_312 : memref<64xi32, #tpu.memory_space<hbm>>) dst(%dma_wait3A_310 : memref<64xi32, #tpu.memory_space<vmem>>)
      %dma_start3A_313 = arith.constant 0 : i32
      %dma_start3A_314 = arith.constant 0 : i32
      %dma_start3A_315 = tpu.memref_slice %arg12[%dma_start3A_313, %dma_start3A_314] : memref<2x64xi32, #tpu.memory_space<vmem>> -> memref<1x64xi32, #tpu.memory_space<vmem>>
      %dma_start3A_316 = tpu.memref_squeeze %dma_start3A_315 : memref<1x64xi32, #tpu.memory_space<vmem>> -> memref<64xi32, #tpu.memory_space<vmem>>
      %dma_start3A_317 = arith.constant 0 : i32
      %dma_start3A_318 = arith.constant 0 : i32
      %dma_start3A_319 = tpu.memref_slice %arg8[%dma_start3A_317, %dma_start3A_318] : memref<10240x64xf32, #tpu.memory_space<vmem_shared>> -> memref<10240x64xf32, #tpu.memory_space<vmem_shared>>
      tpu.enqueue_indirect_dma source(%dma_start3A_319 : memref<10240x64xf32, #tpu.memory_space<vmem_shared>>) target(%arg28 : memref<64x64xf32, #tpu.memory_space<vmem>>) offsets(%dma_start3A_316 : memref<64xi32, #tpu.memory_space<vmem>>) semaphore(%arg44 : memref<!tpu.dma_semaphore, #tpu.memory_space<semaphore_mem>>)
      %add3A_320 = arith.constant 8 : i32
      %add3A_321 = arith.addi %add3A_285, %add3A_320 : i32
      %lt3A_322 = arith.constant 320 : i32
      %lt3A_323 = arith.cmpi slt, %add3A_321, %lt3A_322 : i32
      %convert_element_type3A_324 = arith.extui %lt3A_323 : i1 to i32
      %cond3A_325 = arith.constant 0 : i32
      %cond3A_326 = arith.cmpi ne, %convert_element_type3A_324, %cond3A_325 : i32
      scf.if %cond3A_326 {
        %add3A_1537 = arith.constant 8 : i32
        %add3A_1538 = arith.addi %add3A_285, %add3A_1537 : i32
        %mul3A_1539 = arith.constant 64 : i32
        %mul3A_1540 = arith.muli %add3A_1538, %mul3A_1539 : i32
        %add3A_1541 = arith.addi %mul3A_0, %mul3A_1540 : i32
        %dma_start3A_1542 = arith.constant 0 : i32
        %dma_start3A_1543 = arith.constant 0 : i32
        %dma_start3A_1544 = arith.constant 0 : i32
        %dma_start3A_1545 = tpu.memref_slice %arg20[%dma_start3A_1543, %dma_start3A_1544] : memref<2x64xi32, #tpu.memory_space<vmem>> -> memref<1x64xi32, #tpu.memory_space<vmem>>
        %dma_start3A_1546 = tpu.memref_squeeze %dma_start3A_1545 : memref<1x64xi32, #tpu.memory_space<vmem>> -> memref<64xi32, #tpu.memory_space<vmem>>
        %dma_start3A_1547 = tpu.memref_slice %arg3[%dma_start3A_1542, %add3A_1541] : memref<2x327680xi32, #tpu.memory_space<hbm>> -> memref<1x64xi32, #tpu.memory_space<hbm>>
        %dma_start3A_1548 = tpu.memref_squeeze %dma_start3A_1547 : memref<1x64xi32, #tpu.memory_space<hbm>> -> memref<64xi32, #tpu.memory_space<hbm>>
        %dma_start3A_1549 = arith.constant 0 : i32
        %dma_start3A_1550 = tpu.memref_slice %arg20[%dma_start3A_1543, %dma_start3A_1549] : memref<2x64xi32, #tpu.memory_space<vmem>> -> memref<1x64xi32, #tpu.memory_space<vmem>>
        %dma_start3A_1551 = tpu.memref_squeeze %dma_start3A_1550 : memref<1x64xi32, #tpu.memory_space<vmem>> -> memref<64xi32, #tpu.memory_space<vmem>>
        %dma_start3A_1552 = tpu.memref_slice %arg3[%dma_start3A_1542, %add3A_1541] : memref<2x327680xi32, #tpu.memory_space<hbm>> -> memref<1x64xi32, #tpu.memory_space<hbm>>
        %dma_start3A_1553 = tpu.memref_squeeze %dma_start3A_1552 : memref<1x64xi32, #tpu.memory_space<hbm>> -> memref<64xi32, #tpu.memory_space<hbm>>
        tpu.enqueue_dma source(%dma_start3A_1553 : memref<64xi32, #tpu.memory_space<hbm>>) target(%dma_start3A_1551 : memref<64xi32, #tpu.memory_space<vmem>>) target_semaphore(%arg36 : memref<!tpu.dma_semaphore, #tpu.memory_space<semaphore_mem>>)
        %dma_start3A_1554 = arith.constant 1 : i32
        %dma_start3A_1555 = arith.constant 1 : i32
        %dma_start3A_1556 = arith.constant 0 : i32
        %dma_start3A_1557 = tpu.memref_slice %arg20[%dma_start3A_1555, %dma_start3A_1556] : memref<2x64xi32, #tpu.memory_space<vmem>> -> memref<1x64xi32, #tpu.memory_space<vmem>>
        %dma_start3A_1558 = tpu.memref_squeeze %dma_start3A_1557 : memref<1x64xi32, #tpu.memory_space<vmem>> -> memref<64xi32, #tpu.memory_space<vmem>>
        %dma_start3A_1559 = tpu.memref_slice %arg3[%dma_start3A_1554, %add3A_1541] : memref<2x327680xi32, #tpu.memory_space<hbm>> -> memref<1x64xi32, #tpu.memory_space<hbm>>
        %dma_start3A_1560 = tpu.memref_squeeze %dma_start3A_1559 : memref<1x64xi32, #tpu.memory_space<hbm>> -> memref<64xi32, #tpu.memory_space<hbm>>
        %dma_start3A_1561 = arith.constant 0 : i32
        %dma_start3A_1562 = tpu.memref_slice %arg20[%dma_start3A_1555, %dma_start3A_1561] : memref<2x64xi32, #tpu.memory_space<vmem>> -> memref<1x64xi32, #tpu.memory_space<vmem>>
        %dma_start3A_1563 = tpu.memref_squeeze %dma_start3A_1562 : memref<1x64xi32, #tpu.memory_space<vmem>> -> memref<64xi32, #tpu.memory_space<vmem>>
        %dma_start3A_1564 = tpu.memref_slice %arg3[%dma_start3A_1554, %add3A_1541] : memref<2x327680xi32, #tpu.memory_space<hbm>> -> memref<1x64xi32, #tpu.memory_space<hbm>>
        %dma_start3A_1565 = tpu.memref_squeeze %dma_start3A_1564 : memref<1x64xi32, #tpu.memory_space<hbm>> -> memref<64xi32, #tpu.memory_space<hbm>>
        tpu.enqueue_dma source(%dma_start3A_1565 : memref<64xi32, #tpu.memory_space<hbm>>) target(%dma_start3A_1563 : memref<64xi32, #tpu.memory_space<vmem>>) target_semaphore(%arg36 : memref<!tpu.dma_semaphore, #tpu.memory_space<semaphore_mem>>)
      } else {
      }
      %get3A_327 = arith.constant 1 : i32
      %get3A_328 = arith.index_cast %get3A_327 : i32 to index
      %get3A_329 = arith.constant 0 : index
      %get3A_330 = tpu.vector_load %arg12[%get3A_328, %get3A_329] {strides = array<i32>} : memref<2x64xi32, #tpu.memory_space<vmem>>, vector<16xi32>,
      tpu.vector_store_idx %arg10[%get3A_330], %broadcast_in_dim3A_1 {add = true} : memref<10240xf32, #tpu.memory_space<vmem>>[vector<16xi32>], vector<16xf32>,
      %get3A_331 = arith.constant 1 : i32
      %get3A_332 = arith.index_cast %get3A_331 : i32 to index
      %get3A_333 = arith.constant 16 : index
      %get3A_334 = tpu.vector_load %arg12[%get3A_332, %get3A_333] {strides = array<i32>} : memref<2x64xi32, #tpu.memory_space<vmem>>, vector<16xi32>,
      tpu.vector_store_idx %arg10[%get3A_334], %broadcast_in_dim3A_1 {add = true} : memref<10240xf32, #tpu.memory_space<vmem>>[vector<16xi32>], vector<16xf32>,
      %get3A_335 = arith.constant 1 : i32
      %get3A_336 = arith.index_cast %get3A_335 : i32 to index
      %get3A_337 = arith.constant 32 : index
      %get3A_338 = tpu.vector_load %arg12[%get3A_336, %get3A_337] {strides = array<i32>} : memref<2x64xi32, #tpu.memory_space<vmem>>, vector<16xi32>,
      tpu.vector_store_idx %arg10[%get3A_338], %broadcast_in_dim3A_1 {add = true} : memref<10240xf32, #tpu.memory_space<vmem>>[vector<16xi32>], vector<16xf32>,
      %get3A_339 = arith.constant 1 : i32
      %get3A_340 = arith.index_cast %get3A_339 : i32 to index
      %get3A_341 = arith.constant 48 : index
      %get3A_342 = tpu.vector_load %arg12[%get3A_340, %get3A_341] {strides = array<i32>} : memref<2x64xi32, #tpu.memory_space<vmem>>, vector<16xi32>,
      tpu.vector_store_idx %arg10[%get3A_342], %broadcast_in_dim3A_1 {add = true} : memref<10240xf32, #tpu.memory_space<vmem>>[vector<16xi32>], vector<16xf32>,
      %mul3A_343 = arith.constant 8 : i32
      %mul3A_344 = arith.muli %add3A_225, %mul3A_343 : i32
      %add3A_345 = arith.constant 2 : i32
      %add3A_346 = arith.addi %mul3A_344, %add3A_345 : i32
      %mul3A_347 = arith.constant 64 : i32
      %mul3A_348 = arith.muli %add3A_346, %mul3A_347 : i32
      %add3A_349 = arith.addi %mul3A_0, %mul3A_348 : i32
      %dma_wait3A_350 = arith.constant 0 : i32
      %dma_wait3A_351 = arith.constant 0 : i32
      %dma_wait3A_352 = arith.constant 0 : i32
      %dma_wait3A_353 = tpu.memref_slice %arg13[%dma_wait3A_351, %dma_wait3A_352] : memref<2x64xi32, #tpu.memory_space<vmem>> -> memref<1x64xi32, #tpu.memory_space<vmem>>
      %dma_wait3A_354 = tpu.memref_squeeze %dma_wait3A_353 : memref<1x64xi32, #tpu.memory_space<vmem>> -> memref<64xi32, #tpu.memory_space<vmem>>
      %dma_wait3A_355 = tpu.memref_slice %arg3[%dma_wait3A_350, %add3A_349] : memref<2x327680xi32, #tpu.memory_space<hbm>> -> memref<1x64xi32, #tpu.memory_space<hbm>>
      %dma_wait3A_356 = tpu.memref_squeeze %dma_wait3A_355 : memref<1x64xi32, #tpu.memory_space<hbm>> -> memref<64xi32, #tpu.memory_space<hbm>>
      %dma_wait3A_357 = arith.constant 0 : i32
      %dma_wait3A_358 = tpu.memref_slice %arg13[%dma_wait3A_351, %dma_wait3A_357] : memref<2x64xi32, #tpu.memory_space<vmem>> -> memref<1x64xi32, #tpu.memory_space<vmem>>
      %dma_wait3A_359 = tpu.memref_squeeze %dma_wait3A_358 : memref<1x64xi32, #tpu.memory_space<vmem>> -> memref<64xi32, #tpu.memory_space<vmem>>
      %dma_wait3A_360 = tpu.memref_slice %arg3[%dma_wait3A_350, %add3A_349] : memref<2x327680xi32, #tpu.memory_space<hbm>> -> memref<1x64xi32, #tpu.memory_space<hbm>>
      %dma_wait3A_361 = tpu.memref_squeeze %dma_wait3A_360 : memref<1x64xi32, #tpu.memory_space<hbm>> -> memref<64xi32, #tpu.memory_space<hbm>>
      tpu.wait_dma2 semaphore(%arg37 : memref<!tpu.dma_semaphore, #tpu.memory_space<semaphore_mem>>) src(%dma_wait3A_361 : memref<64xi32, #tpu.memory_space<hbm>>) dst(%dma_wait3A_359 : memref<64xi32, #tpu.memory_space<vmem>>)
      %dma_wait3A_362 = arith.constant 1 : i32
      %dma_wait3A_363 = arith.constant 1 : i32
      %dma_wait3A_364 = arith.constant 0 : i32
      %dma_wait3A_365 = tpu.memref_slice %arg13[%dma_wait3A_363, %dma_wait3A_364] : memref<2x64xi32, #tpu.memory_space<vmem>> -> memref<1x64xi32, #tpu.memory_space<vmem>>
      %dma_wait3A_366 = tpu.memref_squeeze %dma_wait3A_365 : memref<1x64xi32, #tpu.memory_space<vmem>> -> memref<64xi32, #tpu.memory_space<vmem>>
      %dma_wait3A_367 = tpu.memref_slice %arg3[%dma_wait3A_362, %add3A_349] : memref<2x327680xi32, #tpu.memory_space<hbm>> -> memref<1x64xi32, #tpu.memory_space<hbm>>
      %dma_wait3A_368 = tpu.memref_squeeze %dma_wait3A_367 : memref<1x64xi32, #tpu.memory_space<hbm>> -> memref<64xi32, #tpu.memory_space<hbm>>
      %dma_wait3A_369 = arith.constant 0 : i32
      %dma_wait3A_370 = tpu.memref_slice %arg13[%dma_wait3A_363, %dma_wait3A_369] : memref<2x64xi32, #tpu.memory_space<vmem>> -> memref<1x64xi32, #tpu.memory_space<vmem>>
      %dma_wait3A_371 = tpu.memref_squeeze %dma_wait3A_370 : memref<1x64xi32, #tpu.memory_space<vmem>> -> memref<64xi32, #tpu.memory_space<vmem>>
      %dma_wait3A_372 = tpu.memref_slice %arg3[%dma_wait3A_362, %add3A_349] : memref<2x327680xi32, #tpu.memory_space<hbm>> -> memref<1x64xi32, #tpu.memory_space<hbm>>
      %dma_wait3A_373 = tpu.memref_squeeze %dma_wait3A_372 : memref<1x64xi32, #tpu.memory_space<hbm>> -> memref<64xi32, #tpu.memory_space<hbm>>
      tpu.wait_dma2 semaphore(%arg37 : memref<!tpu.dma_semaphore, #tpu.memory_space<semaphore_mem>>) src(%dma_wait3A_373 : memref<64xi32, #tpu.memory_space<hbm>>) dst(%dma_wait3A_371 : memref<64xi32, #tpu.memory_space<vmem>>)
      %dma_start3A_374 = arith.constant 0 : i32
      %dma_start3A_375 = arith.constant 0 : i32
      %dma_start3A_376 = tpu.memref_slice %arg13[%dma_start3A_374, %dma_start3A_375] : memref<2x64xi32, #tpu.memory_space<vmem>> -> memref<1x64xi32, #tpu.memory_space<vmem>>
      %dma_start3A_377 = tpu.memref_squeeze %dma_start3A_376 : memref<1x64xi32, #tpu.memory_space<vmem>> -> memref<64xi32, #tpu.memory_space<vmem>>
      %dma_start3A_378 = arith.constant 0 : i32
      %dma_start3A_379 = arith.constant 0 : i32
      %dma_start3A_380 = tpu.memref_slice %arg8[%dma_start3A_378, %dma_start3A_379] : memref<10240x64xf32, #tpu.memory_space<vmem_shared>> -> memref<10240x64xf32, #tpu.memory_space<vmem_shared>>
      tpu.enqueue_indirect_dma source(%dma_start3A_380 : memref<10240x64xf32, #tpu.memory_space<vmem_shared>>) target(%arg29 : memref<64x64xf32, #tpu.memory_space<vmem>>) offsets(%dma_start3A_377 : memref<64xi32, #tpu.memory_space<vmem>>) semaphore(%arg45 : memref<!tpu.dma_semaphore, #tpu.memory_space<semaphore_mem>>)
      %add3A_381 = arith.constant 8 : i32
      %add3A_382 = arith.addi %add3A_346, %add3A_381 : i32
      %lt3A_383 = arith.constant 320 : i32
      %lt3A_384 = arith.cmpi slt, %add3A_382, %lt3A_383 : i32
      %convert_element_type3A_385 = arith.extui %lt3A_384 : i1 to i32
      %cond3A_386 = arith.constant 0 : i32
      %cond3A_387 = arith.cmpi ne, %convert_element_type3A_385, %cond3A_386 : i32
      scf.if %cond3A_387 {
        %add3A_1537 = arith.constant 8 : i32
        %add3A_1538 = arith.addi %add3A_346, %add3A_1537 : i32
        %mul3A_1539 = arith.constant 64 : i32
        %mul3A_1540 = arith.muli %add3A_1538, %mul3A_1539 : i32
        %add3A_1541 = arith.addi %mul3A_0, %mul3A_1540 : i32
        %dma_start3A_1542 = arith.constant 0 : i32
        %dma_start3A_1543 = arith.constant 0 : i32
        %dma_start3A_1544 = arith.constant 0 : i32
        %dma_start3A_1545 = tpu.memref_slice %arg21[%dma_start3A_1543, %dma_start3A_1544] : memref<2x64xi32, #tpu.memory_space<vmem>> -> memref<1x64xi32, #tpu.memory_space<vmem>>
        %dma_start3A_1546 = tpu.memref_squeeze %dma_start3A_1545 : memref<1x64xi32, #tpu.memory_space<vmem>> -> memref<64xi32, #tpu.memory_space<vmem>>
        %dma_start3A_1547 = tpu.memref_slice %arg3[%dma_start3A_1542, %add3A_1541] : memref<2x327680xi32, #tpu.memory_space<hbm>> -> memref<1x64xi32, #tpu.memory_space<hbm>>
        %dma_start3A_1548 = tpu.memref_squeeze %dma_start3A_1547 : memref<1x64xi32, #tpu.memory_space<hbm>> -> memref<64xi32, #tpu.memory_space<hbm>>
        %dma_start3A_1549 = arith.constant 0 : i32
        %dma_start3A_1550 = tpu.memref_slice %arg21[%dma_start3A_1543, %dma_start3A_1549] : memref<2x64xi32, #tpu.memory_space<vmem>> -> memref<1x64xi32, #tpu.memory_space<vmem>>
        %dma_start3A_1551 = tpu.memref_squeeze %dma_start3A_1550 : memref<1x64xi32, #tpu.memory_space<vmem>> -> memref<64xi32, #tpu.memory_space<vmem>>
        %dma_start3A_1552 = tpu.memref_slice %arg3[%dma_start3A_1542, %add3A_1541] : memref<2x327680xi32, #tpu.memory_space<hbm>> -> memref<1x64xi32, #tpu.memory_space<hbm>>
        %dma_start3A_1553 = tpu.memref_squeeze %dma_start3A_1552 : memref<1x64xi32, #tpu.memory_space<hbm>> -> memref<64xi32, #tpu.memory_space<hbm>>
        tpu.enqueue_dma source(%dma_start3A_1553 : memref<64xi32, #tpu.memory_space<hbm>>) target(%dma_start3A_1551 : memref<64xi32, #tpu.memory_space<vmem>>) target_semaphore(%arg37 : memref<!tpu.dma_semaphore, #tpu.memory_space<semaphore_mem>>)
        %dma_start3A_1554 = arith.constant 1 : i32
        %dma_start3A_1555 = arith.constant 1 : i32
        %dma_start3A_1556 = arith.constant 0 : i32
        %dma_start3A_1557 = tpu.memref_slice %arg21[%dma_start3A_1555, %dma_start3A_1556] : memref<2x64xi32, #tpu.memory_space<vmem>> -> memref<1x64xi32, #tpu.memory_space<vmem>>
        %dma_start3A_1558 = tpu.memref_squeeze %dma_start3A_1557 : memref<1x64xi32, #tpu.memory_space<vmem>> -> memref<64xi32, #tpu.memory_space<vmem>>
        %dma_start3A_1559 = tpu.memref_slice %arg3[%dma_start3A_1554, %add3A_1541] : memref<2x327680xi32, #tpu.memory_space<hbm>> -> memref<1x64xi32, #tpu.memory_space<hbm>>
        %dma_start3A_1560 = tpu.memref_squeeze %dma_start3A_1559 : memref<1x64xi32, #tpu.memory_space<hbm>> -> memref<64xi32, #tpu.memory_space<hbm>>
        %dma_start3A_1561 = arith.constant 0 : i32
        %dma_start3A_1562 = tpu.memref_slice %arg21[%dma_start3A_1555, %dma_start3A_1561] : memref<2x64xi32, #tpu.memory_space<vmem>> -> memref<1x64xi32, #tpu.memory_space<vmem>>
        %dma_start3A_1563 = tpu.memref_squeeze %dma_start3A_1562 : memref<1x64xi32, #tpu.memory_space<vmem>> -> memref<64xi32, #tpu.memory_space<vmem>>
        %dma_start3A_1564 = tpu.memref_slice %arg3[%dma_start3A_1554, %add3A_1541] : memref<2x327680xi32, #tpu.memory_space<hbm>> -> memref<1x64xi32, #tpu.memory_space<hbm>>
        %dma_start3A_1565 = tpu.memref_squeeze %dma_start3A_1564 : memref<1x64xi32, #tpu.memory_space<hbm>> -> memref<64xi32, #tpu.memory_space<hbm>>
        tpu.enqueue_dma source(%dma_start3A_1565 : memref<64xi32, #tpu.memory_space<hbm>>) target(%dma_start3A_1563 : memref<64xi32, #tpu.memory_space<vmem>>) target_semaphore(%arg37 : memref<!tpu.dma_semaphore, #tpu.memory_space<semaphore_mem>>)
      } else {
      }
      %get3A_388 = arith.constant 1 : i32
      %get3A_389 = arith.index_cast %get3A_388 : i32 to index
      %get3A_390 = arith.constant 0 : index
      %get3A_391 = tpu.vector_load %arg13[%get3A_389, %get3A_390] {strides = array<i32>} : memref<2x64xi32, #tpu.memory_space<vmem>>, vector<16xi32>,
      tpu.vector_store_idx %arg10[%get3A_391], %broadcast_in_dim3A_1 {add = true} : memref<10240xf32, #tpu.memory_space<vmem>>[vector<16xi32>], vector<16xf32>,
      %get3A_392 = arith.constant 1 : i32
      %get3A_393 = arith.index_cast %get3A_392 : i32 to index
      %get3A_394 = arith.constant 16 : index
      %get3A_395 = tpu.vector_load %arg13[%get3A_393, %get3A_394] {strides = array<i32>} : memref<2x64xi32, #tpu.memory_space<vmem>>, vector<16xi32>,
      tpu.vector_store_idx %arg10[%get3A_395], %broadcast_in_dim3A_1 {add = true} : memref<10240xf32, #tpu.memory_space<vmem>>[vector<16xi32>], vector<16xf32>,
      %get3A_396 = arith.constant 1 : i32
      %get3A_397 = arith.index_cast %get3A_396 : i32 to index
      %get3A_398 = arith.constant 32 : index
      %get3A_399 = tpu.vector_load %arg13[%get3A_397, %get3A_398] {strides = array<i32>} : memref<2x64xi32, #tpu.memory_space<vmem>>, vector<16xi32>,
      tpu.vector_store_idx %arg10[%get3A_399], %broadcast_in_dim3A_1 {add = true} : memref<10240xf32, #tpu.memory_space<vmem>>[vector<16xi32>], vector<16xf32>,
      %get3A_400 = arith.constant 1 : i32
      %get3A_401 = arith.index_cast %get3A_400 : i32 to index
      %get3A_402 = arith.constant 48 : index
      %get3A_403 = tpu.vector_load %arg13[%get3A_401, %get3A_402] {strides = array<i32>} : memref<2x64xi32, #tpu.memory_space<vmem>>, vector<16xi32>,
      tpu.vector_store_idx %arg10[%get3A_403], %broadcast_in_dim3A_1 {add = true} : memref<10240xf32, #tpu.memory_space<vmem>>[vector<16xi32>], vector<16xf32>,
      %mul3A_404 = arith.constant 8 : i32
      %mul3A_405 = arith.muli %add3A_225, %mul3A_404 : i32
      %add3A_406 = arith.constant 3 : i32
      %add3A_407 = arith.addi %mul3A_405, %add3A_406 : i32
      %mul3A_408 = arith.constant 64 : i32
      %mul3A_409 = arith.muli %add3A_407, %mul3A_408 : i32
      %add3A_410 = arith.addi %mul3A_0, %mul3A_409 : i32
      %dma_wait3A_411 = arith.constant 0 : i32
      %dma_wait3A_412 = arith.constant 0 : i32
      %dma_wait3A_413 = arith.constant 0 : i32
      %dma_wait3A_414 = tpu.memref_slice %arg14[%dma_wait3A_412, %dma_wait3A_413] : memref<2x64xi32, #tpu.memory_space<vmem>> -> memref<1x64xi32, #tpu.memory_space<vmem>>
      %dma_wait3A_415 = tpu.memref_squeeze %dma_wait3A_414 : memref<1x64xi32, #tpu.memory_space<vmem>> -> memref<64xi32, #tpu.memory_space<vmem>>
      %dma_wait3A_416 = tpu.memref_slice %arg3[%dma_wait3A_411, %add3A_410] : memref<2x327680xi32, #tpu.memory_space<hbm>> -> memref<1x64xi32, #tpu.memory_space<hbm>>
      %dma_wait3A_417 = tpu.memref_squeeze %dma_wait3A_416 : memref<1x64xi32, #tpu.memory_space<hbm>> -> memref<64xi32, #tpu.memory_space<hbm>>
      %dma_wait3A_418 = arith.constant 0 : i32
      %dma_wait3A_419 = tpu.memref_slice %arg14[%dma_wait3A_412, %dma_wait3A_418] : memref<2x64xi32, #tpu.memory_space<vmem>> -> memref<1x64xi32, #tpu.memory_space<vmem>>
      %dma_wait3A_420 = tpu.memref_squeeze %dma_wait3A_419 : memref<1x64xi32, #tpu.memory_space<vmem>> -> memref<64xi32, #tpu.memory_space<vmem>>
      %dma_wait3A_421 = tpu.memref_slice %arg3[%dma_wait3A_411, %add3A_410] : memref<2x327680xi32, #tpu.memory_space<hbm>> -> memref<1x64xi32, #tpu.memory_space<hbm>>
      %dma_wait3A_422 = tpu.memref_squeeze %dma_wait3A_421 : memref<1x64xi32, #tpu.memory_space<hbm>> -> memref<64xi32, #tpu.memory_space<hbm>>
      tpu.wait_dma2 semaphore(%arg38 : memref<!tpu.dma_semaphore, #tpu.memory_space<semaphore_mem>>) src(%dma_wait3A_422 : memref<64xi32, #tpu.memory_space<hbm>>) dst(%dma_wait3A_420 : memref<64xi32, #tpu.memory_space<vmem>>)
      %dma_wait3A_423 = arith.constant 1 : i32
      %dma_wait3A_424 = arith.constant 1 : i32
      %dma_wait3A_425 = arith.constant 0 : i32
      %dma_wait3A_426 = tpu.memref_slice %arg14[%dma_wait3A_424, %dma_wait3A_425] : memref<2x64xi32, #tpu.memory_space<vmem>> -> memref<1x64xi32, #tpu.memory_space<vmem>>
      %dma_wait3A_427 = tpu.memref_squeeze %dma_wait3A_426 : memref<1x64xi32, #tpu.memory_space<vmem>> -> memref<64xi32, #tpu.memory_space<vmem>>
      %dma_wait3A_428 = tpu.memref_slice %arg3[%dma_wait3A_423, %add3A_410] : memref<2x327680xi32, #tpu.memory_space<hbm>> -> memref<1x64xi32, #tpu.memory_space<hbm>>
      %dma_wait3A_429 = tpu.memref_squeeze %dma_wait3A_428 : memref<1x64xi32, #tpu.memory_space<hbm>> -> memref<64xi32, #tpu.memory_space<hbm>>
      %dma_wait3A_430 = arith.constant 0 : i32
      %dma_wait3A_431 = tpu.memref_slice %arg14[%dma_wait3A_424, %dma_wait3A_430] : memref<2x64xi32, #tpu.memory_space<vmem>> -> memref<1x64xi32, #tpu.memory_space<vmem>>
      %dma_wait3A_432 = tpu.memref_squeeze %dma_wait3A_431 : memref<1x64xi32, #tpu.memory_space<vmem>> -> memref<64xi32, #tpu.memory_space<vmem>>
      %dma_wait3A_433 = tpu.memref_slice %arg3[%dma_wait3A_423, %add3A_410] : memref<2x327680xi32, #tpu.memory_space<hbm>> -> memref<1x64xi32, #tpu.memory_space<hbm>>
      %dma_wait3A_434 = tpu.memref_squeeze %dma_wait3A_433 : memref<1x64xi32, #tpu.memory_space<hbm>> -> memref<64xi32, #tpu.memory_space<hbm>>
      tpu.wait_dma2 semaphore(%arg38 : memref<!tpu.dma_semaphore, #tpu.memory_space<semaphore_mem>>) src(%dma_wait3A_434 : memref<64xi32, #tpu.memory_space<hbm>>) dst(%dma_wait3A_432 : memref<64xi32, #tpu.memory_space<vmem>>)
      %dma_start3A_435 = arith.constant 0 : i32
      %dma_start3A_436 = arith.constant 0 : i32
      %dma_start3A_437 = tpu.memref_slice %arg14[%dma_start3A_435, %dma_start3A_436] : memref<2x64xi32, #tpu.memory_space<vmem>> -> memref<1x64xi32, #tpu.memory_space<vmem>>
      %dma_start3A_438 = tpu.memref_squeeze %dma_start3A_437 : memref<1x64xi32, #tpu.memory_space<vmem>> -> memref<64xi32, #tpu.memory_space<vmem>>
      %dma_start3A_439 = arith.constant 0 : i32
      %dma_start3A_440 = arith.constant 0 : i32
      %dma_start3A_441 = tpu.memref_slice %arg8[%dma_start3A_439, %dma_start3A_440] : memref<10240x64xf32, #tpu.memory_space<vmem_shared>> -> memref<10240x64xf32, #tpu.memory_space<vmem_shared>>
      tpu.enqueue_indirect_dma source(%dma_start3A_441 : memref<10240x64xf32, #tpu.memory_space<vmem_shared>>) target(%arg30 : memref<64x64xf32, #tpu.memory_space<vmem>>) offsets(%dma_start3A_438 : memref<64xi32, #tpu.memory_space<vmem>>) semaphore(%arg46 : memref<!tpu.dma_semaphore, #tpu.memory_space<semaphore_mem>>)
      %add3A_442 = arith.constant 8 : i32
      %add3A_443 = arith.addi %add3A_407, %add3A_442 : i32
      %lt3A_444 = arith.constant 320 : i32
      %lt3A_445 = arith.cmpi slt, %add3A_443, %lt3A_444 : i32
      %convert_element_type3A_446 = arith.extui %lt3A_445 : i1 to i32
      %cond3A_447 = arith.constant 0 : i32
      %cond3A_448 = arith.cmpi ne, %convert_element_type3A_446, %cond3A_447 : i32
      scf.if %cond3A_448 {
        %add3A_1537 = arith.constant 8 : i32
        %add3A_1538 = arith.addi %add3A_407, %add3A_1537 : i32
        %mul3A_1539 = arith.constant 64 : i32
        %mul3A_1540 = arith.muli %add3A_1538, %mul3A_1539 : i32
        %add3A_1541 = arith.addi %mul3A_0, %mul3A_1540 : i32
        %dma_start3A_1542 = arith.constant 0 : i32
        %dma_start3A_1543 = arith.constant 0 : i32
        %dma_start3A_1544 = arith.constant 0 : i32
        %dma_start3A_1545 = tpu.memref_slice %arg22[%dma_start3A_1543, %dma_start3A_1544] : memref<2x64xi32, #tpu.memory_space<vmem>> -> memref<1x64xi32, #tpu.memory_space<vmem>>
        %dma_start3A_1546 = tpu.memref_squeeze %dma_start3A_1545 : memref<1x64xi32, #tpu.memory_space<vmem>> -> memref<64xi32, #tpu.memory_space<vmem>>
        %dma_start3A_1547 = tpu.memref_slice %arg3[%dma_start3A_1542, %add3A_1541] : memref<2x327680xi32, #tpu.memory_space<hbm>> -> memref<1x64xi32, #tpu.memory_space<hbm>>
        %dma_start3A_1548 = tpu.memref_squeeze %dma_start3A_1547 : memref<1x64xi32, #tpu.memory_space<hbm>> -> memref<64xi32, #tpu.memory_space<hbm>>
        %dma_start3A_1549 = arith.constant 0 : i32
        %dma_start3A_1550 = tpu.memref_slice %arg22[%dma_start3A_1543, %dma_start3A_1549] : memref<2x64xi32, #tpu.memory_space<vmem>> -> memref<1x64xi32, #tpu.memory_space<vmem>>
        %dma_start3A_1551 = tpu.memref_squeeze %dma_start3A_1550 : memref<1x64xi32, #tpu.memory_space<vmem>> -> memref<64xi32, #tpu.memory_space<vmem>>
        %dma_start3A_1552 = tpu.memref_slice %arg3[%dma_start3A_1542, %add3A_1541] : memref<2x327680xi32, #tpu.memory_space<hbm>> -> memref<1x64xi32, #tpu.memory_space<hbm>>
        %dma_start3A_1553 = tpu.memref_squeeze %dma_start3A_1552 : memref<1x64xi32, #tpu.memory_space<hbm>> -> memref<64xi32, #tpu.memory_space<hbm>>
        tpu.enqueue_dma source(%dma_start3A_1553 : memref<64xi32, #tpu.memory_space<hbm>>) target(%dma_start3A_1551 : memref<64xi32, #tpu.memory_space<vmem>>) target_semaphore(%arg38 : memref<!tpu.dma_semaphore, #tpu.memory_space<semaphore_mem>>)
        %dma_start3A_1554 = arith.constant 1 : i32
        %dma_start3A_1555 = arith.constant 1 : i32
        %dma_start3A_1556 = arith.constant 0 : i32
        %dma_start3A_1557 = tpu.memref_slice %arg22[%dma_start3A_1555, %dma_start3A_1556] : memref<2x64xi32, #tpu.memory_space<vmem>> -> memref<1x64xi32, #tpu.memory_space<vmem>>
        %dma_start3A_1558 = tpu.memref_squeeze %dma_start3A_1557 : memref<1x64xi32, #tpu.memory_space<vmem>> -> memref<64xi32, #tpu.memory_space<vmem>>
        %dma_start3A_1559 = tpu.memref_slice %arg3[%dma_start3A_1554, %add3A_1541] : memref<2x327680xi32, #tpu.memory_space<hbm>> -> memref<1x64xi32, #tpu.memory_space<hbm>>
        %dma_start3A_1560 = tpu.memref_squeeze %dma_start3A_1559 : memref<1x64xi32, #tpu.memory_space<hbm>> -> memref<64xi32, #tpu.memory_space<hbm>>
        %dma_start3A_1561 = arith.constant 0 : i32
        %dma_start3A_1562 = tpu.memref_slice %arg22[%dma_start3A_1555, %dma_start3A_1561] : memref<2x64xi32, #tpu.memory_space<vmem>> -> memref<1x64xi32, #tpu.memory_space<vmem>>
        %dma_start3A_1563 = tpu.memref_squeeze %dma_start3A_1562 : memref<1x64xi32, #tpu.memory_space<vmem>> -> memref<64xi32, #tpu.memory_space<vmem>>
        %dma_start3A_1564 = tpu.memref_slice %arg3[%dma_start3A_1554, %add3A_1541] : memref<2x327680xi32, #tpu.memory_space<hbm>> -> memref<1x64xi32, #tpu.memory_space<hbm>>
        %dma_start3A_1565 = tpu.memref_squeeze %dma_start3A_1564 : memref<1x64xi32, #tpu.memory_space<hbm>> -> memref<64xi32, #tpu.memory_space<hbm>>
        tpu.enqueue_dma source(%dma_start3A_1565 : memref<64xi32, #tpu.memory_space<hbm>>) target(%dma_start3A_1563 : memref<64xi32, #tpu.memory_space<vmem>>) target_semaphore(%arg38 : memref<!tpu.dma_semaphore, #tpu.memory_space<semaphore_mem>>)
      } else {
      }
      %get3A_449 = arith.constant 1 : i32
      %get3A_450 = arith.index_cast %get3A_449 : i32 to index
      %get3A_451 = arith.constant 0 : index
      %get3A_452 = tpu.vector_load %arg14[%get3A_450, %get3A_451] {strides = array<i32>} : memref<2x64xi32, #tpu.memory_space<vmem>>, vector<16xi32>,
      tpu.vector_store_idx %arg10[%get3A_452], %broadcast_in_dim3A_1 {add = true} : memref<10240xf32, #tpu.memory_space<vmem>>[vector<16xi32>], vector<16xf32>,
      %get3A_453 = arith.constant 1 : i32
      %get3A_454 = arith.index_cast %get3A_453 : i32 to index
      %get3A_455 = arith.constant 16 : index
      %get3A_456 = tpu.vector_load %arg14[%get3A_454, %get3A_455] {strides = array<i32>} : memref<2x64xi32, #tpu.memory_space<vmem>>, vector<16xi32>,
      tpu.vector_store_idx %arg10[%get3A_456], %broadcast_in_dim3A_1 {add = true} : memref<10240xf32, #tpu.memory_space<vmem>>[vector<16xi32>], vector<16xf32>,
      %get3A_457 = arith.constant 1 : i32
      %get3A_458 = arith.index_cast %get3A_457 : i32 to index
      %get3A_459 = arith.constant 32 : index
      %get3A_460 = tpu.vector_load %arg14[%get3A_458, %get3A_459] {strides = array<i32>} : memref<2x64xi32, #tpu.memory_space<vmem>>, vector<16xi32>,
      tpu.vector_store_idx %arg10[%get3A_460], %broadcast_in_dim3A_1 {add = true} : memref<10240xf32, #tpu.memory_space<vmem>>[vector<16xi32>], vector<16xf32>,
      %get3A_461 = arith.constant 1 : i32
      %get3A_462 = arith.index_cast %get3A_461 : i32 to index
      %get3A_463 = arith.constant 48 : index
      %get3A_464 = tpu.vector_load %arg14[%get3A_462, %get3A_463] {strides = array<i32>} : memref<2x64xi32, #tpu.memory_space<vmem>>, vector<16xi32>,
      tpu.vector_store_idx %arg10[%get3A_464], %broadcast_in_dim3A_1 {add = true} : memref<10240xf32, #tpu.memory_space<vmem>>[vector<16xi32>], vector<16xf32>,
      %mul3A_465 = arith.constant 8 : i32
      %mul3A_466 = arith.muli %add3A_225, %mul3A_465 : i32
      %add3A_467 = arith.constant 4 : i32
      %add3A_468 = arith.addi %mul3A_466, %add3A_467 : i32
      %mul3A_469 = arith.constant 64 : i32
      %mul3A_470 = arith.muli %add3A_468, %mul3A_469 : i32
      %add3A_471 = arith.addi %mul3A_0, %mul3A_470 : i32
      %dma_wait3A_472 = arith.constant 0 : i32
      %dma_wait3A_473 = arith.constant 0 : i32
      %dma_wait3A_474 = arith.constant 0 : i32
      %dma_wait3A_475 = tpu.memref_slice %arg15[%dma_wait3A_473, %dma_wait3A_474] : memref<2x64xi32, #tpu.memory_space<vmem>> -> memref<1x64xi32, #tpu.memory_space<vmem>>
      %dma_wait3A_476 = tpu.memref_squeeze %dma_wait3A_475 : memref<1x64xi32, #tpu.memory_space<vmem>> -> memref<64xi32, #tpu.memory_space<vmem>>
      %dma_wait3A_477 = tpu.memref_slice %arg3[%dma_wait3A_472, %add3A_471] : memref<2x327680xi32, #tpu.memory_space<hbm>> -> memref<1x64xi32, #tpu.memory_space<hbm>>
      %dma_wait3A_478 = tpu.memref_squeeze %dma_wait3A_477 : memref<1x64xi32, #tpu.memory_space<hbm>> -> memref<64xi32, #tpu.memory_space<hbm>>
      %dma_wait3A_479 = arith.constant 0 : i32
      %dma_wait3A_480 = tpu.memref_slice %arg15[%dma_wait3A_473, %dma_wait3A_479] : memref<2x64xi32, #tpu.memory_space<vmem>> -> memref<1x64xi32, #tpu.memory_space<vmem>>
      %dma_wait3A_481 = tpu.memref_squeeze %dma_wait3A_480 : memref<1x64xi32, #tpu.memory_space<vmem>> -> memref<64xi32, #tpu.memory_space<vmem>>
      %dma_wait3A_482 = tpu.memref_slice %arg3[%dma_wait3A_472, %add3A_471] : memref<2x327680xi32, #tpu.memory_space<hbm>> -> memref<1x64xi32, #tpu.memory_space<hbm>>
      %dma_wait3A_483 = tpu.memref_squeeze %dma_wait3A_482 : memref<1x64xi32, #tpu.memory_space<hbm>> -> memref<64xi32, #tpu.memory_space<hbm>>
      tpu.wait_dma2 semaphore(%arg39 : memref<!tpu.dma_semaphore, #tpu.memory_space<semaphore_mem>>) src(%dma_wait3A_483 : memref<64xi32, #tpu.memory_space<hbm>>) dst(%dma_wait3A_481 : memref<64xi32, #tpu.memory_space<vmem>>)
      %dma_wait3A_484 = arith.constant 1 : i32
      %dma_wait3A_485 = arith.constant 1 : i32
      %dma_wait3A_486 = arith.constant 0 : i32
      %dma_wait3A_487 = tpu.memref_slice %arg15[%dma_wait3A_485, %dma_wait3A_486] : memref<2x64xi32, #tpu.memory_space<vmem>> -> memref<1x64xi32, #tpu.memory_space<vmem>>
      %dma_wait3A_488 = tpu.memref_squeeze %dma_wait3A_487 : memref<1x64xi32, #tpu.memory_space<vmem>> -> memref<64xi32, #tpu.memory_space<vmem>>
      %dma_wait3A_489 = tpu.memref_slice %arg3[%dma_wait3A_484, %add3A_471] : memref<2x327680xi32, #tpu.memory_space<hbm>> -> memref<1x64xi32, #tpu.memory_space<hbm>>
      %dma_wait3A_490 = tpu.memref_squeeze %dma_wait3A_489 : memref<1x64xi32, #tpu.memory_space<hbm>> -> memref<64xi32, #tpu.memory_space<hbm>>
      %dma_wait3A_491 = arith.constant 0 : i32
      %dma_wait3A_492 = tpu.memref_slice %arg15[%dma_wait3A_485, %dma_wait3A_491] : memref<2x64xi32, #tpu.memory_space<vmem>> -> memref<1x64xi32, #tpu.memory_space<vmem>>
      %dma_wait3A_493 = tpu.memref_squeeze %dma_wait3A_492 : memref<1x64xi32, #tpu.memory_space<vmem>> -> memref<64xi32, #tpu.memory_space<vmem>>
      %dma_wait3A_494 = tpu.memref_slice %arg3[%dma_wait3A_484, %add3A_471] : memref<2x327680xi32, #tpu.memory_space<hbm>> -> memref<1x64xi32, #tpu.memory_space<hbm>>
      %dma_wait3A_495 = tpu.memref_squeeze %dma_wait3A_494 : memref<1x64xi32, #tpu.memory_space<hbm>> -> memref<64xi32, #tpu.memory_space<hbm>>
      tpu.wait_dma2 semaphore(%arg39 : memref<!tpu.dma_semaphore, #tpu.memory_space<semaphore_mem>>) src(%dma_wait3A_495 : memref<64xi32, #tpu.memory_space<hbm>>) dst(%dma_wait3A_493 : memref<64xi32, #tpu.memory_space<vmem>>)
      %dma_start3A_496 = arith.constant 0 : i32
      %dma_start3A_497 = arith.constant 0 : i32
      %dma_start3A_498 = tpu.memref_slice %arg15[%dma_start3A_496, %dma_start3A_497] : memref<2x64xi32, #tpu.memory_space<vmem>> -> memref<1x64xi32, #tpu.memory_space<vmem>>
      %dma_start3A_499 = tpu.memref_squeeze %dma_start3A_498 : memref<1x64xi32, #tpu.memory_space<vmem>> -> memref<64xi32, #tpu.memory_space<vmem>>
      %dma_start3A_500 = arith.constant 0 : i32
      %dma_start3A_501 = arith.constant 0 : i32
      %dma_start3A_502 = tpu.memref_slice %arg8[%dma_start3A_500, %dma_start3A_501] : memref<10240x64xf32, #tpu.memory_space<vmem_shared>> -> memref<10240x64xf32, #tpu.memory_space<vmem_shared>>
      tpu.enqueue_indirect_dma source(%dma_start3A_502 : memref<10240x64xf32, #tpu.memory_space<vmem_shared>>) target(%arg31 : memref<64x64xf32, #tpu.memory_space<vmem>>) offsets(%dma_start3A_499 : memref<64xi32, #tpu.memory_space<vmem>>) semaphore(%arg47 : memref<!tpu.dma_semaphore, #tpu.memory_space<semaphore_mem>>)
      %add3A_503 = arith.constant 8 : i32
      %add3A_504 = arith.addi %add3A_468, %add3A_503 : i32
      %lt3A_505 = arith.constant 320 : i32
      %lt3A_506 = arith.cmpi slt, %add3A_504, %lt3A_505 : i32
      %convert_element_type3A_507 = arith.extui %lt3A_506 : i1 to i32
      %cond3A_508 = arith.constant 0 : i32
      %cond3A_509 = arith.cmpi ne, %convert_element_type3A_507, %cond3A_508 : i32
      scf.if %cond3A_509 {
        %add3A_1537 = arith.constant 8 : i32
        %add3A_1538 = arith.addi %add3A_468, %add3A_1537 : i32
        %mul3A_1539 = arith.constant 64 : i32
        %mul3A_1540 = arith.muli %add3A_1538, %mul3A_1539 : i32
        %add3A_1541 = arith.addi %mul3A_0, %mul3A_1540 : i32
        %dma_start3A_1542 = arith.constant 0 : i32
        %dma_start3A_1543 = arith.constant 0 : i32
        %dma_start3A_1544 = arith.constant 0 : i32
        %dma_start3A_1545 = tpu.memref_slice %arg23[%dma_start3A_1543, %dma_start3A_1544] : memref<2x64xi32, #tpu.memory_space<vmem>> -> memref<1x64xi32, #tpu.memory_space<vmem>>
        %dma_start3A_1546 = tpu.memref_squeeze %dma_start3A_1545 : memref<1x64xi32, #tpu.memory_space<vmem>> -> memref<64xi32, #tpu.memory_space<vmem>>
        %dma_start3A_1547 = tpu.memref_slice %arg3[%dma_start3A_1542, %add3A_1541] : memref<2x327680xi32, #tpu.memory_space<hbm>> -> memref<1x64xi32, #tpu.memory_space<hbm>>
        %dma_start3A_1548 = tpu.memref_squeeze %dma_start3A_1547 : memref<1x64xi32, #tpu.memory_space<hbm>> -> memref<64xi32, #tpu.memory_space<hbm>>
        %dma_start3A_1549 = arith.constant 0 : i32
        %dma_start3A_1550 = tpu.memref_slice %arg23[%dma_start3A_1543, %dma_start3A_1549] : memref<2x64xi32, #tpu.memory_space<vmem>> -> memref<1x64xi32, #tpu.memory_space<vmem>>
        %dma_start3A_1551 = tpu.memref_squeeze %dma_start3A_1550 : memref<1x64xi32, #tpu.memory_space<vmem>> -> memref<64xi32, #tpu.memory_space<vmem>>
        %dma_start3A_1552 = tpu.memref_slice %arg3[%dma_start3A_1542, %add3A_1541] : memref<2x327680xi32, #tpu.memory_space<hbm>> -> memref<1x64xi32, #tpu.memory_space<hbm>>
        %dma_start3A_1553 = tpu.memref_squeeze %dma_start3A_1552 : memref<1x64xi32, #tpu.memory_space<hbm>> -> memref<64xi32, #tpu.memory_space<hbm>>
        tpu.enqueue_dma source(%dma_start3A_1553 : memref<64xi32, #tpu.memory_space<hbm>>) target(%dma_start3A_1551 : memref<64xi32, #tpu.memory_space<vmem>>) target_semaphore(%arg39 : memref<!tpu.dma_semaphore, #tpu.memory_space<semaphore_mem>>)
        %dma_start3A_1554 = arith.constant 1 : i32
        %dma_start3A_1555 = arith.constant 1 : i32
        %dma_start3A_1556 = arith.constant 0 : i32
        %dma_start3A_1557 = tpu.memref_slice %arg23[%dma_start3A_1555, %dma_start3A_1556] : memref<2x64xi32, #tpu.memory_space<vmem>> -> memref<1x64xi32, #tpu.memory_space<vmem>>
        %dma_start3A_1558 = tpu.memref_squeeze %dma_start3A_1557 : memref<1x64xi32, #tpu.memory_space<vmem>> -> memref<64xi32, #tpu.memory_space<vmem>>
        %dma_start3A_1559 = tpu.memref_slice %arg3[%dma_start3A_1554, %add3A_1541] : memref<2x327680xi32, #tpu.memory_space<hbm>> -> memref<1x64xi32, #tpu.memory_space<hbm>>
        %dma_start3A_1560 = tpu.memref_squeeze %dma_start3A_1559 : memref<1x64xi32, #tpu.memory_space<hbm>> -> memref<64xi32, #tpu.memory_space<hbm>>
        %dma_start3A_1561 = arith.constant 0 : i32
        %dma_start3A_1562 = tpu.memref_slice %arg23[%dma_start3A_1555, %dma_start3A_1561] : memref<2x64xi32, #tpu.memory_space<vmem>> -> memref<1x64xi32, #tpu.memory_space<vmem>>
        %dma_start3A_1563 = tpu.memref_squeeze %dma_start3A_1562 : memref<1x64xi32, #tpu.memory_space<vmem>> -> memref<64xi32, #tpu.memory_space<vmem>>
        %dma_start3A_1564 = tpu.memref_slice %arg3[%dma_start3A_1554, %add3A_1541] : memref<2x327680xi32, #tpu.memory_space<hbm>> -> memref<1x64xi32, #tpu.memory_space<hbm>>
        %dma_start3A_1565 = tpu.memref_squeeze %dma_start3A_1564 : memref<1x64xi32, #tpu.memory_space<hbm>> -> memref<64xi32, #tpu.memory_space<hbm>>
        tpu.enqueue_dma source(%dma_start3A_1565 : memref<64xi32, #tpu.memory_space<hbm>>) target(%dma_start3A_1563 : memref<64xi32, #tpu.memory_space<vmem>>) target_semaphore(%arg39 : memref<!tpu.dma_semaphore, #tpu.memory_space<semaphore_mem>>)
      } else {
      }
      %get3A_510 = arith.constant 1 : i32
      %get3A_511 = arith.index_cast %get3A_510 : i32 to index
      %get3A_512 = arith.constant 0 : index
      %get3A_513 = tpu.vector_load %arg15[%get3A_511, %get3A_512] {strides = array<i32>} : memref<2x64xi32, #tpu.memory_space<vmem>>, vector<16xi32>,
      tpu.vector_store_idx %arg10[%get3A_513], %broadcast_in_dim3A_1 {add = true} : memref<10240xf32, #tpu.memory_space<vmem>>[vector<16xi32>], vector<16xf32>,
      %get3A_514 = arith.constant 1 : i32
      %get3A_515 = arith.index_cast %get3A_514 : i32 to index
      %get3A_516 = arith.constant 16 : index
      %get3A_517 = tpu.vector_load %arg15[%get3A_515, %get3A_516] {strides = array<i32>} : memref<2x64xi32, #tpu.memory_space<vmem>>, vector<16xi32>,
      tpu.vector_store_idx %arg10[%get3A_517], %broadcast_in_dim3A_1 {add = true} : memref<10240xf32, #tpu.memory_space<vmem>>[vector<16xi32>], vector<16xf32>,
      %get3A_518 = arith.constant 1 : i32
      %get3A_519 = arith.index_cast %get3A_518 : i32 to index
      %get3A_520 = arith.constant 32 : index
      %get3A_521 = tpu.vector_load %arg15[%get3A_519, %get3A_520] {strides = array<i32>} : memref<2x64xi32, #tpu.memory_space<vmem>>, vector<16xi32>,
      tpu.vector_store_idx %arg10[%get3A_521], %broadcast_in_dim3A_1 {add = true} : memref<10240xf32, #tpu.memory_space<vmem>>[vector<16xi32>], vector<16xf32>,
      %get3A_522 = arith.constant 1 : i32
      %get3A_523 = arith.index_cast %get3A_522 : i32 to index
      %get3A_524 = arith.constant 48 : index
      %get3A_525 = tpu.vector_load %arg15[%get3A_523, %get3A_524] {strides = array<i32>} : memref<2x64xi32, #tpu.memory_space<vmem>>, vector<16xi32>,
      tpu.vector_store_idx %arg10[%get3A_525], %broadcast_in_dim3A_1 {add = true} : memref<10240xf32, #tpu.memory_space<vmem>>[vector<16xi32>], vector<16xf32>,
      %mul3A_526 = arith.constant 8 : i32
      %mul3A_527 = arith.muli %add3A_225, %mul3A_526 : i32
      %add3A_528 = arith.constant 5 : i32
      %add3A_529 = arith.addi %mul3A_527, %add3A_528 : i32
      %mul3A_530 = arith.constant 64 : i32
      %mul3A_531 = arith.muli %add3A_529, %mul3A_530 : i32
      %add3A_532 = arith.addi %mul3A_0, %mul3A_531 : i32
      %dma_wait3A_533 = arith.constant 0 : i32
      %dma_wait3A_534 = arith.constant 0 : i32
      %dma_wait3A_535 = arith.constant 0 : i32
      %dma_wait3A_536 = tpu.memref_slice %arg16[%dma_wait3A_534, %dma_wait3A_535] : memref<2x64xi32, #tpu.memory_space<vmem>> -> memref<1x64xi32, #tpu.memory_space<vmem>>
      %dma_wait3A_537 = tpu.memref_squeeze %dma_wait3A_536 : memref<1x64xi32, #tpu.memory_space<vmem>> -> memref<64xi32, #tpu.memory_space<vmem>>
      %dma_wait3A_538 = tpu.memref_slice %arg3[%dma_wait3A_533, %add3A_532] : memref<2x327680xi32, #tpu.memory_space<hbm>> -> memref<1x64xi32, #tpu.memory_space<hbm>>
      %dma_wait3A_539 = tpu.memref_squeeze %dma_wait3A_538 : memref<1x64xi32, #tpu.memory_space<hbm>> -> memref<64xi32, #tpu.memory_space<hbm>>
      %dma_wait3A_540 = arith.constant 0 : i32
      %dma_wait3A_541 = tpu.memref_slice %arg16[%dma_wait3A_534, %dma_wait3A_540] : memref<2x64xi32, #tpu.memory_space<vmem>> -> memref<1x64xi32, #tpu.memory_space<vmem>>
      %dma_wait3A_542 = tpu.memref_squeeze %dma_wait3A_541 : memref<1x64xi32, #tpu.memory_space<vmem>> -> memref<64xi32, #tpu.memory_space<vmem>>
      %dma_wait3A_543 = tpu.memref_slice %arg3[%dma_wait3A_533, %add3A_532] : memref<2x327680xi32, #tpu.memory_space<hbm>> -> memref<1x64xi32, #tpu.memory_space<hbm>>
      %dma_wait3A_544 = tpu.memref_squeeze %dma_wait3A_543 : memref<1x64xi32, #tpu.memory_space<hbm>> -> memref<64xi32, #tpu.memory_space<hbm>>
      tpu.wait_dma2 semaphore(%arg40 : memref<!tpu.dma_semaphore, #tpu.memory_space<semaphore_mem>>) src(%dma_wait3A_544 : memref<64xi32, #tpu.memory_space<hbm>>) dst(%dma_wait3A_542 : memref<64xi32, #tpu.memory_space<vmem>>)
      %dma_wait3A_545 = arith.constant 1 : i32
      %dma_wait3A_546 = arith.constant 1 : i32
      %dma_wait3A_547 = arith.constant 0 : i32
      %dma_wait3A_548 = tpu.memref_slice %arg16[%dma_wait3A_546, %dma_wait3A_547] : memref<2x64xi32, #tpu.memory_space<vmem>> -> memref<1x64xi32, #tpu.memory_space<vmem>>
      %dma_wait3A_549 = tpu.memref_squeeze %dma_wait3A_548 : memref<1x64xi32, #tpu.memory_space<vmem>> -> memref<64xi32, #tpu.memory_space<vmem>>
      %dma_wait3A_550 = tpu.memref_slice %arg3[%dma_wait3A_545, %add3A_532] : memref<2x327680xi32, #tpu.memory_space<hbm>> -> memref<1x64xi32, #tpu.memory_space<hbm>>
      %dma_wait3A_551 = tpu.memref_squeeze %dma_wait3A_550 : memref<1x64xi32, #tpu.memory_space<hbm>> -> memref<64xi32, #tpu.memory_space<hbm>>
      %dma_wait3A_552 = arith.constant 0 : i32
      %dma_wait3A_553 = tpu.memref_slice %arg16[%dma_wait3A_546, %dma_wait3A_552] : memref<2x64xi32, #tpu.memory_space<vmem>> -> memref<1x64xi32, #tpu.memory_space<vmem>>
      %dma_wait3A_554 = tpu.memref_squeeze %dma_wait3A_553 : memref<1x64xi32, #tpu.memory_space<vmem>> -> memref<64xi32, #tpu.memory_space<vmem>>
      %dma_wait3A_555 = tpu.memref_slice %arg3[%dma_wait3A_545, %add3A_532] : memref<2x327680xi32, #tpu.memory_space<hbm>> -> memref<1x64xi32, #tpu.memory_space<hbm>>
      %dma_wait3A_556 = tpu.memref_squeeze %dma_wait3A_555 : memref<1x64xi32, #tpu.memory_space<hbm>> -> memref<64xi32, #tpu.memory_space<hbm>>
      tpu.wait_dma2 semaphore(%arg40 : memref<!tpu.dma_semaphore, #tpu.memory_space<semaphore_mem>>) src(%dma_wait3A_556 : memref<64xi32, #tpu.memory_space<hbm>>) dst(%dma_wait3A_554 : memref<64xi32, #tpu.memory_space<vmem>>)
      %dma_start3A_557 = arith.constant 0 : i32
      %dma_start3A_558 = arith.constant 0 : i32
      %dma_start3A_559 = tpu.memref_slice %arg16[%dma_start3A_557, %dma_start3A_558] : memref<2x64xi32, #tpu.memory_space<vmem>> -> memref<1x64xi32, #tpu.memory_space<vmem>>
      %dma_start3A_560 = tpu.memref_squeeze %dma_start3A_559 : memref<1x64xi32, #tpu.memory_space<vmem>> -> memref<64xi32, #tpu.memory_space<vmem>>
      %dma_start3A_561 = arith.constant 0 : i32
      %dma_start3A_562 = arith.constant 0 : i32
      %dma_start3A_563 = tpu.memref_slice %arg8[%dma_start3A_561, %dma_start3A_562] : memref<10240x64xf32, #tpu.memory_space<vmem_shared>> -> memref<10240x64xf32, #tpu.memory_space<vmem_shared>>
      tpu.enqueue_indirect_dma source(%dma_start3A_563 : memref<10240x64xf32, #tpu.memory_space<vmem_shared>>) target(%arg32 : memref<64x64xf32, #tpu.memory_space<vmem>>) offsets(%dma_start3A_560 : memref<64xi32, #tpu.memory_space<vmem>>) semaphore(%arg48 : memref<!tpu.dma_semaphore, #tpu.memory_space<semaphore_mem>>)
      %add3A_564 = arith.constant 8 : i32
      %add3A_565 = arith.addi %add3A_529, %add3A_564 : i32
      %lt3A_566 = arith.constant 320 : i32
      %lt3A_567 = arith.cmpi slt, %add3A_565, %lt3A_566 : i32
      %convert_element_type3A_568 = arith.extui %lt3A_567 : i1 to i32
      %cond3A_569 = arith.constant 0 : i32
      %cond3A_570 = arith.cmpi ne, %convert_element_type3A_568, %cond3A_569 : i32
      scf.if %cond3A_570 {
        %add3A_1537 = arith.constant 8 : i32
        %add3A_1538 = arith.addi %add3A_529, %add3A_1537 : i32
        %mul3A_1539 = arith.constant 64 : i32
        %mul3A_1540 = arith.muli %add3A_1538, %mul3A_1539 : i32
        %add3A_1541 = arith.addi %mul3A_0, %mul3A_1540 : i32
        %dma_start3A_1542 = arith.constant 0 : i32
        %dma_start3A_1543 = arith.constant 0 : i32
        %dma_start3A_1544 = arith.constant 0 : i32
        %dma_start3A_1545 = tpu.memref_slice %arg24[%dma_start3A_1543, %dma_start3A_1544] : memref<2x64xi32, #tpu.memory_space<vmem>> -> memref<1x64xi32, #tpu.memory_space<vmem>>
        %dma_start3A_1546 = tpu.memref_squeeze %dma_start3A_1545 : memref<1x64xi32, #tpu.memory_space<vmem>> -> memref<64xi32, #tpu.memory_space<vmem>>
        %dma_start3A_1547 = tpu.memref_slice %arg3[%dma_start3A_1542, %add3A_1541] : memref<2x327680xi32, #tpu.memory_space<hbm>> -> memref<1x64xi32, #tpu.memory_space<hbm>>
        %dma_start3A_1548 = tpu.memref_squeeze %dma_start3A_1547 : memref<1x64xi32, #tpu.memory_space<hbm>> -> memref<64xi32, #tpu.memory_space<hbm>>
        %dma_start3A_1549 = arith.constant 0 : i32
        %dma_start3A_1550 = tpu.memref_slice %arg24[%dma_start3A_1543, %dma_start3A_1549] : memref<2x64xi32, #tpu.memory_space<vmem>> -> memref<1x64xi32, #tpu.memory_space<vmem>>
        %dma_start3A_1551 = tpu.memref_squeeze %dma_start3A_1550 : memref<1x64xi32, #tpu.memory_space<vmem>> -> memref<64xi32, #tpu.memory_space<vmem>>
        %dma_start3A_1552 = tpu.memref_slice %arg3[%dma_start3A_1542, %add3A_1541] : memref<2x327680xi32, #tpu.memory_space<hbm>> -> memref<1x64xi32, #tpu.memory_space<hbm>>
        %dma_start3A_1553 = tpu.memref_squeeze %dma_start3A_1552 : memref<1x64xi32, #tpu.memory_space<hbm>> -> memref<64xi32, #tpu.memory_space<hbm>>
        tpu.enqueue_dma source(%dma_start3A_1553 : memref<64xi32, #tpu.memory_space<hbm>>) target(%dma_start3A_1551 : memref<64xi32, #tpu.memory_space<vmem>>) target_semaphore(%arg40 : memref<!tpu.dma_semaphore, #tpu.memory_space<semaphore_mem>>)
        %dma_start3A_1554 = arith.constant 1 : i32
        %dma_start3A_1555 = arith.constant 1 : i32
        %dma_start3A_1556 = arith.constant 0 : i32
        %dma_start3A_1557 = tpu.memref_slice %arg24[%dma_start3A_1555, %dma_start3A_1556] : memref<2x64xi32, #tpu.memory_space<vmem>> -> memref<1x64xi32, #tpu.memory_space<vmem>>
        %dma_start3A_1558 = tpu.memref_squeeze %dma_start3A_1557 : memref<1x64xi32, #tpu.memory_space<vmem>> -> memref<64xi32, #tpu.memory_space<vmem>>
        %dma_start3A_1559 = tpu.memref_slice %arg3[%dma_start3A_1554, %add3A_1541] : memref<2x327680xi32, #tpu.memory_space<hbm>> -> memref<1x64xi32, #tpu.memory_space<hbm>>
        %dma_start3A_1560 = tpu.memref_squeeze %dma_start3A_1559 : memref<1x64xi32, #tpu.memory_space<hbm>> -> memref<64xi32, #tpu.memory_space<hbm>>
        %dma_start3A_1561 = arith.constant 0 : i32
        %dma_start3A_1562 = tpu.memref_slice %arg24[%dma_start3A_1555, %dma_start3A_1561] : memref<2x64xi32, #tpu.memory_space<vmem>> -> memref<1x64xi32, #tpu.memory_space<vmem>>
        %dma_start3A_1563 = tpu.memref_squeeze %dma_start3A_1562 : memref<1x64xi32, #tpu.memory_space<vmem>> -> memref<64xi32, #tpu.memory_space<vmem>>
        %dma_start3A_1564 = tpu.memref_slice %arg3[%dma_start3A_1554, %add3A_1541] : memref<2x327680xi32, #tpu.memory_space<hbm>> -> memref<1x64xi32, #tpu.memory_space<hbm>>
        %dma_start3A_1565 = tpu.memref_squeeze %dma_start3A_1564 : memref<1x64xi32, #tpu.memory_space<hbm>> -> memref<64xi32, #tpu.memory_space<hbm>>
        tpu.enqueue_dma source(%dma_start3A_1565 : memref<64xi32, #tpu.memory_space<hbm>>) target(%dma_start3A_1563 : memref<64xi32, #tpu.memory_space<vmem>>) target_semaphore(%arg40 : memref<!tpu.dma_semaphore, #tpu.memory_space<semaphore_mem>>)
      } else {
      }
      %get3A_571 = arith.constant 1 : i32
      %get3A_572 = arith.index_cast %get3A_571 : i32 to index
      %get3A_573 = arith.constant 0 : index
      %get3A_574 = tpu.vector_load %arg16[%get3A_572, %get3A_573] {strides = array<i32>} : memref<2x64xi32, #tpu.memory_space<vmem>>, vector<16xi32>,
      tpu.vector_store_idx %arg10[%get3A_574], %broadcast_in_dim3A_1 {add = true} : memref<10240xf32, #tpu.memory_space<vmem>>[vector<16xi32>], vector<16xf32>,
      %get3A_575 = arith.constant 1 : i32
      %get3A_576 = arith.index_cast %get3A_575 : i32 to index
      %get3A_577 = arith.constant 16 : index
      %get3A_578 = tpu.vector_load %arg16[%get3A_576, %get3A_577] {strides = array<i32>} : memref<2x64xi32, #tpu.memory_space<vmem>>, vector<16xi32>,
      tpu.vector_store_idx %arg10[%get3A_578], %broadcast_in_dim3A_1 {add = true} : memref<10240xf32, #tpu.memory_space<vmem>>[vector<16xi32>], vector<16xf32>,
      %get3A_579 = arith.constant 1 : i32
      %get3A_580 = arith.index_cast %get3A_579 : i32 to index
      %get3A_581 = arith.constant 32 : index
      %get3A_582 = tpu.vector_load %arg16[%get3A_580, %get3A_581] {strides = array<i32>} : memref<2x64xi32, #tpu.memory_space<vmem>>, vector<16xi32>,
      tpu.vector_store_idx %arg10[%get3A_582], %broadcast_in_dim3A_1 {add = true} : memref<10240xf32, #tpu.memory_space<vmem>>[vector<16xi32>], vector<16xf32>,
      %get3A_583 = arith.constant 1 : i32
      %get3A_584 = arith.index_cast %get3A_583 : i32 to index
      %get3A_585 = arith.constant 48 : index
      %get3A_586 = tpu.vector_load %arg16[%get3A_584, %get3A_585] {strides = array<i32>} : memref<2x64xi32, #tpu.memory_space<vmem>>, vector<16xi32>,
      tpu.vector_store_idx %arg10[%get3A_586], %broadcast_in_dim3A_1 {add = true} : memref<10240xf32, #tpu.memory_space<vmem>>[vector<16xi32>], vector<16xf32>,
      %mul3A_587 = arith.constant 8 : i32
      %mul3A_588 = arith.muli %add3A_225, %mul3A_587 : i32
      %add3A_589 = arith.constant 6 : i32
      %add3A_590 = arith.addi %mul3A_588, %add3A_589 : i32
      %mul3A_591 = arith.constant 64 : i32
      %mul3A_592 = arith.muli %add3A_590, %mul3A_591 : i32
      %add3A_593 = arith.addi %mul3A_0, %mul3A_592 : i32
      %dma_wait3A_594 = arith.constant 0 : i32
      %dma_wait3A_595 = arith.constant 0 : i32
      %dma_wait3A_596 = arith.constant 0 : i32
      %dma_wait3A_597 = tpu.memref_slice %arg17[%dma_wait3A_595, %dma_wait3A_596] : memref<2x64xi32, #tpu.memory_space<vmem>> -> memref<1x64xi32, #tpu.memory_space<vmem>>
      %dma_wait3A_598 = tpu.memref_squeeze %dma_wait3A_597 : memref<1x64xi32, #tpu.memory_space<vmem>> -> memref<64xi32, #tpu.memory_space<vmem>>
      %dma_wait3A_599 = tpu.memref_slice %arg3[%dma_wait3A_594, %add3A_593] : memref<2x327680xi32, #tpu.memory_space<hbm>> -> memref<1x64xi32, #tpu.memory_space<hbm>>
      %dma_wait3A_600 = tpu.memref_squeeze %dma_wait3A_599 : memref<1x64xi32, #tpu.memory_space<hbm>> -> memref<64xi32, #tpu.memory_space<hbm>>
      %dma_wait3A_601 = arith.constant 0 : i32
      %dma_wait3A_602 = tpu.memref_slice %arg17[%dma_wait3A_595, %dma_wait3A_601] : memref<2x64xi32, #tpu.memory_space<vmem>> -> memref<1x64xi32, #tpu.memory_space<vmem>>
      %dma_wait3A_603 = tpu.memref_squeeze %dma_wait3A_602 : memref<1x64xi32, #tpu.memory_space<vmem>> -> memref<64xi32, #tpu.memory_space<vmem>>
      %dma_wait3A_604 = tpu.memref_slice %arg3[%dma_wait3A_594, %add3A_593] : memref<2x327680xi32, #tpu.memory_space<hbm>> -> memref<1x64xi32, #tpu.memory_space<hbm>>
      %dma_wait3A_605 = tpu.memref_squeeze %dma_wait3A_604 : memref<1x64xi32, #tpu.memory_space<hbm>> -> memref<64xi32, #tpu.memory_space<hbm>>
      tpu.wait_dma2 semaphore(%arg41 : memref<!tpu.dma_semaphore, #tpu.memory_space<semaphore_mem>>) src(%dma_wait3A_605 : memref<64xi32, #tpu.memory_space<hbm>>) dst(%dma_wait3A_603 : memref<64xi32, #tpu.memory_space<vmem>>)
      %dma_wait3A_606 = arith.constant 1 : i32
      %dma_wait3A_607 = arith.constant 1 : i32
      %dma_wait3A_608 = arith.constant 0 : i32
      %dma_wait3A_609 = tpu.memref_slice %arg17[%dma_wait3A_607, %dma_wait3A_608] : memref<2x64xi32, #tpu.memory_space<vmem>> -> memref<1x64xi32, #tpu.memory_space<vmem>>
      %dma_wait3A_610 = tpu.memref_squeeze %dma_wait3A_609 : memref<1x64xi32, #tpu.memory_space<vmem>> -> memref<64xi32, #tpu.memory_space<vmem>>
      %dma_wait3A_611 = tpu.memref_slice %arg3[%dma_wait3A_606, %add3A_593] : memref<2x327680xi32, #tpu.memory_space<hbm>> -> memref<1x64xi32, #tpu.memory_space<hbm>>
      %dma_wait3A_612 = tpu.memref_squeeze %dma_wait3A_611 : memref<1x64xi32, #tpu.memory_space<hbm>> -> memref<64xi32, #tpu.memory_space<hbm>>
      %dma_wait3A_613 = arith.constant 0 : i32
      %dma_wait3A_614 = tpu.memref_slice %arg17[%dma_wait3A_607, %dma_wait3A_613] : memref<2x64xi32, #tpu.memory_space<vmem>> -> memref<1x64xi32, #tpu.memory_space<vmem>>
      %dma_wait3A_615 = tpu.memref_squeeze %dma_wait3A_614 : memref<1x64xi32, #tpu.memory_space<vmem>> -> memref<64xi32, #tpu.memory_space<vmem>>
      %dma_wait3A_616 = tpu.memref_slice %arg3[%dma_wait3A_606, %add3A_593] : memref<2x327680xi32, #tpu.memory_space<hbm>> -> memref<1x64xi32, #tpu.memory_space<hbm>>
      %dma_wait3A_617 = tpu.memref_squeeze %dma_wait3A_616 : memref<1x64xi32, #tpu.memory_space<hbm>> -> memref<64xi32, #tpu.memory_space<hbm>>
      tpu.wait_dma2 semaphore(%arg41 : memref<!tpu.dma_semaphore, #tpu.memory_space<semaphore_mem>>) src(%dma_wait3A_617 : memref<64xi32, #tpu.memory_space<hbm>>) dst(%dma_wait3A_615 : memref<64xi32, #tpu.memory_space<vmem>>)
      %dma_start3A_618 = arith.constant 0 : i32
      %dma_start3A_619 = arith.constant 0 : i32
      %dma_start3A_620 = tpu.memref_slice %arg17[%dma_start3A_618, %dma_start3A_619] : memref<2x64xi32, #tpu.memory_space<vmem>> -> memref<1x64xi32, #tpu.memory_space<vmem>>
      %dma_start3A_621 = tpu.memref_squeeze %dma_start3A_620 : memref<1x64xi32, #tpu.memory_space<vmem>> -> memref<64xi32, #tpu.memory_space<vmem>>
      %dma_start3A_622 = arith.constant 0 : i32
      %dma_start3A_623 = arith.constant 0 : i32
      %dma_start3A_624 = tpu.memref_slice %arg8[%dma_start3A_622, %dma_start3A_623] : memref<10240x64xf32, #tpu.memory_space<vmem_shared>> -> memref<10240x64xf32, #tpu.memory_space<vmem_shared>>
      tpu.enqueue_indirect_dma source(%dma_start3A_624 : memref<10240x64xf32, #tpu.memory_space<vmem_shared>>) target(%arg33 : memref<64x64xf32, #tpu.memory_space<vmem>>) offsets(%dma_start3A_621 : memref<64xi32, #tpu.memory_space<vmem>>) semaphore(%arg49 : memref<!tpu.dma_semaphore, #tpu.memory_space<semaphore_mem>>)
      %add3A_625 = arith.constant 8 : i32
      %add3A_626 = arith.addi %add3A_590, %add3A_625 : i32
      %lt3A_627 = arith.constant 320 : i32
      %lt3A_628 = arith.cmpi slt, %add3A_626, %lt3A_627 : i32
      %convert_element_type3A_629 = arith.extui %lt3A_628 : i1 to i32
      %cond3A_630 = arith.constant 0 : i32
      %cond3A_631 = arith.cmpi ne, %convert_element_type3A_629, %cond3A_630 : i32
      scf.if %cond3A_631 {
        %add3A_1537 = arith.constant 8 : i32
        %add3A_1538 = arith.addi %add3A_590, %add3A_1537 : i32
        %mul3A_1539 = arith.constant 64 : i32
        %mul3A_1540 = arith.muli %add3A_1538, %mul3A_1539 : i32
        %add3A_1541 = arith.addi %mul3A_0, %mul3A_1540 : i32
        %dma_start3A_1542 = arith.constant 0 : i32
        %dma_start3A_1543 = arith.constant 0 : i32
        %dma_start3A_1544 = arith.constant 0 : i32
        %dma_start3A_1545 = tpu.memref_slice %arg25[%dma_start3A_1543, %dma_start3A_1544] : memref<2x64xi32, #tpu.memory_space<vmem>> -> memref<1x64xi32, #tpu.memory_space<vmem>>
        %dma_start3A_1546 = tpu.memref_squeeze %dma_start3A_1545 : memref<1x64xi32, #tpu.memory_space<vmem>> -> memref<64xi32, #tpu.memory_space<vmem>>
        %dma_start3A_1547 = tpu.memref_slice %arg3[%dma_start3A_1542, %add3A_1541] : memref<2x327680xi32, #tpu.memory_space<hbm>> -> memref<1x64xi32, #tpu.memory_space<hbm>>
        %dma_start3A_1548 = tpu.memref_squeeze %dma_start3A_1547 : memref<1x64xi32, #tpu.memory_space<hbm>> -> memref<64xi32, #tpu.memory_space<hbm>>
        %dma_start3A_1549 = arith.constant 0 : i32
        %dma_start3A_1550 = tpu.memref_slice %arg25[%dma_start3A_1543, %dma_start3A_1549] : memref<2x64xi32, #tpu.memory_space<vmem>> -> memref<1x64xi32, #tpu.memory_space<vmem>>
        %dma_start3A_1551 = tpu.memref_squeeze %dma_start3A_1550 : memref<1x64xi32, #tpu.memory_space<vmem>> -> memref<64xi32, #tpu.memory_space<vmem>>
        %dma_start3A_1552 = tpu.memref_slice %arg3[%dma_start3A_1542, %add3A_1541] : memref<2x327680xi32, #tpu.memory_space<hbm>> -> memref<1x64xi32, #tpu.memory_space<hbm>>
        %dma_start3A_1553 = tpu.memref_squeeze %dma_start3A_1552 : memref<1x64xi32, #tpu.memory_space<hbm>> -> memref<64xi32, #tpu.memory_space<hbm>>
        tpu.enqueue_dma source(%dma_start3A_1553 : memref<64xi32, #tpu.memory_space<hbm>>) target(%dma_start3A_1551 : memref<64xi32, #tpu.memory_space<vmem>>) target_semaphore(%arg41 : memref<!tpu.dma_semaphore, #tpu.memory_space<semaphore_mem>>)
        %dma_start3A_1554 = arith.constant 1 : i32
        %dma_start3A_1555 = arith.constant 1 : i32
        %dma_start3A_1556 = arith.constant 0 : i32
        %dma_start3A_1557 = tpu.memref_slice %arg25[%dma_start3A_1555, %dma_start3A_1556] : memref<2x64xi32, #tpu.memory_space<vmem>> -> memref<1x64xi32, #tpu.memory_space<vmem>>
        %dma_start3A_1558 = tpu.memref_squeeze %dma_start3A_1557 : memref<1x64xi32, #tpu.memory_space<vmem>> -> memref<64xi32, #tpu.memory_space<vmem>>
        %dma_start3A_1559 = tpu.memref_slice %arg3[%dma_start3A_1554, %add3A_1541] : memref<2x327680xi32, #tpu.memory_space<hbm>> -> memref<1x64xi32, #tpu.memory_space<hbm>>
        %dma_start3A_1560 = tpu.memref_squeeze %dma_start3A_1559 : memref<1x64xi32, #tpu.memory_space<hbm>> -> memref<64xi32, #tpu.memory_space<hbm>>
        %dma_start3A_1561 = arith.constant 0 : i32
        %dma_start3A_1562 = tpu.memref_slice %arg25[%dma_start3A_1555, %dma_start3A_1561] : memref<2x64xi32, #tpu.memory_space<vmem>> -> memref<1x64xi32, #tpu.memory_space<vmem>>
        %dma_start3A_1563 = tpu.memref_squeeze %dma_start3A_1562 : memref<1x64xi32, #tpu.memory_space<vmem>> -> memref<64xi32, #tpu.memory_space<vmem>>
        %dma_start3A_1564 = tpu.memref_slice %arg3[%dma_start3A_1554, %add3A_1541] : memref<2x327680xi32, #tpu.memory_space<hbm>> -> memref<1x64xi32, #tpu.memory_space<hbm>>
        %dma_start3A_1565 = tpu.memref_squeeze %dma_start3A_1564 : memref<1x64xi32, #tpu.memory_space<hbm>> -> memref<64xi32, #tpu.memory_space<hbm>>
        tpu.enqueue_dma source(%dma_start3A_1565 : memref<64xi32, #tpu.memory_space<hbm>>) target(%dma_start3A_1563 : memref<64xi32, #tpu.memory_space<vmem>>) target_semaphore(%arg41 : memref<!tpu.dma_semaphore, #tpu.memory_space<semaphore_mem>>)
      } else {
      }
      %get3A_632 = arith.constant 1 : i32
      %get3A_633 = arith.index_cast %get3A_632 : i32 to index
      %get3A_634 = arith.constant 0 : index
      %get3A_635 = tpu.vector_load %arg17[%get3A_633, %get3A_634] {strides = array<i32>} : memref<2x64xi32, #tpu.memory_space<vmem>>, vector<16xi32>,
      tpu.vector_store_idx %arg10[%get3A_635], %broadcast_in_dim3A_1 {add = true} : memref<10240xf32, #tpu.memory_space<vmem>>[vector<16xi32>], vector<16xf32>,
      %get3A_636 = arith.constant 1 : i32
      %get3A_637 = arith.index_cast %get3A_636 : i32 to index
      %get3A_638 = arith.constant 16 : index
      %get3A_639 = tpu.vector_load %arg17[%get3A_637, %get3A_638] {strides = array<i32>} : memref<2x64xi32, #tpu.memory_space<vmem>>, vector<16xi32>,
      tpu.vector_store_idx %arg10[%get3A_639], %broadcast_in_dim3A_1 {add = true} : memref<10240xf32, #tpu.memory_space<vmem>>[vector<16xi32>], vector<16xf32>,
      %get3A_640 = arith.constant 1 : i32
      %get3A_641 = arith.index_cast %get3A_640 : i32 to index
      %get3A_642 = arith.constant 32 : index
      %get3A_643 = tpu.vector_load %arg17[%get3A_641, %get3A_642] {strides = array<i32>} : memref<2x64xi32, #tpu.memory_space<vmem>>, vector<16xi32>,
      tpu.vector_store_idx %arg10[%get3A_643], %broadcast_in_dim3A_1 {add = true} : memref<10240xf32, #tpu.memory_space<vmem>>[vector<16xi32>], vector<16xf32>,
      %get3A_644 = arith.constant 1 : i32
      %get3A_645 = arith.index_cast %get3A_644 : i32 to index
      %get3A_646 = arith.constant 48 : index
      %get3A_647 = tpu.vector_load %arg17[%get3A_645, %get3A_646] {strides = array<i32>} : memref<2x64xi32, #tpu.memory_space<vmem>>, vector<16xi32>,
      tpu.vector_store_idx %arg10[%get3A_647], %broadcast_in_dim3A_1 {add = true} : memref<10240xf32, #tpu.memory_space<vmem>>[vector<16xi32>], vector<16xf32>,
      %mul3A_648 = arith.constant 8 : i32
      %mul3A_649 = arith.muli %add3A_225, %mul3A_648 : i32
      %add3A_650 = arith.constant 7 : i32
      %add3A_651 = arith.addi %mul3A_649, %add3A_650 : i32
      %mul3A_652 = arith.constant 64 : i32
      %mul3A_653 = arith.muli %add3A_651, %mul3A_652 : i32
      %add3A_654 = arith.addi %mul3A_0, %mul3A_653 : i32
      %dma_wait3A_655 = arith.constant 0 : i32
      %dma_wait3A_656 = arith.constant 0 : i32
      %dma_wait3A_657 = arith.constant 0 : i32
      %dma_wait3A_658 = tpu.memref_slice %arg18[%dma_wait3A_656, %dma_wait3A_657] : memref<2x64xi32, #tpu.memory_space<vmem>> -> memref<1x64xi32, #tpu.memory_space<vmem>>
      %dma_wait3A_659 = tpu.memref_squeeze %dma_wait3A_658 : memref<1x64xi32, #tpu.memory_space<vmem>> -> memref<64xi32, #tpu.memory_space<vmem>>
      %dma_wait3A_660 = tpu.memref_slice %arg3[%dma_wait3A_655, %add3A_654] : memref<2x327680xi32, #tpu.memory_space<hbm>> -> memref<1x64xi32, #tpu.memory_space<hbm>>
      %dma_wait3A_661 = tpu.memref_squeeze %dma_wait3A_660 : memref<1x64xi32, #tpu.memory_space<hbm>> -> memref<64xi32, #tpu.memory_space<hbm>>
      %dma_wait3A_662 = arith.constant 0 : i32
      %dma_wait3A_663 = tpu.memref_slice %arg18[%dma_wait3A_656, %dma_wait3A_662] : memref<2x64xi32, #tpu.memory_space<vmem>> -> memref<1x64xi32, #tpu.memory_space<vmem>>
      %dma_wait3A_664 = tpu.memref_squeeze %dma_wait3A_663 : memref<1x64xi32, #tpu.memory_space<vmem>> -> memref<64xi32, #tpu.memory_space<vmem>>
      %dma_wait3A_665 = tpu.memref_slice %arg3[%dma_wait3A_655, %add3A_654] : memref<2x327680xi32, #tpu.memory_space<hbm>> -> memref<1x64xi32, #tpu.memory_space<hbm>>
      %dma_wait3A_666 = tpu.memref_squeeze %dma_wait3A_665 : memref<1x64xi32, #tpu.memory_space<hbm>> -> memref<64xi32, #tpu.memory_space<hbm>>
      tpu.wait_dma2 semaphore(%arg42 : memref<!tpu.dma_semaphore, #tpu.memory_space<semaphore_mem>>) src(%dma_wait3A_666 : memref<64xi32, #tpu.memory_space<hbm>>) dst(%dma_wait3A_664 : memref<64xi32, #tpu.memory_space<vmem>>)
      %dma_wait3A_667 = arith.constant 1 : i32
      %dma_wait3A_668 = arith.constant 1 : i32
      %dma_wait3A_669 = arith.constant 0 : i32
      %dma_wait3A_670 = tpu.memref_slice %arg18[%dma_wait3A_668, %dma_wait3A_669] : memref<2x64xi32, #tpu.memory_space<vmem>> -> memref<1x64xi32, #tpu.memory_space<vmem>>
      %dma_wait3A_671 = tpu.memref_squeeze %dma_wait3A_670 : memref<1x64xi32, #tpu.memory_space<vmem>> -> memref<64xi32, #tpu.memory_space<vmem>>
      %dma_wait3A_672 = tpu.memref_slice %arg3[%dma_wait3A_667, %add3A_654] : memref<2x327680xi32, #tpu.memory_space<hbm>> -> memref<1x64xi32, #tpu.memory_space<hbm>>
      %dma_wait3A_673 = tpu.memref_squeeze %dma_wait3A_672 : memref<1x64xi32, #tpu.memory_space<hbm>> -> memref<64xi32, #tpu.memory_space<hbm>>
      %dma_wait3A_674 = arith.constant 0 : i32
      %dma_wait3A_675 = tpu.memref_slice %arg18[%dma_wait3A_668, %dma_wait3A_674] : memref<2x64xi32, #tpu.memory_space<vmem>> -> memref<1x64xi32, #tpu.memory_space<vmem>>
      %dma_wait3A_676 = tpu.memref_squeeze %dma_wait3A_675 : memref<1x64xi32, #tpu.memory_space<vmem>> -> memref<64xi32, #tpu.memory_space<vmem>>
      %dma_wait3A_677 = tpu.memref_slice %arg3[%dma_wait3A_667, %add3A_654] : memref<2x327680xi32, #tpu.memory_space<hbm>> -> memref<1x64xi32, #tpu.memory_space<hbm>>
      %dma_wait3A_678 = tpu.memref_squeeze %dma_wait3A_677 : memref<1x64xi32, #tpu.memory_space<hbm>> -> memref<64xi32, #tpu.memory_space<hbm>>
      tpu.wait_dma2 semaphore(%arg42 : memref<!tpu.dma_semaphore, #tpu.memory_space<semaphore_mem>>) src(%dma_wait3A_678 : memref<64xi32, #tpu.memory_space<hbm>>) dst(%dma_wait3A_676 : memref<64xi32, #tpu.memory_space<vmem>>)
      %dma_start3A_679 = arith.constant 0 : i32
      %dma_start3A_680 = arith.constant 0 : i32
      %dma_start3A_681 = tpu.memref_slice %arg18[%dma_start3A_679, %dma_start3A_680] : memref<2x64xi32, #tpu.memory_space<vmem>> -> memref<1x64xi32, #tpu.memory_space<vmem>>
      %dma_start3A_682 = tpu.memref_squeeze %dma_start3A_681 : memref<1x64xi32, #tpu.memory_space<vmem>> -> memref<64xi32, #tpu.memory_space<vmem>>
      %dma_start3A_683 = arith.constant 0 : i32
      %dma_start3A_684 = arith.constant 0 : i32
      %dma_start3A_685 = tpu.memref_slice %arg8[%dma_start3A_683, %dma_start3A_684] : memref<10240x64xf32, #tpu.memory_space<vmem_shared>> -> memref<10240x64xf32, #tpu.memory_space<vmem_shared>>
      tpu.enqueue_indirect_dma source(%dma_start3A_685 : memref<10240x64xf32, #tpu.memory_space<vmem_shared>>) target(%arg34 : memref<64x64xf32, #tpu.memory_space<vmem>>) offsets(%dma_start3A_682 : memref<64xi32, #tpu.memory_space<vmem>>) semaphore(%arg50 : memref<!tpu.dma_semaphore, #tpu.memory_space<semaphore_mem>>)
      %add3A_686 = arith.constant 8 : i32
      %add3A_687 = arith.addi %add3A_651, %add3A_686 : i32
      %lt3A_688 = arith.constant 320 : i32
      %lt3A_689 = arith.cmpi slt, %add3A_687, %lt3A_688 : i32
      %convert_element_type3A_690 = arith.extui %lt3A_689 : i1 to i32
      %cond3A_691 = arith.constant 0 : i32
      %cond3A_692 = arith.cmpi ne, %convert_element_type3A_690, %cond3A_691 : i32
      scf.if %cond3A_692 {
        %add3A_1537 = arith.constant 8 : i32
        %add3A_1538 = arith.addi %add3A_651, %add3A_1537 : i32
        %mul3A_1539 = arith.constant 64 : i32
        %mul3A_1540 = arith.muli %add3A_1538, %mul3A_1539 : i32
        %add3A_1541 = arith.addi %mul3A_0, %mul3A_1540 : i32
        %dma_start3A_1542 = arith.constant 0 : i32
        %dma_start3A_1543 = arith.constant 0 : i32
        %dma_start3A_1544 = arith.constant 0 : i32
        %dma_start3A_1545 = tpu.memref_slice %arg26[%dma_start3A_1543, %dma_start3A_1544] : memref<2x64xi32, #tpu.memory_space<vmem>> -> memref<1x64xi32, #tpu.memory_space<vmem>>
        %dma_start3A_1546 = tpu.memref_squeeze %dma_start3A_1545 : memref<1x64xi32, #tpu.memory_space<vmem>> -> memref<64xi32, #tpu.memory_space<vmem>>
        %dma_start3A_1547 = tpu.memref_slice %arg3[%dma_start3A_1542, %add3A_1541] : memref<2x327680xi32, #tpu.memory_space<hbm>> -> memref<1x64xi32, #tpu.memory_space<hbm>>
        %dma_start3A_1548 = tpu.memref_squeeze %dma_start3A_1547 : memref<1x64xi32, #tpu.memory_space<hbm>> -> memref<64xi32, #tpu.memory_space<hbm>>
        %dma_start3A_1549 = arith.constant 0 : i32
        %dma_start3A_1550 = tpu.memref_slice %arg26[%dma_start3A_1543, %dma_start3A_1549] : memref<2x64xi32, #tpu.memory_space<vmem>> -> memref<1x64xi32, #tpu.memory_space<vmem>>
        %dma_start3A_1551 = tpu.memref_squeeze %dma_start3A_1550 : memref<1x64xi32, #tpu.memory_space<vmem>> -> memref<64xi32, #tpu.memory_space<vmem>>
        %dma_start3A_1552 = tpu.memref_slice %arg3[%dma_start3A_1542, %add3A_1541] : memref<2x327680xi32, #tpu.memory_space<hbm>> -> memref<1x64xi32, #tpu.memory_space<hbm>>
        %dma_start3A_1553 = tpu.memref_squeeze %dma_start3A_1552 : memref<1x64xi32, #tpu.memory_space<hbm>> -> memref<64xi32, #tpu.memory_space<hbm>>
        tpu.enqueue_dma source(%dma_start3A_1553 : memref<64xi32, #tpu.memory_space<hbm>>) target(%dma_start3A_1551 : memref<64xi32, #tpu.memory_space<vmem>>) target_semaphore(%arg42 : memref<!tpu.dma_semaphore, #tpu.memory_space<semaphore_mem>>)
        %dma_start3A_1554 = arith.constant 1 : i32
        %dma_start3A_1555 = arith.constant 1 : i32
        %dma_start3A_1556 = arith.constant 0 : i32
        %dma_start3A_1557 = tpu.memref_slice %arg26[%dma_start3A_1555, %dma_start3A_1556] : memref<2x64xi32, #tpu.memory_space<vmem>> -> memref<1x64xi32, #tpu.memory_space<vmem>>
        %dma_start3A_1558 = tpu.memref_squeeze %dma_start3A_1557 : memref<1x64xi32, #tpu.memory_space<vmem>> -> memref<64xi32, #tpu.memory_space<vmem>>
        %dma_start3A_1559 = tpu.memref_slice %arg3[%dma_start3A_1554, %add3A_1541] : memref<2x327680xi32, #tpu.memory_space<hbm>> -> memref<1x64xi32, #tpu.memory_space<hbm>>
        %dma_start3A_1560 = tpu.memref_squeeze %dma_start3A_1559 : memref<1x64xi32, #tpu.memory_space<hbm>> -> memref<64xi32, #tpu.memory_space<hbm>>
        %dma_start3A_1561 = arith.constant 0 : i32
        %dma_start3A_1562 = tpu.memref_slice %arg26[%dma_start3A_1555, %dma_start3A_1561] : memref<2x64xi32, #tpu.memory_space<vmem>> -> memref<1x64xi32, #tpu.memory_space<vmem>>
        %dma_start3A_1563 = tpu.memref_squeeze %dma_start3A_1562 : memref<1x64xi32, #tpu.memory_space<vmem>> -> memref<64xi32, #tpu.memory_space<vmem>>
        %dma_start3A_1564 = tpu.memref_slice %arg3[%dma_start3A_1554, %add3A_1541] : memref<2x327680xi32, #tpu.memory_space<hbm>> -> memref<1x64xi32, #tpu.memory_space<hbm>>
        %dma_start3A_1565 = tpu.memref_squeeze %dma_start3A_1564 : memref<1x64xi32, #tpu.memory_space<hbm>> -> memref<64xi32, #tpu.memory_space<hbm>>
        tpu.enqueue_dma source(%dma_start3A_1565 : memref<64xi32, #tpu.memory_space<hbm>>) target(%dma_start3A_1563 : memref<64xi32, #tpu.memory_space<vmem>>) target_semaphore(%arg42 : memref<!tpu.dma_semaphore, #tpu.memory_space<semaphore_mem>>)
      } else {
      }
      %get3A_693 = arith.constant 1 : i32
      %get3A_694 = arith.index_cast %get3A_693 : i32 to index
      %get3A_695 = arith.constant 0 : index
      %get3A_696 = tpu.vector_load %arg18[%get3A_694, %get3A_695] {strides = array<i32>} : memref<2x64xi32, #tpu.memory_space<vmem>>, vector<16xi32>,
      tpu.vector_store_idx %arg10[%get3A_696], %broadcast_in_dim3A_1 {add = true} : memref<10240xf32, #tpu.memory_space<vmem>>[vector<16xi32>], vector<16xf32>,
      %get3A_697 = arith.constant 1 : i32
      %get3A_698 = arith.index_cast %get3A_697 : i32 to index
      %get3A_699 = arith.constant 16 : index
      %get3A_700 = tpu.vector_load %arg18[%get3A_698, %get3A_699] {strides = array<i32>} : memref<2x64xi32, #tpu.memory_space<vmem>>, vector<16xi32>,
      tpu.vector_store_idx %arg10[%get3A_700], %broadcast_in_dim3A_1 {add = true} : memref<10240xf32, #tpu.memory_space<vmem>>[vector<16xi32>], vector<16xf32>,
      %get3A_701 = arith.constant 1 : i32
      %get3A_702 = arith.index_cast %get3A_701 : i32 to index
      %get3A_703 = arith.constant 32 : index
      %get3A_704 = tpu.vector_load %arg18[%get3A_702, %get3A_703] {strides = array<i32>} : memref<2x64xi32, #tpu.memory_space<vmem>>, vector<16xi32>,
      tpu.vector_store_idx %arg10[%get3A_704], %broadcast_in_dim3A_1 {add = true} : memref<10240xf32, #tpu.memory_space<vmem>>[vector<16xi32>], vector<16xf32>,
      %get3A_705 = arith.constant 1 : i32
      %get3A_706 = arith.index_cast %get3A_705 : i32 to index
      %get3A_707 = arith.constant 48 : index
      %get3A_708 = tpu.vector_load %arg18[%get3A_706, %get3A_707] {strides = array<i32>} : memref<2x64xi32, #tpu.memory_space<vmem>>, vector<16xi32>,
      tpu.vector_store_idx %arg10[%get3A_708], %broadcast_in_dim3A_1 {add = true} : memref<10240xf32, #tpu.memory_space<vmem>>[vector<16xi32>], vector<16xf32>,
      %dma_wait3A_709 = arith.constant 0 : i32
      %dma_wait3A_710 = arith.constant 0 : i32
      %dma_wait3A_711 = tpu.memref_slice %arg11[%dma_wait3A_709, %dma_wait3A_710] : memref<2x64xi32, #tpu.memory_space<vmem>> -> memref<1x64xi32, #tpu.memory_space<vmem>>
      %dma_wait3A_712 = tpu.memref_squeeze %dma_wait3A_711 : memref<1x64xi32, #tpu.memory_space<vmem>> -> memref<64xi32, #tpu.memory_space<vmem>>
      %dma_wait3A_713 = arith.constant 0 : i32
      %dma_wait3A_714 = arith.constant 0 : i32
      %dma_wait3A_715 = tpu.memref_slice %arg8[%dma_wait3A_713, %dma_wait3A_714] : memref<10240x64xf32, #tpu.memory_space<vmem_shared>> -> memref<10240x64xf32, #tpu.memory_space<vmem_shared>>
      tpu.wait_indirect_dma semaphore(%arg43 : memref<!tpu.dma_semaphore, #tpu.memory_space<semaphore_mem>>) src(%dma_wait3A_715 : memref<10240x64xf32, #tpu.memory_space<vmem_shared>>) dst(%arg27 : memref<64x64xf32, #tpu.memory_space<vmem>>)
      %dma_start3A_716 = arith.constant 1 : i32
      %dma_start3A_717 = arith.constant 0 : i32
      %dma_start3A_718 = tpu.memref_slice %arg11[%dma_start3A_716, %dma_start3A_717] : memref<2x64xi32, #tpu.memory_space<vmem>> -> memref<1x64xi32, #tpu.memory_space<vmem>>
      %dma_start3A_719 = tpu.memref_squeeze %dma_start3A_718 : memref<1x64xi32, #tpu.memory_space<vmem>> -> memref<64xi32, #tpu.memory_space<vmem>>
      %dma_start3A_720 = arith.constant 0 : i32
      %dma_start3A_721 = arith.constant 0 : i32
      %dma_start3A_722 = tpu.memref_slice %arg9[%dma_start3A_720, %dma_start3A_721] : memref<10240x64xf32, #tpu.memory_space<vmem_shared>> -> memref<10240x64xf32, #tpu.memory_space<vmem_shared>>
      tpu.enqueue_indirect_dma source(%arg27 : memref<64x64xf32, #tpu.memory_space<vmem>>) target(%dma_start3A_722 : memref<10240x64xf32, #tpu.memory_space<vmem_shared>>) offsets(%dma_start3A_719 : memref<64xi32, #tpu.memory_space<vmem>>) semaphore(%arg51 : memref<!tpu.dma_semaphore, #tpu.memory_space<semaphore_mem>>) {add = true}
      %dma_wait3A_723 = arith.constant 0 : i32
      %dma_wait3A_724 = arith.constant 0 : i32
      %dma_wait3A_725 = tpu.memref_slice %arg12[%dma_wait3A_723, %dma_wait3A_724] : memref<2x64xi32, #tpu.memory_space<vmem>> -> memref<1x64xi32, #tpu.memory_space<vmem>>
      %dma_wait3A_726 = tpu.memref_squeeze %dma_wait3A_725 : memref<1x64xi32, #tpu.memory_space<vmem>> -> memref<64xi32, #tpu.memory_space<vmem>>
      %dma_wait3A_727 = arith.constant 0 : i32
      %dma_wait3A_728 = arith.constant 0 : i32
      %dma_wait3A_729 = tpu.memref_slice %arg8[%dma_wait3A_727, %dma_wait3A_728] : memref<10240x64xf32, #tpu.memory_space<vmem_shared>> -> memref<10240x64xf32, #tpu.memory_space<vmem_shared>>
      tpu.wait_indirect_dma semaphore(%arg44 : memref<!tpu.dma_semaphore, #tpu.memory_space<semaphore_mem>>) src(%dma_wait3A_729 : memref<10240x64xf32, #tpu.memory_space<vmem_shared>>) dst(%arg28 : memref<64x64xf32, #tpu.memory_space<vmem>>)
      %dma_start3A_730 = arith.constant 1 : i32
      %dma_start3A_731 = arith.constant 0 : i32
      %dma_start3A_732 = tpu.memref_slice %arg12[%dma_start3A_730, %dma_start3A_731] : memref<2x64xi32, #tpu.memory_space<vmem>> -> memref<1x64xi32, #tpu.memory_space<vmem>>
      %dma_start3A_733 = tpu.memref_squeeze %dma_start3A_732 : memref<1x64xi32, #tpu.memory_space<vmem>> -> memref<64xi32, #tpu.memory_space<vmem>>
      %dma_start3A_734 = arith.constant 0 : i32
      %dma_start3A_735 = arith.constant 0 : i32
      %dma_start3A_736 = tpu.memref_slice %arg9[%dma_start3A_734, %dma_start3A_735] : memref<10240x64xf32, #tpu.memory_space<vmem_shared>> -> memref<10240x64xf32, #tpu.memory_space<vmem_shared>>
      tpu.enqueue_indirect_dma source(%arg28 : memref<64x64xf32, #tpu.memory_space<vmem>>) target(%dma_start3A_736 : memref<10240x64xf32, #tpu.memory_space<vmem_shared>>) offsets(%dma_start3A_733 : memref<64xi32, #tpu.memory_space<vmem>>) semaphore(%arg52 : memref<!tpu.dma_semaphore, #tpu.memory_space<semaphore_mem>>) {add = true}
      %dma_wait3A_737 = arith.constant 0 : i32
      %dma_wait3A_738 = arith.constant 0 : i32
      %dma_wait3A_739 = tpu.memref_slice %arg13[%dma_wait3A_737, %dma_wait3A_738] : memref<2x64xi32, #tpu.memory_space<vmem>> -> memref<1x64xi32, #tpu.memory_space<vmem>>
      %dma_wait3A_740 = tpu.memref_squeeze %dma_wait3A_739 : memref<1x64xi32, #tpu.memory_space<vmem>> -> memref<64xi32, #tpu.memory_space<vmem>>
      %dma_wait3A_741 = arith.constant 0 : i32
      %dma_wait3A_742 = arith.constant 0 : i32
      %dma_wait3A_743 = tpu.memref_slice %arg8[%dma_wait3A_741, %dma_wait3A_742] : memref<10240x64xf32, #tpu.memory_space<vmem_shared>> -> memref<10240x64xf32, #tpu.memory_space<vmem_shared>>
      tpu.wait_indirect_dma semaphore(%arg45 : memref<!tpu.dma_semaphore, #tpu.memory_space<semaphore_mem>>) src(%dma_wait3A_743 : memref<10240x64xf32, #tpu.memory_space<vmem_shared>>) dst(%arg29 : memref<64x64xf32, #tpu.memory_space<vmem>>)
      %dma_start3A_744 = arith.constant 1 : i32
      %dma_start3A_745 = arith.constant 0 : i32
      %dma_start3A_746 = tpu.memref_slice %arg13[%dma_start3A_744, %dma_start3A_745] : memref<2x64xi32, #tpu.memory_space<vmem>> -> memref<1x64xi32, #tpu.memory_space<vmem>>
      %dma_start3A_747 = tpu.memref_squeeze %dma_start3A_746 : memref<1x64xi32, #tpu.memory_space<vmem>> -> memref<64xi32, #tpu.memory_space<vmem>>
      %dma_start3A_748 = arith.constant 0 : i32
      %dma_start3A_749 = arith.constant 0 : i32
      %dma_start3A_750 = tpu.memref_slice %arg9[%dma_start3A_748, %dma_start3A_749] : memref<10240x64xf32, #tpu.memory_space<vmem_shared>> -> memref<10240x64xf32, #tpu.memory_space<vmem_shared>>
      tpu.enqueue_indirect_dma source(%arg29 : memref<64x64xf32, #tpu.memory_space<vmem>>) target(%dma_start3A_750 : memref<10240x64xf32, #tpu.memory_space<vmem_shared>>) offsets(%dma_start3A_747 : memref<64xi32, #tpu.memory_space<vmem>>) semaphore(%arg53 : memref<!tpu.dma_semaphore, #tpu.memory_space<semaphore_mem>>) {add = true}
      %dma_wait3A_751 = arith.constant 0 : i32
      %dma_wait3A_752 = arith.constant 0 : i32
      %dma_wait3A_753 = tpu.memref_slice %arg14[%dma_wait3A_751, %dma_wait3A_752] : memref<2x64xi32, #tpu.memory_space<vmem>> -> memref<1x64xi32, #tpu.memory_space<vmem>>
      %dma_wait3A_754 = tpu.memref_squeeze %dma_wait3A_753 : memref<1x64xi32, #tpu.memory_space<vmem>> -> memref<64xi32, #tpu.memory_space<vmem>>
      %dma_wait3A_755 = arith.constant 0 : i32
      %dma_wait3A_756 = arith.constant 0 : i32
      %dma_wait3A_757 = tpu.memref_slice %arg8[%dma_wait3A_755, %dma_wait3A_756] : memref<10240x64xf32, #tpu.memory_space<vmem_shared>> -> memref<10240x64xf32, #tpu.memory_space<vmem_shared>>
      tpu.wait_indirect_dma semaphore(%arg46 : memref<!tpu.dma_semaphore, #tpu.memory_space<semaphore_mem>>) src(%dma_wait3A_757 : memref<10240x64xf32, #tpu.memory_space<vmem_shared>>) dst(%arg30 : memref<64x64xf32, #tpu.memory_space<vmem>>)
      %dma_start3A_758 = arith.constant 1 : i32
      %dma_start3A_759 = arith.constant 0 : i32
      %dma_start3A_760 = tpu.memref_slice %arg14[%dma_start3A_758, %dma_start3A_759] : memref<2x64xi32, #tpu.memory_space<vmem>> -> memref<1x64xi32, #tpu.memory_space<vmem>>
      %dma_start3A_761 = tpu.memref_squeeze %dma_start3A_760 : memref<1x64xi32, #tpu.memory_space<vmem>> -> memref<64xi32, #tpu.memory_space<vmem>>
      %dma_start3A_762 = arith.constant 0 : i32
      %dma_start3A_763 = arith.constant 0 : i32
      %dma_start3A_764 = tpu.memref_slice %arg9[%dma_start3A_762, %dma_start3A_763] : memref<10240x64xf32, #tpu.memory_space<vmem_shared>> -> memref<10240x64xf32, #tpu.memory_space<vmem_shared>>
      tpu.enqueue_indirect_dma source(%arg30 : memref<64x64xf32, #tpu.memory_space<vmem>>) target(%dma_start3A_764 : memref<10240x64xf32, #tpu.memory_space<vmem_shared>>) offsets(%dma_start3A_761 : memref<64xi32, #tpu.memory_space<vmem>>) semaphore(%arg54 : memref<!tpu.dma_semaphore, #tpu.memory_space<semaphore_mem>>) {add = true}
      %dma_wait3A_765 = arith.constant 0 : i32
      %dma_wait3A_766 = arith.constant 0 : i32
      %dma_wait3A_767 = tpu.memref_slice %arg15[%dma_wait3A_765, %dma_wait3A_766] : memref<2x64xi32, #tpu.memory_space<vmem>> -> memref<1x64xi32, #tpu.memory_space<vmem>>
      %dma_wait3A_768 = tpu.memref_squeeze %dma_wait3A_767 : memref<1x64xi32, #tpu.memory_space<vmem>> -> memref<64xi32, #tpu.memory_space<vmem>>
      %dma_wait3A_769 = arith.constant 0 : i32
      %dma_wait3A_770 = arith.constant 0 : i32
      %dma_wait3A_771 = tpu.memref_slice %arg8[%dma_wait3A_769, %dma_wait3A_770] : memref<10240x64xf32, #tpu.memory_space<vmem_shared>> -> memref<10240x64xf32, #tpu.memory_space<vmem_shared>>
      tpu.wait_indirect_dma semaphore(%arg47 : memref<!tpu.dma_semaphore, #tpu.memory_space<semaphore_mem>>) src(%dma_wait3A_771 : memref<10240x64xf32, #tpu.memory_space<vmem_shared>>) dst(%arg31 : memref<64x64xf32, #tpu.memory_space<vmem>>)
      %dma_start3A_772 = arith.constant 1 : i32
      %dma_start3A_773 = arith.constant 0 : i32
      %dma_start3A_774 = tpu.memref_slice %arg15[%dma_start3A_772, %dma_start3A_773] : memref<2x64xi32, #tpu.memory_space<vmem>> -> memref<1x64xi32, #tpu.memory_space<vmem>>
      %dma_start3A_775 = tpu.memref_squeeze %dma_start3A_774 : memref<1x64xi32, #tpu.memory_space<vmem>> -> memref<64xi32, #tpu.memory_space<vmem>>
      %dma_start3A_776 = arith.constant 0 : i32
      %dma_start3A_777 = arith.constant 0 : i32
      %dma_start3A_778 = tpu.memref_slice %arg9[%dma_start3A_776, %dma_start3A_777] : memref<10240x64xf32, #tpu.memory_space<vmem_shared>> -> memref<10240x64xf32, #tpu.memory_space<vmem_shared>>
      tpu.enqueue_indirect_dma source(%arg31 : memref<64x64xf32, #tpu.memory_space<vmem>>) target(%dma_start3A_778 : memref<10240x64xf32, #tpu.memory_space<vmem_shared>>) offsets(%dma_start3A_775 : memref<64xi32, #tpu.memory_space<vmem>>) semaphore(%arg55 : memref<!tpu.dma_semaphore, #tpu.memory_space<semaphore_mem>>) {add = true}
      %dma_wait3A_779 = arith.constant 0 : i32
      %dma_wait3A_780 = arith.constant 0 : i32
      %dma_wait3A_781 = tpu.memref_slice %arg16[%dma_wait3A_779, %dma_wait3A_780] : memref<2x64xi32, #tpu.memory_space<vmem>> -> memref<1x64xi32, #tpu.memory_space<vmem>>
      %dma_wait3A_782 = tpu.memref_squeeze %dma_wait3A_781 : memref<1x64xi32, #tpu.memory_space<vmem>> -> memref<64xi32, #tpu.memory_space<vmem>>
      %dma_wait3A_783 = arith.constant 0 : i32
      %dma_wait3A_784 = arith.constant 0 : i32
      %dma_wait3A_785 = tpu.memref_slice %arg8[%dma_wait3A_783, %dma_wait3A_784] : memref<10240x64xf32, #tpu.memory_space<vmem_shared>> -> memref<10240x64xf32, #tpu.memory_space<vmem_shared>>
      tpu.wait_indirect_dma semaphore(%arg48 : memref<!tpu.dma_semaphore, #tpu.memory_space<semaphore_mem>>) src(%dma_wait3A_785 : memref<10240x64xf32, #tpu.memory_space<vmem_shared>>) dst(%arg32 : memref<64x64xf32, #tpu.memory_space<vmem>>)
      %dma_start3A_786 = arith.constant 1 : i32
      %dma_start3A_787 = arith.constant 0 : i32
      %dma_start3A_788 = tpu.memref_slice %arg16[%dma_start3A_786, %dma_start3A_787] : memref<2x64xi32, #tpu.memory_space<vmem>> -> memref<1x64xi32, #tpu.memory_space<vmem>>
      %dma_start3A_789 = tpu.memref_squeeze %dma_start3A_788 : memref<1x64xi32, #tpu.memory_space<vmem>> -> memref<64xi32, #tpu.memory_space<vmem>>
      %dma_start3A_790 = arith.constant 0 : i32
      %dma_start3A_791 = arith.constant 0 : i32
      %dma_start3A_792 = tpu.memref_slice %arg9[%dma_start3A_790, %dma_start3A_791] : memref<10240x64xf32, #tpu.memory_space<vmem_shared>> -> memref<10240x64xf32, #tpu.memory_space<vmem_shared>>
      tpu.enqueue_indirect_dma source(%arg32 : memref<64x64xf32, #tpu.memory_space<vmem>>) target(%dma_start3A_792 : memref<10240x64xf32, #tpu.memory_space<vmem_shared>>) offsets(%dma_start3A_789 : memref<64xi32, #tpu.memory_space<vmem>>) semaphore(%arg56 : memref<!tpu.dma_semaphore, #tpu.memory_space<semaphore_mem>>) {add = true}
      %dma_wait3A_793 = arith.constant 0 : i32
      %dma_wait3A_794 = arith.constant 0 : i32
      %dma_wait3A_795 = tpu.memref_slice %arg17[%dma_wait3A_793, %dma_wait3A_794] : memref<2x64xi32, #tpu.memory_space<vmem>> -> memref<1x64xi32, #tpu.memory_space<vmem>>
      %dma_wait3A_796 = tpu.memref_squeeze %dma_wait3A_795 : memref<1x64xi32, #tpu.memory_space<vmem>> -> memref<64xi32, #tpu.memory_space<vmem>>
      %dma_wait3A_797 = arith.constant 0 : i32
      %dma_wait3A_798 = arith.constant 0 : i32
      %dma_wait3A_799 = tpu.memref_slice %arg8[%dma_wait3A_797, %dma_wait3A_798] : memref<10240x64xf32, #tpu.memory_space<vmem_shared>> -> memref<10240x64xf32, #tpu.memory_space<vmem_shared>>
      tpu.wait_indirect_dma semaphore(%arg49 : memref<!tpu.dma_semaphore, #tpu.memory_space<semaphore_mem>>) src(%dma_wait3A_799 : memref<10240x64xf32, #tpu.memory_space<vmem_shared>>) dst(%arg33 : memref<64x64xf32, #tpu.memory_space<vmem>>)
      %dma_start3A_800 = arith.constant 1 : i32
      %dma_start3A_801 = arith.constant 0 : i32
      %dma_start3A_802 = tpu.memref_slice %arg17[%dma_start3A_800, %dma_start3A_801] : memref<2x64xi32, #tpu.memory_space<vmem>> -> memref<1x64xi32, #tpu.memory_space<vmem>>
      %dma_start3A_803 = tpu.memref_squeeze %dma_start3A_802 : memref<1x64xi32, #tpu.memory_space<vmem>> -> memref<64xi32, #tpu.memory_space<vmem>>
      %dma_start3A_804 = arith.constant 0 : i32
      %dma_start3A_805 = arith.constant 0 : i32
      %dma_start3A_806 = tpu.memref_slice %arg9[%dma_start3A_804, %dma_start3A_805] : memref<10240x64xf32, #tpu.memory_space<vmem_shared>> -> memref<10240x64xf32, #tpu.memory_space<vmem_shared>>
      tpu.enqueue_indirect_dma source(%arg33 : memref<64x64xf32, #tpu.memory_space<vmem>>) target(%dma_start3A_806 : memref<10240x64xf32, #tpu.memory_space<vmem_shared>>) offsets(%dma_start3A_803 : memref<64xi32, #tpu.memory_space<vmem>>) semaphore(%arg57 : memref<!tpu.dma_semaphore, #tpu.memory_space<semaphore_mem>>) {add = true}
      %dma_wait3A_807 = arith.constant 0 : i32
      %dma_wait3A_808 = arith.constant 0 : i32
      %dma_wait3A_809 = tpu.memref_slice %arg18[%dma_wait3A_807, %dma_wait3A_808] : memref<2x64xi32, #tpu.memory_space<vmem>> -> memref<1x64xi32, #tpu.memory_space<vmem>>
      %dma_wait3A_810 = tpu.memref_squeeze %dma_wait3A_809 : memref<1x64xi32, #tpu.memory_space<vmem>> -> memref<64xi32, #tpu.memory_space<vmem>>
      %dma_wait3A_811 = arith.constant 0 : i32
      %dma_wait3A_812 = arith.constant 0 : i32
      %dma_wait3A_813 = tpu.memref_slice %arg8[%dma_wait3A_811, %dma_wait3A_812] : memref<10240x64xf32, #tpu.memory_space<vmem_shared>> -> memref<10240x64xf32, #tpu.memory_space<vmem_shared>>
      tpu.wait_indirect_dma semaphore(%arg50 : memref<!tpu.dma_semaphore, #tpu.memory_space<semaphore_mem>>) src(%dma_wait3A_813 : memref<10240x64xf32, #tpu.memory_space<vmem_shared>>) dst(%arg34 : memref<64x64xf32, #tpu.memory_space<vmem>>)
      %dma_start3A_814 = arith.constant 1 : i32
      %dma_start3A_815 = arith.constant 0 : i32
      %dma_start3A_816 = tpu.memref_slice %arg18[%dma_start3A_814, %dma_start3A_815] : memref<2x64xi32, #tpu.memory_space<vmem>> -> memref<1x64xi32, #tpu.memory_space<vmem>>
      %dma_start3A_817 = tpu.memref_squeeze %dma_start3A_816 : memref<1x64xi32, #tpu.memory_space<vmem>> -> memref<64xi32, #tpu.memory_space<vmem>>
      %dma_start3A_818 = arith.constant 0 : i32
      %dma_start3A_819 = arith.constant 0 : i32
      %dma_start3A_820 = tpu.memref_slice %arg9[%dma_start3A_818, %dma_start3A_819] : memref<10240x64xf32, #tpu.memory_space<vmem_shared>> -> memref<10240x64xf32, #tpu.memory_space<vmem_shared>>
      tpu.enqueue_indirect_dma source(%arg34 : memref<64x64xf32, #tpu.memory_space<vmem>>) target(%dma_start3A_820 : memref<10240x64xf32, #tpu.memory_space<vmem_shared>>) offsets(%dma_start3A_817 : memref<64xi32, #tpu.memory_space<vmem>>) semaphore(%arg58 : memref<!tpu.dma_semaphore, #tpu.memory_space<semaphore_mem>>) {add = true}
      %dma_wait3A_821 = arith.constant 1 : i32
      %dma_wait3A_822 = arith.constant 0 : i32
      %dma_wait3A_823 = tpu.memref_slice %arg11[%dma_wait3A_821, %dma_wait3A_822] : memref<2x64xi32, #tpu.memory_space<vmem>> -> memref<1x64xi32, #tpu.memory_space<vmem>>
      %dma_wait3A_824 = tpu.memref_squeeze %dma_wait3A_823 : memref<1x64xi32, #tpu.memory_space<vmem>> -> memref<64xi32, #tpu.memory_space<vmem>>
      %dma_wait3A_825 = arith.constant 0 : i32
      %dma_wait3A_826 = arith.constant 0 : i32
      %dma_wait3A_827 = tpu.memref_slice %arg9[%dma_wait3A_825, %dma_wait3A_826] : memref<10240x64xf32, #tpu.memory_space<vmem_shared>> -> memref<10240x64xf32, #tpu.memory_space<vmem_shared>>
      tpu.wait_indirect_dma semaphore(%arg51 : memref<!tpu.dma_semaphore, #tpu.memory_space<semaphore_mem>>) src(%arg27 : memref<64x64xf32, #tpu.memory_space<vmem>>) dst(%dma_wait3A_827 : memref<10240x64xf32, #tpu.memory_space<vmem_shared>>)
      %dma_wait3A_828 = arith.constant 1 : i32
      %dma_wait3A_829 = arith.constant 0 : i32
      %dma_wait3A_830 = tpu.memref_slice %arg12[%dma_wait3A_828, %dma_wait3A_829] : memref<2x64xi32, #tpu.memory_space<vmem>> -> memref<1x64xi32, #tpu.memory_space<vmem>>
      %dma_wait3A_831 = tpu.memref_squeeze %dma_wait3A_830 : memref<1x64xi32, #tpu.memory_space<vmem>> -> memref<64xi32, #tpu.memory_space<vmem>>
      %dma_wait3A_832 = arith.constant 0 : i32
      %dma_wait3A_833 = arith.constant 0 : i32
      %dma_wait3A_834 = tpu.memref_slice %arg9[%dma_wait3A_832, %dma_wait3A_833] : memref<10240x64xf32, #tpu.memory_space<vmem_shared>> -> memref<10240x64xf32, #tpu.memory_space<vmem_shared>>
      tpu.wait_indirect_dma semaphore(%arg52 : memref<!tpu.dma_semaphore, #tpu.memory_space<semaphore_mem>>) src(%arg28 : memref<64x64xf32, #tpu.memory_space<vmem>>) dst(%dma_wait3A_834 : memref<10240x64xf32, #tpu.memory_space<vmem_shared>>)
      %dma_wait3A_835 = arith.constant 1 : i32
      %dma_wait3A_836 = arith.constant 0 : i32
      %dma_wait3A_837 = tpu.memref_slice %arg13[%dma_wait3A_835, %dma_wait3A_836] : memref<2x64xi32, #tpu.memory_space<vmem>> -> memref<1x64xi32, #tpu.memory_space<vmem>>
      %dma_wait3A_838 = tpu.memref_squeeze %dma_wait3A_837 : memref<1x64xi32, #tpu.memory_space<vmem>> -> memref<64xi32, #tpu.memory_space<vmem>>
      %dma_wait3A_839 = arith.constant 0 : i32
      %dma_wait3A_840 = arith.constant 0 : i32
      %dma_wait3A_841 = tpu.memref_slice %arg9[%dma_wait3A_839, %dma_wait3A_840] : memref<10240x64xf32, #tpu.memory_space<vmem_shared>> -> memref<10240x64xf32, #tpu.memory_space<vmem_shared>>
      tpu.wait_indirect_dma semaphore(%arg53 : memref<!tpu.dma_semaphore, #tpu.memory_space<semaphore_mem>>) src(%arg29 : memref<64x64xf32, #tpu.memory_space<vmem>>) dst(%dma_wait3A_841 : memref<10240x64xf32, #tpu.memory_space<vmem_shared>>)
      %dma_wait3A_842 = arith.constant 1 : i32
      %dma_wait3A_843 = arith.constant 0 : i32
      %dma_wait3A_844 = tpu.memref_slice %arg14[%dma_wait3A_842, %dma_wait3A_843] : memref<2x64xi32, #tpu.memory_space<vmem>> -> memref<1x64xi32, #tpu.memory_space<vmem>>
      %dma_wait3A_845 = tpu.memref_squeeze %dma_wait3A_844 : memref<1x64xi32, #tpu.memory_space<vmem>> -> memref<64xi32, #tpu.memory_space<vmem>>
      %dma_wait3A_846 = arith.constant 0 : i32
      %dma_wait3A_847 = arith.constant 0 : i32
      %dma_wait3A_848 = tpu.memref_slice %arg9[%dma_wait3A_846, %dma_wait3A_847] : memref<10240x64xf32, #tpu.memory_space<vmem_shared>> -> memref<10240x64xf32, #tpu.memory_space<vmem_shared>>
      tpu.wait_indirect_dma semaphore(%arg54 : memref<!tpu.dma_semaphore, #tpu.memory_space<semaphore_mem>>) src(%arg30 : memref<64x64xf32, #tpu.memory_space<vmem>>) dst(%dma_wait3A_848 : memref<10240x64xf32, #tpu.memory_space<vmem_shared>>)
      %dma_wait3A_849 = arith.constant 1 : i32
      %dma_wait3A_850 = arith.constant 0 : i32
      %dma_wait3A_851 = tpu.memref_slice %arg15[%dma_wait3A_849, %dma_wait3A_850] : memref<2x64xi32, #tpu.memory_space<vmem>> -> memref<1x64xi32, #tpu.memory_space<vmem>>
      %dma_wait3A_852 = tpu.memref_squeeze %dma_wait3A_851 : memref<1x64xi32, #tpu.memory_space<vmem>> -> memref<64xi32, #tpu.memory_space<vmem>>
      %dma_wait3A_853 = arith.constant 0 : i32
      %dma_wait3A_854 = arith.constant 0 : i32
      %dma_wait3A_855 = tpu.memref_slice %arg9[%dma_wait3A_853, %dma_wait3A_854] : memref<10240x64xf32, #tpu.memory_space<vmem_shared>> -> memref<10240x64xf32, #tpu.memory_space<vmem_shared>>
      tpu.wait_indirect_dma semaphore(%arg55 : memref<!tpu.dma_semaphore, #tpu.memory_space<semaphore_mem>>) src(%arg31 : memref<64x64xf32, #tpu.memory_space<vmem>>) dst(%dma_wait3A_855 : memref<10240x64xf32, #tpu.memory_space<vmem_shared>>)
      %dma_wait3A_856 = arith.constant 1 : i32
      %dma_wait3A_857 = arith.constant 0 : i32
      %dma_wait3A_858 = tpu.memref_slice %arg16[%dma_wait3A_856, %dma_wait3A_857] : memref<2x64xi32, #tpu.memory_space<vmem>> -> memref<1x64xi32, #tpu.memory_space<vmem>>
      %dma_wait3A_859 = tpu.memref_squeeze %dma_wait3A_858 : memref<1x64xi32, #tpu.memory_space<vmem>> -> memref<64xi32, #tpu.memory_space<vmem>>
      %dma_wait3A_860 = arith.constant 0 : i32
      %dma_wait3A_861 = arith.constant 0 : i32
      %dma_wait3A_862 = tpu.memref_slice %arg9[%dma_wait3A_860, %dma_wait3A_861] : memref<10240x64xf32, #tpu.memory_space<vmem_shared>> -> memref<10240x64xf32, #tpu.memory_space<vmem_shared>>
      tpu.wait_indirect_dma semaphore(%arg56 : memref<!tpu.dma_semaphore, #tpu.memory_space<semaphore_mem>>) src(%arg32 : memref<64x64xf32, #tpu.memory_space<vmem>>) dst(%dma_wait3A_862 : memref<10240x64xf32, #tpu.memory_space<vmem_shared>>)
      %dma_wait3A_863 = arith.constant 1 : i32
      %dma_wait3A_864 = arith.constant 0 : i32
      %dma_wait3A_865 = tpu.memref_slice %arg17[%dma_wait3A_863, %dma_wait3A_864] : memref<2x64xi32, #tpu.memory_space<vmem>> -> memref<1x64xi32, #tpu.memory_space<vmem>>
      %dma_wait3A_866 = tpu.memref_squeeze %dma_wait3A_865 : memref<1x64xi32, #tpu.memory_space<vmem>> -> memref<64xi32, #tpu.memory_space<vmem>>
      %dma_wait3A_867 = arith.constant 0 : i32
      %dma_wait3A_868 = arith.constant 0 : i32
      %dma_wait3A_869 = tpu.memref_slice %arg9[%dma_wait3A_867, %dma_wait3A_868] : memref<10240x64xf32, #tpu.memory_space<vmem_shared>> -> memref<10240x64xf32, #tpu.memory_space<vmem_shared>>
      tpu.wait_indirect_dma semaphore(%arg57 : memref<!tpu.dma_semaphore, #tpu.memory_space<semaphore_mem>>) src(%arg33 : memref<64x64xf32, #tpu.memory_space<vmem>>) dst(%dma_wait3A_869 : memref<10240x64xf32, #tpu.memory_space<vmem_shared>>)
      %dma_wait3A_870 = arith.constant 1 : i32
      %dma_wait3A_871 = arith.constant 0 : i32
      %dma_wait3A_872 = tpu.memref_slice %arg18[%dma_wait3A_870, %dma_wait3A_871] : memref<2x64xi32, #tpu.memory_space<vmem>> -> memref<1x64xi32, #tpu.memory_space<vmem>>
      %dma_wait3A_873 = tpu.memref_squeeze %dma_wait3A_872 : memref<1x64xi32, #tpu.memory_space<vmem>> -> memref<64xi32, #tpu.memory_space<vmem>>
      %dma_wait3A_874 = arith.constant 0 : i32
      %dma_wait3A_875 = arith.constant 0 : i32
      %dma_wait3A_876 = tpu.memref_slice %arg9[%dma_wait3A_874, %dma_wait3A_875] : memref<10240x64xf32, #tpu.memory_space<vmem_shared>> -> memref<10240x64xf32, #tpu.memory_space<vmem_shared>>
      tpu.wait_indirect_dma semaphore(%arg58 : memref<!tpu.dma_semaphore, #tpu.memory_space<semaphore_mem>>) src(%arg34 : memref<64x64xf32, #tpu.memory_space<vmem>>) dst(%dma_wait3A_876 : memref<10240x64xf32, #tpu.memory_space<vmem_shared>>)
      %mul3A_877 = arith.constant 2 : i32
      %mul3A_878 = arith.muli %scan3A_221, %mul3A_877 : i32
      %add3A_879 = arith.constant 1 : i32
      %add3A_880 = arith.addi %mul3A_878, %add3A_879 : i32
      %mul3A_881 = arith.constant 8 : i32
      %mul3A_882 = arith.muli %add3A_880, %mul3A_881 : i32
      %add3A_883 = arith.constant 0 : i32
      %add3A_884 = arith.addi %mul3A_882, %add3A_883 : i32
      %mul3A_885 = arith.constant 64 : i32
      %mul3A_886 = arith.muli %add3A_884, %mul3A_885 : i32
      %add3A_887 = arith.addi %mul3A_0, %mul3A_886 : i32
      %dma_wait3A_888 = arith.constant 0 : i32
      %dma_wait3A_889 = arith.constant 0 : i32
      %dma_wait3A_890 = arith.constant 0 : i32
      %dma_wait3A_891 = tpu.memref_slice %arg19[%dma_wait3A_889, %dma_wait3A_890] : memref<2x64xi32, #tpu.memory_space<vmem>> -> memref<1x64xi32, #tpu.memory_space<vmem>>
      %dma_wait3A_892 = tpu.memref_squeeze %dma_wait3A_891 : memref<1x64xi32, #tpu.memory_space<vmem>> -> memref<64xi32, #tpu.memory_space<vmem>>
      %dma_wait3A_893 = tpu.memref_slice %arg3[%dma_wait3A_888, %add3A_887] : memref<2x327680xi32, #tpu.memory_space<hbm>> -> memref<1x64xi32, #tpu.memory_space<hbm>>
      %dma_wait3A_894 = tpu.memref_squeeze %dma_wait3A_893 : memref<1x64xi32, #tpu.memory_space<hbm>> -> memref<64xi32, #tpu.memory_space<hbm>>
      %dma_wait3A_895 = arith.constant 0 : i32
      %dma_wait3A_896 = tpu.memref_slice %arg19[%dma_wait3A_889, %dma_wait3A_895] : memref<2x64xi32, #tpu.memory_space<vmem>> -> memref<1x64xi32, #tpu.memory_space<vmem>>
      %dma_wait3A_897 = tpu.memref_squeeze %dma_wait3A_896 : memref<1x64xi32, #tpu.memory_space<vmem>> -> memref<64xi32, #tpu.memory_space<vmem>>
      %dma_wait3A_898 = tpu.memref_slice %arg3[%dma_wait3A_888, %add3A_887] : memref<2x327680xi32, #tpu.memory_space<hbm>> -> memref<1x64xi32, #tpu.memory_space<hbm>>
      %dma_wait3A_899 = tpu.memref_squeeze %dma_wait3A_898 : memref<1x64xi32, #tpu.memory_space<hbm>> -> memref<64xi32, #tpu.memory_space<hbm>>
      tpu.wait_dma2 semaphore(%arg35 : memref<!tpu.dma_semaphore, #tpu.memory_space<semaphore_mem>>) src(%dma_wait3A_899 : memref<64xi32, #tpu.memory_space<hbm>>) dst(%dma_wait3A_897 : memref<64xi32, #tpu.memory_space<vmem>>)
      %dma_wait3A_900 = arith.constant 1 : i32
      %dma_wait3A_901 = arith.constant 1 : i32
      %dma_wait3A_902 = arith.constant 0 : i32
      %dma_wait3A_903 = tpu.memref_slice %arg19[%dma_wait3A_901, %dma_wait3A_902] : memref<2x64xi32, #tpu.memory_space<vmem>> -> memref<1x64xi32, #tpu.memory_space<vmem>>
      %dma_wait3A_904 = tpu.memref_squeeze %dma_wait3A_903 : memref<1x64xi32, #tpu.memory_space<vmem>> -> memref<64xi32, #tpu.memory_space<vmem>>
      %dma_wait3A_905 = tpu.memref_slice %arg3[%dma_wait3A_900, %add3A_887] : memref<2x327680xi32, #tpu.memory_space<hbm>> -> memref<1x64xi32, #tpu.memory_space<hbm>>
      %dma_wait3A_906 = tpu.memref_squeeze %dma_wait3A_905 : memref<1x64xi32, #tpu.memory_space<hbm>> -> memref<64xi32, #tpu.memory_space<hbm>>
      %dma_wait3A_907 = arith.constant 0 : i32
      %dma_wait3A_908 = tpu.memref_slice %arg19[%dma_wait3A_901, %dma_wait3A_907] : memref<2x64xi32, #tpu.memory_space<vmem>> -> memref<1x64xi32, #tpu.memory_space<vmem>>
      %dma_wait3A_909 = tpu.memref_squeeze %dma_wait3A_908 : memref<1x64xi32, #tpu.memory_space<vmem>> -> memref<64xi32, #tpu.memory_space<vmem>>
      %dma_wait3A_910 = tpu.memref_slice %arg3[%dma_wait3A_900, %add3A_887] : memref<2x327680xi32, #tpu.memory_space<hbm>> -> memref<1x64xi32, #tpu.memory_space<hbm>>
      %dma_wait3A_911 = tpu.memref_squeeze %dma_wait3A_910 : memref<1x64xi32, #tpu.memory_space<hbm>> -> memref<64xi32, #tpu.memory_space<hbm>>
      tpu.wait_dma2 semaphore(%arg35 : memref<!tpu.dma_semaphore, #tpu.memory_space<semaphore_mem>>) src(%dma_wait3A_911 : memref<64xi32, #tpu.memory_space<hbm>>) dst(%dma_wait3A_909 : memref<64xi32, #tpu.memory_space<vmem>>)
      %dma_start3A_912 = arith.constant 0 : i32
      %dma_start3A_913 = arith.constant 0 : i32
      %dma_start3A_914 = tpu.memref_slice %arg19[%dma_start3A_912, %dma_start3A_913] : memref<2x64xi32, #tpu.memory_space<vmem>> -> memref<1x64xi32, #tpu.memory_space<vmem>>
      %dma_start3A_915 = tpu.memref_squeeze %dma_start3A_914 : memref<1x64xi32, #tpu.memory_space<vmem>> -> memref<64xi32, #tpu.memory_space<vmem>>
      %dma_start3A_916 = arith.constant 0 : i32
      %dma_start3A_917 = arith.constant 0 : i32
      %dma_start3A_918 = tpu.memref_slice %arg8[%dma_start3A_916, %dma_start3A_917] : memref<10240x64xf32, #tpu.memory_space<vmem_shared>> -> memref<10240x64xf32, #tpu.memory_space<vmem_shared>>
      tpu.enqueue_indirect_dma source(%dma_start3A_918 : memref<10240x64xf32, #tpu.memory_space<vmem_shared>>) target(%arg27 : memref<64x64xf32, #tpu.memory_space<vmem>>) offsets(%dma_start3A_915 : memref<64xi32, #tpu.memory_space<vmem>>) semaphore(%arg43 : memref<!tpu.dma_semaphore, #tpu.memory_space<semaphore_mem>>)
      %add3A_919 = arith.constant 8 : i32
      %add3A_920 = arith.addi %add3A_884, %add3A_919 : i32
      %lt3A_921 = arith.constant 320 : i32
      %lt3A_922 = arith.cmpi slt, %add3A_920, %lt3A_921 : i32
      %convert_element_type3A_923 = arith.extui %lt3A_922 : i1 to i32
      %cond3A_924 = arith.constant 0 : i32
      %cond3A_925 = arith.cmpi ne, %convert_element_type3A_923, %cond3A_924 : i32
      scf.if %cond3A_925 {
        %add3A_1537 = arith.constant 8 : i32
        %add3A_1538 = arith.addi %add3A_884, %add3A_1537 : i32
        %mul3A_1539 = arith.constant 64 : i32
        %mul3A_1540 = arith.muli %add3A_1538, %mul3A_1539 : i32
        %add3A_1541 = arith.addi %mul3A_0, %mul3A_1540 : i32
        %dma_start3A_1542 = arith.constant 0 : i32
        %dma_start3A_1543 = arith.constant 0 : i32
        %dma_start3A_1544 = arith.constant 0 : i32
        %dma_start3A_1545 = tpu.memref_slice %arg11[%dma_start3A_1543, %dma_start3A_1544] : memref<2x64xi32, #tpu.memory_space<vmem>> -> memref<1x64xi32, #tpu.memory_space<vmem>>
        %dma_start3A_1546 = tpu.memref_squeeze %dma_start3A_1545 : memref<1x64xi32, #tpu.memory_space<vmem>> -> memref<64xi32, #tpu.memory_space<vmem>>
        %dma_start3A_1547 = tpu.memref_slice %arg3[%dma_start3A_1542, %add3A_1541] : memref<2x327680xi32, #tpu.memory_space<hbm>> -> memref<1x64xi32, #tpu.memory_space<hbm>>
        %dma_start3A_1548 = tpu.memref_squeeze %dma_start3A_1547 : memref<1x64xi32, #tpu.memory_space<hbm>> -> memref<64xi32, #tpu.memory_space<hbm>>
        %dma_start3A_1549 = arith.constant 0 : i32
        %dma_start3A_1550 = tpu.memref_slice %arg11[%dma_start3A_1543, %dma_start3A_1549] : memref<2x64xi32, #tpu.memory_space<vmem>> -> memref<1x64xi32, #tpu.memory_space<vmem>>
        %dma_start3A_1551 = tpu.memref_squeeze %dma_start3A_1550 : memref<1x64xi32, #tpu.memory_space<vmem>> -> memref<64xi32, #tpu.memory_space<vmem>>
        %dma_start3A_1552 = tpu.memref_slice %arg3[%dma_start3A_1542, %add3A_1541] : memref<2x327680xi32, #tpu.memory_space<hbm>> -> memref<1x64xi32, #tpu.memory_space<hbm>>
        %dma_start3A_1553 = tpu.memref_squeeze %dma_start3A_1552 : memref<1x64xi32, #tpu.memory_space<hbm>> -> memref<64xi32, #tpu.memory_space<hbm>>
        tpu.enqueue_dma source(%dma_start3A_1553 : memref<64xi32, #tpu.memory_space<hbm>>) target(%dma_start3A_1551 : memref<64xi32, #tpu.memory_space<vmem>>) target_semaphore(%arg35 : memref<!tpu.dma_semaphore, #tpu.memory_space<semaphore_mem>>)
        %dma_start3A_1554 = arith.constant 1 : i32
        %dma_start3A_1555 = arith.constant 1 : i32
        %dma_start3A_1556 = arith.constant 0 : i32
        %dma_start3A_1557 = tpu.memref_slice %arg11[%dma_start3A_1555, %dma_start3A_1556] : memref<2x64xi32, #tpu.memory_space<vmem>> -> memref<1x64xi32, #tpu.memory_space<vmem>>
        %dma_start3A_1558 = tpu.memref_squeeze %dma_start3A_1557 : memref<1x64xi32, #tpu.memory_space<vmem>> -> memref<64xi32, #tpu.memory_space<vmem>>
        %dma_start3A_1559 = tpu.memref_slice %arg3[%dma_start3A_1554, %add3A_1541] : memref<2x327680xi32, #tpu.memory_space<hbm>> -> memref<1x64xi32, #tpu.memory_space<hbm>>
        %dma_start3A_1560 = tpu.memref_squeeze %dma_start3A_1559 : memref<1x64xi32, #tpu.memory_space<hbm>> -> memref<64xi32, #tpu.memory_space<hbm>>
        %dma_start3A_1561 = arith.constant 0 : i32
        %dma_start3A_1562 = tpu.memref_slice %arg11[%dma_start3A_1555, %dma_start3A_1561] : memref<2x64xi32, #tpu.memory_space<vmem>> -> memref<1x64xi32, #tpu.memory_space<vmem>>
        %dma_start3A_1563 = tpu.memref_squeeze %dma_start3A_1562 : memref<1x64xi32, #tpu.memory_space<vmem>> -> memref<64xi32, #tpu.memory_space<vmem>>
        %dma_start3A_1564 = tpu.memref_slice %arg3[%dma_start3A_1554, %add3A_1541] : memref<2x327680xi32, #tpu.memory_space<hbm>> -> memref<1x64xi32, #tpu.memory_space<hbm>>
        %dma_start3A_1565 = tpu.memref_squeeze %dma_start3A_1564 : memref<1x64xi32, #tpu.memory_space<hbm>> -> memref<64xi32, #tpu.memory_space<hbm>>
        tpu.enqueue_dma source(%dma_start3A_1565 : memref<64xi32, #tpu.memory_space<hbm>>) target(%dma_start3A_1563 : memref<64xi32, #tpu.memory_space<vmem>>) target_semaphore(%arg35 : memref<!tpu.dma_semaphore, #tpu.memory_space<semaphore_mem>>)
      } else {
      }
      %get3A_926 = arith.constant 1 : i32
      %get3A_927 = arith.index_cast %get3A_926 : i32 to index
      %get3A_928 = arith.constant 0 : index
      %get3A_929 = tpu.vector_load %arg19[%get3A_927, %get3A_928] {strides = array<i32>} : memref<2x64xi32, #tpu.memory_space<vmem>>, vector<16xi32>,
      tpu.vector_store_idx %arg10[%get3A_929], %broadcast_in_dim3A_1 {add = true} : memref<10240xf32, #tpu.memory_space<vmem>>[vector<16xi32>], vector<16xf32>,
      %get3A_930 = arith.constant 1 : i32
      %get3A_931 = arith.index_cast %get3A_930 : i32 to index
      %get3A_932 = arith.constant 16 : index
      %get3A_933 = tpu.vector_load %arg19[%get3A_931, %get3A_932] {strides = array<i32>} : memref<2x64xi32, #tpu.memory_space<vmem>>, vector<16xi32>,
      tpu.vector_store_idx %arg10[%get3A_933], %broadcast_in_dim3A_1 {add = true} : memref<10240xf32, #tpu.memory_space<vmem>>[vector<16xi32>], vector<16xf32>,
      %get3A_934 = arith.constant 1 : i32
      %get3A_935 = arith.index_cast %get3A_934 : i32 to index
      %get3A_936 = arith.constant 32 : index
      %get3A_937 = tpu.vector_load %arg19[%get3A_935, %get3A_936] {strides = array<i32>} : memref<2x64xi32, #tpu.memory_space<vmem>>, vector<16xi32>,
      tpu.vector_store_idx %arg10[%get3A_937], %broadcast_in_dim3A_1 {add = true} : memref<10240xf32, #tpu.memory_space<vmem>>[vector<16xi32>], vector<16xf32>,
      %get3A_938 = arith.constant 1 : i32
      %get3A_939 = arith.index_cast %get3A_938 : i32 to index
      %get3A_940 = arith.constant 48 : index
      %get3A_941 = tpu.vector_load %arg19[%get3A_939, %get3A_940] {strides = array<i32>} : memref<2x64xi32, #tpu.memory_space<vmem>>, vector<16xi32>,
      tpu.vector_store_idx %arg10[%get3A_941], %broadcast_in_dim3A_1 {add = true} : memref<10240xf32, #tpu.memory_space<vmem>>[vector<16xi32>], vector<16xf32>,
      %mul3A_942 = arith.constant 8 : i32
      %mul3A_943 = arith.muli %add3A_880, %mul3A_942 : i32
      %add3A_944 = arith.constant 1 : i32
      %add3A_945 = arith.addi %mul3A_943, %add3A_944 : i32
      %mul3A_946 = arith.constant 64 : i32
      %mul3A_947 = arith.muli %add3A_945, %mul3A_946 : i32
      %add3A_948 = arith.addi %mul3A_0, %mul3A_947 : i32
      %dma_wait3A_949 = arith.constant 0 : i32
      %dma_wait3A_950 = arith.constant 0 : i32
      %dma_wait3A_951 = arith.constant 0 : i32
      %dma_wait3A_952 = tpu.memref_slice %arg20[%dma_wait3A_950, %dma_wait3A_951] : memref<2x64xi32, #tpu.memory_space<vmem>> -> memref<1x64xi32, #tpu.memory_space<vmem>>
      %dma_wait3A_953 = tpu.memref_squeeze %dma_wait3A_952 : memref<1x64xi32, #tpu.memory_space<vmem>> -> memref<64xi32, #tpu.memory_space<vmem>>
      %dma_wait3A_954 = tpu.memref_slice %arg3[%dma_wait3A_949, %add3A_948] : memref<2x327680xi32, #tpu.memory_space<hbm>> -> memref<1x64xi32, #tpu.memory_space<hbm>>
      %dma_wait3A_955 = tpu.memref_squeeze %dma_wait3A_954 : memref<1x64xi32, #tpu.memory_space<hbm>> -> memref<64xi32, #tpu.memory_space<hbm>>
      %dma_wait3A_956 = arith.constant 0 : i32
      %dma_wait3A_957 = tpu.memref_slice %arg20[%dma_wait3A_950, %dma_wait3A_956] : memref<2x64xi32, #tpu.memory_space<vmem>> -> memref<1x64xi32, #tpu.memory_space<vmem>>
      %dma_wait3A_958 = tpu.memref_squeeze %dma_wait3A_957 : memref<1x64xi32, #tpu.memory_space<vmem>> -> memref<64xi32, #tpu.memory_space<vmem>>
      %dma_wait3A_959 = tpu.memref_slice %arg3[%dma_wait3A_949, %add3A_948] : memref<2x327680xi32, #tpu.memory_space<hbm>> -> memref<1x64xi32, #tpu.memory_space<hbm>>
      %dma_wait3A_960 = tpu.memref_squeeze %dma_wait3A_959 : memref<1x64xi32, #tpu.memory_space<hbm>> -> memref<64xi32, #tpu.memory_space<hbm>>
      tpu.wait_dma2 semaphore(%arg36 : memref<!tpu.dma_semaphore, #tpu.memory_space<semaphore_mem>>) src(%dma_wait3A_960 : memref<64xi32, #tpu.memory_space<hbm>>) dst(%dma_wait3A_958 : memref<64xi32, #tpu.memory_space<vmem>>)
      %dma_wait3A_961 = arith.constant 1 : i32
      %dma_wait3A_962 = arith.constant 1 : i32
      %dma_wait3A_963 = arith.constant 0 : i32
      %dma_wait3A_964 = tpu.memref_slice %arg20[%dma_wait3A_962, %dma_wait3A_963] : memref<2x64xi32, #tpu.memory_space<vmem>> -> memref<1x64xi32, #tpu.memory_space<vmem>>
      %dma_wait3A_965 = tpu.memref_squeeze %dma_wait3A_964 : memref<1x64xi32, #tpu.memory_space<vmem>> -> memref<64xi32, #tpu.memory_space<vmem>>
      %dma_wait3A_966 = tpu.memref_slice %arg3[%dma_wait3A_961, %add3A_948] : memref<2x327680xi32, #tpu.memory_space<hbm>> -> memref<1x64xi32, #tpu.memory_space<hbm>>
      %dma_wait3A_967 = tpu.memref_squeeze %dma_wait3A_966 : memref<1x64xi32, #tpu.memory_space<hbm>> -> memref<64xi32, #tpu.memory_space<hbm>>
      %dma_wait3A_968 = arith.constant 0 : i32
      %dma_wait3A_969 = tpu.memref_slice %arg20[%dma_wait3A_962, %dma_wait3A_968] : memref<2x64xi32, #tpu.memory_space<vmem>> -> memref<1x64xi32, #tpu.memory_space<vmem>>
      %dma_wait3A_970 = tpu.memref_squeeze %dma_wait3A_969 : memref<1x64xi32, #tpu.memory_space<vmem>> -> memref<64xi32, #tpu.memory_space<vmem>>
      %dma_wait3A_971 = tpu.memref_slice %arg3[%dma_wait3A_961, %add3A_948] : memref<2x327680xi32, #tpu.memory_space<hbm>> -> memref<1x64xi32, #tpu.memory_space<hbm>>
      %dma_wait3A_972 = tpu.memref_squeeze %dma_wait3A_971 : memref<1x64xi32, #tpu.memory_space<hbm>> -> memref<64xi32, #tpu.memory_space<hbm>>
      tpu.wait_dma2 semaphore(%arg36 : memref<!tpu.dma_semaphore, #tpu.memory_space<semaphore_mem>>) src(%dma_wait3A_972 : memref<64xi32, #tpu.memory_space<hbm>>) dst(%dma_wait3A_970 : memref<64xi32, #tpu.memory_space<vmem>>)
      %dma_start3A_973 = arith.constant 0 : i32
      %dma_start3A_974 = arith.constant 0 : i32
      %dma_start3A_975 = tpu.memref_slice %arg20[%dma_start3A_973, %dma_start3A_974] : memref<2x64xi32, #tpu.memory_space<vmem>> -> memref<1x64xi32, #tpu.memory_space<vmem>>
      %dma_start3A_976 = tpu.memref_squeeze %dma_start3A_975 : memref<1x64xi32, #tpu.memory_space<vmem>> -> memref<64xi32, #tpu.memory_space<vmem>>
      %dma_start3A_977 = arith.constant 0 : i32
      %dma_start3A_978 = arith.constant 0 : i32
      %dma_start3A_979 = tpu.memref_slice %arg8[%dma_start3A_977, %dma_start3A_978] : memref<10240x64xf32, #tpu.memory_space<vmem_shared>> -> memref<10240x64xf32, #tpu.memory_space<vmem_shared>>
      tpu.enqueue_indirect_dma source(%dma_start3A_979 : memref<10240x64xf32, #tpu.memory_space<vmem_shared>>) target(%arg28 : memref<64x64xf32, #tpu.memory_space<vmem>>) offsets(%dma_start3A_976 : memref<64xi32, #tpu.memory_space<vmem>>) semaphore(%arg44 : memref<!tpu.dma_semaphore, #tpu.memory_space<semaphore_mem>>)
      %add3A_980 = arith.constant 8 : i32
      %add3A_981 = arith.addi %add3A_945, %add3A_980 : i32
      %lt3A_982 = arith.constant 320 : i32
      %lt3A_983 = arith.cmpi slt, %add3A_981, %lt3A_982 : i32
      %convert_element_type3A_984 = arith.extui %lt3A_983 : i1 to i32
      %cond3A_985 = arith.constant 0 : i32
      %cond3A_986 = arith.cmpi ne, %convert_element_type3A_984, %cond3A_985 : i32
      scf.if %cond3A_986 {
        %add3A_1537 = arith.constant 8 : i32
        %add3A_1538 = arith.addi %add3A_945, %add3A_1537 : i32
        %mul3A_1539 = arith.constant 64 : i32
        %mul3A_1540 = arith.muli %add3A_1538, %mul3A_1539 : i32
        %add3A_1541 = arith.addi %mul3A_0, %mul3A_1540 : i32
        %dma_start3A_1542 = arith.constant 0 : i32
        %dma_start3A_1543 = arith.constant 0 : i32
        %dma_start3A_1544 = arith.constant 0 : i32
        %dma_start3A_1545 = tpu.memref_slice %arg12[%dma_start3A_1543, %dma_start3A_1544] : memref<2x64xi32, #tpu.memory_space<vmem>> -> memref<1x64xi32, #tpu.memory_space<vmem>>
        %dma_start3A_1546 = tpu.memref_squeeze %dma_start3A_1545 : memref<1x64xi32, #tpu.memory_space<vmem>> -> memref<64xi32, #tpu.memory_space<vmem>>
        %dma_start3A_1547 = tpu.memref_slice %arg3[%dma_start3A_1542, %add3A_1541] : memref<2x327680xi32, #tpu.memory_space<hbm>> -> memref<1x64xi32, #tpu.memory_space<hbm>>
        %dma_start3A_1548 = tpu.memref_squeeze %dma_start3A_1547 : memref<1x64xi32, #tpu.memory_space<hbm>> -> memref<64xi32, #tpu.memory_space<hbm>>
        %dma_start3A_1549 = arith.constant 0 : i32
        %dma_start3A_1550 = tpu.memref_slice %arg12[%dma_start3A_1543, %dma_start3A_1549] : memref<2x64xi32, #tpu.memory_space<vmem>> -> memref<1x64xi32, #tpu.memory_space<vmem>>
        %dma_start3A_1551 = tpu.memref_squeeze %dma_start3A_1550 : memref<1x64xi32, #tpu.memory_space<vmem>> -> memref<64xi32, #tpu.memory_space<vmem>>
        %dma_start3A_1552 = tpu.memref_slice %arg3[%dma_start3A_1542, %add3A_1541] : memref<2x327680xi32, #tpu.memory_space<hbm>> -> memref<1x64xi32, #tpu.memory_space<hbm>>
        %dma_start3A_1553 = tpu.memref_squeeze %dma_start3A_1552 : memref<1x64xi32, #tpu.memory_space<hbm>> -> memref<64xi32, #tpu.memory_space<hbm>>
        tpu.enqueue_dma source(%dma_start3A_1553 : memref<64xi32, #tpu.memory_space<hbm>>) target(%dma_start3A_1551 : memref<64xi32, #tpu.memory_space<vmem>>) target_semaphore(%arg36 : memref<!tpu.dma_semaphore, #tpu.memory_space<semaphore_mem>>)
        %dma_start3A_1554 = arith.constant 1 : i32
        %dma_start3A_1555 = arith.constant 1 : i32
        %dma_start3A_1556 = arith.constant 0 : i32
        %dma_start3A_1557 = tpu.memref_slice %arg12[%dma_start3A_1555, %dma_start3A_1556] : memref<2x64xi32, #tpu.memory_space<vmem>> -> memref<1x64xi32, #tpu.memory_space<vmem>>
        %dma_start3A_1558 = tpu.memref_squeeze %dma_start3A_1557 : memref<1x64xi32, #tpu.memory_space<vmem>> -> memref<64xi32, #tpu.memory_space<vmem>>
        %dma_start3A_1559 = tpu.memref_slice %arg3[%dma_start3A_1554, %add3A_1541] : memref<2x327680xi32, #tpu.memory_space<hbm>> -> memref<1x64xi32, #tpu.memory_space<hbm>>
        %dma_start3A_1560 = tpu.memref_squeeze %dma_start3A_1559 : memref<1x64xi32, #tpu.memory_space<hbm>> -> memref<64xi32, #tpu.memory_space<hbm>>
        %dma_start3A_1561 = arith.constant 0 : i32
        %dma_start3A_1562 = tpu.memref_slice %arg12[%dma_start3A_1555, %dma_start3A_1561] : memref<2x64xi32, #tpu.memory_space<vmem>> -> memref<1x64xi32, #tpu.memory_space<vmem>>
        %dma_start3A_1563 = tpu.memref_squeeze %dma_start3A_1562 : memref<1x64xi32, #tpu.memory_space<vmem>> -> memref<64xi32, #tpu.memory_space<vmem>>
        %dma_start3A_1564 = tpu.memref_slice %arg3[%dma_start3A_1554, %add3A_1541] : memref<2x327680xi32, #tpu.memory_space<hbm>> -> memref<1x64xi32, #tpu.memory_space<hbm>>
        %dma_start3A_1565 = tpu.memref_squeeze %dma_start3A_1564 : memref<1x64xi32, #tpu.memory_space<hbm>> -> memref<64xi32, #tpu.memory_space<hbm>>
        tpu.enqueue_dma source(%dma_start3A_1565 : memref<64xi32, #tpu.memory_space<hbm>>) target(%dma_start3A_1563 : memref<64xi32, #tpu.memory_space<vmem>>) target_semaphore(%arg36 : memref<!tpu.dma_semaphore, #tpu.memory_space<semaphore_mem>>)
      } else {
      }
      %get3A_987 = arith.constant 1 : i32
      %get3A_988 = arith.index_cast %get3A_987 : i32 to index
      %get3A_989 = arith.constant 0 : index
      %get3A_990 = tpu.vector_load %arg20[%get3A_988, %get3A_989] {strides = array<i32>} : memref<2x64xi32, #tpu.memory_space<vmem>>, vector<16xi32>,
      tpu.vector_store_idx %arg10[%get3A_990], %broadcast_in_dim3A_1 {add = true} : memref<10240xf32, #tpu.memory_space<vmem>>[vector<16xi32>], vector<16xf32>,
      %get3A_991 = arith.constant 1 : i32
      %get3A_992 = arith.index_cast %get3A_991 : i32 to index
      %get3A_993 = arith.constant 16 : index
      %get3A_994 = tpu.vector_load %arg20[%get3A_992, %get3A_993] {strides = array<i32>} : memref<2x64xi32, #tpu.memory_space<vmem>>, vector<16xi32>,
      tpu.vector_store_idx %arg10[%get3A_994], %broadcast_in_dim3A_1 {add = true} : memref<10240xf32, #tpu.memory_space<vmem>>[vector<16xi32>], vector<16xf32>,
      %get3A_995 = arith.constant 1 : i32
      %get3A_996 = arith.index_cast %get3A_995 : i32 to index
      %get3A_997 = arith.constant 32 : index
      %get3A_998 = tpu.vector_load %arg20[%get3A_996, %get3A_997] {strides = array<i32>} : memref<2x64xi32, #tpu.memory_space<vmem>>, vector<16xi32>,
      tpu.vector_store_idx %arg10[%get3A_998], %broadcast_in_dim3A_1 {add = true} : memref<10240xf32, #tpu.memory_space<vmem>>[vector<16xi32>], vector<16xf32>,
      %get3A_999 = arith.constant 1 : i32
      %get3A_1000 = arith.index_cast %get3A_999 : i32 to index
      %get3A_1001 = arith.constant 48 : index
      %get3A_1002 = tpu.vector_load %arg20[%get3A_1000, %get3A_1001] {strides = array<i32>} : memref<2x64xi32, #tpu.memory_space<vmem>>, vector<16xi32>,
      tpu.vector_store_idx %arg10[%get3A_1002], %broadcast_in_dim3A_1 {add = true} : memref<10240xf32, #tpu.memory_space<vmem>>[vector<16xi32>], vector<16xf32>,
      %mul3A_1003 = arith.constant 8 : i32
      %mul3A_1004 = arith.muli %add3A_880, %mul3A_1003 : i32
      %add3A_1005 = arith.constant 2 : i32
      %add3A_1006 = arith.addi %mul3A_1004, %add3A_1005 : i32
      %mul3A_1007 = arith.constant 64 : i32
      %mul3A_1008 = arith.muli %add3A_1006, %mul3A_1007 : i32
      %add3A_1009 = arith.addi %mul3A_0, %mul3A_1008 : i32
      %dma_wait3A_1010 = arith.constant 0 : i32
      %dma_wait3A_1011 = arith.constant 0 : i32
      %dma_wait3A_1012 = arith.constant 0 : i32
      %dma_wait3A_1013 = tpu.memref_slice %arg21[%dma_wait3A_1011, %dma_wait3A_1012] : memref<2x64xi32, #tpu.memory_space<vmem>> -> memref<1x64xi32, #tpu.memory_space<vmem>>
      %dma_wait3A_1014 = tpu.memref_squeeze %dma_wait3A_1013 : memref<1x64xi32, #tpu.memory_space<vmem>> -> memref<64xi32, #tpu.memory_space<vmem>>
      %dma_wait3A_1015 = tpu.memref_slice %arg3[%dma_wait3A_1010, %add3A_1009] : memref<2x327680xi32, #tpu.memory_space<hbm>> -> memref<1x64xi32, #tpu.memory_space<hbm>>
      %dma_wait3A_1016 = tpu.memref_squeeze %dma_wait3A_1015 : memref<1x64xi32, #tpu.memory_space<hbm>> -> memref<64xi32, #tpu.memory_space<hbm>>
      %dma_wait3A_1017 = arith.constant 0 : i32
      %dma_wait3A_1018 = tpu.memref_slice %arg21[%dma_wait3A_1011, %dma_wait3A_1017] : memref<2x64xi32, #tpu.memory_space<vmem>> -> memref<1x64xi32, #tpu.memory_space<vmem>>
      %dma_wait3A_1019 = tpu.memref_squeeze %dma_wait3A_1018 : memref<1x64xi32, #tpu.memory_space<vmem>> -> memref<64xi32, #tpu.memory_space<vmem>>
      %dma_wait3A_1020 = tpu.memref_slice %arg3[%dma_wait3A_1010, %add3A_1009] : memref<2x327680xi32, #tpu.memory_space<hbm>> -> memref<1x64xi32, #tpu.memory_space<hbm>>
      %dma_wait3A_1021 = tpu.memref_squeeze %dma_wait3A_1020 : memref<1x64xi32, #tpu.memory_space<hbm>> -> memref<64xi32, #tpu.memory_space<hbm>>
      tpu.wait_dma2 semaphore(%arg37 : memref<!tpu.dma_semaphore, #tpu.memory_space<semaphore_mem>>) src(%dma_wait3A_1021 : memref<64xi32, #tpu.memory_space<hbm>>) dst(%dma_wait3A_1019 : memref<64xi32, #tpu.memory_space<vmem>>)
      %dma_wait3A_1022 = arith.constant 1 : i32
      %dma_wait3A_1023 = arith.constant 1 : i32
      %dma_wait3A_1024 = arith.constant 0 : i32
      %dma_wait3A_1025 = tpu.memref_slice %arg21[%dma_wait3A_1023, %dma_wait3A_1024] : memref<2x64xi32, #tpu.memory_space<vmem>> -> memref<1x64xi32, #tpu.memory_space<vmem>>
      %dma_wait3A_1026 = tpu.memref_squeeze %dma_wait3A_1025 : memref<1x64xi32, #tpu.memory_space<vmem>> -> memref<64xi32, #tpu.memory_space<vmem>>
      %dma_wait3A_1027 = tpu.memref_slice %arg3[%dma_wait3A_1022, %add3A_1009] : memref<2x327680xi32, #tpu.memory_space<hbm>> -> memref<1x64xi32, #tpu.memory_space<hbm>>
      %dma_wait3A_1028 = tpu.memref_squeeze %dma_wait3A_1027 : memref<1x64xi32, #tpu.memory_space<hbm>> -> memref<64xi32, #tpu.memory_space<hbm>>
      %dma_wait3A_1029 = arith.constant 0 : i32
      %dma_wait3A_1030 = tpu.memref_slice %arg21[%dma_wait3A_1023, %dma_wait3A_1029] : memref<2x64xi32, #tpu.memory_space<vmem>> -> memref<1x64xi32, #tpu.memory_space<vmem>>
      %dma_wait3A_1031 = tpu.memref_squeeze %dma_wait3A_1030 : memref<1x64xi32, #tpu.memory_space<vmem>> -> memref<64xi32, #tpu.memory_space<vmem>>
      %dma_wait3A_1032 = tpu.memref_slice %arg3[%dma_wait3A_1022, %add3A_1009] : memref<2x327680xi32, #tpu.memory_space<hbm>> -> memref<1x64xi32, #tpu.memory_space<hbm>>
      %dma_wait3A_1033 = tpu.memref_squeeze %dma_wait3A_1032 : memref<1x64xi32, #tpu.memory_space<hbm>> -> memref<64xi32, #tpu.memory_space<hbm>>
      tpu.wait_dma2 semaphore(%arg37 : memref<!tpu.dma_semaphore, #tpu.memory_space<semaphore_mem>>) src(%dma_wait3A_1033 : memref<64xi32, #tpu.memory_space<hbm>>) dst(%dma_wait3A_1031 : memref<64xi32, #tpu.memory_space<vmem>>)
      %dma_start3A_1034 = arith.constant 0 : i32
      %dma_start3A_1035 = arith.constant 0 : i32
      %dma_start3A_1036 = tpu.memref_slice %arg21[%dma_start3A_1034, %dma_start3A_1035] : memref<2x64xi32, #tpu.memory_space<vmem>> -> memref<1x64xi32, #tpu.memory_space<vmem>>
      %dma_start3A_1037 = tpu.memref_squeeze %dma_start3A_1036 : memref<1x64xi32, #tpu.memory_space<vmem>> -> memref<64xi32, #tpu.memory_space<vmem>>
      %dma_start3A_1038 = arith.constant 0 : i32
      %dma_start3A_1039 = arith.constant 0 : i32
      %dma_start3A_1040 = tpu.memref_slice %arg8[%dma_start3A_1038, %dma_start3A_1039] : memref<10240x64xf32, #tpu.memory_space<vmem_shared>> -> memref<10240x64xf32, #tpu.memory_space<vmem_shared>>
      tpu.enqueue_indirect_dma source(%dma_start3A_1040 : memref<10240x64xf32, #tpu.memory_space<vmem_shared>>) target(%arg29 : memref<64x64xf32, #tpu.memory_space<vmem>>) offsets(%dma_start3A_1037 : memref<64xi32, #tpu.memory_space<vmem>>) semaphore(%arg45 : memref<!tpu.dma_semaphore, #tpu.memory_space<semaphore_mem>>)
      %add3A_1041 = arith.constant 8 : i32
      %add3A_1042 = arith.addi %add3A_1006, %add3A_1041 : i32
      %lt3A_1043 = arith.constant 320 : i32
      %lt3A_1044 = arith.cmpi slt, %add3A_1042, %lt3A_1043 : i32
      %convert_element_type3A_1045 = arith.extui %lt3A_1044 : i1 to i32
      %cond3A_1046 = arith.constant 0 : i32
      %cond3A_1047 = arith.cmpi ne, %convert_element_type3A_1045, %cond3A_1046 : i32
      scf.if %cond3A_1047 {
        %add3A_1537 = arith.constant 8 : i32
        %add3A_1538 = arith.addi %add3A_1006, %add3A_1537 : i32
        %mul3A_1539 = arith.constant 64 : i32
        %mul3A_1540 = arith.muli %add3A_1538, %mul3A_1539 : i32
        %add3A_1541 = arith.addi %mul3A_0, %mul3A_1540 : i32
        %dma_start3A_1542 = arith.constant 0 : i32
        %dma_start3A_1543 = arith.constant 0 : i32
        %dma_start3A_1544 = arith.constant 0 : i32
        %dma_start3A_1545 = tpu.memref_slice %arg13[%dma_start3A_1543, %dma_start3A_1544] : memref<2x64xi32, #tpu.memory_space<vmem>> -> memref<1x64xi32, #tpu.memory_space<vmem>>
        %dma_start3A_1546 = tpu.memref_squeeze %dma_start3A_1545 : memref<1x64xi32, #tpu.memory_space<vmem>> -> memref<64xi32, #tpu.memory_space<vmem>>
        %dma_start3A_1547 = tpu.memref_slice %arg3[%dma_start3A_1542, %add3A_1541] : memref<2x327680xi32, #tpu.memory_space<hbm>> -> memref<1x64xi32, #tpu.memory_space<hbm>>
        %dma_start3A_1548 = tpu.memref_squeeze %dma_start3A_1547 : memref<1x64xi32, #tpu.memory_space<hbm>> -> memref<64xi32, #tpu.memory_space<hbm>>
        %dma_start3A_1549 = arith.constant 0 : i32
        %dma_start3A_1550 = tpu.memref_slice %arg13[%dma_start3A_1543, %dma_start3A_1549] : memref<2x64xi32, #tpu.memory_space<vmem>> -> memref<1x64xi32, #tpu.memory_space<vmem>>
        %dma_start3A_1551 = tpu.memref_squeeze %dma_start3A_1550 : memref<1x64xi32, #tpu.memory_space<vmem>> -> memref<64xi32, #tpu.memory_space<vmem>>
        %dma_start3A_1552 = tpu.memref_slice %arg3[%dma_start3A_1542, %add3A_1541] : memref<2x327680xi32, #tpu.memory_space<hbm>> -> memref<1x64xi32, #tpu.memory_space<hbm>>
        %dma_start3A_1553 = tpu.memref_squeeze %dma_start3A_1552 : memref<1x64xi32, #tpu.memory_space<hbm>> -> memref<64xi32, #tpu.memory_space<hbm>>
        tpu.enqueue_dma source(%dma_start3A_1553 : memref<64xi32, #tpu.memory_space<hbm>>) target(%dma_start3A_1551 : memref<64xi32, #tpu.memory_space<vmem>>) target_semaphore(%arg37 : memref<!tpu.dma_semaphore, #tpu.memory_space<semaphore_mem>>)
        %dma_start3A_1554 = arith.constant 1 : i32
        %dma_start3A_1555 = arith.constant 1 : i32
        %dma_start3A_1556 = arith.constant 0 : i32
        %dma_start3A_1557 = tpu.memref_slice %arg13[%dma_start3A_1555, %dma_start3A_1556] : memref<2x64xi32, #tpu.memory_space<vmem>> -> memref<1x64xi32, #tpu.memory_space<vmem>>
        %dma_start3A_1558 = tpu.memref_squeeze %dma_start3A_1557 : memref<1x64xi32, #tpu.memory_space<vmem>> -> memref<64xi32, #tpu.memory_space<vmem>>
        %dma_start3A_1559 = tpu.memref_slice %arg3[%dma_start3A_1554, %add3A_1541] : memref<2x327680xi32, #tpu.memory_space<hbm>> -> memref<1x64xi32, #tpu.memory_space<hbm>>
        %dma_start3A_1560 = tpu.memref_squeeze %dma_start3A_1559 : memref<1x64xi32, #tpu.memory_space<hbm>> -> memref<64xi32, #tpu.memory_space<hbm>>
        %dma_start3A_1561 = arith.constant 0 : i32
        %dma_start3A_1562 = tpu.memref_slice %arg13[%dma_start3A_1555, %dma_start3A_1561] : memref<2x64xi32, #tpu.memory_space<vmem>> -> memref<1x64xi32, #tpu.memory_space<vmem>>
        %dma_start3A_1563 = tpu.memref_squeeze %dma_start3A_1562 : memref<1x64xi32, #tpu.memory_space<vmem>> -> memref<64xi32, #tpu.memory_space<vmem>>
        %dma_start3A_1564 = tpu.memref_slice %arg3[%dma_start3A_1554, %add3A_1541] : memref<2x327680xi32, #tpu.memory_space<hbm>> -> memref<1x64xi32, #tpu.memory_space<hbm>>
        %dma_start3A_1565 = tpu.memref_squeeze %dma_start3A_1564 : memref<1x64xi32, #tpu.memory_space<hbm>> -> memref<64xi32, #tpu.memory_space<hbm>>
        tpu.enqueue_dma source(%dma_start3A_1565 : memref<64xi32, #tpu.memory_space<hbm>>) target(%dma_start3A_1563 : memref<64xi32, #tpu.memory_space<vmem>>) target_semaphore(%arg37 : memref<!tpu.dma_semaphore, #tpu.memory_space<semaphore_mem>>)
      } else {
      }
      %get3A_1048 = arith.constant 1 : i32
      %get3A_1049 = arith.index_cast %get3A_1048 : i32 to index
      %get3A_1050 = arith.constant 0 : index
      %get3A_1051 = tpu.vector_load %arg21[%get3A_1049, %get3A_1050] {strides = array<i32>} : memref<2x64xi32, #tpu.memory_space<vmem>>, vector<16xi32>,
      tpu.vector_store_idx %arg10[%get3A_1051], %broadcast_in_dim3A_1 {add = true} : memref<10240xf32, #tpu.memory_space<vmem>>[vector<16xi32>], vector<16xf32>,
      %get3A_1052 = arith.constant 1 : i32
      %get3A_1053 = arith.index_cast %get3A_1052 : i32 to index
      %get3A_1054 = arith.constant 16 : index
      %get3A_1055 = tpu.vector_load %arg21[%get3A_1053, %get3A_1054] {strides = array<i32>} : memref<2x64xi32, #tpu.memory_space<vmem>>, vector<16xi32>,
      tpu.vector_store_idx %arg10[%get3A_1055], %broadcast_in_dim3A_1 {add = true} : memref<10240xf32, #tpu.memory_space<vmem>>[vector<16xi32>], vector<16xf32>,
      %get3A_1056 = arith.constant 1 : i32
      %get3A_1057 = arith.index_cast %get3A_1056 : i32 to index
      %get3A_1058 = arith.constant 32 : index
      %get3A_1059 = tpu.vector_load %arg21[%get3A_1057, %get3A_1058] {strides = array<i32>} : memref<2x64xi32, #tpu.memory_space<vmem>>, vector<16xi32>,
      tpu.vector_store_idx %arg10[%get3A_1059], %broadcast_in_dim3A_1 {add = true} : memref<10240xf32, #tpu.memory_space<vmem>>[vector<16xi32>], vector<16xf32>,
      %get3A_1060 = arith.constant 1 : i32
      %get3A_1061 = arith.index_cast %get3A_1060 : i32 to index
      %get3A_1062 = arith.constant 48 : index
      %get3A_1063 = tpu.vector_load %arg21[%get3A_1061, %get3A_1062] {strides = array<i32>} : memref<2x64xi32, #tpu.memory_space<vmem>>, vector<16xi32>,
      tpu.vector_store_idx %arg10[%get3A_1063], %broadcast_in_dim3A_1 {add = true} : memref<10240xf32, #tpu.memory_space<vmem>>[vector<16xi32>], vector<16xf32>,
      %mul3A_1064 = arith.constant 8 : i32
      %mul3A_1065 = arith.muli %add3A_880, %mul3A_1064 : i32
      %add3A_1066 = arith.constant 3 : i32
      %add3A_1067 = arith.addi %mul3A_1065, %add3A_1066 : i32
      %mul3A_1068 = arith.constant 64 : i32
      %mul3A_1069 = arith.muli %add3A_1067, %mul3A_1068 : i32
      %add3A_1070 = arith.addi %mul3A_0, %mul3A_1069 : i32
      %dma_wait3A_1071 = arith.constant 0 : i32
      %dma_wait3A_1072 = arith.constant 0 : i32
      %dma_wait3A_1073 = arith.constant 0 : i32
      %dma_wait3A_1074 = tpu.memref_slice %arg22[%dma_wait3A_1072, %dma_wait3A_1073] : memref<2x64xi32, #tpu.memory_space<vmem>> -> memref<1x64xi32, #tpu.memory_space<vmem>>
      %dma_wait3A_1075 = tpu.memref_squeeze %dma_wait3A_1074 : memref<1x64xi32, #tpu.memory_space<vmem>> -> memref<64xi32, #tpu.memory_space<vmem>>
      %dma_wait3A_1076 = tpu.memref_slice %arg3[%dma_wait3A_1071, %add3A_1070] : memref<2x327680xi32, #tpu.memory_space<hbm>> -> memref<1x64xi32, #tpu.memory_space<hbm>>
      %dma_wait3A_1077 = tpu.memref_squeeze %dma_wait3A_1076 : memref<1x64xi32, #tpu.memory_space<hbm>> -> memref<64xi32, #tpu.memory_space<hbm>>
      %dma_wait3A_1078 = arith.constant 0 : i32
      %dma_wait3A_1079 = tpu.memref_slice %arg22[%dma_wait3A_1072, %dma_wait3A_1078] : memref<2x64xi32, #tpu.memory_space<vmem>> -> memref<1x64xi32, #tpu.memory_space<vmem>>
      %dma_wait3A_1080 = tpu.memref_squeeze %dma_wait3A_1079 : memref<1x64xi32, #tpu.memory_space<vmem>> -> memref<64xi32, #tpu.memory_space<vmem>>
      %dma_wait3A_1081 = tpu.memref_slice %arg3[%dma_wait3A_1071, %add3A_1070] : memref<2x327680xi32, #tpu.memory_space<hbm>> -> memref<1x64xi32, #tpu.memory_space<hbm>>
      %dma_wait3A_1082 = tpu.memref_squeeze %dma_wait3A_1081 : memref<1x64xi32, #tpu.memory_space<hbm>> -> memref<64xi32, #tpu.memory_space<hbm>>
      tpu.wait_dma2 semaphore(%arg38 : memref<!tpu.dma_semaphore, #tpu.memory_space<semaphore_mem>>) src(%dma_wait3A_1082 : memref<64xi32, #tpu.memory_space<hbm>>) dst(%dma_wait3A_1080 : memref<64xi32, #tpu.memory_space<vmem>>)
      %dma_wait3A_1083 = arith.constant 1 : i32
      %dma_wait3A_1084 = arith.constant 1 : i32
      %dma_wait3A_1085 = arith.constant 0 : i32
      %dma_wait3A_1086 = tpu.memref_slice %arg22[%dma_wait3A_1084, %dma_wait3A_1085] : memref<2x64xi32, #tpu.memory_space<vmem>> -> memref<1x64xi32, #tpu.memory_space<vmem>>
      %dma_wait3A_1087 = tpu.memref_squeeze %dma_wait3A_1086 : memref<1x64xi32, #tpu.memory_space<vmem>> -> memref<64xi32, #tpu.memory_space<vmem>>
      %dma_wait3A_1088 = tpu.memref_slice %arg3[%dma_wait3A_1083, %add3A_1070] : memref<2x327680xi32, #tpu.memory_space<hbm>> -> memref<1x64xi32, #tpu.memory_space<hbm>>
      %dma_wait3A_1089 = tpu.memref_squeeze %dma_wait3A_1088 : memref<1x64xi32, #tpu.memory_space<hbm>> -> memref<64xi32, #tpu.memory_space<hbm>>
      %dma_wait3A_1090 = arith.constant 0 : i32
      %dma_wait3A_1091 = tpu.memref_slice %arg22[%dma_wait3A_1084, %dma_wait3A_1090] : memref<2x64xi32, #tpu.memory_space<vmem>> -> memref<1x64xi32, #tpu.memory_space<vmem>>
      %dma_wait3A_1092 = tpu.memref_squeeze %dma_wait3A_1091 : memref<1x64xi32, #tpu.memory_space<vmem>> -> memref<64xi32, #tpu.memory_space<vmem>>
      %dma_wait3A_1093 = tpu.memref_slice %arg3[%dma_wait3A_1083, %add3A_1070] : memref<2x327680xi32, #tpu.memory_space<hbm>> -> memref<1x64xi32, #tpu.memory_space<hbm>>
      %dma_wait3A_1094 = tpu.memref_squeeze %dma_wait3A_1093 : memref<1x64xi32, #tpu.memory_space<hbm>> -> memref<64xi32, #tpu.memory_space<hbm>>
      tpu.wait_dma2 semaphore(%arg38 : memref<!tpu.dma_semaphore, #tpu.memory_space<semaphore_mem>>) src(%dma_wait3A_1094 : memref<64xi32, #tpu.memory_space<hbm>>) dst(%dma_wait3A_1092 : memref<64xi32, #tpu.memory_space<vmem>>)
      %dma_start3A_1095 = arith.constant 0 : i32
      %dma_start3A_1096 = arith.constant 0 : i32
      %dma_start3A_1097 = tpu.memref_slice %arg22[%dma_start3A_1095, %dma_start3A_1096] : memref<2x64xi32, #tpu.memory_space<vmem>> -> memref<1x64xi32, #tpu.memory_space<vmem>>
      %dma_start3A_1098 = tpu.memref_squeeze %dma_start3A_1097 : memref<1x64xi32, #tpu.memory_space<vmem>> -> memref<64xi32, #tpu.memory_space<vmem>>
      %dma_start3A_1099 = arith.constant 0 : i32
      %dma_start3A_1100 = arith.constant 0 : i32
      %dma_start3A_1101 = tpu.memref_slice %arg8[%dma_start3A_1099, %dma_start3A_1100] : memref<10240x64xf32, #tpu.memory_space<vmem_shared>> -> memref<10240x64xf32, #tpu.memory_space<vmem_shared>>
      tpu.enqueue_indirect_dma source(%dma_start3A_1101 : memref<10240x64xf32, #tpu.memory_space<vmem_shared>>) target(%arg30 : memref<64x64xf32, #tpu.memory_space<vmem>>) offsets(%dma_start3A_1098 : memref<64xi32, #tpu.memory_space<vmem>>) semaphore(%arg46 : memref<!tpu.dma_semaphore, #tpu.memory_space<semaphore_mem>>)
      %add3A_1102 = arith.constant 8 : i32
      %add3A_1103 = arith.addi %add3A_1067, %add3A_1102 : i32
      %lt3A_1104 = arith.constant 320 : i32
      %lt3A_1105 = arith.cmpi slt, %add3A_1103, %lt3A_1104 : i32
      %convert_element_type3A_1106 = arith.extui %lt3A_1105 : i1 to i32
      %cond3A_1107 = arith.constant 0 : i32
      %cond3A_1108 = arith.cmpi ne, %convert_element_type3A_1106, %cond3A_1107 : i32
      scf.if %cond3A_1108 {
        %add3A_1537 = arith.constant 8 : i32
        %add3A_1538 = arith.addi %add3A_1067, %add3A_1537 : i32
        %mul3A_1539 = arith.constant 64 : i32
        %mul3A_1540 = arith.muli %add3A_1538, %mul3A_1539 : i32
        %add3A_1541 = arith.addi %mul3A_0, %mul3A_1540 : i32
        %dma_start3A_1542 = arith.constant 0 : i32
        %dma_start3A_1543 = arith.constant 0 : i32
        %dma_start3A_1544 = arith.constant 0 : i32
        %dma_start3A_1545 = tpu.memref_slice %arg14[%dma_start3A_1543, %dma_start3A_1544] : memref<2x64xi32, #tpu.memory_space<vmem>> -> memref<1x64xi32, #tpu.memory_space<vmem>>
        %dma_start3A_1546 = tpu.memref_squeeze %dma_start3A_1545 : memref<1x64xi32, #tpu.memory_space<vmem>> -> memref<64xi32, #tpu.memory_space<vmem>>
        %dma_start3A_1547 = tpu.memref_slice %arg3[%dma_start3A_1542, %add3A_1541] : memref<2x327680xi32, #tpu.memory_space<hbm>> -> memref<1x64xi32, #tpu.memory_space<hbm>>
        %dma_start3A_1548 = tpu.memref_squeeze %dma_start3A_1547 : memref<1x64xi32, #tpu.memory_space<hbm>> -> memref<64xi32, #tpu.memory_space<hbm>>
        %dma_start3A_1549 = arith.constant 0 : i32
        %dma_start3A_1550 = tpu.memref_slice %arg14[%dma_start3A_1543, %dma_start3A_1549] : memref<2x64xi32, #tpu.memory_space<vmem>> -> memref<1x64xi32, #tpu.memory_space<vmem>>
        %dma_start3A_1551 = tpu.memref_squeeze %dma_start3A_1550 : memref<1x64xi32, #tpu.memory_space<vmem>> -> memref<64xi32, #tpu.memory_space<vmem>>
        %dma_start3A_1552 = tpu.memref_slice %arg3[%dma_start3A_1542, %add3A_1541] : memref<2x327680xi32, #tpu.memory_space<hbm>> -> memref<1x64xi32, #tpu.memory_space<hbm>>
        %dma_start3A_1553 = tpu.memref_squeeze %dma_start3A_1552 : memref<1x64xi32, #tpu.memory_space<hbm>> -> memref<64xi32, #tpu.memory_space<hbm>>
        tpu.enqueue_dma source(%dma_start3A_1553 : memref<64xi32, #tpu.memory_space<hbm>>) target(%dma_start3A_1551 : memref<64xi32, #tpu.memory_space<vmem>>) target_semaphore(%arg38 : memref<!tpu.dma_semaphore, #tpu.memory_space<semaphore_mem>>)
        %dma_start3A_1554 = arith.constant 1 : i32
        %dma_start3A_1555 = arith.constant 1 : i32
        %dma_start3A_1556 = arith.constant 0 : i32
        %dma_start3A_1557 = tpu.memref_slice %arg14[%dma_start3A_1555, %dma_start3A_1556] : memref<2x64xi32, #tpu.memory_space<vmem>> -> memref<1x64xi32, #tpu.memory_space<vmem>>
        %dma_start3A_1558 = tpu.memref_squeeze %dma_start3A_1557 : memref<1x64xi32, #tpu.memory_space<vmem>> -> memref<64xi32, #tpu.memory_space<vmem>>
        %dma_start3A_1559 = tpu.memref_slice %arg3[%dma_start3A_1554, %add3A_1541] : memref<2x327680xi32, #tpu.memory_space<hbm>> -> memref<1x64xi32, #tpu.memory_space<hbm>>
        %dma_start3A_1560 = tpu.memref_squeeze %dma_start3A_1559 : memref<1x64xi32, #tpu.memory_space<hbm>> -> memref<64xi32, #tpu.memory_space<hbm>>
        %dma_start3A_1561 = arith.constant 0 : i32
        %dma_start3A_1562 = tpu.memref_slice %arg14[%dma_start3A_1555, %dma_start3A_1561] : memref<2x64xi32, #tpu.memory_space<vmem>> -> memref<1x64xi32, #tpu.memory_space<vmem>>
        %dma_start3A_1563 = tpu.memref_squeeze %dma_start3A_1562 : memref<1x64xi32, #tpu.memory_space<vmem>> -> memref<64xi32, #tpu.memory_space<vmem>>
        %dma_start3A_1564 = tpu.memref_slice %arg3[%dma_start3A_1554, %add3A_1541] : memref<2x327680xi32, #tpu.memory_space<hbm>> -> memref<1x64xi32, #tpu.memory_space<hbm>>
        %dma_start3A_1565 = tpu.memref_squeeze %dma_start3A_1564 : memref<1x64xi32, #tpu.memory_space<hbm>> -> memref<64xi32, #tpu.memory_space<hbm>>
        tpu.enqueue_dma source(%dma_start3A_1565 : memref<64xi32, #tpu.memory_space<hbm>>) target(%dma_start3A_1563 : memref<64xi32, #tpu.memory_space<vmem>>) target_semaphore(%arg38 : memref<!tpu.dma_semaphore, #tpu.memory_space<semaphore_mem>>)
      } else {
      }
      %get3A_1109 = arith.constant 1 : i32
      %get3A_1110 = arith.index_cast %get3A_1109 : i32 to index
      %get3A_1111 = arith.constant 0 : index
      %get3A_1112 = tpu.vector_load %arg22[%get3A_1110, %get3A_1111] {strides = array<i32>} : memref<2x64xi32, #tpu.memory_space<vmem>>, vector<16xi32>,
      tpu.vector_store_idx %arg10[%get3A_1112], %broadcast_in_dim3A_1 {add = true} : memref<10240xf32, #tpu.memory_space<vmem>>[vector<16xi32>], vector<16xf32>,
      %get3A_1113 = arith.constant 1 : i32
      %get3A_1114 = arith.index_cast %get3A_1113 : i32 to index
      %get3A_1115 = arith.constant 16 : index
      %get3A_1116 = tpu.vector_load %arg22[%get3A_1114, %get3A_1115] {strides = array<i32>} : memref<2x64xi32, #tpu.memory_space<vmem>>, vector<16xi32>,
      tpu.vector_store_idx %arg10[%get3A_1116], %broadcast_in_dim3A_1 {add = true} : memref<10240xf32, #tpu.memory_space<vmem>>[vector<16xi32>], vector<16xf32>,
      %get3A_1117 = arith.constant 1 : i32
      %get3A_1118 = arith.index_cast %get3A_1117 : i32 to index
      %get3A_1119 = arith.constant 32 : index
      %get3A_1120 = tpu.vector_load %arg22[%get3A_1118, %get3A_1119] {strides = array<i32>} : memref<2x64xi32, #tpu.memory_space<vmem>>, vector<16xi32>,
      tpu.vector_store_idx %arg10[%get3A_1120], %broadcast_in_dim3A_1 {add = true} : memref<10240xf32, #tpu.memory_space<vmem>>[vector<16xi32>], vector<16xf32>,
      %get3A_1121 = arith.constant 1 : i32
      %get3A_1122 = arith.index_cast %get3A_1121 : i32 to index
      %get3A_1123 = arith.constant 48 : index
      %get3A_1124 = tpu.vector_load %arg22[%get3A_1122, %get3A_1123] {strides = array<i32>} : memref<2x64xi32, #tpu.memory_space<vmem>>, vector<16xi32>,
      tpu.vector_store_idx %arg10[%get3A_1124], %broadcast_in_dim3A_1 {add = true} : memref<10240xf32, #tpu.memory_space<vmem>>[vector<16xi32>], vector<16xf32>,
      %mul3A_1125 = arith.constant 8 : i32
      %mul3A_1126 = arith.muli %add3A_880, %mul3A_1125 : i32
      %add3A_1127 = arith.constant 4 : i32
      %add3A_1128 = arith.addi %mul3A_1126, %add3A_1127 : i32
      %mul3A_1129 = arith.constant 64 : i32
      %mul3A_1130 = arith.muli %add3A_1128, %mul3A_1129 : i32
      %add3A_1131 = arith.addi %mul3A_0, %mul3A_1130 : i32
      %dma_wait3A_1132 = arith.constant 0 : i32
      %dma_wait3A_1133 = arith.constant 0 : i32
      %dma_wait3A_1134 = arith.constant 0 : i32
      %dma_wait3A_1135 = tpu.memref_slice %arg23[%dma_wait3A_1133, %dma_wait3A_1134] : memref<2x64xi32, #tpu.memory_space<vmem>> -> memref<1x64xi32, #tpu.memory_space<vmem>>
      %dma_wait3A_1136 = tpu.memref_squeeze %dma_wait3A_1135 : memref<1x64xi32, #tpu.memory_space<vmem>> -> memref<64xi32, #tpu.memory_space<vmem>>
      %dma_wait3A_1137 = tpu.memref_slice %arg3[%dma_wait3A_1132, %add3A_1131] : memref<2x327680xi32, #tpu.memory_space<hbm>> -> memref<1x64xi32, #tpu.memory_space<hbm>>
      %dma_wait3A_1138 = tpu.memref_squeeze %dma_wait3A_1137 : memref<1x64xi32, #tpu.memory_space<hbm>> -> memref<64xi32, #tpu.memory_space<hbm>>
      %dma_wait3A_1139 = arith.constant 0 : i32
      %dma_wait3A_1140 = tpu.memref_slice %arg23[%dma_wait3A_1133, %dma_wait3A_1139] : memref<2x64xi32, #tpu.memory_space<vmem>> -> memref<1x64xi32, #tpu.memory_space<vmem>>
      %dma_wait3A_1141 = tpu.memref_squeeze %dma_wait3A_1140 : memref<1x64xi32, #tpu.memory_space<vmem>> -> memref<64xi32, #tpu.memory_space<vmem>>
      %dma_wait3A_1142 = tpu.memref_slice %arg3[%dma_wait3A_1132, %add3A_1131] : memref<2x327680xi32, #tpu.memory_space<hbm>> -> memref<1x64xi32, #tpu.memory_space<hbm>>
      %dma_wait3A_1143 = tpu.memref_squeeze %dma_wait3A_1142 : memref<1x64xi32, #tpu.memory_space<hbm>> -> memref<64xi32, #tpu.memory_space<hbm>>
      tpu.wait_dma2 semaphore(%arg39 : memref<!tpu.dma_semaphore, #tpu.memory_space<semaphore_mem>>) src(%dma_wait3A_1143 : memref<64xi32, #tpu.memory_space<hbm>>) dst(%dma_wait3A_1141 : memref<64xi32, #tpu.memory_space<vmem>>)
      %dma_wait3A_1144 = arith.constant 1 : i32
      %dma_wait3A_1145 = arith.constant 1 : i32
      %dma_wait3A_1146 = arith.constant 0 : i32
      %dma_wait3A_1147 = tpu.memref_slice %arg23[%dma_wait3A_1145, %dma_wait3A_1146] : memref<2x64xi32, #tpu.memory_space<vmem>> -> memref<1x64xi32, #tpu.memory_space<vmem>>
      %dma_wait3A_1148 = tpu.memref_squeeze %dma_wait3A_1147 : memref<1x64xi32, #tpu.memory_space<vmem>> -> memref<64xi32, #tpu.memory_space<vmem>>
      %dma_wait3A_1149 = tpu.memref_slice %arg3[%dma_wait3A_1144, %add3A_1131] : memref<2x327680xi32, #tpu.memory_space<hbm>> -> memref<1x64xi32, #tpu.memory_space<hbm>>
      %dma_wait3A_1150 = tpu.memref_squeeze %dma_wait3A_1149 : memref<1x64xi32, #tpu.memory_space<hbm>> -> memref<64xi32, #tpu.memory_space<hbm>>
      %dma_wait3A_1151 = arith.constant 0 : i32
      %dma_wait3A_1152 = tpu.memref_slice %arg23[%dma_wait3A_1145, %dma_wait3A_1151] : memref<2x64xi32, #tpu.memory_space<vmem>> -> memref<1x64xi32, #tpu.memory_space<vmem>>
      %dma_wait3A_1153 = tpu.memref_squeeze %dma_wait3A_1152 : memref<1x64xi32, #tpu.memory_space<vmem>> -> memref<64xi32, #tpu.memory_space<vmem>>
      %dma_wait3A_1154 = tpu.memref_slice %arg3[%dma_wait3A_1144, %add3A_1131] : memref<2x327680xi32, #tpu.memory_space<hbm>> -> memref<1x64xi32, #tpu.memory_space<hbm>>
      %dma_wait3A_1155 = tpu.memref_squeeze %dma_wait3A_1154 : memref<1x64xi32, #tpu.memory_space<hbm>> -> memref<64xi32, #tpu.memory_space<hbm>>
      tpu.wait_dma2 semaphore(%arg39 : memref<!tpu.dma_semaphore, #tpu.memory_space<semaphore_mem>>) src(%dma_wait3A_1155 : memref<64xi32, #tpu.memory_space<hbm>>) dst(%dma_wait3A_1153 : memref<64xi32, #tpu.memory_space<vmem>>)
      %dma_start3A_1156 = arith.constant 0 : i32
      %dma_start3A_1157 = arith.constant 0 : i32
      %dma_start3A_1158 = tpu.memref_slice %arg23[%dma_start3A_1156, %dma_start3A_1157] : memref<2x64xi32, #tpu.memory_space<vmem>> -> memref<1x64xi32, #tpu.memory_space<vmem>>
      %dma_start3A_1159 = tpu.memref_squeeze %dma_start3A_1158 : memref<1x64xi32, #tpu.memory_space<vmem>> -> memref<64xi32, #tpu.memory_space<vmem>>
      %dma_start3A_1160 = arith.constant 0 : i32
      %dma_start3A_1161 = arith.constant 0 : i32
      %dma_start3A_1162 = tpu.memref_slice %arg8[%dma_start3A_1160, %dma_start3A_1161] : memref<10240x64xf32, #tpu.memory_space<vmem_shared>> -> memref<10240x64xf32, #tpu.memory_space<vmem_shared>>
      tpu.enqueue_indirect_dma source(%dma_start3A_1162 : memref<10240x64xf32, #tpu.memory_space<vmem_shared>>) target(%arg31 : memref<64x64xf32, #tpu.memory_space<vmem>>) offsets(%dma_start3A_1159 : memref<64xi32, #tpu.memory_space<vmem>>) semaphore(%arg47 : memref<!tpu.dma_semaphore, #tpu.memory_space<semaphore_mem>>)
      %add3A_1163 = arith.constant 8 : i32
      %add3A_1164 = arith.addi %add3A_1128, %add3A_1163 : i32
      %lt3A_1165 = arith.constant 320 : i32
      %lt3A_1166 = arith.cmpi slt, %add3A_1164, %lt3A_1165 : i32
      %convert_element_type3A_1167 = arith.extui %lt3A_1166 : i1 to i32
      %cond3A_1168 = arith.constant 0 : i32
      %cond3A_1169 = arith.cmpi ne, %convert_element_type3A_1167, %cond3A_1168 : i32
      scf.if %cond3A_1169 {
        %add3A_1537 = arith.constant 8 : i32
        %add3A_1538 = arith.addi %add3A_1128, %add3A_1537 : i32
        %mul3A_1539 = arith.constant 64 : i32
        %mul3A_1540 = arith.muli %add3A_1538, %mul3A_1539 : i32
        %add3A_1541 = arith.addi %mul3A_0, %mul3A_1540 : i32
        %dma_start3A_1542 = arith.constant 0 : i32
        %dma_start3A_1543 = arith.constant 0 : i32
        %dma_start3A_1544 = arith.constant 0 : i32
        %dma_start3A_1545 = tpu.memref_slice %arg15[%dma_start3A_1543, %dma_start3A_1544] : memref<2x64xi32, #tpu.memory_space<vmem>> -> memref<1x64xi32, #tpu.memory_space<vmem>>
        %dma_start3A_1546 = tpu.memref_squeeze %dma_start3A_1545 : memref<1x64xi32, #tpu.memory_space<vmem>> -> memref<64xi32, #tpu.memory_space<vmem>>
        %dma_start3A_1547 = tpu.memref_slice %arg3[%dma_start3A_1542, %add3A_1541] : memref<2x327680xi32, #tpu.memory_space<hbm>> -> memref<1x64xi32, #tpu.memory_space<hbm>>
        %dma_start3A_1548 = tpu.memref_squeeze %dma_start3A_1547 : memref<1x64xi32, #tpu.memory_space<hbm>> -> memref<64xi32, #tpu.memory_space<hbm>>
        %dma_start3A_1549 = arith.constant 0 : i32
        %dma_start3A_1550 = tpu.memref_slice %arg15[%dma_start3A_1543, %dma_start3A_1549] : memref<2x64xi32, #tpu.memory_space<vmem>> -> memref<1x64xi32, #tpu.memory_space<vmem>>
        %dma_start3A_1551 = tpu.memref_squeeze %dma_start3A_1550 : memref<1x64xi32, #tpu.memory_space<vmem>> -> memref<64xi32, #tpu.memory_space<vmem>>
        %dma_start3A_1552 = tpu.memref_slice %arg3[%dma_start3A_1542, %add3A_1541] : memref<2x327680xi32, #tpu.memory_space<hbm>> -> memref<1x64xi32, #tpu.memory_space<hbm>>
        %dma_start3A_1553 = tpu.memref_squeeze %dma_start3A_1552 : memref<1x64xi32, #tpu.memory_space<hbm>> -> memref<64xi32, #tpu.memory_space<hbm>>
        tpu.enqueue_dma source(%dma_start3A_1553 : memref<64xi32, #tpu.memory_space<hbm>>) target(%dma_start3A_1551 : memref<64xi32, #tpu.memory_space<vmem>>) target_semaphore(%arg39 : memref<!tpu.dma_semaphore, #tpu.memory_space<semaphore_mem>>)
        %dma_start3A_1554 = arith.constant 1 : i32
        %dma_start3A_1555 = arith.constant 1 : i32
        %dma_start3A_1556 = arith.constant 0 : i32
        %dma_start3A_1557 = tpu.memref_slice %arg15[%dma_start3A_1555, %dma_start3A_1556] : memref<2x64xi32, #tpu.memory_space<vmem>> -> memref<1x64xi32, #tpu.memory_space<vmem>>
        %dma_start3A_1558 = tpu.memref_squeeze %dma_start3A_1557 : memref<1x64xi32, #tpu.memory_space<vmem>> -> memref<64xi32, #tpu.memory_space<vmem>>
        %dma_start3A_1559 = tpu.memref_slice %arg3[%dma_start3A_1554, %add3A_1541] : memref<2x327680xi32, #tpu.memory_space<hbm>> -> memref<1x64xi32, #tpu.memory_space<hbm>>
        %dma_start3A_1560 = tpu.memref_squeeze %dma_start3A_1559 : memref<1x64xi32, #tpu.memory_space<hbm>> -> memref<64xi32, #tpu.memory_space<hbm>>
        %dma_start3A_1561 = arith.constant 0 : i32
        %dma_start3A_1562 = tpu.memref_slice %arg15[%dma_start3A_1555, %dma_start3A_1561] : memref<2x64xi32, #tpu.memory_space<vmem>> -> memref<1x64xi32, #tpu.memory_space<vmem>>
        %dma_start3A_1563 = tpu.memref_squeeze %dma_start3A_1562 : memref<1x64xi32, #tpu.memory_space<vmem>> -> memref<64xi32, #tpu.memory_space<vmem>>
        %dma_start3A_1564 = tpu.memref_slice %arg3[%dma_start3A_1554, %add3A_1541] : memref<2x327680xi32, #tpu.memory_space<hbm>> -> memref<1x64xi32, #tpu.memory_space<hbm>>
        %dma_start3A_1565 = tpu.memref_squeeze %dma_start3A_1564 : memref<1x64xi32, #tpu.memory_space<hbm>> -> memref<64xi32, #tpu.memory_space<hbm>>
        tpu.enqueue_dma source(%dma_start3A_1565 : memref<64xi32, #tpu.memory_space<hbm>>) target(%dma_start3A_1563 : memref<64xi32, #tpu.memory_space<vmem>>) target_semaphore(%arg39 : memref<!tpu.dma_semaphore, #tpu.memory_space<semaphore_mem>>)
      } else {
      }
      %get3A_1170 = arith.constant 1 : i32
      %get3A_1171 = arith.index_cast %get3A_1170 : i32 to index
      %get3A_1172 = arith.constant 0 : index
      %get3A_1173 = tpu.vector_load %arg23[%get3A_1171, %get3A_1172] {strides = array<i32>} : memref<2x64xi32, #tpu.memory_space<vmem>>, vector<16xi32>,
      tpu.vector_store_idx %arg10[%get3A_1173], %broadcast_in_dim3A_1 {add = true} : memref<10240xf32, #tpu.memory_space<vmem>>[vector<16xi32>], vector<16xf32>,
      %get3A_1174 = arith.constant 1 : i32
      %get3A_1175 = arith.index_cast %get3A_1174 : i32 to index
      %get3A_1176 = arith.constant 16 : index
      %get3A_1177 = tpu.vector_load %arg23[%get3A_1175, %get3A_1176] {strides = array<i32>} : memref<2x64xi32, #tpu.memory_space<vmem>>, vector<16xi32>,
      tpu.vector_store_idx %arg10[%get3A_1177], %broadcast_in_dim3A_1 {add = true} : memref<10240xf32, #tpu.memory_space<vmem>>[vector<16xi32>], vector<16xf32>,
      %get3A_1178 = arith.constant 1 : i32
      %get3A_1179 = arith.index_cast %get3A_1178 : i32 to index
      %get3A_1180 = arith.constant 32 : index
      %get3A_1181 = tpu.vector_load %arg23[%get3A_1179, %get3A_1180] {strides = array<i32>} : memref<2x64xi32, #tpu.memory_space<vmem>>, vector<16xi32>,
      tpu.vector_store_idx %arg10[%get3A_1181], %broadcast_in_dim3A_1 {add = true} : memref<10240xf32, #tpu.memory_space<vmem>>[vector<16xi32>], vector<16xf32>,
      %get3A_1182 = arith.constant 1 : i32
      %get3A_1183 = arith.index_cast %get3A_1182 : i32 to index
      %get3A_1184 = arith.constant 48 : index
      %get3A_1185 = tpu.vector_load %arg23[%get3A_1183, %get3A_1184] {strides = array<i32>} : memref<2x64xi32, #tpu.memory_space<vmem>>, vector<16xi32>,
      tpu.vector_store_idx %arg10[%get3A_1185], %broadcast_in_dim3A_1 {add = true} : memref<10240xf32, #tpu.memory_space<vmem>>[vector<16xi32>], vector<16xf32>,
      %mul3A_1186 = arith.constant 8 : i32
      %mul3A_1187 = arith.muli %add3A_880, %mul3A_1186 : i32
      %add3A_1188 = arith.constant 5 : i32
      %add3A_1189 = arith.addi %mul3A_1187, %add3A_1188 : i32
      %mul3A_1190 = arith.constant 64 : i32
      %mul3A_1191 = arith.muli %add3A_1189, %mul3A_1190 : i32
      %add3A_1192 = arith.addi %mul3A_0, %mul3A_1191 : i32
      %dma_wait3A_1193 = arith.constant 0 : i32
      %dma_wait3A_1194 = arith.constant 0 : i32
      %dma_wait3A_1195 = arith.constant 0 : i32
      %dma_wait3A_1196 = tpu.memref_slice %arg24[%dma_wait3A_1194, %dma_wait3A_1195] : memref<2x64xi32, #tpu.memory_space<vmem>> -> memref<1x64xi32, #tpu.memory_space<vmem>>
      %dma_wait3A_1197 = tpu.memref_squeeze %dma_wait3A_1196 : memref<1x64xi32, #tpu.memory_space<vmem>> -> memref<64xi32, #tpu.memory_space<vmem>>
      %dma_wait3A_1198 = tpu.memref_slice %arg3[%dma_wait3A_1193, %add3A_1192] : memref<2x327680xi32, #tpu.memory_space<hbm>> -> memref<1x64xi32, #tpu.memory_space<hbm>>
      %dma_wait3A_1199 = tpu.memref_squeeze %dma_wait3A_1198 : memref<1x64xi32, #tpu.memory_space<hbm>> -> memref<64xi32, #tpu.memory_space<hbm>>
      %dma_wait3A_1200 = arith.constant 0 : i32
      %dma_wait3A_1201 = tpu.memref_slice %arg24[%dma_wait3A_1194, %dma_wait3A_1200] : memref<2x64xi32, #tpu.memory_space<vmem>> -> memref<1x64xi32, #tpu.memory_space<vmem>>
      %dma_wait3A_1202 = tpu.memref_squeeze %dma_wait3A_1201 : memref<1x64xi32, #tpu.memory_space<vmem>> -> memref<64xi32, #tpu.memory_space<vmem>>
      %dma_wait3A_1203 = tpu.memref_slice %arg3[%dma_wait3A_1193, %add3A_1192] : memref<2x327680xi32, #tpu.memory_space<hbm>> -> memref<1x64xi32, #tpu.memory_space<hbm>>
      %dma_wait3A_1204 = tpu.memref_squeeze %dma_wait3A_1203 : memref<1x64xi32, #tpu.memory_space<hbm>> -> memref<64xi32, #tpu.memory_space<hbm>>
      tpu.wait_dma2 semaphore(%arg40 : memref<!tpu.dma_semaphore, #tpu.memory_space<semaphore_mem>>) src(%dma_wait3A_1204 : memref<64xi32, #tpu.memory_space<hbm>>) dst(%dma_wait3A_1202 : memref<64xi32, #tpu.memory_space<vmem>>)
      %dma_wait3A_1205 = arith.constant 1 : i32
      %dma_wait3A_1206 = arith.constant 1 : i32
      %dma_wait3A_1207 = arith.constant 0 : i32
      %dma_wait3A_1208 = tpu.memref_slice %arg24[%dma_wait3A_1206, %dma_wait3A_1207] : memref<2x64xi32, #tpu.memory_space<vmem>> -> memref<1x64xi32, #tpu.memory_space<vmem>>
      %dma_wait3A_1209 = tpu.memref_squeeze %dma_wait3A_1208 : memref<1x64xi32, #tpu.memory_space<vmem>> -> memref<64xi32, #tpu.memory_space<vmem>>
      %dma_wait3A_1210 = tpu.memref_slice %arg3[%dma_wait3A_1205, %add3A_1192] : memref<2x327680xi32, #tpu.memory_space<hbm>> -> memref<1x64xi32, #tpu.memory_space<hbm>>
      %dma_wait3A_1211 = tpu.memref_squeeze %dma_wait3A_1210 : memref<1x64xi32, #tpu.memory_space<hbm>> -> memref<64xi32, #tpu.memory_space<hbm>>
      %dma_wait3A_1212 = arith.constant 0 : i32
      %dma_wait3A_1213 = tpu.memref_slice %arg24[%dma_wait3A_1206, %dma_wait3A_1212] : memref<2x64xi32, #tpu.memory_space<vmem>> -> memref<1x64xi32, #tpu.memory_space<vmem>>
      %dma_wait3A_1214 = tpu.memref_squeeze %dma_wait3A_1213 : memref<1x64xi32, #tpu.memory_space<vmem>> -> memref<64xi32, #tpu.memory_space<vmem>>
      %dma_wait3A_1215 = tpu.memref_slice %arg3[%dma_wait3A_1205, %add3A_1192] : memref<2x327680xi32, #tpu.memory_space<hbm>> -> memref<1x64xi32, #tpu.memory_space<hbm>>
      %dma_wait3A_1216 = tpu.memref_squeeze %dma_wait3A_1215 : memref<1x64xi32, #tpu.memory_space<hbm>> -> memref<64xi32, #tpu.memory_space<hbm>>
      tpu.wait_dma2 semaphore(%arg40 : memref<!tpu.dma_semaphore, #tpu.memory_space<semaphore_mem>>) src(%dma_wait3A_1216 : memref<64xi32, #tpu.memory_space<hbm>>) dst(%dma_wait3A_1214 : memref<64xi32, #tpu.memory_space<vmem>>)
      %dma_start3A_1217 = arith.constant 0 : i32
      %dma_start3A_1218 = arith.constant 0 : i32
      %dma_start3A_1219 = tpu.memref_slice %arg24[%dma_start3A_1217, %dma_start3A_1218] : memref<2x64xi32, #tpu.memory_space<vmem>> -> memref<1x64xi32, #tpu.memory_space<vmem>>
      %dma_start3A_1220 = tpu.memref_squeeze %dma_start3A_1219 : memref<1x64xi32, #tpu.memory_space<vmem>> -> memref<64xi32, #tpu.memory_space<vmem>>
      %dma_start3A_1221 = arith.constant 0 : i32
      %dma_start3A_1222 = arith.constant 0 : i32
      %dma_start3A_1223 = tpu.memref_slice %arg8[%dma_start3A_1221, %dma_start3A_1222] : memref<10240x64xf32, #tpu.memory_space<vmem_shared>> -> memref<10240x64xf32, #tpu.memory_space<vmem_shared>>
      tpu.enqueue_indirect_dma source(%dma_start3A_1223 : memref<10240x64xf32, #tpu.memory_space<vmem_shared>>) target(%arg32 : memref<64x64xf32, #tpu.memory_space<vmem>>) offsets(%dma_start3A_1220 : memref<64xi32, #tpu.memory_space<vmem>>) semaphore(%arg48 : memref<!tpu.dma_semaphore, #tpu.memory_space<semaphore_mem>>)
      %add3A_1224 = arith.constant 8 : i32
      %add3A_1225 = arith.addi %add3A_1189, %add3A_1224 : i32
      %lt3A_1226 = arith.constant 320 : i32
      %lt3A_1227 = arith.cmpi slt, %add3A_1225, %lt3A_1226 : i32
      %convert_element_type3A_1228 = arith.extui %lt3A_1227 : i1 to i32
      %cond3A_1229 = arith.constant 0 : i32
      %cond3A_1230 = arith.cmpi ne, %convert_element_type3A_1228, %cond3A_1229 : i32
      scf.if %cond3A_1230 {
        %add3A_1537 = arith.constant 8 : i32
        %add3A_1538 = arith.addi %add3A_1189, %add3A_1537 : i32
        %mul3A_1539 = arith.constant 64 : i32
        %mul3A_1540 = arith.muli %add3A_1538, %mul3A_1539 : i32
        %add3A_1541 = arith.addi %mul3A_0, %mul3A_1540 : i32
        %dma_start3A_1542 = arith.constant 0 : i32
        %dma_start3A_1543 = arith.constant 0 : i32
        %dma_start3A_1544 = arith.constant 0 : i32
        %dma_start3A_1545 = tpu.memref_slice %arg16[%dma_start3A_1543, %dma_start3A_1544] : memref<2x64xi32, #tpu.memory_space<vmem>> -> memref<1x64xi32, #tpu.memory_space<vmem>>
        %dma_start3A_1546 = tpu.memref_squeeze %dma_start3A_1545 : memref<1x64xi32, #tpu.memory_space<vmem>> -> memref<64xi32, #tpu.memory_space<vmem>>
        %dma_start3A_1547 = tpu.memref_slice %arg3[%dma_start3A_1542, %add3A_1541] : memref<2x327680xi32, #tpu.memory_space<hbm>> -> memref<1x64xi32, #tpu.memory_space<hbm>>
        %dma_start3A_1548 = tpu.memref_squeeze %dma_start3A_1547 : memref<1x64xi32, #tpu.memory_space<hbm>> -> memref<64xi32, #tpu.memory_space<hbm>>
        %dma_start3A_1549 = arith.constant 0 : i32
        %dma_start3A_1550 = tpu.memref_slice %arg16[%dma_start3A_1543, %dma_start3A_1549] : memref<2x64xi32, #tpu.memory_space<vmem>> -> memref<1x64xi32, #tpu.memory_space<vmem>>
        %dma_start3A_1551 = tpu.memref_squeeze %dma_start3A_1550 : memref<1x64xi32, #tpu.memory_space<vmem>> -> memref<64xi32, #tpu.memory_space<vmem>>
        %dma_start3A_1552 = tpu.memref_slice %arg3[%dma_start3A_1542, %add3A_1541] : memref<2x327680xi32, #tpu.memory_space<hbm>> -> memref<1x64xi32, #tpu.memory_space<hbm>>
        %dma_start3A_1553 = tpu.memref_squeeze %dma_start3A_1552 : memref<1x64xi32, #tpu.memory_space<hbm>> -> memref<64xi32, #tpu.memory_space<hbm>>
        tpu.enqueue_dma source(%dma_start3A_1553 : memref<64xi32, #tpu.memory_space<hbm>>) target(%dma_start3A_1551 : memref<64xi32, #tpu.memory_space<vmem>>) target_semaphore(%arg40 : memref<!tpu.dma_semaphore, #tpu.memory_space<semaphore_mem>>)
        %dma_start3A_1554 = arith.constant 1 : i32
        %dma_start3A_1555 = arith.constant 1 : i32
        %dma_start3A_1556 = arith.constant 0 : i32
        %dma_start3A_1557 = tpu.memref_slice %arg16[%dma_start3A_1555, %dma_start3A_1556] : memref<2x64xi32, #tpu.memory_space<vmem>> -> memref<1x64xi32, #tpu.memory_space<vmem>>
        %dma_start3A_1558 = tpu.memref_squeeze %dma_start3A_1557 : memref<1x64xi32, #tpu.memory_space<vmem>> -> memref<64xi32, #tpu.memory_space<vmem>>
        %dma_start3A_1559 = tpu.memref_slice %arg3[%dma_start3A_1554, %add3A_1541] : memref<2x327680xi32, #tpu.memory_space<hbm>> -> memref<1x64xi32, #tpu.memory_space<hbm>>
        %dma_start3A_1560 = tpu.memref_squeeze %dma_start3A_1559 : memref<1x64xi32, #tpu.memory_space<hbm>> -> memref<64xi32, #tpu.memory_space<hbm>>
        %dma_start3A_1561 = arith.constant 0 : i32
        %dma_start3A_1562 = tpu.memref_slice %arg16[%dma_start3A_1555, %dma_start3A_1561] : memref<2x64xi32, #tpu.memory_space<vmem>> -> memref<1x64xi32, #tpu.memory_space<vmem>>
        %dma_start3A_1563 = tpu.memref_squeeze %dma_start3A_1562 : memref<1x64xi32, #tpu.memory_space<vmem>> -> memref<64xi32, #tpu.memory_space<vmem>>
        %dma_start3A_1564 = tpu.memref_slice %arg3[%dma_start3A_1554, %add3A_1541] : memref<2x327680xi32, #tpu.memory_space<hbm>> -> memref<1x64xi32, #tpu.memory_space<hbm>>
        %dma_start3A_1565 = tpu.memref_squeeze %dma_start3A_1564 : memref<1x64xi32, #tpu.memory_space<hbm>> -> memref<64xi32, #tpu.memory_space<hbm>>
        tpu.enqueue_dma source(%dma_start3A_1565 : memref<64xi32, #tpu.memory_space<hbm>>) target(%dma_start3A_1563 : memref<64xi32, #tpu.memory_space<vmem>>) target_semaphore(%arg40 : memref<!tpu.dma_semaphore, #tpu.memory_space<semaphore_mem>>)
      } else {
      }
      %get3A_1231 = arith.constant 1 : i32
      %get3A_1232 = arith.index_cast %get3A_1231 : i32 to index
      %get3A_1233 = arith.constant 0 : index
      %get3A_1234 = tpu.vector_load %arg24[%get3A_1232, %get3A_1233] {strides = array<i32>} : memref<2x64xi32, #tpu.memory_space<vmem>>, vector<16xi32>,
      tpu.vector_store_idx %arg10[%get3A_1234], %broadcast_in_dim3A_1 {add = true} : memref<10240xf32, #tpu.memory_space<vmem>>[vector<16xi32>], vector<16xf32>,
      %get3A_1235 = arith.constant 1 : i32
      %get3A_1236 = arith.index_cast %get3A_1235 : i32 to index
      %get3A_1237 = arith.constant 16 : index
      %get3A_1238 = tpu.vector_load %arg24[%get3A_1236, %get3A_1237] {strides = array<i32>} : memref<2x64xi32, #tpu.memory_space<vmem>>, vector<16xi32>,
      tpu.vector_store_idx %arg10[%get3A_1238], %broadcast_in_dim3A_1 {add = true} : memref<10240xf32, #tpu.memory_space<vmem>>[vector<16xi32>], vector<16xf32>,
      %get3A_1239 = arith.constant 1 : i32
      %get3A_1240 = arith.index_cast %get3A_1239 : i32 to index
      %get3A_1241 = arith.constant 32 : index
      %get3A_1242 = tpu.vector_load %arg24[%get3A_1240, %get3A_1241] {strides = array<i32>} : memref<2x64xi32, #tpu.memory_space<vmem>>, vector<16xi32>,
      tpu.vector_store_idx %arg10[%get3A_1242], %broadcast_in_dim3A_1 {add = true} : memref<10240xf32, #tpu.memory_space<vmem>>[vector<16xi32>], vector<16xf32>,
      %get3A_1243 = arith.constant 1 : i32
      %get3A_1244 = arith.index_cast %get3A_1243 : i32 to index
      %get3A_1245 = arith.constant 48 : index
      %get3A_1246 = tpu.vector_load %arg24[%get3A_1244, %get3A_1245] {strides = array<i32>} : memref<2x64xi32, #tpu.memory_space<vmem>>, vector<16xi32>,
      tpu.vector_store_idx %arg10[%get3A_1246], %broadcast_in_dim3A_1 {add = true} : memref<10240xf32, #tpu.memory_space<vmem>>[vector<16xi32>], vector<16xf32>,
      %mul3A_1247 = arith.constant 8 : i32
      %mul3A_1248 = arith.muli %add3A_880, %mul3A_1247 : i32
      %add3A_1249 = arith.constant 6 : i32
      %add3A_1250 = arith.addi %mul3A_1248, %add3A_1249 : i32
      %mul3A_1251 = arith.constant 64 : i32
      %mul3A_1252 = arith.muli %add3A_1250, %mul3A_1251 : i32
      %add3A_1253 = arith.addi %mul3A_0, %mul3A_1252 : i32
      %dma_wait3A_1254 = arith.constant 0 : i32
      %dma_wait3A_1255 = arith.constant 0 : i32
      %dma_wait3A_1256 = arith.constant 0 : i32
      %dma_wait3A_1257 = tpu.memref_slice %arg25[%dma_wait3A_1255, %dma_wait3A_1256] : memref<2x64xi32, #tpu.memory_space<vmem>> -> memref<1x64xi32, #tpu.memory_space<vmem>>
      %dma_wait3A_1258 = tpu.memref_squeeze %dma_wait3A_1257 : memref<1x64xi32, #tpu.memory_space<vmem>> -> memref<64xi32, #tpu.memory_space<vmem>>
      %dma_wait3A_1259 = tpu.memref_slice %arg3[%dma_wait3A_1254, %add3A_1253] : memref<2x327680xi32, #tpu.memory_space<hbm>> -> memref<1x64xi32, #tpu.memory_space<hbm>>
      %dma_wait3A_1260 = tpu.memref_squeeze %dma_wait3A_1259 : memref<1x64xi32, #tpu.memory_space<hbm>> -> memref<64xi32, #tpu.memory_space<hbm>>
      %dma_wait3A_1261 = arith.constant 0 : i32
      %dma_wait3A_1262 = tpu.memref_slice %arg25[%dma_wait3A_1255, %dma_wait3A_1261] : memref<2x64xi32, #tpu.memory_space<vmem>> -> memref<1x64xi32, #tpu.memory_space<vmem>>
      %dma_wait3A_1263 = tpu.memref_squeeze %dma_wait3A_1262 : memref<1x64xi32, #tpu.memory_space<vmem>> -> memref<64xi32, #tpu.memory_space<vmem>>
      %dma_wait3A_1264 = tpu.memref_slice %arg3[%dma_wait3A_1254, %add3A_1253] : memref<2x327680xi32, #tpu.memory_space<hbm>> -> memref<1x64xi32, #tpu.memory_space<hbm>>
      %dma_wait3A_1265 = tpu.memref_squeeze %dma_wait3A_1264 : memref<1x64xi32, #tpu.memory_space<hbm>> -> memref<64xi32, #tpu.memory_space<hbm>>
      tpu.wait_dma2 semaphore(%arg41 : memref<!tpu.dma_semaphore, #tpu.memory_space<semaphore_mem>>) src(%dma_wait3A_1265 : memref<64xi32, #tpu.memory_space<hbm>>) dst(%dma_wait3A_1263 : memref<64xi32, #tpu.memory_space<vmem>>)
      %dma_wait3A_1266 = arith.constant 1 : i32
      %dma_wait3A_1267 = arith.constant 1 : i32
      %dma_wait3A_1268 = arith.constant 0 : i32
      %dma_wait3A_1269 = tpu.memref_slice %arg25[%dma_wait3A_1267, %dma_wait3A_1268] : memref<2x64xi32, #tpu.memory_space<vmem>> -> memref<1x64xi32, #tpu.memory_space<vmem>>
      %dma_wait3A_1270 = tpu.memref_squeeze %dma_wait3A_1269 : memref<1x64xi32, #tpu.memory_space<vmem>> -> memref<64xi32, #tpu.memory_space<vmem>>
      %dma_wait3A_1271 = tpu.memref_slice %arg3[%dma_wait3A_1266, %add3A_1253] : memref<2x327680xi32, #tpu.memory_space<hbm>> -> memref<1x64xi32, #tpu.memory_space<hbm>>
      %dma_wait3A_1272 = tpu.memref_squeeze %dma_wait3A_1271 : memref<1x64xi32, #tpu.memory_space<hbm>> -> memref<64xi32, #tpu.memory_space<hbm>>
      %dma_wait3A_1273 = arith.constant 0 : i32
      %dma_wait3A_1274 = tpu.memref_slice %arg25[%dma_wait3A_1267, %dma_wait3A_1273] : memref<2x64xi32, #tpu.memory_space<vmem>> -> memref<1x64xi32, #tpu.memory_space<vmem>>
      %dma_wait3A_1275 = tpu.memref_squeeze %dma_wait3A_1274 : memref<1x64xi32, #tpu.memory_space<vmem>> -> memref<64xi32, #tpu.memory_space<vmem>>
      %dma_wait3A_1276 = tpu.memref_slice %arg3[%dma_wait3A_1266, %add3A_1253] : memref<2x327680xi32, #tpu.memory_space<hbm>> -> memref<1x64xi32, #tpu.memory_space<hbm>>
      %dma_wait3A_1277 = tpu.memref_squeeze %dma_wait3A_1276 : memref<1x64xi32, #tpu.memory_space<hbm>> -> memref<64xi32, #tpu.memory_space<hbm>>
      tpu.wait_dma2 semaphore(%arg41 : memref<!tpu.dma_semaphore, #tpu.memory_space<semaphore_mem>>) src(%dma_wait3A_1277 : memref<64xi32, #tpu.memory_space<hbm>>) dst(%dma_wait3A_1275 : memref<64xi32, #tpu.memory_space<vmem>>)
      %dma_start3A_1278 = arith.constant 0 : i32
      %dma_start3A_1279 = arith.constant 0 : i32
      %dma_start3A_1280 = tpu.memref_slice %arg25[%dma_start3A_1278, %dma_start3A_1279] : memref<2x64xi32, #tpu.memory_space<vmem>> -> memref<1x64xi32, #tpu.memory_space<vmem>>
      %dma_start3A_1281 = tpu.memref_squeeze %dma_start3A_1280 : memref<1x64xi32, #tpu.memory_space<vmem>> -> memref<64xi32, #tpu.memory_space<vmem>>
      %dma_start3A_1282 = arith.constant 0 : i32
      %dma_start3A_1283 = arith.constant 0 : i32
      %dma_start3A_1284 = tpu.memref_slice %arg8[%dma_start3A_1282, %dma_start3A_1283] : memref<10240x64xf32, #tpu.memory_space<vmem_shared>> -> memref<10240x64xf32, #tpu.memory_space<vmem_shared>>
      tpu.enqueue_indirect_dma source(%dma_start3A_1284 : memref<10240x64xf32, #tpu.memory_space<vmem_shared>>) target(%arg33 : memref<64x64xf32, #tpu.memory_space<vmem>>) offsets(%dma_start3A_1281 : memref<64xi32, #tpu.memory_space<vmem>>) semaphore(%arg49 : memref<!tpu.dma_semaphore, #tpu.memory_space<semaphore_mem>>)
      %add3A_1285 = arith.constant 8 : i32
      %add3A_1286 = arith.addi %add3A_1250, %add3A_1285 : i32
      %lt3A_1287 = arith.constant 320 : i32
      %lt3A_1288 = arith.cmpi slt, %add3A_1286, %lt3A_1287 : i32
      %convert_element_type3A_1289 = arith.extui %lt3A_1288 : i1 to i32
      %cond3A_1290 = arith.constant 0 : i32
      %cond3A_1291 = arith.cmpi ne, %convert_element_type3A_1289, %cond3A_1290 : i32
      scf.if %cond3A_1291 {
        %add3A_1537 = arith.constant 8 : i32
        %add3A_1538 = arith.addi %add3A_1250, %add3A_1537 : i32
        %mul3A_1539 = arith.constant 64 : i32
        %mul3A_1540 = arith.muli %add3A_1538, %mul3A_1539 : i32
        %add3A_1541 = arith.addi %mul3A_0, %mul3A_1540 : i32
        %dma_start3A_1542 = arith.constant 0 : i32
        %dma_start3A_1543 = arith.constant 0 : i32
        %dma_start3A_1544 = arith.constant 0 : i32
        %dma_start3A_1545 = tpu.memref_slice %arg17[%dma_start3A_1543, %dma_start3A_1544] : memref<2x64xi32, #tpu.memory_space<vmem>> -> memref<1x64xi32, #tpu.memory_space<vmem>>
        %dma_start3A_1546 = tpu.memref_squeeze %dma_start3A_1545 : memref<1x64xi32, #tpu.memory_space<vmem>> -> memref<64xi32, #tpu.memory_space<vmem>>
        %dma_start3A_1547 = tpu.memref_slice %arg3[%dma_start3A_1542, %add3A_1541] : memref<2x327680xi32, #tpu.memory_space<hbm>> -> memref<1x64xi32, #tpu.memory_space<hbm>>
        %dma_start3A_1548 = tpu.memref_squeeze %dma_start3A_1547 : memref<1x64xi32, #tpu.memory_space<hbm>> -> memref<64xi32, #tpu.memory_space<hbm>>
        %dma_start3A_1549 = arith.constant 0 : i32
        %dma_start3A_1550 = tpu.memref_slice %arg17[%dma_start3A_1543, %dma_start3A_1549] : memref<2x64xi32, #tpu.memory_space<vmem>> -> memref<1x64xi32, #tpu.memory_space<vmem>>
        %dma_start3A_1551 = tpu.memref_squeeze %dma_start3A_1550 : memref<1x64xi32, #tpu.memory_space<vmem>> -> memref<64xi32, #tpu.memory_space<vmem>>
        %dma_start3A_1552 = tpu.memref_slice %arg3[%dma_start3A_1542, %add3A_1541] : memref<2x327680xi32, #tpu.memory_space<hbm>> -> memref<1x64xi32, #tpu.memory_space<hbm>>
        %dma_start3A_1553 = tpu.memref_squeeze %dma_start3A_1552 : memref<1x64xi32, #tpu.memory_space<hbm>> -> memref<64xi32, #tpu.memory_space<hbm>>
        tpu.enqueue_dma source(%dma_start3A_1553 : memref<64xi32, #tpu.memory_space<hbm>>) target(%dma_start3A_1551 : memref<64xi32, #tpu.memory_space<vmem>>) target_semaphore(%arg41 : memref<!tpu.dma_semaphore, #tpu.memory_space<semaphore_mem>>)
        %dma_start3A_1554 = arith.constant 1 : i32
        %dma_start3A_1555 = arith.constant 1 : i32
        %dma_start3A_1556 = arith.constant 0 : i32
        %dma_start3A_1557 = tpu.memref_slice %arg17[%dma_start3A_1555, %dma_start3A_1556] : memref<2x64xi32, #tpu.memory_space<vmem>> -> memref<1x64xi32, #tpu.memory_space<vmem>>
        %dma_start3A_1558 = tpu.memref_squeeze %dma_start3A_1557 : memref<1x64xi32, #tpu.memory_space<vmem>> -> memref<64xi32, #tpu.memory_space<vmem>>
        %dma_start3A_1559 = tpu.memref_slice %arg3[%dma_start3A_1554, %add3A_1541] : memref<2x327680xi32, #tpu.memory_space<hbm>> -> memref<1x64xi32, #tpu.memory_space<hbm>>
        %dma_start3A_1560 = tpu.memref_squeeze %dma_start3A_1559 : memref<1x64xi32, #tpu.memory_space<hbm>> -> memref<64xi32, #tpu.memory_space<hbm>>
        %dma_start3A_1561 = arith.constant 0 : i32
        %dma_start3A_1562 = tpu.memref_slice %arg17[%dma_start3A_1555, %dma_start3A_1561] : memref<2x64xi32, #tpu.memory_space<vmem>> -> memref<1x64xi32, #tpu.memory_space<vmem>>
        %dma_start3A_1563 = tpu.memref_squeeze %dma_start3A_1562 : memref<1x64xi32, #tpu.memory_space<vmem>> -> memref<64xi32, #tpu.memory_space<vmem>>
        %dma_start3A_1564 = tpu.memref_slice %arg3[%dma_start3A_1554, %add3A_1541] : memref<2x327680xi32, #tpu.memory_space<hbm>> -> memref<1x64xi32, #tpu.memory_space<hbm>>
        %dma_start3A_1565 = tpu.memref_squeeze %dma_start3A_1564 : memref<1x64xi32, #tpu.memory_space<hbm>> -> memref<64xi32, #tpu.memory_space<hbm>>
        tpu.enqueue_dma source(%dma_start3A_1565 : memref<64xi32, #tpu.memory_space<hbm>>) target(%dma_start3A_1563 : memref<64xi32, #tpu.memory_space<vmem>>) target_semaphore(%arg41 : memref<!tpu.dma_semaphore, #tpu.memory_space<semaphore_mem>>)
      } else {
      }
      %get3A_1292 = arith.constant 1 : i32
      %get3A_1293 = arith.index_cast %get3A_1292 : i32 to index
      %get3A_1294 = arith.constant 0 : index
      %get3A_1295 = tpu.vector_load %arg25[%get3A_1293, %get3A_1294] {strides = array<i32>} : memref<2x64xi32, #tpu.memory_space<vmem>>, vector<16xi32>,
      tpu.vector_store_idx %arg10[%get3A_1295], %broadcast_in_dim3A_1 {add = true} : memref<10240xf32, #tpu.memory_space<vmem>>[vector<16xi32>], vector<16xf32>,
      %get3A_1296 = arith.constant 1 : i32
      %get3A_1297 = arith.index_cast %get3A_1296 : i32 to index
      %get3A_1298 = arith.constant 16 : index
      %get3A_1299 = tpu.vector_load %arg25[%get3A_1297, %get3A_1298] {strides = array<i32>} : memref<2x64xi32, #tpu.memory_space<vmem>>, vector<16xi32>,
      tpu.vector_store_idx %arg10[%get3A_1299], %broadcast_in_dim3A_1 {add = true} : memref<10240xf32, #tpu.memory_space<vmem>>[vector<16xi32>], vector<16xf32>,
      %get3A_1300 = arith.constant 1 : i32
      %get3A_1301 = arith.index_cast %get3A_1300 : i32 to index
      %get3A_1302 = arith.constant 32 : index
      %get3A_1303 = tpu.vector_load %arg25[%get3A_1301, %get3A_1302] {strides = array<i32>} : memref<2x64xi32, #tpu.memory_space<vmem>>, vector<16xi32>,
      tpu.vector_store_idx %arg10[%get3A_1303], %broadcast_in_dim3A_1 {add = true} : memref<10240xf32, #tpu.memory_space<vmem>>[vector<16xi32>], vector<16xf32>,
      %get3A_1304 = arith.constant 1 : i32
      %get3A_1305 = arith.index_cast %get3A_1304 : i32 to index
      %get3A_1306 = arith.constant 48 : index
      %get3A_1307 = tpu.vector_load %arg25[%get3A_1305, %get3A_1306] {strides = array<i32>} : memref<2x64xi32, #tpu.memory_space<vmem>>, vector<16xi32>,
      tpu.vector_store_idx %arg10[%get3A_1307], %broadcast_in_dim3A_1 {add = true} : memref<10240xf32, #tpu.memory_space<vmem>>[vector<16xi32>], vector<16xf32>,
      %mul3A_1308 = arith.constant 8 : i32
      %mul3A_1309 = arith.muli %add3A_880, %mul3A_1308 : i32
      %add3A_1310 = arith.constant 7 : i32
      %add3A_1311 = arith.addi %mul3A_1309, %add3A_1310 : i32
      %mul3A_1312 = arith.constant 64 : i32
      %mul3A_1313 = arith.muli %add3A_1311, %mul3A_1312 : i32
      %add3A_1314 = arith.addi %mul3A_0, %mul3A_1313 : i32
      %dma_wait3A_1315 = arith.constant 0 : i32
      %dma_wait3A_1316 = arith.constant 0 : i32
      %dma_wait3A_1317 = arith.constant 0 : i32
      %dma_wait3A_1318 = tpu.memref_slice %arg26[%dma_wait3A_1316, %dma_wait3A_1317] : memref<2x64xi32, #tpu.memory_space<vmem>> -> memref<1x64xi32, #tpu.memory_space<vmem>>
      %dma_wait3A_1319 = tpu.memref_squeeze %dma_wait3A_1318 : memref<1x64xi32, #tpu.memory_space<vmem>> -> memref<64xi32, #tpu.memory_space<vmem>>
      %dma_wait3A_1320 = tpu.memref_slice %arg3[%dma_wait3A_1315, %add3A_1314] : memref<2x327680xi32, #tpu.memory_space<hbm>> -> memref<1x64xi32, #tpu.memory_space<hbm>>
      %dma_wait3A_1321 = tpu.memref_squeeze %dma_wait3A_1320 : memref<1x64xi32, #tpu.memory_space<hbm>> -> memref<64xi32, #tpu.memory_space<hbm>>
      %dma_wait3A_1322 = arith.constant 0 : i32
      %dma_wait3A_1323 = tpu.memref_slice %arg26[%dma_wait3A_1316, %dma_wait3A_1322] : memref<2x64xi32, #tpu.memory_space<vmem>> -> memref<1x64xi32, #tpu.memory_space<vmem>>
      %dma_wait3A_1324 = tpu.memref_squeeze %dma_wait3A_1323 : memref<1x64xi32, #tpu.memory_space<vmem>> -> memref<64xi32, #tpu.memory_space<vmem>>
      %dma_wait3A_1325 = tpu.memref_slice %arg3[%dma_wait3A_1315, %add3A_1314] : memref<2x327680xi32, #tpu.memory_space<hbm>> -> memref<1x64xi32, #tpu.memory_space<hbm>>
      %dma_wait3A_1326 = tpu.memref_squeeze %dma_wait3A_1325 : memref<1x64xi32, #tpu.memory_space<hbm>> -> memref<64xi32, #tpu.memory_space<hbm>>
      tpu.wait_dma2 semaphore(%arg42 : memref<!tpu.dma_semaphore, #tpu.memory_space<semaphore_mem>>) src(%dma_wait3A_1326 : memref<64xi32, #tpu.memory_space<hbm>>) dst(%dma_wait3A_1324 : memref<64xi32, #tpu.memory_space<vmem>>)
      %dma_wait3A_1327 = arith.constant 1 : i32
      %dma_wait3A_1328 = arith.constant 1 : i32
      %dma_wait3A_1329 = arith.constant 0 : i32
      %dma_wait3A_1330 = tpu.memref_slice %arg26[%dma_wait3A_1328, %dma_wait3A_1329] : memref<2x64xi32, #tpu.memory_space<vmem>> -> memref<1x64xi32, #tpu.memory_space<vmem>>
      %dma_wait3A_1331 = tpu.memref_squeeze %dma_wait3A_1330 : memref<1x64xi32, #tpu.memory_space<vmem>> -> memref<64xi32, #tpu.memory_space<vmem>>
      %dma_wait3A_1332 = tpu.memref_slice %arg3[%dma_wait3A_1327, %add3A_1314] : memref<2x327680xi32, #tpu.memory_space<hbm>> -> memref<1x64xi32, #tpu.memory_space<hbm>>
      %dma_wait3A_1333 = tpu.memref_squeeze %dma_wait3A_1332 : memref<1x64xi32, #tpu.memory_space<hbm>> -> memref<64xi32, #tpu.memory_space<hbm>>
      %dma_wait3A_1334 = arith.constant 0 : i32
      %dma_wait3A_1335 = tpu.memref_slice %arg26[%dma_wait3A_1328, %dma_wait3A_1334] : memref<2x64xi32, #tpu.memory_space<vmem>> -> memref<1x64xi32, #tpu.memory_space<vmem>>
      %dma_wait3A_1336 = tpu.memref_squeeze %dma_wait3A_1335 : memref<1x64xi32, #tpu.memory_space<vmem>> -> memref<64xi32, #tpu.memory_space<vmem>>
      %dma_wait3A_1337 = tpu.memref_slice %arg3[%dma_wait3A_1327, %add3A_1314] : memref<2x327680xi32, #tpu.memory_space<hbm>> -> memref<1x64xi32, #tpu.memory_space<hbm>>
      %dma_wait3A_1338 = tpu.memref_squeeze %dma_wait3A_1337 : memref<1x64xi32, #tpu.memory_space<hbm>> -> memref<64xi32, #tpu.memory_space<hbm>>
      tpu.wait_dma2 semaphore(%arg42 : memref<!tpu.dma_semaphore, #tpu.memory_space<semaphore_mem>>) src(%dma_wait3A_1338 : memref<64xi32, #tpu.memory_space<hbm>>) dst(%dma_wait3A_1336 : memref<64xi32, #tpu.memory_space<vmem>>)
      %dma_start3A_1339 = arith.constant 0 : i32
      %dma_start3A_1340 = arith.constant 0 : i32
      %dma_start3A_1341 = tpu.memref_slice %arg26[%dma_start3A_1339, %dma_start3A_1340] : memref<2x64xi32, #tpu.memory_space<vmem>> -> memref<1x64xi32, #tpu.memory_space<vmem>>
      %dma_start3A_1342 = tpu.memref_squeeze %dma_start3A_1341 : memref<1x64xi32, #tpu.memory_space<vmem>> -> memref<64xi32, #tpu.memory_space<vmem>>
      %dma_start3A_1343 = arith.constant 0 : i32
      %dma_start3A_1344 = arith.constant 0 : i32
      %dma_start3A_1345 = tpu.memref_slice %arg8[%dma_start3A_1343, %dma_start3A_1344] : memref<10240x64xf32, #tpu.memory_space<vmem_shared>> -> memref<10240x64xf32, #tpu.memory_space<vmem_shared>>
      tpu.enqueue_indirect_dma source(%dma_start3A_1345 : memref<10240x64xf32, #tpu.memory_space<vmem_shared>>) target(%arg34 : memref<64x64xf32, #tpu.memory_space<vmem>>) offsets(%dma_start3A_1342 : memref<64xi32, #tpu.memory_space<vmem>>) semaphore(%arg50 : memref<!tpu.dma_semaphore, #tpu.memory_space<semaphore_mem>>)
      %add3A_1346 = arith.constant 8 : i32
      %add3A_1347 = arith.addi %add3A_1311, %add3A_1346 : i32
      %lt3A_1348 = arith.constant 320 : i32
      %lt3A_1349 = arith.cmpi slt, %add3A_1347, %lt3A_1348 : i32
      %convert_element_type3A_1350 = arith.extui %lt3A_1349 : i1 to i32
      %cond3A_1351 = arith.constant 0 : i32
      %cond3A_1352 = arith.cmpi ne, %convert_element_type3A_1350, %cond3A_1351 : i32
      scf.if %cond3A_1352 {
        %add3A_1537 = arith.constant 8 : i32
        %add3A_1538 = arith.addi %add3A_1311, %add3A_1537 : i32
        %mul3A_1539 = arith.constant 64 : i32
        %mul3A_1540 = arith.muli %add3A_1538, %mul3A_1539 : i32
        %add3A_1541 = arith.addi %mul3A_0, %mul3A_1540 : i32
        %dma_start3A_1542 = arith.constant 0 : i32
        %dma_start3A_1543 = arith.constant 0 : i32
        %dma_start3A_1544 = arith.constant 0 : i32
        %dma_start3A_1545 = tpu.memref_slice %arg18[%dma_start3A_1543, %dma_start3A_1544] : memref<2x64xi32, #tpu.memory_space<vmem>> -> memref<1x64xi32, #tpu.memory_space<vmem>>
        %dma_start3A_1546 = tpu.memref_squeeze %dma_start3A_1545 : memref<1x64xi32, #tpu.memory_space<vmem>> -> memref<64xi32, #tpu.memory_space<vmem>>
        %dma_start3A_1547 = tpu.memref_slice %arg3[%dma_start3A_1542, %add3A_1541] : memref<2x327680xi32, #tpu.memory_space<hbm>> -> memref<1x64xi32, #tpu.memory_space<hbm>>
        %dma_start3A_1548 = tpu.memref_squeeze %dma_start3A_1547 : memref<1x64xi32, #tpu.memory_space<hbm>> -> memref<64xi32, #tpu.memory_space<hbm>>
        %dma_start3A_1549 = arith.constant 0 : i32
        %dma_start3A_1550 = tpu.memref_slice %arg18[%dma_start3A_1543, %dma_start3A_1549] : memref<2x64xi32, #tpu.memory_space<vmem>> -> memref<1x64xi32, #tpu.memory_space<vmem>>
        %dma_start3A_1551 = tpu.memref_squeeze %dma_start3A_1550 : memref<1x64xi32, #tpu.memory_space<vmem>> -> memref<64xi32, #tpu.memory_space<vmem>>
        %dma_start3A_1552 = tpu.memref_slice %arg3[%dma_start3A_1542, %add3A_1541] : memref<2x327680xi32, #tpu.memory_space<hbm>> -> memref<1x64xi32, #tpu.memory_space<hbm>>
        %dma_start3A_1553 = tpu.memref_squeeze %dma_start3A_1552 : memref<1x64xi32, #tpu.memory_space<hbm>> -> memref<64xi32, #tpu.memory_space<hbm>>
        tpu.enqueue_dma source(%dma_start3A_1553 : memref<64xi32, #tpu.memory_space<hbm>>) target(%dma_start3A_1551 : memref<64xi32, #tpu.memory_space<vmem>>) target_semaphore(%arg42 : memref<!tpu.dma_semaphore, #tpu.memory_space<semaphore_mem>>)
        %dma_start3A_1554 = arith.constant 1 : i32
        %dma_start3A_1555 = arith.constant 1 : i32
        %dma_start3A_1556 = arith.constant 0 : i32
        %dma_start3A_1557 = tpu.memref_slice %arg18[%dma_start3A_1555, %dma_start3A_1556] : memref<2x64xi32, #tpu.memory_space<vmem>> -> memref<1x64xi32, #tpu.memory_space<vmem>>
        %dma_start3A_1558 = tpu.memref_squeeze %dma_start3A_1557 : memref<1x64xi32, #tpu.memory_space<vmem>> -> memref<64xi32, #tpu.memory_space<vmem>>
        %dma_start3A_1559 = tpu.memref_slice %arg3[%dma_start3A_1554, %add3A_1541] : memref<2x327680xi32, #tpu.memory_space<hbm>> -> memref<1x64xi32, #tpu.memory_space<hbm>>
        %dma_start3A_1560 = tpu.memref_squeeze %dma_start3A_1559 : memref<1x64xi32, #tpu.memory_space<hbm>> -> memref<64xi32, #tpu.memory_space<hbm>>
        %dma_start3A_1561 = arith.constant 0 : i32
        %dma_start3A_1562 = tpu.memref_slice %arg18[%dma_start3A_1555, %dma_start3A_1561] : memref<2x64xi32, #tpu.memory_space<vmem>> -> memref<1x64xi32, #tpu.memory_space<vmem>>
        %dma_start3A_1563 = tpu.memref_squeeze %dma_start3A_1562 : memref<1x64xi32, #tpu.memory_space<vmem>> -> memref<64xi32, #tpu.memory_space<vmem>>
        %dma_start3A_1564 = tpu.memref_slice %arg3[%dma_start3A_1554, %add3A_1541] : memref<2x327680xi32, #tpu.memory_space<hbm>> -> memref<1x64xi32, #tpu.memory_space<hbm>>
        %dma_start3A_1565 = tpu.memref_squeeze %dma_start3A_1564 : memref<1x64xi32, #tpu.memory_space<hbm>> -> memref<64xi32, #tpu.memory_space<hbm>>
        tpu.enqueue_dma source(%dma_start3A_1565 : memref<64xi32, #tpu.memory_space<hbm>>) target(%dma_start3A_1563 : memref<64xi32, #tpu.memory_space<vmem>>) target_semaphore(%arg42 : memref<!tpu.dma_semaphore, #tpu.memory_space<semaphore_mem>>)
      } else {
      }
      %get3A_1353 = arith.constant 1 : i32
      %get3A_1354 = arith.index_cast %get3A_1353 : i32 to index
      %get3A_1355 = arith.constant 0 : index
      %get3A_1356 = tpu.vector_load %arg26[%get3A_1354, %get3A_1355] {strides = array<i32>} : memref<2x64xi32, #tpu.memory_space<vmem>>, vector<16xi32>,
      tpu.vector_store_idx %arg10[%get3A_1356], %broadcast_in_dim3A_1 {add = true} : memref<10240xf32, #tpu.memory_space<vmem>>[vector<16xi32>], vector<16xf32>,
      %get3A_1357 = arith.constant 1 : i32
      %get3A_1358 = arith.index_cast %get3A_1357 : i32 to index
      %get3A_1359 = arith.constant 16 : index
      %get3A_1360 = tpu.vector_load %arg26[%get3A_1358, %get3A_1359] {strides = array<i32>} : memref<2x64xi32, #tpu.memory_space<vmem>>, vector<16xi32>,
      tpu.vector_store_idx %arg10[%get3A_1360], %broadcast_in_dim3A_1 {add = true} : memref<10240xf32, #tpu.memory_space<vmem>>[vector<16xi32>], vector<16xf32>,
      %get3A_1361 = arith.constant 1 : i32
      %get3A_1362 = arith.index_cast %get3A_1361 : i32 to index
      %get3A_1363 = arith.constant 32 : index
      %get3A_1364 = tpu.vector_load %arg26[%get3A_1362, %get3A_1363] {strides = array<i32>} : memref<2x64xi32, #tpu.memory_space<vmem>>, vector<16xi32>,
      tpu.vector_store_idx %arg10[%get3A_1364], %broadcast_in_dim3A_1 {add = true} : memref<10240xf32, #tpu.memory_space<vmem>>[vector<16xi32>], vector<16xf32>,
      %get3A_1365 = arith.constant 1 : i32
      %get3A_1366 = arith.index_cast %get3A_1365 : i32 to index
      %get3A_1367 = arith.constant 48 : index
      %get3A_1368 = tpu.vector_load %arg26[%get3A_1366, %get3A_1367] {strides = array<i32>} : memref<2x64xi32, #tpu.memory_space<vmem>>, vector<16xi32>,
      tpu.vector_store_idx %arg10[%get3A_1368], %broadcast_in_dim3A_1 {add = true} : memref<10240xf32, #tpu.memory_space<vmem>>[vector<16xi32>], vector<16xf32>,
      %dma_wait3A_1369 = arith.constant 0 : i32
      %dma_wait3A_1370 = arith.constant 0 : i32
      %dma_wait3A_1371 = tpu.memref_slice %arg19[%dma_wait3A_1369, %dma_wait3A_1370] : memref<2x64xi32, #tpu.memory_space<vmem>> -> memref<1x64xi32, #tpu.memory_space<vmem>>
      %dma_wait3A_1372 = tpu.memref_squeeze %dma_wait3A_1371 : memref<1x64xi32, #tpu.memory_space<vmem>> -> memref<64xi32, #tpu.memory_space<vmem>>
      %dma_wait3A_1373 = arith.constant 0 : i32
      %dma_wait3A_1374 = arith.constant 0 : i32
      %dma_wait3A_1375 = tpu.memref_slice %arg8[%dma_wait3A_1373, %dma_wait3A_1374] : memref<10240x64xf32, #tpu.memory_space<vmem_shared>> -> memref<10240x64xf32, #tpu.memory_space<vmem_shared>>
      tpu.wait_indirect_dma semaphore(%arg43 : memref<!tpu.dma_semaphore, #tpu.memory_space<semaphore_mem>>) src(%dma_wait3A_1375 : memref<10240x64xf32, #tpu.memory_space<vmem_shared>>) dst(%arg27 : memref<64x64xf32, #tpu.memory_space<vmem>>)
      %dma_start3A_1376 = arith.constant 1 : i32
      %dma_start3A_1377 = arith.constant 0 : i32
      %dma_start3A_1378 = tpu.memref_slice %arg19[%dma_start3A_1376, %dma_start3A_1377] : memref<2x64xi32, #tpu.memory_space<vmem>> -> memref<1x64xi32, #tpu.memory_space<vmem>>
      %dma_start3A_1379 = tpu.memref_squeeze %dma_start3A_1378 : memref<1x64xi32, #tpu.memory_space<vmem>> -> memref<64xi32, #tpu.memory_space<vmem>>
      %dma_start3A_1380 = arith.constant 0 : i32
      %dma_start3A_1381 = arith.constant 0 : i32
      %dma_start3A_1382 = tpu.memref_slice %arg9[%dma_start3A_1380, %dma_start3A_1381] : memref<10240x64xf32, #tpu.memory_space<vmem_shared>> -> memref<10240x64xf32, #tpu.memory_space<vmem_shared>>
      tpu.enqueue_indirect_dma source(%arg27 : memref<64x64xf32, #tpu.memory_space<vmem>>) target(%dma_start3A_1382 : memref<10240x64xf32, #tpu.memory_space<vmem_shared>>) offsets(%dma_start3A_1379 : memref<64xi32, #tpu.memory_space<vmem>>) semaphore(%arg51 : memref<!tpu.dma_semaphore, #tpu.memory_space<semaphore_mem>>) {add = true}
      %dma_wait3A_1383 = arith.constant 0 : i32
      %dma_wait3A_1384 = arith.constant 0 : i32
      %dma_wait3A_1385 = tpu.memref_slice %arg20[%dma_wait3A_1383, %dma_wait3A_1384] : memref<2x64xi32, #tpu.memory_space<vmem>> -> memref<1x64xi32, #tpu.memory_space<vmem>>
      %dma_wait3A_1386 = tpu.memref_squeeze %dma_wait3A_1385 : memref<1x64xi32, #tpu.memory_space<vmem>> -> memref<64xi32, #tpu.memory_space<vmem>>
      %dma_wait3A_1387 = arith.constant 0 : i32
      %dma_wait3A_1388 = arith.constant 0 : i32
      %dma_wait3A_1389 = tpu.memref_slice %arg8[%dma_wait3A_1387, %dma_wait3A_1388] : memref<10240x64xf32, #tpu.memory_space<vmem_shared>> -> memref<10240x64xf32, #tpu.memory_space<vmem_shared>>
      tpu.wait_indirect_dma semaphore(%arg44 : memref<!tpu.dma_semaphore, #tpu.memory_space<semaphore_mem>>) src(%dma_wait3A_1389 : memref<10240x64xf32, #tpu.memory_space<vmem_shared>>) dst(%arg28 : memref<64x64xf32, #tpu.memory_space<vmem>>)
      %dma_start3A_1390 = arith.constant 1 : i32
      %dma_start3A_1391 = arith.constant 0 : i32
      %dma_start3A_1392 = tpu.memref_slice %arg20[%dma_start3A_1390, %dma_start3A_1391] : memref<2x64xi32, #tpu.memory_space<vmem>> -> memref<1x64xi32, #tpu.memory_space<vmem>>
      %dma_start3A_1393 = tpu.memref_squeeze %dma_start3A_1392 : memref<1x64xi32, #tpu.memory_space<vmem>> -> memref<64xi32, #tpu.memory_space<vmem>>
      %dma_start3A_1394 = arith.constant 0 : i32
      %dma_start3A_1395 = arith.constant 0 : i32
      %dma_start3A_1396 = tpu.memref_slice %arg9[%dma_start3A_1394, %dma_start3A_1395] : memref<10240x64xf32, #tpu.memory_space<vmem_shared>> -> memref<10240x64xf32, #tpu.memory_space<vmem_shared>>
      tpu.enqueue_indirect_dma source(%arg28 : memref<64x64xf32, #tpu.memory_space<vmem>>) target(%dma_start3A_1396 : memref<10240x64xf32, #tpu.memory_space<vmem_shared>>) offsets(%dma_start3A_1393 : memref<64xi32, #tpu.memory_space<vmem>>) semaphore(%arg52 : memref<!tpu.dma_semaphore, #tpu.memory_space<semaphore_mem>>) {add = true}
      %dma_wait3A_1397 = arith.constant 0 : i32
      %dma_wait3A_1398 = arith.constant 0 : i32
      %dma_wait3A_1399 = tpu.memref_slice %arg21[%dma_wait3A_1397, %dma_wait3A_1398] : memref<2x64xi32, #tpu.memory_space<vmem>> -> memref<1x64xi32, #tpu.memory_space<vmem>>
      %dma_wait3A_1400 = tpu.memref_squeeze %dma_wait3A_1399 : memref<1x64xi32, #tpu.memory_space<vmem>> -> memref<64xi32, #tpu.memory_space<vmem>>
      %dma_wait3A_1401 = arith.constant 0 : i32
      %dma_wait3A_1402 = arith.constant 0 : i32
      %dma_wait3A_1403 = tpu.memref_slice %arg8[%dma_wait3A_1401, %dma_wait3A_1402] : memref<10240x64xf32, #tpu.memory_space<vmem_shared>> -> memref<10240x64xf32, #tpu.memory_space<vmem_shared>>
      tpu.wait_indirect_dma semaphore(%arg45 : memref<!tpu.dma_semaphore, #tpu.memory_space<semaphore_mem>>) src(%dma_wait3A_1403 : memref<10240x64xf32, #tpu.memory_space<vmem_shared>>) dst(%arg29 : memref<64x64xf32, #tpu.memory_space<vmem>>)
      %dma_start3A_1404 = arith.constant 1 : i32
      %dma_start3A_1405 = arith.constant 0 : i32
      %dma_start3A_1406 = tpu.memref_slice %arg21[%dma_start3A_1404, %dma_start3A_1405] : memref<2x64xi32, #tpu.memory_space<vmem>> -> memref<1x64xi32, #tpu.memory_space<vmem>>
      %dma_start3A_1407 = tpu.memref_squeeze %dma_start3A_1406 : memref<1x64xi32, #tpu.memory_space<vmem>> -> memref<64xi32, #tpu.memory_space<vmem>>
      %dma_start3A_1408 = arith.constant 0 : i32
      %dma_start3A_1409 = arith.constant 0 : i32
      %dma_start3A_1410 = tpu.memref_slice %arg9[%dma_start3A_1408, %dma_start3A_1409] : memref<10240x64xf32, #tpu.memory_space<vmem_shared>> -> memref<10240x64xf32, #tpu.memory_space<vmem_shared>>
      tpu.enqueue_indirect_dma source(%arg29 : memref<64x64xf32, #tpu.memory_space<vmem>>) target(%dma_start3A_1410 : memref<10240x64xf32, #tpu.memory_space<vmem_shared>>) offsets(%dma_start3A_1407 : memref<64xi32, #tpu.memory_space<vmem>>) semaphore(%arg53 : memref<!tpu.dma_semaphore, #tpu.memory_space<semaphore_mem>>) {add = true}
      %dma_wait3A_1411 = arith.constant 0 : i32
      %dma_wait3A_1412 = arith.constant 0 : i32
      %dma_wait3A_1413 = tpu.memref_slice %arg22[%dma_wait3A_1411, %dma_wait3A_1412] : memref<2x64xi32, #tpu.memory_space<vmem>> -> memref<1x64xi32, #tpu.memory_space<vmem>>
      %dma_wait3A_1414 = tpu.memref_squeeze %dma_wait3A_1413 : memref<1x64xi32, #tpu.memory_space<vmem>> -> memref<64xi32, #tpu.memory_space<vmem>>
      %dma_wait3A_1415 = arith.constant 0 : i32
      %dma_wait3A_1416 = arith.constant 0 : i32
      %dma_wait3A_1417 = tpu.memref_slice %arg8[%dma_wait3A_1415, %dma_wait3A_1416] : memref<10240x64xf32, #tpu.memory_space<vmem_shared>> -> memref<10240x64xf32, #tpu.memory_space<vmem_shared>>
      tpu.wait_indirect_dma semaphore(%arg46 : memref<!tpu.dma_semaphore, #tpu.memory_space<semaphore_mem>>) src(%dma_wait3A_1417 : memref<10240x64xf32, #tpu.memory_space<vmem_shared>>) dst(%arg30 : memref<64x64xf32, #tpu.memory_space<vmem>>)
      %dma_start3A_1418 = arith.constant 1 : i32
      %dma_start3A_1419 = arith.constant 0 : i32
      %dma_start3A_1420 = tpu.memref_slice %arg22[%dma_start3A_1418, %dma_start3A_1419] : memref<2x64xi32, #tpu.memory_space<vmem>> -> memref<1x64xi32, #tpu.memory_space<vmem>>
      %dma_start3A_1421 = tpu.memref_squeeze %dma_start3A_1420 : memref<1x64xi32, #tpu.memory_space<vmem>> -> memref<64xi32, #tpu.memory_space<vmem>>
      %dma_start3A_1422 = arith.constant 0 : i32
      %dma_start3A_1423 = arith.constant 0 : i32
      %dma_start3A_1424 = tpu.memref_slice %arg9[%dma_start3A_1422, %dma_start3A_1423] : memref<10240x64xf32, #tpu.memory_space<vmem_shared>> -> memref<10240x64xf32, #tpu.memory_space<vmem_shared>>
      tpu.enqueue_indirect_dma source(%arg30 : memref<64x64xf32, #tpu.memory_space<vmem>>) target(%dma_start3A_1424 : memref<10240x64xf32, #tpu.memory_space<vmem_shared>>) offsets(%dma_start3A_1421 : memref<64xi32, #tpu.memory_space<vmem>>) semaphore(%arg54 : memref<!tpu.dma_semaphore, #tpu.memory_space<semaphore_mem>>) {add = true}
      %dma_wait3A_1425 = arith.constant 0 : i32
      %dma_wait3A_1426 = arith.constant 0 : i32
      %dma_wait3A_1427 = tpu.memref_slice %arg23[%dma_wait3A_1425, %dma_wait3A_1426] : memref<2x64xi32, #tpu.memory_space<vmem>> -> memref<1x64xi32, #tpu.memory_space<vmem>>
      %dma_wait3A_1428 = tpu.memref_squeeze %dma_wait3A_1427 : memref<1x64xi32, #tpu.memory_space<vmem>> -> memref<64xi32, #tpu.memory_space<vmem>>
      %dma_wait3A_1429 = arith.constant 0 : i32
      %dma_wait3A_1430 = arith.constant 0 : i32
      %dma_wait3A_1431 = tpu.memref_slice %arg8[%dma_wait3A_1429, %dma_wait3A_1430] : memref<10240x64xf32, #tpu.memory_space<vmem_shared>> -> memref<10240x64xf32, #tpu.memory_space<vmem_shared>>
      tpu.wait_indirect_dma semaphore(%arg47 : memref<!tpu.dma_semaphore, #tpu.memory_space<semaphore_mem>>) src(%dma_wait3A_1431 : memref<10240x64xf32, #tpu.memory_space<vmem_shared>>) dst(%arg31 : memref<64x64xf32, #tpu.memory_space<vmem>>)
      %dma_start3A_1432 = arith.constant 1 : i32
      %dma_start3A_1433 = arith.constant 0 : i32
      %dma_start3A_1434 = tpu.memref_slice %arg23[%dma_start3A_1432, %dma_start3A_1433] : memref<2x64xi32, #tpu.memory_space<vmem>> -> memref<1x64xi32, #tpu.memory_space<vmem>>
      %dma_start3A_1435 = tpu.memref_squeeze %dma_start3A_1434 : memref<1x64xi32, #tpu.memory_space<vmem>> -> memref<64xi32, #tpu.memory_space<vmem>>
      %dma_start3A_1436 = arith.constant 0 : i32
      %dma_start3A_1437 = arith.constant 0 : i32
      %dma_start3A_1438 = tpu.memref_slice %arg9[%dma_start3A_1436, %dma_start3A_1437] : memref<10240x64xf32, #tpu.memory_space<vmem_shared>> -> memref<10240x64xf32, #tpu.memory_space<vmem_shared>>
      tpu.enqueue_indirect_dma source(%arg31 : memref<64x64xf32, #tpu.memory_space<vmem>>) target(%dma_start3A_1438 : memref<10240x64xf32, #tpu.memory_space<vmem_shared>>) offsets(%dma_start3A_1435 : memref<64xi32, #tpu.memory_space<vmem>>) semaphore(%arg55 : memref<!tpu.dma_semaphore, #tpu.memory_space<semaphore_mem>>) {add = true}
      %dma_wait3A_1439 = arith.constant 0 : i32
      %dma_wait3A_1440 = arith.constant 0 : i32
      %dma_wait3A_1441 = tpu.memref_slice %arg24[%dma_wait3A_1439, %dma_wait3A_1440] : memref<2x64xi32, #tpu.memory_space<vmem>> -> memref<1x64xi32, #tpu.memory_space<vmem>>
      %dma_wait3A_1442 = tpu.memref_squeeze %dma_wait3A_1441 : memref<1x64xi32, #tpu.memory_space<vmem>> -> memref<64xi32, #tpu.memory_space<vmem>>
      %dma_wait3A_1443 = arith.constant 0 : i32
      %dma_wait3A_1444 = arith.constant 0 : i32
      %dma_wait3A_1445 = tpu.memref_slice %arg8[%dma_wait3A_1443, %dma_wait3A_1444] : memref<10240x64xf32, #tpu.memory_space<vmem_shared>> -> memref<10240x64xf32, #tpu.memory_space<vmem_shared>>
      tpu.wait_indirect_dma semaphore(%arg48 : memref<!tpu.dma_semaphore, #tpu.memory_space<semaphore_mem>>) src(%dma_wait3A_1445 : memref<10240x64xf32, #tpu.memory_space<vmem_shared>>) dst(%arg32 : memref<64x64xf32, #tpu.memory_space<vmem>>)
      %dma_start3A_1446 = arith.constant 1 : i32
      %dma_start3A_1447 = arith.constant 0 : i32
      %dma_start3A_1448 = tpu.memref_slice %arg24[%dma_start3A_1446, %dma_start3A_1447] : memref<2x64xi32, #tpu.memory_space<vmem>> -> memref<1x64xi32, #tpu.memory_space<vmem>>
      %dma_start3A_1449 = tpu.memref_squeeze %dma_start3A_1448 : memref<1x64xi32, #tpu.memory_space<vmem>> -> memref<64xi32, #tpu.memory_space<vmem>>
      %dma_start3A_1450 = arith.constant 0 : i32
      %dma_start3A_1451 = arith.constant 0 : i32
      %dma_start3A_1452 = tpu.memref_slice %arg9[%dma_start3A_1450, %dma_start3A_1451] : memref<10240x64xf32, #tpu.memory_space<vmem_shared>> -> memref<10240x64xf32, #tpu.memory_space<vmem_shared>>
      tpu.enqueue_indirect_dma source(%arg32 : memref<64x64xf32, #tpu.memory_space<vmem>>) target(%dma_start3A_1452 : memref<10240x64xf32, #tpu.memory_space<vmem_shared>>) offsets(%dma_start3A_1449 : memref<64xi32, #tpu.memory_space<vmem>>) semaphore(%arg56 : memref<!tpu.dma_semaphore, #tpu.memory_space<semaphore_mem>>) {add = true}
      %dma_wait3A_1453 = arith.constant 0 : i32
      %dma_wait3A_1454 = arith.constant 0 : i32
      %dma_wait3A_1455 = tpu.memref_slice %arg25[%dma_wait3A_1453, %dma_wait3A_1454] : memref<2x64xi32, #tpu.memory_space<vmem>> -> memref<1x64xi32, #tpu.memory_space<vmem>>
      %dma_wait3A_1456 = tpu.memref_squeeze %dma_wait3A_1455 : memref<1x64xi32, #tpu.memory_space<vmem>> -> memref<64xi32, #tpu.memory_space<vmem>>
      %dma_wait3A_1457 = arith.constant 0 : i32
      %dma_wait3A_1458 = arith.constant 0 : i32
      %dma_wait3A_1459 = tpu.memref_slice %arg8[%dma_wait3A_1457, %dma_wait3A_1458] : memref<10240x64xf32, #tpu.memory_space<vmem_shared>> -> memref<10240x64xf32, #tpu.memory_space<vmem_shared>>
      tpu.wait_indirect_dma semaphore(%arg49 : memref<!tpu.dma_semaphore, #tpu.memory_space<semaphore_mem>>) src(%dma_wait3A_1459 : memref<10240x64xf32, #tpu.memory_space<vmem_shared>>) dst(%arg33 : memref<64x64xf32, #tpu.memory_space<vmem>>)
      %dma_start3A_1460 = arith.constant 1 : i32
      %dma_start3A_1461 = arith.constant 0 : i32
      %dma_start3A_1462 = tpu.memref_slice %arg25[%dma_start3A_1460, %dma_start3A_1461] : memref<2x64xi32, #tpu.memory_space<vmem>> -> memref<1x64xi32, #tpu.memory_space<vmem>>
      %dma_start3A_1463 = tpu.memref_squeeze %dma_start3A_1462 : memref<1x64xi32, #tpu.memory_space<vmem>> -> memref<64xi32, #tpu.memory_space<vmem>>
      %dma_start3A_1464 = arith.constant 0 : i32
      %dma_start3A_1465 = arith.constant 0 : i32
      %dma_start3A_1466 = tpu.memref_slice %arg9[%dma_start3A_1464, %dma_start3A_1465] : memref<10240x64xf32, #tpu.memory_space<vmem_shared>> -> memref<10240x64xf32, #tpu.memory_space<vmem_shared>>
      tpu.enqueue_indirect_dma source(%arg33 : memref<64x64xf32, #tpu.memory_space<vmem>>) target(%dma_start3A_1466 : memref<10240x64xf32, #tpu.memory_space<vmem_shared>>) offsets(%dma_start3A_1463 : memref<64xi32, #tpu.memory_space<vmem>>) semaphore(%arg57 : memref<!tpu.dma_semaphore, #tpu.memory_space<semaphore_mem>>) {add = true}
      %dma_wait3A_1467 = arith.constant 0 : i32
      %dma_wait3A_1468 = arith.constant 0 : i32
      %dma_wait3A_1469 = tpu.memref_slice %arg26[%dma_wait3A_1467, %dma_wait3A_1468] : memref<2x64xi32, #tpu.memory_space<vmem>> -> memref<1x64xi32, #tpu.memory_space<vmem>>
      %dma_wait3A_1470 = tpu.memref_squeeze %dma_wait3A_1469 : memref<1x64xi32, #tpu.memory_space<vmem>> -> memref<64xi32, #tpu.memory_space<vmem>>
      %dma_wait3A_1471 = arith.constant 0 : i32
      %dma_wait3A_1472 = arith.constant 0 : i32
      %dma_wait3A_1473 = tpu.memref_slice %arg8[%dma_wait3A_1471, %dma_wait3A_1472] : memref<10240x64xf32, #tpu.memory_space<vmem_shared>> -> memref<10240x64xf32, #tpu.memory_space<vmem_shared>>
      tpu.wait_indirect_dma semaphore(%arg50 : memref<!tpu.dma_semaphore, #tpu.memory_space<semaphore_mem>>) src(%dma_wait3A_1473 : memref<10240x64xf32, #tpu.memory_space<vmem_shared>>) dst(%arg34 : memref<64x64xf32, #tpu.memory_space<vmem>>)
      %dma_start3A_1474 = arith.constant 1 : i32
      %dma_start3A_1475 = arith.constant 0 : i32
      %dma_start3A_1476 = tpu.memref_slice %arg26[%dma_start3A_1474, %dma_start3A_1475] : memref<2x64xi32, #tpu.memory_space<vmem>> -> memref<1x64xi32, #tpu.memory_space<vmem>>
      %dma_start3A_1477 = tpu.memref_squeeze %dma_start3A_1476 : memref<1x64xi32, #tpu.memory_space<vmem>> -> memref<64xi32, #tpu.memory_space<vmem>>
      %dma_start3A_1478 = arith.constant 0 : i32
      %dma_start3A_1479 = arith.constant 0 : i32
      %dma_start3A_1480 = tpu.memref_slice %arg9[%dma_start3A_1478, %dma_start3A_1479] : memref<10240x64xf32, #tpu.memory_space<vmem_shared>> -> memref<10240x64xf32, #tpu.memory_space<vmem_shared>>
      tpu.enqueue_indirect_dma source(%arg34 : memref<64x64xf32, #tpu.memory_space<vmem>>) target(%dma_start3A_1480 : memref<10240x64xf32, #tpu.memory_space<vmem_shared>>) offsets(%dma_start3A_1477 : memref<64xi32, #tpu.memory_space<vmem>>) semaphore(%arg58 : memref<!tpu.dma_semaphore, #tpu.memory_space<semaphore_mem>>) {add = true}
      %dma_wait3A_1481 = arith.constant 1 : i32
      %dma_wait3A_1482 = arith.constant 0 : i32
      %dma_wait3A_1483 = tpu.memref_slice %arg19[%dma_wait3A_1481, %dma_wait3A_1482] : memref<2x64xi32, #tpu.memory_space<vmem>> -> memref<1x64xi32, #tpu.memory_space<vmem>>
      %dma_wait3A_1484 = tpu.memref_squeeze %dma_wait3A_1483 : memref<1x64xi32, #tpu.memory_space<vmem>> -> memref<64xi32, #tpu.memory_space<vmem>>
      %dma_wait3A_1485 = arith.constant 0 : i32
      %dma_wait3A_1486 = arith.constant 0 : i32
      %dma_wait3A_1487 = tpu.memref_slice %arg9[%dma_wait3A_1485, %dma_wait3A_1486] : memref<10240x64xf32, #tpu.memory_space<vmem_shared>> -> memref<10240x64xf32, #tpu.memory_space<vmem_shared>>
      tpu.wait_indirect_dma semaphore(%arg51 : memref<!tpu.dma_semaphore, #tpu.memory_space<semaphore_mem>>) src(%arg27 : memref<64x64xf32, #tpu.memory_space<vmem>>) dst(%dma_wait3A_1487 : memref<10240x64xf32, #tpu.memory_space<vmem_shared>>)
      %dma_wait3A_1488 = arith.constant 1 : i32
      %dma_wait3A_1489 = arith.constant 0 : i32
      %dma_wait3A_1490 = tpu.memref_slice %arg20[%dma_wait3A_1488, %dma_wait3A_1489] : memref<2x64xi32, #tpu.memory_space<vmem>> -> memref<1x64xi32, #tpu.memory_space<vmem>>
      %dma_wait3A_1491 = tpu.memref_squeeze %dma_wait3A_1490 : memref<1x64xi32, #tpu.memory_space<vmem>> -> memref<64xi32, #tpu.memory_space<vmem>>
      %dma_wait3A_1492 = arith.constant 0 : i32
      %dma_wait3A_1493 = arith.constant 0 : i32
      %dma_wait3A_1494 = tpu.memref_slice %arg9[%dma_wait3A_1492, %dma_wait3A_1493] : memref<10240x64xf32, #tpu.memory_space<vmem_shared>> -> memref<10240x64xf32, #tpu.memory_space<vmem_shared>>
      tpu.wait_indirect_dma semaphore(%arg52 : memref<!tpu.dma_semaphore, #tpu.memory_space<semaphore_mem>>) src(%arg28 : memref<64x64xf32, #tpu.memory_space<vmem>>) dst(%dma_wait3A_1494 : memref<10240x64xf32, #tpu.memory_space<vmem_shared>>)
      %dma_wait3A_1495 = arith.constant 1 : i32
      %dma_wait3A_1496 = arith.constant 0 : i32
      %dma_wait3A_1497 = tpu.memref_slice %arg21[%dma_wait3A_1495, %dma_wait3A_1496] : memref<2x64xi32, #tpu.memory_space<vmem>> -> memref<1x64xi32, #tpu.memory_space<vmem>>
      %dma_wait3A_1498 = tpu.memref_squeeze %dma_wait3A_1497 : memref<1x64xi32, #tpu.memory_space<vmem>> -> memref<64xi32, #tpu.memory_space<vmem>>
      %dma_wait3A_1499 = arith.constant 0 : i32
      %dma_wait3A_1500 = arith.constant 0 : i32
      %dma_wait3A_1501 = tpu.memref_slice %arg9[%dma_wait3A_1499, %dma_wait3A_1500] : memref<10240x64xf32, #tpu.memory_space<vmem_shared>> -> memref<10240x64xf32, #tpu.memory_space<vmem_shared>>
      tpu.wait_indirect_dma semaphore(%arg53 : memref<!tpu.dma_semaphore, #tpu.memory_space<semaphore_mem>>) src(%arg29 : memref<64x64xf32, #tpu.memory_space<vmem>>) dst(%dma_wait3A_1501 : memref<10240x64xf32, #tpu.memory_space<vmem_shared>>)
      %dma_wait3A_1502 = arith.constant 1 : i32
      %dma_wait3A_1503 = arith.constant 0 : i32
      %dma_wait3A_1504 = tpu.memref_slice %arg22[%dma_wait3A_1502, %dma_wait3A_1503] : memref<2x64xi32, #tpu.memory_space<vmem>> -> memref<1x64xi32, #tpu.memory_space<vmem>>
      %dma_wait3A_1505 = tpu.memref_squeeze %dma_wait3A_1504 : memref<1x64xi32, #tpu.memory_space<vmem>> -> memref<64xi32, #tpu.memory_space<vmem>>
      %dma_wait3A_1506 = arith.constant 0 : i32
      %dma_wait3A_1507 = arith.constant 0 : i32
      %dma_wait3A_1508 = tpu.memref_slice %arg9[%dma_wait3A_1506, %dma_wait3A_1507] : memref<10240x64xf32, #tpu.memory_space<vmem_shared>> -> memref<10240x64xf32, #tpu.memory_space<vmem_shared>>
      tpu.wait_indirect_dma semaphore(%arg54 : memref<!tpu.dma_semaphore, #tpu.memory_space<semaphore_mem>>) src(%arg30 : memref<64x64xf32, #tpu.memory_space<vmem>>) dst(%dma_wait3A_1508 : memref<10240x64xf32, #tpu.memory_space<vmem_shared>>)
      %dma_wait3A_1509 = arith.constant 1 : i32
      %dma_wait3A_1510 = arith.constant 0 : i32
      %dma_wait3A_1511 = tpu.memref_slice %arg23[%dma_wait3A_1509, %dma_wait3A_1510] : memref<2x64xi32, #tpu.memory_space<vmem>> -> memref<1x64xi32, #tpu.memory_space<vmem>>
      %dma_wait3A_1512 = tpu.memref_squeeze %dma_wait3A_1511 : memref<1x64xi32, #tpu.memory_space<vmem>> -> memref<64xi32, #tpu.memory_space<vmem>>
      %dma_wait3A_1513 = arith.constant 0 : i32
      %dma_wait3A_1514 = arith.constant 0 : i32
      %dma_wait3A_1515 = tpu.memref_slice %arg9[%dma_wait3A_1513, %dma_wait3A_1514] : memref<10240x64xf32, #tpu.memory_space<vmem_shared>> -> memref<10240x64xf32, #tpu.memory_space<vmem_shared>>
      tpu.wait_indirect_dma semaphore(%arg55 : memref<!tpu.dma_semaphore, #tpu.memory_space<semaphore_mem>>) src(%arg31 : memref<64x64xf32, #tpu.memory_space<vmem>>) dst(%dma_wait3A_1515 : memref<10240x64xf32, #tpu.memory_space<vmem_shared>>)
      %dma_wait3A_1516 = arith.constant 1 : i32
      %dma_wait3A_1517 = arith.constant 0 : i32
      %dma_wait3A_1518 = tpu.memref_slice %arg24[%dma_wait3A_1516, %dma_wait3A_1517] : memref<2x64xi32, #tpu.memory_space<vmem>> -> memref<1x64xi32, #tpu.memory_space<vmem>>
      %dma_wait3A_1519 = tpu.memref_squeeze %dma_wait3A_1518 : memref<1x64xi32, #tpu.memory_space<vmem>> -> memref<64xi32, #tpu.memory_space<vmem>>
      %dma_wait3A_1520 = arith.constant 0 : i32
      %dma_wait3A_1521 = arith.constant 0 : i32
      %dma_wait3A_1522 = tpu.memref_slice %arg9[%dma_wait3A_1520, %dma_wait3A_1521] : memref<10240x64xf32, #tpu.memory_space<vmem_shared>> -> memref<10240x64xf32, #tpu.memory_space<vmem_shared>>
      tpu.wait_indirect_dma semaphore(%arg56 : memref<!tpu.dma_semaphore, #tpu.memory_space<semaphore_mem>>) src(%arg32 : memref<64x64xf32, #tpu.memory_space<vmem>>) dst(%dma_wait3A_1522 : memref<10240x64xf32, #tpu.memory_space<vmem_shared>>)
      %dma_wait3A_1523 = arith.constant 1 : i32
      %dma_wait3A_1524 = arith.constant 0 : i32
      %dma_wait3A_1525 = tpu.memref_slice %arg25[%dma_wait3A_1523, %dma_wait3A_1524] : memref<2x64xi32, #tpu.memory_space<vmem>> -> memref<1x64xi32, #tpu.memory_space<vmem>>
      %dma_wait3A_1526 = tpu.memref_squeeze %dma_wait3A_1525 : memref<1x64xi32, #tpu.memory_space<vmem>> -> memref<64xi32, #tpu.memory_space<vmem>>
      %dma_wait3A_1527 = arith.constant 0 : i32
      %dma_wait3A_1528 = arith.constant 0 : i32
      %dma_wait3A_1529 = tpu.memref_slice %arg9[%dma_wait3A_1527, %dma_wait3A_1528] : memref<10240x64xf32, #tpu.memory_space<vmem_shared>> -> memref<10240x64xf32, #tpu.memory_space<vmem_shared>>
      tpu.wait_indirect_dma semaphore(%arg57 : memref<!tpu.dma_semaphore, #tpu.memory_space<semaphore_mem>>) src(%arg33 : memref<64x64xf32, #tpu.memory_space<vmem>>) dst(%dma_wait3A_1529 : memref<10240x64xf32, #tpu.memory_space<vmem_shared>>)
      %dma_wait3A_1530 = arith.constant 1 : i32
      %dma_wait3A_1531 = arith.constant 0 : i32
      %dma_wait3A_1532 = tpu.memref_slice %arg26[%dma_wait3A_1530, %dma_wait3A_1531] : memref<2x64xi32, #tpu.memory_space<vmem>> -> memref<1x64xi32, #tpu.memory_space<vmem>>
      %dma_wait3A_1533 = tpu.memref_squeeze %dma_wait3A_1532 : memref<1x64xi32, #tpu.memory_space<vmem>> -> memref<64xi32, #tpu.memory_space<vmem>>
      %dma_wait3A_1534 = arith.constant 0 : i32
      %dma_wait3A_1535 = arith.constant 0 : i32
      %dma_wait3A_1536 = tpu.memref_slice %arg9[%dma_wait3A_1534, %dma_wait3A_1535] : memref<10240x64xf32, #tpu.memory_space<vmem_shared>> -> memref<10240x64xf32, #tpu.memory_space<vmem_shared>>
      tpu.wait_indirect_dma semaphore(%arg58 : memref<!tpu.dma_semaphore, #tpu.memory_space<semaphore_mem>>) src(%arg34 : memref<64x64xf32, #tpu.memory_space<vmem>>) dst(%dma_wait3A_1536 : memref<10240x64xf32, #tpu.memory_space<vmem_shared>>)
    }
    %scan3A_219 = arith.constant 20 : i32
    %barrier3A_220 = arith.constant 0 : index
    tpu.barrier barrier_id(%barrier3A_220)
    "tpu.region"() ({
      %run_scoped3A = tpu.sem_alloc : memref<!tpu.dma_semaphore, #tpu.memory_space<semaphore_mem>>
      %dma_start3A_221 = arith.constant 0 : i32
      %dma_start3A_222 = tpu.memref_slice %arg6[%arg0, %mul3A_9, %dma_start3A_221] : memref<2x10240x64xf32, #tpu.memory_space<hbm>> -> memref<1x640x64xf32, #tpu.memory_space<hbm>>
      %dma_start3A_223 = tpu.memref_squeeze %dma_start3A_222 : memref<1x640x64xf32, #tpu.memory_space<hbm>> -> memref<640x64xf32, #tpu.memory_space<hbm>>
      %dma_start3A_224 = arith.constant 0 : i32
      %dma_start3A_225 = tpu.memref_slice %arg9[%mul3A_9, %dma_start3A_224] : memref<10240x64xf32, #tpu.memory_space<vmem_shared>> -> memref<640x64xf32, #tpu.memory_space<vmem_shared>>
      tpu.enqueue_dma source(%dma_start3A_225 : memref<640x64xf32, #tpu.memory_space<vmem_shared>>) target(%dma_start3A_223 : memref<640x64xf32, #tpu.memory_space<hbm>>) target_semaphore(%run_scoped3A : memref<!tpu.dma_semaphore, #tpu.memory_space<semaphore_mem>>)
      %dma_wait3A = arith.constant 0 : i32
      %dma_wait3A_226 = tpu.memref_slice %arg6[%arg0, %mul3A_9, %dma_wait3A] : memref<2x10240x64xf32, #tpu.memory_space<hbm>> -> memref<1x640x64xf32, #tpu.memory_space<hbm>>
      %dma_wait3A_227 = tpu.memref_squeeze %dma_wait3A_226 : memref<1x640x64xf32, #tpu.memory_space<hbm>> -> memref<640x64xf32, #tpu.memory_space<hbm>>
      %dma_wait3A_228 = arith.constant 0 : i32
      %dma_wait3A_229 = tpu.memref_slice %arg9[%mul3A_9, %dma_wait3A_228] : memref<10240x64xf32, #tpu.memory_space<vmem_shared>> -> memref<640x64xf32, #tpu.memory_space<vmem_shared>>
      tpu.wait_dma2 semaphore(%run_scoped3A : memref<!tpu.dma_semaphore, #tpu.memory_space<semaphore_mem>>) src(%dma_wait3A_229 : memref<640x64xf32, #tpu.memory_space<vmem_shared>>) dst(%dma_wait3A_227 : memref<640x64xf32, #tpu.memory_space<hbm>>)
      tpu.yield
    }) : () -> ()
    "tpu.region"() ({
      %run_scoped3A = tpu.sem_alloc : memref<!tpu.dma_semaphore, #tpu.memory_space<semaphore_mem>>
      %dma_start3A_221 = arith.constant 0 : i32
      %dma_start3A_222 = tpu.memref_slice %arg7[%arg0, %arg1, %dma_start3A_221] : memref<2x16x10240xf32, #tpu.memory_space<hbm>> -> memref<1x1x10240xf32, #tpu.memory_space<hbm>>
      %dma_start3A_223 = tpu.memref_squeeze %dma_start3A_222 : memref<1x1x10240xf32, #tpu.memory_space<hbm>> -> memref<10240xf32, #tpu.memory_space<hbm>>
      %dma_start3A_224 = arith.constant 0 : i32
      %dma_start3A_225 = tpu.memref_slice %arg7[%arg0, %arg1, %dma_start3A_224] : memref<2x16x10240xf32, #tpu.memory_space<hbm>> -> memref<1x1x10240xf32, #tpu.memory_space<hbm>>
      %dma_start3A_226 = tpu.memref_squeeze %dma_start3A_225 : memref<1x1x10240xf32, #tpu.memory_space<hbm>> -> memref<10240xf32, #tpu.memory_space<hbm>>
      tpu.enqueue_dma source(%arg10 : memref<10240xf32, #tpu.memory_space<vmem>>) target(%dma_start3A_226 : memref<10240xf32, #tpu.memory_space<hbm>>) target_semaphore(%run_scoped3A : memref<!tpu.dma_semaphore, #tpu.memory_space<semaphore_mem>>)
      %dma_wait3A = arith.constant 0 : i32
      %dma_wait3A_227 = tpu.memref_slice %arg7[%arg0, %arg1, %dma_wait3A] : memref<2x16x10240xf32, #tpu.memory_space<hbm>> -> memref<1x1x10240xf32, #tpu.memory_space<hbm>>
      %dma_wait3A_228 = tpu.memref_squeeze %dma_wait3A_227 : memref<1x1x10240xf32, #tpu.memory_space<hbm>> -> memref<10240xf32, #tpu.memory_space<hbm>>
      %dma_wait3A_229 = arith.constant 0 : i32
      %dma_wait3A_230 = tpu.memref_slice %arg7[%arg0, %arg1, %dma_wait3A_229] : memref<2x16x10240xf32, #tpu.memory_space<hbm>> -> memref<1x1x10240xf32, #tpu.memory_space<hbm>>
      %dma_wait3A_231 = tpu.memref_squeeze %dma_wait3A_230 : memref<1x1x10240xf32, #tpu.memory_space<hbm>> -> memref<10240xf32, #tpu.memory_space<hbm>>
      tpu.wait_dma2 semaphore(%run_scoped3A : memref<!tpu.dma_semaphore, #tpu.memory_space<semaphore_mem>>) src(%arg10 : memref<10240xf32, #tpu.memory_space<vmem>>) dst(%dma_wait3A_231 : memref<10240xf32, #tpu.memory_space<hbm>>)
      tpu.yield
    }) : () -> ()
    return
  }
}

module attributes {stable_mosaic.version = 14 : i64} {
  func.func @body(%arg0: i32, %arg1: memref<1024x128xf32, #tpu.memory_space<vmem>>, %arg2: memref<2x1024x64xf32, #tpu.memory_space<vmem>>, %arg3: memref<1x16x1024xf32, #tpu.memory_space<vmem>>, %arg4: memref<1024x256xf32, #tpu.memory_space<vmem>>) attributes {dimension_semantics = [#tpu.dimension_semantics<arbitrary>], iteration_bounds = array<i64: 10>, scalar_prefetch = 0 : i64, scratch_operands = 0 : i64, tpu.core_type = #tpu.core_type<tc>, window_params = [{transform_indices = @transform_0, window_bounds = array<i64: 1024, 128>}, {transform_indices = @transform_1, window_bounds = array<i64: 2, 1024, 64>}, {transform_indices = @transform_2, window_bounds = array<i64: 1, 16, 1024>}, {transform_indices = @transform_3, window_bounds = array<i64: 1024, 256>}]} {
    %get3A = arith.constant 0 : index
    %get3A_0 = arith.constant 0 : index
    %get3A_1 = arith.constant 0 : index
    %get3A_2 = vector.load %arg3[%get3A, %get3A_0, %get3A_1] : memref<1x16x1024xf32, #tpu.memory_space<vmem>>, vector<1x16x1024xf32>
    %get3A_3 = vector.shape_cast %get3A_2 : vector<1x16x1024xf32> to vector<16x1024xf32>
    %reduce_sum3A = arith.constant dense<0.000000e+00> : vector<1024xf32>
    %reduce_sum3A_4 = vector.multi_reduction <add>, %get3A_3, %reduce_sum3A [0] : vector<16x1024xf32> to vector<1024xf32>
    %max3A = arith.constant 1.000000e+00 : f32
    %max3A_5 = vector.broadcast %max3A : f32 to vector<1024xf32>
    %max3A_6 = arith.maximumf %reduce_sum3A_4, %max3A_5 : vector<1024xf32>
    %broadcast_in_dim3A = vector.shape_cast %max3A_6 : vector<1024xf32> to vector<1024x1xf32>
    %get3A_7 = arith.constant 0 : index
    %get3A_8 = arith.constant 0 : index
    %get3A_9 = vector.load %arg1[%get3A_7, %get3A_8] : memref<1024x128xf32, #tpu.memory_space<vmem>>, vector<1024x128xf32>
    %swap3A = arith.constant 0 : index
    %swap3A_10 = arith.constant 0 : index
    %swap3A_11 = vector.load %arg4[%swap3A, %swap3A_10] : memref<1024x256xf32, #tpu.memory_space<vmem>>, vector<1024x128xf32>
    tpu.vector_store %arg4[%swap3A, %swap3A_10], %get3A_9 {strides = array<i32>} : memref<1024x256xf32, #tpu.memory_space<vmem>>, vector<1024x128xf32>,
    %get3A_12 = arith.constant 0 : index
    %get3A_13 = arith.constant 0 : index
    %get3A_14 = arith.constant 0 : index
    %get3A_15 = vector.load %arg2[%get3A_12, %get3A_13, %get3A_14] : memref<2x1024x64xf32, #tpu.memory_space<vmem>>, vector<1x1024x64xf32>
    %get3A_16 = vector.shape_cast %get3A_15 : vector<1x1024x64xf32> to vector<1024x64xf32>
    %div3A = vector.broadcast %broadcast_in_dim3A : vector<1024x1xf32> to vector<1024x64xf32>
    %div3A_17 = arith.divf %get3A_16, %div3A : vector<1024x64xf32>
    %swap3A_18 = arith.constant 0 : index
    %swap3A_19 = arith.constant 128 : index
    %swap3A_20 = vector.load %arg4[%swap3A_18, %swap3A_19] : memref<1024x256xf32, #tpu.memory_space<vmem>>, vector<1024x64xf32>
    tpu.vector_store %arg4[%swap3A_18, %swap3A_19], %div3A_17 {strides = array<i32>} : memref<1024x256xf32, #tpu.memory_space<vmem>>, vector<1024x64xf32>,
    %get3A_21 = arith.constant 1 : index
    %get3A_22 = arith.constant 0 : index
    %get3A_23 = arith.constant 0 : index
    %get3A_24 = vector.load %arg2[%get3A_21, %get3A_22, %get3A_23] : memref<2x1024x64xf32, #tpu.memory_space<vmem>>, vector<1x1024x64xf32>
    %get3A_25 = vector.shape_cast %get3A_24 : vector<1x1024x64xf32> to vector<1024x64xf32>
    %div3A_26 = vector.broadcast %broadcast_in_dim3A : vector<1024x1xf32> to vector<1024x64xf32>
    %div3A_27 = arith.divf %get3A_25, %div3A_26 : vector<1024x64xf32>
    %swap3A_28 = arith.constant 0 : index
    %swap3A_29 = arith.constant 192 : index
    %swap3A_30 = vector.load %arg4[%swap3A_28, %swap3A_29] : memref<1024x256xf32, #tpu.memory_space<vmem>>, vector<1024x64xf32>
    tpu.vector_store %arg4[%swap3A_28, %swap3A_29], %div3A_27 {strides = array<i32>} : memref<1024x256xf32, #tpu.memory_space<vmem>>, vector<1024x64xf32>,
    return
  }
  func.func @transform_0(%arg0: i32) -> (i32, i32) {
    %c0_i32 = arith.constant 0 : i32
    %c0_i32_0 = arith.constant 0 : i32
    return %arg0, %c0_i32 : i32, i32
  }
  func.func @transform_1(%arg0: i32) -> (i32, i32, i32) {
    %c0_i32 = arith.constant 0 : i32
    %c0_i32_0 = arith.constant 0 : i32
    %c0_i32_1 = arith.constant 0 : i32
    return %c0_i32, %arg0, %c0_i32_0 : i32, i32, i32
  }
  func.func @transform_2(%arg0: i32) -> (i32, i32, i32) {
    %c0_i32 = arith.constant 0 : i32
    %c0_i32_0 = arith.constant 0 : i32
    %c0_i32_1 = arith.constant 0 : i32
    return %c0_i32, %c0_i32_0, %arg0 : i32, i32, i32
  }
  func.func @transform_3(%arg0: i32) -> (i32, i32) {
    %c0_i32 = arith.constant 0 : i32
    %c0_i32_0 = arith.constant 0 : i32
    return %arg0, %c0_i32 : i32, i32
  }
}

</mosaic_0001>

<sc_bundles>
// kernel: kernel.4.cloned.1.call-start
scs
__scs_entry_jumppad:
0x0: {  	(pc) =	sbr.rel $0x88, $3  }
0x1: {  	(tag) =	ssettag $0x0;
	lr =	simm.s32 $0x1  }
0x2: {  	[smem:$0x3F9F] =	sst lr;
	_ =	strace $0xD0000000  }
0x3: {  	_ = 	snop  }
0x4: {  	_ = 	snop  }
0x5: {  	_ = 	snop  }
0x6: {  	_ = 	snop  }
0x7: {  	_ = 	snop  }
__scs_overlays_trampoline_lowered:
0x8: {  	[smem:$0x3FAE] =	sst s0  }
0x9: {  	[smem:$0x3FAF] =	sst s1  }
0xa: {  	[smem:$0x3FB0] =	sst s2  }
0xb: {  	[smem:$0x3FB1] =	sst s3  }
0xc: {  	[smem:$0x3FB2] =	sst s4  }
0xd: {  	[smem:$0x3FB3] =	sst s5  }
0xe: {  	[smem:$0x3FB4] =	sst s6  }
0xf: {  	[smem:$0x3FB5] =	sst s7  }
0x10: {  	[smem:$0x3FB6] =	sst s8  }
0x11: {  	[smem:$0x3FB7] =	sst s9;
	s0 =	simm.s32 @!p0 $0x0  }
0x12: {  	s1 =	sld [smem:$0x3F9D];
	s0 =	simm.s32 @p0 $0x1  }
0x13: {  	[smem:$0x3FB8] =	sst s0;
	s0 =	simm.s32 @!p1 $0x0  }
0x14: {  	s2 =	sld [smem:$0x3F9C];
	s0 =	simm.s32 @p1 $0x1  }
0x15: {  	[smem:$0x3FB9] =	sst s0;
	s0 =	simm.s32 @!p2 $0x0  }
0x16: {  	s3 =	sld [smem:$0x3FDB];
	s0 =	simm.s32 @p2 $0x1  }
0x17: {  	s4 =	simm.s32 $0x1BF5;
	[smem:$0x3FBB] =	sst s0  }
0x18: {  	s0 =	sld [smem:$0x3F9E];
	_ =	swait.ge [sflag:s4], $0x0  }
0x19: {  	s7 =	sld [smem:$0x3F9F]  }
0x1a: {  	s8 =	sadd.s32 $0xFFFFE003, lr  }
0x1b: {  	s9 =	sadd.s32 $0xFFFFFEF7, lr;
	s5 =	simm.s32 $0xFFFFFFFF;
	p2 =	slt.u32 s8, $0xFFFFF086  }
0x1c: {  	p1 =	slt.u32 s9, $0xF7A;
	s5 =	simm.s32 @!p2 $0x0  }
0x1d: {  	s5 =	simm.s32 @p1 $0x1;
	p0 =	seq.s32 s7, s2  }
0x1e: {  	s7 =	smul.u32 @!p0 $0xF7A, s2;
	p2 =	seq.s32 @!p0 s5, $0x0  }
0x1f: {  	s9 =	smul.u32 $0xF7A, s1;
	s8 =	simm.s32 @!p0 $0x1BF5;
	p2 =	por !p2, p0  }
0x20: {  	[sflag:s8] =	ssyncset.s32 @!p0 $0xFFFFF086;
	s6 =	sadd.s32 @!p0 s3, s7;
	s7 =	simm.s32 @!p0 $0x108  }
0x21: {  	s3 =	sadd.s32 s3, s9;
	s6 =	sadd.s32 @!p0 $0x88, s6;
	s7 =	simm.s32 @p2 $0x1082  }
0x22: {  	[simem:s7], [sflag:s8] =	dma.local @!p0 [hbm:s6], $0xF7A  }
0x23: {  	s9 =	sor.u32 $0xD0000000, s2;
	s6 =	simm.s32 $0x108;
	_ =	swait.ge @!p0 [sflag:s8], $0x0  }
0x24: {  	s3 =	sadd.s32 $0x88, s3;
	s6 =	simm.s32 @!p1 $0x1082;
	[sflag:s4] =	ssyncset.s32 $0xFFFFF086  }
0x25: {  	[simem:s6], [sflag:s4] =	dma.local [hbm:s3], $0xF7A  }
0x26: {  	[smem:$0x3F9F] =	sst s1;
	(tag) =	ssettag s2;
	_ =	strace s9  }
0x27: {  	s1 =	sld [smem:$0x3FAF]  }
0x28: {  	s2 =	sld [smem:$0x3FB0]  }
0x29: {  	s4 =	sld [smem:$0x3FB2]  }
0x2a: {  	p0 =	seq.s32 s5, $0x0;
	s5 =	sld [smem:$0x3FB3]  }
0x2b: {  	s6 =	sld [smem:$0x3FB4]  }
0x2c: {  	s7 =	sld [smem:$0x3FB5]  }
0x2d: {  	s3 =	simm.s32 $0x108;
	s8 =	sld [smem:$0x3FB6]  }
0x2e: {  	s3 =	simm.s32 @!p0 $0x1082;
	s9 =	sld [smem:$0x3FB7]  }
0x2f: {  	lr =	sadd.s32 s0, s3;
	s0 =	sld [smem:$0x3FAE]  }
0x30: {  	s3 =	sld [smem:$0x3FB1]  }
0x31: {  	[smem:$0x3FBA] =	sst s10  }
0x32: {  	s10 =	sld [smem:$0x3FB8];
	_ =	sdelay $0x3  }
0x33: {  	p0 =	seq.s32 s10, $0x1;
	s10 =	sld [smem:$0x3FBA];
	_ =	sdelay $0x3  }
0x34: {  	[smem:$0x3FBA] =	sst s10  }
0x35: {  	s10 =	sld [smem:$0x3FB9];
	_ =	sdelay $0x3  }
0x36: {  	p1 =	seq.s32 s10, $0x1;
	s10 =	sld [smem:$0x3FBA];
	_ =	sdelay $0x3  }
0x37: {  	[smem:$0x3FBA] =	sst s10  }
0x38: {  	s10 =	sld [smem:$0x3FBB]  }
0x39: {  	_ = 	snop;
	(pc) =	sbr.ind lr, $3  }
0x3a: {  	_ = 	snop  }
0x3b: {  	_ = 	snop  }
0x3c: {  	p2 =	seq.s32 s10, $0x1;
	s10 =	sld [smem:$0x3FBA]  }
0x3d: {  	_ =	shalt  }
0x3e: {  	_ =	shalt  }
0x3f: {  	_ =	shalt  }
0x40: {  	_ =	shalt  }
0x41: {  	_ =	shalt  }
0x42: {  	_ =	shalt  }
0x43: {  	_ =	shalt  }
0x44: {  	_ =	shalt  }
0x45: {  	_ =	shalt  }
0x46: {  	_ =	shalt  }
0x47: {  	_ =	shalt  }
0x48: {  	_ =	shalt  }
0x49: {  	_ =	shalt  }
0x4a: {  	_ =	shalt  }
0x4b: {  	_ =	shalt  }
0x4c: {  	_ =	shalt  }
0x4d: {  	_ =	shalt  }
0x4e: {  	_ =	shalt  }
0x4f: {  	_ =	shalt  }
0x50: {  	_ =	shalt  }
0x51: {  	_ =	shalt  }
0x52: {  	_ =	shalt  }
0x53: {  	_ =	shalt  }
0x54: {  	_ =	shalt  }
0x55: {  	_ =	shalt  }
0x56: {  	_ =	shalt  }
0x57: {  	_ =	shalt  }
0x58: {  	_ =	shalt  }
0x59: {  	_ =	shalt  }
0x5a: {  	_ =	shalt  }
0x5b: {  	_ =	shalt  }
0x5c: {  	_ =	shalt  }
0x5d: {  	_ =	shalt  }
0x5e: {  	_ =	shalt  }
0x5f: {  	_ =	shalt  }
0x60: {  	_ =	shalt  }
0x61: {  	_ =	shalt  }
0x62: {  	_ =	shalt  }
0x63: {  	_ =	shalt  }
0x64: {  	_ =	shalt  }
0x65: {  	_ =	shalt  }
0x66: {  	_ =	shalt  }
0x67: {  	_ =	shalt  }
0x68: {  	_ =	shalt  }
0x69: {  	_ =	shalt  }
0x6a: {  	_ =	shalt  }
0x6b: {  	_ =	shalt  }
0x6c: {  	_ =	shalt  }
0x6d: {  	_ =	shalt  }
0x6e: {  	_ =	shalt  }
0x6f: {  	_ =	shalt  }
0x70: {  	_ =	shalt  }
0x71: {  	_ =	shalt  }
0x72: {  	_ =	shalt  }
0x73: {  	_ =	shalt  }
0x74: {  	_ =	shalt  }
0x75: {  	_ =	shalt  }
0x76: {  	_ =	shalt  }
0x77: {  	_ =	shalt  }
0x78: {  	_ =	shalt  }
0x79: {  	_ =	shalt  }
0x7a: {  	_ =	shalt  }
0x7b: {  	_ =	shalt  }
0x7c: {  	_ =	shalt  }
0x7d: {  	_ =	shalt  }
0x7e: {  	_ =	shalt  }
0x7f: {  	_ =	shalt  }
0x80: {  	_ =	shalt  }
0x81: {  	_ =	shalt  }
0x82: {  	_ =	shalt  }
0x83: {  	_ =	shalt  }
0x84: {  	_ =	shalt  }
0x85: {  	_ =	shalt  }
0x86: {  	_ =	shalt  }
0x87: {  	_ =	shalt  }
.Lfunc_end0:
.L_simem_size_0:
called_computation_lowered:
.L_overlay_start_0:
0x88: {  	s2 =	sld [smem:$0x3FD9]  }
0x89: {  	s3 =	sld [smem:$0x3FFE];
	_ =	sdelay $0x1  }
0x8a: {  	s1 =	srdreg.scid  }
0x8b: {  	s0 =	sand.u32 $0x1, s1  }
0x8c: {  	s17 =	sshll.u32 s0, $0xA;
	s2 =	sadd.s32 s3, s2  }
0x8d: {  	s2 =	sadd.s32 s2, s17  }
0x8e: {  	[smem:$0x3FC6] =	sst s2  }
0x8f: {  	_ = 	snop  }
0x90: {  	s2 =	sld [smem:$0x3FC8]  }
0x91: {  	s18 =	sld [smem:$0x3FD0];
	(tm) =	ssettm $0x1  }
0x92: {  	s4 =	sld [smem:$0x3FFB];
	_ =	sdelay $0x3  }
0x93: {  	_ =	strace s4  }
0x94: {  	s4 =	sld [smem:$0x3FFC];
	_ =	sdelay $0x3  }
0x95: {  	_ =	strace s4  }
0x96: {  	s4 =	sld [smem:$0x3FFD];
	_ =	sdelay $0x3  }
0x97: {  	_ =	strace s4  }
0x98: {  	_ =	strace $0x8FFFFFFF  }
0x99: {  	s19 =	sld [smem:$0x3FDB];
	_ =	sdelay $0x1  }
0x9a: {  	s5 =	simm.s32 $_scs_section_size  }
0x9b: {  	s6 =	simm.s32 $_size__tile_overlayer_lowered;
	s7 =	simm.s32 $_tile_overlayer_lowered  }
0x9c: {  	s22 =	simm.s32 $0x1BFF;
	s21 =	sshll.u32 s7, $0x1;
	s4 =	sadd.s32 s5, s19  }
0x9d: {  	s8 =	simm.s32 $0x0;
	s20 =	sshll.u32 s6, $0x1;
	s6 =	sadd.s32 s21, s4  }
0x9e: {  	[timem:s8], [sflag:s22] =	dma.local [hbm:s6], s20  }
0x9f: {  	_ =	swait.ge [sflag:s22], s20  }
0xa0: {  	s5 =	ssub.s32 $0x0, s20;
	[sflag:s22] =	ssyncset.done $0x0  }
0xa1: {  	[sflag:s22] =	ssyncadd.s32 s5;
	_ =	sdelay $0x1  }
0xa2: {  	s23 =	simm.s32 $0x1B8B  }
0xa3: {  	_ =	swait.ge [sflag:s23], $0x1  }
0xa4: {  	[sflag:s23] =	ssyncset.done $0x0  }
0xa5: {  	s25 =	simm.s32 $0x1B8E;
	s24 =	sld [smem:$0x3FFE];
	[sflag:s23] =	ssyncadd.s32 $0xFFFFFFFF  }
0xa6: {  	s26 =	simm.s32 $execute0_lowered;
	[smem:$0x3FD2] =	sst s25  }
0xa7: {  	s6 =	sshll.u32 s26, $0x1;
	_ =	strace $0x80000046;
	[dreg:$0x1] =	wrdreg $0xFFFFFFFF  }
0xa8: {  	s28 =	simm.s32 $_size_execute0_lowered;
	s4 =	sadd.s32 s4, s6;
	[dreg:$0x0] =	wrdreg $0x0  }
0xa9: {  	s6 =	sshll.u32 s28, $0x1;
	[dreg:$0x2] =	wrdreg s4  }
0xaa: {  	[dreg:$0x3] =	wrdreg s6  }
0xab: {  	[dreg:$0x4] =	wrdreg $0xC0  }
0xac: {  	_ =	task [dreg:s8], $0x5FFFF  }
0xad: {  	[dreg:$0x1] =	wrdreg $0xFFFFFFFF  }
0xae: {  	[dreg:$0x0] =	wrdreg $0x60  }
0xaf: {  	[dreg:$0x2] =	wrdreg s2  }
0xb0: {  	[dreg:$0x3] =	wrdreg s24  }
0xb1: {  	[dreg:$0x4] =	wrdreg s18  }
0xb2: {  	[dreg:$0x5] =	wrdreg $0x0  }
0xb3: {  	[dreg:$0x6] =	wrdreg $0xA0000  }
0xb4: {  	[dreg:$0x7] =	wrdreg $0x9  }
0xb5: {  	_ =	task.clear_ibuf [dreg:s8], $0x8FFFF;
	_ =	strace $0x90000046  }
0xb6: {  	s29 =	simm.s32 $0x9;
	_ =	strace $0x80000048  }
0xb7: {  	_ =	swait.ge [sflag:s29], $0x1  }
0xb8: {  	[sflag:s29] =	ssyncadd.s32 $0xFFFFFFFF  }
0xb9: {  	_ =	strace $0x90000048  }
0xba: {  	_ =	sfence  }
0xbb: {  	s30 =	sld [smem:$0x0];
	_ =	sdelay $0x2  }
0xbc: {  	s31 =	sshll.u32 s1, $0xD;
	s1 =	sshrl.u32 s1, $0x2  }
0xbd: {  	s3 =	sand.u32 $0x4000, s31;
	s1 =	sadd.s32 s1, s30  }
0xbe: {  	s0 =	sor.u32 s3, s0;
	s1 =	sshll.u32 s1, $0x11  }
0xbf: {  	s0 =	sor.u32 s1, s0  }
0xc0: {  	s0 =	sadd.s32 $0x8F2B, s0  }
0xc1: {  	[sflag:s0] =	ssyncadd.remote.s32 $0x1  }
0xc2: {  	_ =	sfence.sel $0xFFFF  }
0xc3: {  	[dreg:$0x0] =	wrdreg $0xFFFFFFFF;
	(pc) =	sbr.abs _section_cstart, $3  }
0xc4: {  	[dreg:$0x1] =	wrdreg $0xFFFFFFFF  }
0xc5: {  	_ =	task.clear_ibuf [dreg:s8], $0x2FFFF;
	_ =	strace $0x9FFFFFFF  }
0xc6: {  	(tm) =	ssettm $0x7FFFFFFF  }
0xc7: {  	_ =	shalt  }
tec
execute0_lowered:
.L_overlay_start_1:
0x0: {  	(tag) =	ssettag $0x1  }
0x1: {  	s0 =	rddreg [dreg:$0x0]  }
0x2: {  	s1 =	rddreg [dreg:$0x1]  }
0x3: {  	s5 =	rddreg [dreg:$0x2]  }
0x4: {  	s17 =	rddreg [dreg:$0x3];
	s16 =	stileid.u32  }
0x5: {  	s4 =	srdreg.scid;
	s6 =	smul.u32 $0xA000, s16  }
0x6: {  	s18 =	rddreg [dreg:$0x4];
	s2 =	simm.s32 $0x0;
	s10 =	smul.u32 $0x2800, s16  }
0x7: {  	s7 =	sand.u32 $0x1, s4;
	[smem:$0x7FF] =	sst s2;
	s13 =	smul.u32 $0x27100, s16  }
0x8: {  	s11 =	sadd.s32 $0x1000, s1;
	s12 =	sadd.s32 $0x15000, s1;
	s15 =	smul.u32 $0x5000, s16  }
0x9: {  	s21 =	sshll.u32 s16, $0x6;
	s8 =	smul.u32 $0x28000, s7;
	_ =	strace $0x80000047  }
0xa: {  	[dreg:$0x6] =	wrdreg s12;
	s12 =	smul.u32 $0x13880, s16;
	s14 =	sshll.u32 s7, $0x6  }
0xb: {  	s9 =	sshrl.u32 s6, $0x3;
	s13 =	sshrl.u32 s13, $0x2;
	s22 =	sshrl.u32 s15, $0x3  }
0xc: {  	s23 =	sadd.s32 s6, s18;
	s9 =	sadd.s32 s9, s1;
	s8 =	sadd.s32 s10, s8  }
0xd: {  	s10 =	sor.u32 s14, s12;
	s14 =	sor.u32 $0x1C19, s21;
	[dreg:$0x9] =	wrdreg s23  }
0xe: {  	s12 =	sadd.s32 s13, s17;
	s24 =	sadd.s32 $0x15600, s9;
	[dreg:$0x8] =	wrdreg s14  }
0xf: {  	s10 =	sshrl.u32 s10, $0x3;
	s23 =	sshrl.u32 s12, $0x3;
	[dreg:$0xb] =	wrdreg s24  }
0x10: {  	s13 =	smul.u32 $0xA00, s16;
	s0 =	sadd.s32 s0, s10;
	[dreg:$0x19] =	wrdreg s23  }
0x11: {  	s28 =	simm.s32 $0x40;
	s10 =	sadd.s32 s11, s22;
	[dreg:$0x7] =	wrdreg s0  }
0x12: {  	s29 =	simm.s32 $0x12;
	s22 =	sadd.s32 s13, s11;
	[dreg:$0xa] =	wrdreg s10  }
0x13: {  	s19 =	ssub.s32 $0x2, s7;
	s25 =	sadd.s32 $0xA000, s10;
	[smem:$0x7FD] =	sst s22  }
0x14: {  	s26 =	smul.u32 $0xA0000, s7;
	s30 =	sadd.s32 $0x8, s10;
	[dreg:$0xc] =	wrdreg s25  }
0x15: {  	s7 =	simm.s32 $0x2;
	s31 =	sadd.s32 $0xA008, s10;
	[dreg:$0xd] =	wrdreg s30  }
0x16: {  	s20 =	sshrl.u32 s19, $0x1;
	s2 =	sadd.s32 $0x10, s10;
	[dreg:$0xe] =	wrdreg s31  }
0x17: {  	s8 =	sshrl.u32 s8, $0x3;
	s3 =	sadd.s32 $0xA010, s10;
	[dreg:$0xf] =	wrdreg s2  }
0x18: {  	s1 =	sadd.s32 s8, s1;
	s4 =	sadd.s32 $0x18, s10;
	[dreg:$0x10] =	wrdreg s3  }
0x19: {  	s8 =	ssub.s32 s19, s20;
	s9 =	sadd.s32 $0xA018, s10;
	[dreg:$0x11] =	wrdreg s4  }
0x1a: {  	s23 =	simm.s32 $0x10;
	s15 =	sadd.s32 $0x20, s10;
	[dreg:$0x12] =	wrdreg s9  }
0x1b: {  	s11 =	simm.s32 $0x3;
	s16 =	sadd.s32 $0xA020, s10;
	[dreg:$0x13] =	wrdreg s15  }
0x1c: {  	s0 =	sadd.s32 s6, s26;
	s19 =	sadd.s32 $0x28, s10;
	[dreg:$0x15] =	wrdreg s16  }
0x1d: {  	s20 =	sadd.s32 $0x29600, s1;
	s21 =	smax.u32 s8, $0x1;
	[dreg:$0x16] =	wrdreg s19  }
0x1e: {  	s24 =	sadd.s32 $0xA028, s10;
	s26 =	sadd.s32 $0xA030, s10;
	[dreg:$0x17] =	wrdreg s20  }
0x1f: {  	s1 =	simm.s32 $0x1;
	s8 =	simm.s32 $0x14000;
	[dreg:$0x18] =	wrdreg s21  }
0x20: {  	s6 =	simm.s32 $0x0;
	s0 =	sshrl.u32 s0, $0x3;
	[dreg:$0x1a] =	wrdreg s24  }
0x21: {  	s25 =	sadd.s32 $0x30, s10;
	[dreg:$0x1c] =	wrdreg s26;
	s30 =	sadd.s32 $0x38, s10  }
0x22: {  	s31 =	sadd.s32 $0xA038, s10;
	s2 =	simm.s32 $0x19;
	s9 =	simm.s32 $0x4  }
0x23: {  	s19 =	simm.s32 $0x5;
	s24 =	simm.s32 $0x6;
	[dreg:$0x1b] =	wrdreg s25  }
0x24: {  	s10 =	simm.s32 $0x7;
	s4 =	simm.s32 $0xF;
	[dreg:$0x1d] =	wrdreg s30  }
0x25: {  	s21 =	simm.s32 $0x11;
	s0 =	sadd.s32 s5, s0;
	[dreg:$0x1e] =	wrdreg s31  }
0x26: {  	v0 =	vimm.f32 $1.000000000e+00;
	s25 =	simm.s32 $0x18;
	[dreg:$0x14] =	wrdreg s0;
	s0 =	simm.s32 $0x8  }
.LBB2_1:
0x27: {  	[dreg:$0x1f] =	wrdreg s6  }
0x28: {  	s5 =	rddreg [dreg:$0x7]  }
0x29: {  	s15 =	rddreg [dreg:$0x19]  }
0x2a: {  	[spmem:s15@s0], [sflag:s14] =	dma.strided [hbm:s5@s23], $0x1388, s1, $0x8   }
0x2b: {  	_ =	swait.ge [sflag:s2], $0x1388  }
0x2c: {  	s16 =	rddreg [dreg:$0x9]  }
0x2d: {  	[sflag:s2] =	ssyncset.done $0x0;
	s26 =	rddreg [dreg:$0xb];
	s20 =	sshrl.u32 s16, $0x3  }
0x2e: {  	[sflag:s2] =	ssyncadd.s32 $0xFFFFEC78;
	[smem:$0x7FC] =	sst s20  }
0x2f: {  	[spmem:s20], [sflag:s14] =	dma.local [hbm:s26], $0x1400  }
0x30: {  	_ =	swait.ge [sflag:s2], $0x1400  }
0x31: {  	[sflag:s2] =	ssyncset.done $0x0  }
0x32: {  	s3 =	simm.s32 $0x0;
	s30 =	rddreg [dreg:$0x6];
	[sflag:s2] =	ssyncadd.s32 $0xFFFFEC00  }
0x33: {  	[tilespmem:s8], [sflag:$0x19] =	stream.linear.gather [hbm4b:s30+s3], $0x2800, $0x38;
	[tilespmem:$0x1F000] =	vst v63  }
0x34: {  	_ =	swait.ge [sflag:s2], $0x2800  }
0x35: {  	[sflag:s2] =	ssyncset.done $0x0  }
0x36: {  	[sflag:s2] =	ssyncadd.s32 $0xFFFFD800  }
0x37: {  	[bflag:$0x0] =	sbarrier.arrive $0xFFFF  }
0x38: {  	s2 =	simm.s32 $0x16800;
	s31 =	rddreg [dreg:$0xa]  }
0x39: {  	[tilespmem:s2], [sflag:$0x1] =	stream.linear.gather [hbm4b:s31+s3], $0x40, $0x38;
	[tilespmem:$0x1F000] =	vst v63  }
0x3a: {  	s13 =	simm.s32 $0x16840;
	s12 =	rddreg [dreg:$0xc]  }
0x3b: {  	[tilespmem:s13], [sflag:$0x1] =	stream.linear.gather [hbm4b:s12+s3], $0x40, $0x38;
	[tilespmem:$0x1F000] =	vst v63  }
0x3c: {  	s15 =	simm.s32 $0x16880;
	s14 =	rddreg [dreg:$0xd]  }
0x3d: {  	[tilespmem:s15], [sflag:$0x2] =	stream.linear.gather [hbm4b:s14+s3], $0x40, $0x38;
	[tilespmem:$0x1F000] =	vst v63  }
0x3e: {  	s20 =	simm.s32 $0x168C0;
	s16 =	rddreg [dreg:$0xe]  }
0x3f: {  	[tilespmem:s20], [sflag:$0x2] =	stream.linear.gather [hbm4b:s16+s3], $0x40, $0x38;
	[tilespmem:$0x1F000] =	vst v63  }
0x40: {  	s30 =	simm.s32 $0x16900;
	s26 =	rddreg [dreg:$0xf]  }
0x41: {  	[tilespmem:s30], [sflag:$0x3] =	stream.linear.gather [hbm4b:s26+s3], $0x40, $0x38;
	[tilespmem:$0x1F000] =	vst v63  }
0x42: {  	s31 =	rddreg [dreg:$0x10];
	s2 =	simm.s32 $0x16940  }
0x43: {  	[tilespmem:s2], [sflag:$0x3] =	stream.linear.gather [hbm4b:s31+s3], $0x40, $0x38;
	[tilespmem:$0x1F000] =	vst v63  }
0x44: {  	s12 =	rddreg [dreg:$0x11];
	s13 =	simm.s32 $0x16980  }
0x45: {  	[tilespmem:s13], [sflag:$0x4] =	stream.linear.gather [hbm4b:s12+s3], $0x40, $0x38;
	[tilespmem:$0x1F000] =	vst v63  }
0x46: {  	s14 =	rddreg [dreg:$0x12];
	s15 =	simm.s32 $0x169C0  }
0x47: {  	[tilespmem:s15], [sflag:$0x4] =	stream.linear.gather [hbm4b:s14+s3], $0x40, $0x38;
	[tilespmem:$0x1F000] =	vst v63  }
0x48: {  	s16 =	rddreg [dreg:$0x13];
	s20 =	simm.s32 $0x16A00  }
0x49: {  	[tilespmem:s20], [sflag:$0x5] =	stream.linear.gather [hbm4b:s16+s3], $0x40, $0x38;
	[tilespmem:$0x1F000] =	vst v63  }
0x4a: {  	s26 =	rddreg [dreg:$0x15];
	s30 =	simm.s32 $0x16A40  }
0x4b: {  	[tilespmem:s30], [sflag:$0x5] =	stream.linear.gather [hbm4b:s26+s3], $0x40, $0x38;
	[tilespmem:$0x1F000] =	vst v63  }
0x4c: {  	s31 =	rddreg [dreg:$0x16];
	s2 =	simm.s32 $0x16A80  }
0x4d: {  	[tilespmem:s2], [sflag:$0x6] =	stream.linear.gather [hbm4b:s31+s3], $0x40, $0x38;
	[tilespmem:$0x1F000] =	vst v63  }
0x4e: {  	s6 =	rddreg [dreg:$0x1a];
	s12 =	simm.s32 $0x16AC0  }
0x4f: {  	[tilespmem:s12], [sflag:$0x6] =	stream.linear.gather [hbm4b:s6+s3], $0x40, $0x38;
	[tilespmem:$0x1F000] =	vst v63  }
0x50: {  	s13 =	rddreg [dreg:$0x1b];
	s14 =	simm.s32 $0x16B00  }
0x51: {  	[tilespmem:s14], [sflag:$0x7] =	stream.linear.gather [hbm4b:s13+s3], $0x40, $0x38;
	[tilespmem:$0x1F000] =	vst v63  }
0x52: {  	s15 =	rddreg [dreg:$0x1c];
	s16 =	simm.s32 $0x16B40  }
0x53: {  	[tilespmem:s16], [sflag:$0x7] =	stream.linear.gather [hbm4b:s15+s3], $0x40, $0x38;
	[tilespmem:$0x1F000] =	vst v63  }
0x54: {  	s5 =	simm.s32 $0x17000;
	s20 =	rddreg [dreg:$0x1d];
	s26 =	simm.s32 $0x16B80  }
0x55: {  	[tilespmem:s26], [sflag:$0x8] =	stream.linear.gather [hbm4b:s20+s3], $0x40, $0x38;
	[tilespmem:$0x1F000] =	vst v63  }
0x56: {  	s30 =	rddreg [dreg:$0x1e];
	s31 =	simm.s32 $0x16BC0;
	s6 =	simm.s32 $0x0  }
0x57: {  	[tilespmem:s31], [sflag:$0x8] =	stream.linear.gather [hbm4b:s30+s3], $0x40, $0x38;
	[tilespmem:$0x1F000] =	vst v63  }
.LBB2_2:
0x58: {  	_ =	swait.ge [sflag:s1], $0x40  }
0x59: {  	[sflag:s1] =	ssyncset.done $0x0  }
0x5a: {  	[sflag:s1] =	ssyncadd.s32 $0xFFFFFFC0  }
0x5b: {  	_ =	swait.ge [sflag:s1], $0x40  }
0x5c: {  	[sflag:s1] =	ssyncset.done $0x0  }
0x5d: {  	s14 =	simm.s32 $0x16800;
	[sflag:s1] =	ssyncadd.s32 $0xFFFFFFC0  }
0x5e: {  	[tilespmem:s5], [sflag:$0x9] =	stream.indirect.gather [spmem:s17], $0x40, s14, s28, $0xb8;
	[tilespmem:$0x1F000] =	vst v63  }
0x5f: {  	s5 =	sadd.s32 s6, s22  }
0x60: {  	s13 =	simm.s32 $0x16C00;
	s2 =	simm.s32 $0x0;
	s12 =	sadd.s32 $0x40, s5  }
0x61: {  	[tilespmem:s13], [sflag:$0x1] =	stream.linear.gather [hbm4b:s12+s2], $0x40, $0x38;
	[tilespmem:$0x1F000] =	vst v63  }
0x62: {  	s16 =	simm.s32 $0x16C40;
	s15 =	sadd.s32 $0xA040, s5  }
0x63: {  	[tilespmem:s16], [sflag:$0x1] =	stream.linear.gather [hbm4b:s15+s2], $0x40, $0x38;
	[tilespmem:$0x1F000] =	vst v63  }
0x64: {  	v1 =	vld [tilespmem:$0x16840];
	_ =	sdelay $0x7  }
0x65: {  	[tilespmem:v1+s8+$0x0] =	vst.idx.add.f32.msk $0xffff, v0  }
0x66: {  	v1 =	vld [tilespmem:$0x16850];
	_ =	sdelay $0x7  }
0x67: {  	[tilespmem:v1+s8+$0x0] =	vst.idx.add.f32.msk $0xffff, v0  }
0x68: {  	v1 =	vld [tilespmem:$0x16860];
	_ =	sdelay $0x7  }
0x69: {  	[tilespmem:v1+s8+$0x0] =	vst.idx.add.f32.msk $0xffff, v0  }
0x6a: {  	v1 =	vld [tilespmem:$0x16870];
	_ =	sdelay $0x7  }
0x6b: {  	[tilespmem:v1+s8+$0x0] =	vst.idx.add.f32.msk $0xffff, v0  }
0x6c: {  	_ =	swait.ge [sflag:s7], $0x40  }
0x6d: {  	[sflag:s7] =	ssyncset.done $0x0  }
0x6e: {  	[sflag:s7] =	ssyncadd.s32 $0xFFFFFFC0  }
0x6f: {  	_ =	swait.ge [sflag:s7], $0x40  }
0x70: {  	[sflag:s7] =	ssyncset.done $0x0  }
0x71: {  	s20 =	simm.s32 $0x16880;
	s26 =	simm.s32 $0x18000;
	[sflag:s7] =	ssyncadd.s32 $0xFFFFFFC0  }
0x72: {  	[tilespmem:s26], [sflag:$0xA] =	stream.indirect.gather [spmem:s17], $0x40, s20, s28, $0xb8;
	[tilespmem:$0x1F000] =	vst v63  }
0x73: {  	s31 =	simm.s32 $0x16C80;
	s30 =	sadd.s32 $0x48, s5  }
0x74: {  	[tilespmem:s31], [sflag:$0x2] =	stream.linear.gather [hbm4b:s30+s2], $0x40, $0x38;
	[tilespmem:$0x1F000] =	vst v63  }
0x75: {  	s3 =	simm.s32 $0x16CC0;
	s1 =	sadd.s32 $0xA048, s5  }
0x76: {  	[tilespmem:s3], [sflag:$0x2] =	stream.linear.gather [hbm4b:s1+s2], $0x40, $0x38;
	[tilespmem:$0x1F000] =	vst v63  }
0x77: {  	v1 =	vld [tilespmem:$0x168C0];
	_ =	sdelay $0x7  }
0x78: {  	[tilespmem:v1+s8+$0x0] =	vst.idx.add.f32.msk $0xffff, v0  }
0x79: {  	v1 =	vld [tilespmem:$0x168D0];
	_ =	sdelay $0x7  }
0x7a: {  	[tilespmem:v1+s8+$0x0] =	vst.idx.add.f32.msk $0xffff, v0  }
0x7b: {  	v1 =	vld [tilespmem:$0x168E0];
	_ =	sdelay $0x7  }
0x7c: {  	[tilespmem:v1+s8+$0x0] =	vst.idx.add.f32.msk $0xffff, v0  }
0x7d: {  	v1 =	vld [tilespmem:$0x168F0];
	_ =	sdelay $0x7  }
0x7e: {  	[tilespmem:v1+s8+$0x0] =	vst.idx.add.f32.msk $0xffff, v0  }
0x7f: {  	_ =	swait.ge [sflag:s11], $0x40  }
0x80: {  	[sflag:s11] =	ssyncset.done $0x0  }
0x81: {  	[sflag:s11] =	ssyncadd.s32 $0xFFFFFFC0  }
0x82: {  	_ =	swait.ge [sflag:s11], $0x40  }
0x83: {  	[sflag:s11] =	ssyncset.done $0x0  }
0x84: {  	s7 =	simm.s32 $0x16900;
	[sflag:s11] =	ssyncadd.s32 $0xFFFFFFC0;
	s11 =	simm.s32 $0x19000  }
0x85: {  	[tilespmem:s11], [sflag:$0xB] =	stream.indirect.gather [spmem:s17], $0x40, s7, s28, $0xb8;
	[tilespmem:$0x1F000] =	vst v63  }
0x86: {  	s12 =	sadd.s32 $0x50, s5;
	s13 =	simm.s32 $0x16D00  }
0x87: {  	[tilespmem:s13], [sflag:$0x3] =	stream.linear.gather [hbm4b:s12+s2], $0x40, $0x38;
	[tilespmem:$0x1F000] =	vst v63  }
0x88: {  	s15 =	sadd.s32 $0xA050, s5;
	s16 =	simm.s32 $0x16D40  }
0x89: {  	[tilespmem:s16], [sflag:$0x3] =	stream.linear.gather [hbm4b:s15+s2], $0x40, $0x38;
	[tilespmem:$0x1F000] =	vst v63  }
0x8a: {  	v1 =	vld [tilespmem:$0x16940];
	_ =	sdelay $0x7  }
0x8b: {  	[tilespmem:v1+s8+$0x0] =	vst.idx.add.f32.msk $0xffff, v0  }
0x8c: {  	v1 =	vld [tilespmem:$0x16950];
	_ =	sdelay $0x7  }
0x8d: {  	[tilespmem:v1+s8+$0x0] =	vst.idx.add.f32.msk $0xffff, v0  }
0x8e: {  	v1 =	vld [tilespmem:$0x16960];
	_ =	sdelay $0x7  }
0x8f: {  	[tilespmem:v1+s8+$0x0] =	vst.idx.add.f32.msk $0xffff, v0  }
0x90: {  	v1 =	vld [tilespmem:$0x16970];
	_ =	sdelay $0x7  }
0x91: {  	[tilespmem:v1+s8+$0x0] =	vst.idx.add.f32.msk $0xffff, v0  }
0x92: {  	_ =	swait.ge [sflag:s9], $0x40  }
0x93: {  	[sflag:s9] =	ssyncset.done $0x0  }
0x94: {  	[sflag:s9] =	ssyncadd.s32 $0xFFFFFFC0  }
0x95: {  	_ =	swait.ge [sflag:s9], $0x40  }
0x96: {  	[sflag:s9] =	ssyncset.done $0x0  }
0x97: {  	s20 =	simm.s32 $0x16980;
	s26 =	simm.s32 $0x1A000;
	[sflag:s9] =	ssyncadd.s32 $0xFFFFFFC0  }
0x98: {  	[tilespmem:s26], [sflag:$0xC] =	stream.indirect.gather [spmem:s17], $0x40, s20, s28, $0xb8;
	[tilespmem:$0x1F000] =	vst v63  }
0x99: {  	s30 =	sadd.s32 $0x58, s5;
	s31 =	simm.s32 $0x16D80  }
0x9a: {  	[tilespmem:s31], [sflag:$0x4] =	stream.linear.gather [hbm4b:s30+s2], $0x40, $0x38;
	[tilespmem:$0x1F000] =	vst v63  }
0x9b: {  	s3 =	sadd.s32 $0xA058, s5;
	s9 =	simm.s32 $0x16DC0  }
0x9c: {  	[tilespmem:s9], [sflag:$0x4] =	stream.linear.gather [hbm4b:s3+s2], $0x40, $0x38;
	[tilespmem:$0x1F000] =	vst v63  }
0x9d: {  	v1 =	vld [tilespmem:$0x169C0];
	_ =	sdelay $0x7  }
0x9e: {  	[tilespmem:v1+s8+$0x0] =	vst.idx.add.f32.msk $0xffff, v0  }
0x9f: {  	v1 =	vld [tilespmem:$0x169D0];
	_ =	sdelay $0x7  }
0xa0: {  	[tilespmem:v1+s8+$0x0] =	vst.idx.add.f32.msk $0xffff, v0  }
0xa1: {  	v1 =	vld [tilespmem:$0x169E0];
	_ =	sdelay $0x7  }
0xa2: {  	[tilespmem:v1+s8+$0x0] =	vst.idx.add.f32.msk $0xffff, v0  }
0xa3: {  	v1 =	vld [tilespmem:$0x169F0];
	_ =	sdelay $0x7  }
0xa4: {  	[tilespmem:v1+s8+$0x0] =	vst.idx.add.f32.msk $0xffff, v0  }
0xa5: {  	_ =	swait.ge [sflag:s19], $0x40  }
0xa6: {  	[sflag:s19] =	ssyncset.done $0x0  }
0xa7: {  	[sflag:s19] =	ssyncadd.s32 $0xFFFFFFC0  }
0xa8: {  	_ =	swait.ge [sflag:s19], $0x40  }
0xa9: {  	[sflag:s19] =	ssyncset.done $0x0  }
0xaa: {  	s12 =	simm.s32 $0x16A00;
	s13 =	simm.s32 $0x1B000;
	[sflag:s19] =	ssyncadd.s32 $0xFFFFFFC0  }
0xab: {  	[tilespmem:s13], [sflag:$0xD] =	stream.indirect.gather [spmem:s17], $0x40, s12, s28, $0xb8;
	[tilespmem:$0x1F000] =	vst v63  }
0xac: {  	s15 =	sadd.s32 $0x60, s5;
	s16 =	simm.s32 $0x16E00  }
0xad: {  	[tilespmem:s16], [sflag:$0x5] =	stream.linear.gather [hbm4b:s15+s2], $0x40, $0x38;
	[tilespmem:$0x1F000] =	vst v63  }
0xae: {  	s20 =	simm.s32 $0x16E40;
	s19 =	sadd.s32 $0xA060, s5  }
0xaf: {  	[tilespmem:s20], [sflag:$0x5] =	stream.linear.gather [hbm4b:s19+s2], $0x40, $0x38;
	[tilespmem:$0x1F000] =	vst v63  }
0xb0: {  	v1 =	vld [tilespmem:$0x16A40];
	_ =	sdelay $0x7  }
0xb1: {  	[tilespmem:v1+s8+$0x0] =	vst.idx.add.f32.msk $0xffff, v0  }
0xb2: {  	v1 =	vld [tilespmem:$0x16A50];
	_ =	sdelay $0x7  }
0xb3: {  	[tilespmem:v1+s8+$0x0] =	vst.idx.add.f32.msk $0xffff, v0  }
0xb4: {  	v1 =	vld [tilespmem:$0x16A60];
	_ =	sdelay $0x7  }
0xb5: {  	[tilespmem:v1+s8+$0x0] =	vst.idx.add.f32.msk $0xffff, v0  }
0xb6: {  	v1 =	vld [tilespmem:$0x16A70];
	_ =	sdelay $0x7  }
0xb7: {  	[tilespmem:v1+s8+$0x0] =	vst.idx.add.f32.msk $0xffff, v0  }
0xb8: {  	_ =	swait.ge [sflag:s24], $0x40  }
0xb9: {  	[sflag:s24] =	ssyncset.done $0x0  }
0xba: {  	[sflag:s24] =	ssyncadd.s32 $0xFFFFFFC0  }
0xbb: {  	_ =	swait.ge [sflag:s24], $0x40  }
0xbc: {  	[sflag:s24] =	ssyncset.done $0x0  }
0xbd: {  	s26 =	simm.s32 $0x1C000;
	[sflag:s24] =	ssyncadd.s32 $0xFFFFFFC0;
	s24 =	simm.s32 $0x16A80  }
0xbe: {  	[tilespmem:s26], [sflag:$0xE] =	stream.indirect.gather [spmem:s17], $0x40, s24, s28, $0xb8;
	[tilespmem:$0x1F000] =	vst v63  }
0xbf: {  	s30 =	sadd.s32 $0x68, s5;
	s31 =	simm.s32 $0x16E80  }
0xc0: {  	[tilespmem:s31], [sflag:$0x6] =	stream.linear.gather [hbm4b:s30+s2], $0x40, $0x38;
	[tilespmem:$0x1F000] =	vst v63  }
0xc1: {  	s3 =	sadd.s32 $0xA068, s5;
	s9 =	simm.s32 $0x16EC0  }
0xc2: {  	[tilespmem:s9], [sflag:$0x6] =	stream.linear.gather [hbm4b:s3+s2], $0x40, $0x38;
	[tilespmem:$0x1F000] =	vst v63  }
0xc3: {  	v1 =	vld [tilespmem:$0x16AC0];
	_ =	sdelay $0x7  }
0xc4: {  	[tilespmem:v1+s8+$0x0] =	vst.idx.add.f32.msk $0xffff, v0  }
0xc5: {  	v1 =	vld [tilespmem:$0x16AD0];
	_ =	sdelay $0x7  }
0xc6: {  	[tilespmem:v1+s8+$0x0] =	vst.idx.add.f32.msk $0xffff, v0  }
0xc7: {  	v1 =	vld [tilespmem:$0x16AE0];
	_ =	sdelay $0x7  }
0xc8: {  	[tilespmem:v1+s8+$0x0] =	vst.idx.add.f32.msk $0xffff, v0  }
0xc9: {  	v1 =	vld [tilespmem:$0x16AF0];
	_ =	sdelay $0x7  }
0xca: {  	[tilespmem:v1+s8+$0x0] =	vst.idx.add.f32.msk $0xffff, v0  }
0xcb: {  	_ =	swait.ge [sflag:s10], $0x40  }
0xcc: {  	[sflag:s10] =	ssyncset.done $0x0  }
0xcd: {  	[sflag:s10] =	ssyncadd.s32 $0xFFFFFFC0  }
0xce: {  	_ =	swait.ge [sflag:s10], $0x40  }
0xcf: {  	[sflag:s10] =	ssyncset.done $0x0  }
0xd0: {  	s13 =	simm.s32 $0x16B00;
	s15 =	simm.s32 $0x1D000;
	[sflag:s10] =	ssyncadd.s32 $0xFFFFFFC0  }
0xd1: {  	[tilespmem:s15], [sflag:$0xF] =	stream.indirect.gather [spmem:s17], $0x40, s13, s28, $0xb8;
	[tilespmem:$0x1F000] =	vst v63  }
0xd2: {  	s19 =	sadd.s32 $0x70, s5;
	s20 =	simm.s32 $0x16F00  }
0xd3: {  	[tilespmem:s20], [sflag:$0x7] =	stream.linear.gather [hbm4b:s19+s2], $0x40, $0x38;
	[tilespmem:$0x1F000] =	vst v63  }
0xd4: {  	s24 =	sadd.s32 $0xA070, s5;
	s26 =	simm.s32 $0x16F40  }
0xd5: {  	[tilespmem:s26], [sflag:$0x7] =	stream.linear.gather [hbm4b:s24+s2], $0x40, $0x38;
	[tilespmem:$0x1F000] =	vst v63  }
0xd6: {  	v1 =	vld [tilespmem:$0x16B40];
	_ =	sdelay $0x7  }
0xd7: {  	[tilespmem:v1+s8+$0x0] =	vst.idx.add.f32.msk $0xffff, v0  }
0xd8: {  	v1 =	vld [tilespmem:$0x16B50];
	_ =	sdelay $0x7  }
0xd9: {  	[tilespmem:v1+s8+$0x0] =	vst.idx.add.f32.msk $0xffff, v0  }
0xda: {  	v1 =	vld [tilespmem:$0x16B60];
	_ =	sdelay $0x7  }
0xdb: {  	[tilespmem:v1+s8+$0x0] =	vst.idx.add.f32.msk $0xffff, v0  }
0xdc: {  	v1 =	vld [tilespmem:$0x16B70];
	_ =	sdelay $0x7  }
0xdd: {  	[tilespmem:v1+s8+$0x0] =	vst.idx.add.f32.msk $0xffff, v0  }
0xde: {  	_ =	swait.ge [sflag:s0], $0x40  }
0xdf: {  	[sflag:s0] =	ssyncset.done $0x0  }
0xe0: {  	[sflag:s0] =	ssyncadd.s32 $0xFFFFFFC0  }
0xe1: {  	_ =	swait.ge [sflag:s0], $0x40  }
0xe2: {  	[sflag:s0] =	ssyncset.done $0x0  }
0xe3: {  	s30 =	simm.s32 $0x16B80;
	s31 =	simm.s32 $0x1E000;
	[sflag:s0] =	ssyncadd.s32 $0xFFFFFFC0  }
0xe4: {  	[tilespmem:s31], [sflag:$0x10] =	stream.indirect.gather [spmem:s17], $0x40, s30, s28, $0xb8;
	[tilespmem:$0x1F000] =	vst v63  }
0xe5: {  	s1 =	simm.s32 $0x16F80;
	s0 =	sadd.s32 $0x78, s5  }
0xe6: {  	[tilespmem:s1], [sflag:$0x8] =	stream.linear.gather [hbm4b:s0+s2], $0x40, $0x38;
	[tilespmem:$0x1F000] =	vst v63  }
0xe7: {  	s9 =	simm.s32 $0x16FC0;
	s5 =	sadd.s32 $0xA078, s5  }
0xe8: {  	[tilespmem:s9], [sflag:$0x8] =	stream.linear.gather [hbm4b:s5+s2], $0x40, $0x38;
	[tilespmem:$0x1F000] =	vst v63  }
0xe9: {  	v1 =	vld [tilespmem:$0x16BC0];
	_ =	sdelay $0x7  }
0xea: {  	[tilespmem:v1+s8+$0x0] =	vst.idx.add.f32.msk $0xffff, v0  }
0xeb: {  	v1 =	vld [tilespmem:$0x16BD0];
	_ =	sdelay $0x7  }
0xec: {  	[tilespmem:v1+s8+$0x0] =	vst.idx.add.f32.msk $0xffff, v0  }
0xed: {  	v1 =	vld [tilespmem:$0x16BE0];
	_ =	sdelay $0x7  }
0xee: {  	[tilespmem:v1+s8+$0x0] =	vst.idx.add.f32.msk $0xffff, v0  }
0xef: {  	v1 =	vld [tilespmem:$0x16BF0];
	_ =	sdelay $0x7  }
0xf0: {  	s30 =	simm.s32 $0x9;
	[tilespmem:v1+s8+$0x0] =	vst.idx.add.f32.msk $0xffff, v0  }
0xf1: {  	_ =	swait.ge [sflag:s30], $0x1000  }
0xf2: {  	s10 =	simm.s32 $0x16840;
	[sflag:s30] =	ssyncset.done $0x0  }
0xf3: {  	s13 =	simm.s32 $0x17000;
	s0 =	simm.s32 $0xA;
	[sflag:s30] =	ssyncadd.s32 $0xFFFFF000  }
0xf4: {  	[spmem:s18] =	stream.indirect.scatter.add.f32 [tilespmem:s13], [sflag:$0x11], $0x40, s10, s28, $0xb8;
	[tilespmem:$0x1F000] =	vst v63  }
0xf5: {  	_ =	swait.ge [sflag:s0], $0x1000  }
0xf6: {  	[sflag:s0] =	ssyncset.done $0x0  }
0xf7: {  	s15 =	simm.s32 $0x168C0;
	s24 =	simm.s32 $0x18000;
	[sflag:s0] =	ssyncadd.s32 $0xFFFFF000  }
0xf8: {  	[spmem:s18] =	stream.indirect.scatter.add.f32 [tilespmem:s24], [sflag:$0x12], $0x40, s15, s28, $0xb8;
	[tilespmem:$0x1F000] =	vst v63  }
0xf9: {  	s15 =	simm.s32 $0xB  }
0xfa: {  	_ =	swait.ge [sflag:s15], $0x1000  }
0xfb: {  	s7 =	simm.s32 $0x19000;
	[sflag:s15] =	ssyncset.done $0x0  }
0xfc: {  	s26 =	simm.s32 $0x16940;
	s10 =	simm.s32 $0xC;
	[sflag:s15] =	ssyncadd.s32 $0xFFFFF000  }
0xfd: {  	[spmem:s18] =	stream.indirect.scatter.add.f32 [tilespmem:s7], [sflag:$0x13], $0x40, s26, s28, $0xb8;
	[tilespmem:$0x1F000] =	vst v63  }
0xfe: {  	_ =	swait.ge [sflag:s10], $0x1000  }
0xff: {  	s11 =	simm.s32 $0x1A000;
	[sflag:s10] =	ssyncset.done $0x0  }
0x100: {  	s31 =	simm.s32 $0x169C0;
	s13 =	simm.s32 $0xD;
	[sflag:s10] =	ssyncadd.s32 $0xFFFFF000  }
0x101: {  	[spmem:s18] =	stream.indirect.scatter.add.f32 [tilespmem:s11], [sflag:$0x14], $0x40, s31, s28, $0xb8;
	[tilespmem:$0x1F000] =	vst v63  }
0x102: {  	_ =	swait.ge [sflag:s13], $0x1000  }
0x103: {  	[sflag:s13] =	ssyncset.done $0x0  }
0x104: {  	s12 =	simm.s32 $0x1B000;
	s1 =	simm.s32 $0x16A40;
	[sflag:s13] =	ssyncadd.s32 $0xFFFFF000  }
0x105: {  	[spmem:s18] =	stream.indirect.scatter.add.f32 [tilespmem:s12], [sflag:$0x15], $0x40, s1, s28, $0xb8;
	[tilespmem:$0x1F000] =	vst v63  }
0x106: {  	s1 =	simm.s32 $0xE  }
0x107: {  	_ =	swait.ge [sflag:s1], $0x1000  }
0x108: {  	[sflag:s1] =	ssyncset.done $0x0  }
0x109: {  	s16 =	simm.s32 $0x1C000;
	s7 =	simm.s32 $0x16AC0;
	[sflag:s1] =	ssyncadd.s32 $0xFFFFF000  }
0x10a: {  	[spmem:s18] =	stream.indirect.scatter.add.f32 [tilespmem:s16], [sflag:$0x16], $0x40, s7, s28, $0xb8;
	[tilespmem:$0x1F000] =	vst v63  }
0x10b: {  	_ =	swait.ge [sflag:s4], $0x1000  }
0x10c: {  	[sflag:s4] =	ssyncset.done $0x0  }
0x10d: {  	s3 =	simm.s32 $0x1D000;
	s11 =	simm.s32 $0x16B40;
	[sflag:s4] =	ssyncadd.s32 $0xFFFFF000  }
0x10e: {  	[spmem:s18] =	stream.indirect.scatter.add.f32 [tilespmem:s3], [sflag:$0x17], $0x40, s11, s28, $0xb8;
	[tilespmem:$0x1F000] =	vst v63  }
0x10f: {  	_ =	swait.ge [sflag:s23], $0x1000  }
0x110: {  	[sflag:s23] =	ssyncset.done $0x0  }
0x111: {  	s20 =	simm.s32 $0x1E000;
	s12 =	simm.s32 $0x16BC0;
	[sflag:s23] =	ssyncadd.s32 $0xFFFFF000  }
0x112: {  	[spmem:s18] =	stream.indirect.scatter.add.f32 [tilespmem:s20], [sflag:$0x18], $0x40, s12, s28, $0xb8;
	[tilespmem:$0x1F000] =	vst v63  }
0x113: {  	_ =	swait.ge [sflag:s21], $0x1000  }
0x114: {  	[sflag:s21] =	ssyncset.done $0x0  }
0x115: {  	[sflag:s21] =	ssyncadd.s32 $0xFFFFF000  }
0x116: {  	_ =	swait.ge [sflag:s29], $0x1000  }
0x117: {  	[sflag:s29] =	ssyncset.done $0x0  }
0x118: {  	s7 =	simm.s32 $0x13;
	[sflag:s29] =	ssyncadd.s32 $0xFFFFF000  }
0x119: {  	_ =	swait.ge [sflag:s7], $0x1000  }
0x11a: {  	[sflag:s7] =	ssyncset.done $0x0  }
0x11b: {  	s3 =	simm.s32 $0x14;
	[sflag:s7] =	ssyncadd.s32 $0xFFFFF000  }
0x11c: {  	_ =	swait.ge [sflag:s3], $0x1000  }
0x11d: {  	[sflag:s3] =	ssyncset.done $0x0  }
0x11e: {  	s12 =	simm.s32 $0x15;
	[sflag:s3] =	ssyncadd.s32 $0xFFFFF000  }
0x11f: {  	_ =	swait.ge [sflag:s12], $0x1000  }
0x120: {  	[sflag:s12] =	ssyncset.done $0x0  }
0x121: {  	s16 =	simm.s32 $0x16;
	[sflag:s12] =	ssyncadd.s32 $0xFFFFF000  }
0x122: {  	_ =	swait.ge [sflag:s16], $0x1000  }
0x123: {  	[sflag:s16] =	ssyncset.done $0x0  }
0x124: {  	s20 =	simm.s32 $0x17;
	[sflag:s16] =	ssyncadd.s32 $0xFFFFF000  }
0x125: {  	_ =	swait.ge [sflag:s20], $0x1000  }
0x126: {  	[sflag:s20] =	ssyncset.done $0x0  }
0x127: {  	[sflag:s20] =	ssyncadd.s32 $0xFFFFF000  }
0x128: {  	_ =	swait.ge [sflag:s25], $0x1000  }
0x129: {  	[sflag:s25] =	ssyncset.done $0x0  }
0x12a: {  	s14 =	simm.s32 $0x1;
	[sflag:s25] =	ssyncadd.s32 $0xFFFFF000  }
0x12b: {  	_ =	swait.ge [sflag:s14], $0x40  }
0x12c: {  	[sflag:s14] =	ssyncset.done $0x0  }
0x12d: {  	[sflag:s14] =	ssyncadd.s32 $0xFFFFFFC0  }
0x12e: {  	_ =	swait.ge [sflag:s14], $0x40  }
0x12f: {  	p0 =	seq.s32 s6, $0x980;
	[sflag:s14] =	ssyncset.done $0x0  }
0x130: {  	s23 =	simm.s32 $0x16C00;
	[sflag:s14] =	ssyncadd.s32 $0xFFFFFFC0;
	s14 =	simm.s32 $0x17000  }
0x131: {  	[tilespmem:s14], [sflag:$0x9] =	stream.indirect.gather [spmem:s17], $0x40, s23, s28, $0xb8;
	[tilespmem:$0x1F000] =	vst v63  }
0x132: {  	s14 =	sadd.s32 @!p0 s6, s22  }
0x133: {  	s5 =	simm.s32 @!p0 $0x0;
	s23 =	simm.s32 @!p0 $0x16800;
	s22 =	sadd.s32 @!p0 $0x80, s14  }
0x134: {  	[tilespmem:s23], [sflag:$0x1] =	stream.linear.gather @!p0 [hbm4b:s22+s5], $0x40, $0x38;
	[tilespmem:$0x1F000] =	vst v63  }
0x135: {  	s22 =	sadd.s32 @!p0 $0xA080, s14;
	s23 =	simm.s32 @!p0 $0x16840  }
0x136: {  	[tilespmem:s23], [sflag:$0x1] =	stream.linear.gather @!p0 [hbm4b:s22+s5], $0x40, $0x38;
	[tilespmem:$0x1F000] =	vst v63  }
0x137: {  	v1 =	vld [tilespmem:$0x16C40];
	_ =	sdelay $0x7  }
0x138: {  	[tilespmem:v1+s8+$0x0] =	vst.idx.add.f32.msk $0xffff, v0  }
0x139: {  	v1 =	vld [tilespmem:$0x16C50];
	_ =	sdelay $0x7  }
0x13a: {  	[tilespmem:v1+s8+$0x0] =	vst.idx.add.f32.msk $0xffff, v0  }
0x13b: {  	v1 =	vld [tilespmem:$0x16C60];
	_ =	sdelay $0x7  }
0x13c: {  	[tilespmem:v1+s8+$0x0] =	vst.idx.add.f32.msk $0xffff, v0  }
0x13d: {  	v1 =	vld [tilespmem:$0x16C70];
	_ =	sdelay $0x7  }
0x13e: {  	s11 =	simm.s32 $0x2;
	[tilespmem:v1+s8+$0x0] =	vst.idx.add.f32.msk $0xffff, v0  }
0x13f: {  	_ =	swait.ge [sflag:s11], $0x40  }
0x140: {  	[sflag:s11] =	ssyncset.done $0x0  }
0x141: {  	[sflag:s11] =	ssyncadd.s32 $0xFFFFFFC0  }
0x142: {  	_ =	swait.ge [sflag:s11], $0x40  }
0x143: {  	[sflag:s11] =	ssyncset.done $0x0  }
0x144: {  	s23 =	simm.s32 $0x16C80;
	[sflag:s11] =	ssyncadd.s32 $0xFFFFFFC0  }
0x145: {  	[tilespmem:s24], [sflag:$0xA] =	stream.indirect.gather [spmem:s17], $0x40, s23, s28, $0xb8;
	[tilespmem:$0x1F000] =	vst v63  }
0x146: {  	s22 =	sadd.s32 @!p0 $0x88, s14;
	s23 =	simm.s32 @!p0 $0x16880  }
0x147: {  	[tilespmem:s23], [sflag:$0x2] =	stream.linear.gather @!p0 [hbm4b:s22+s5], $0x40, $0x38;
	[tilespmem:$0x1F000] =	vst v63  }
0x148: {  	s22 =	sadd.s32 @!p0 $0xA088, s14;
	s23 =	simm.s32 @!p0 $0x168C0  }
0x149: {  	[tilespmem:s23], [sflag:$0x2] =	stream.linear.gather @!p0 [hbm4b:s22+s5], $0x40, $0x38;
	[tilespmem:$0x1F000] =	vst v63  }
0x14a: {  	v1 =	vld [tilespmem:$0x16CC0];
	_ =	sdelay $0x7  }
0x14b: {  	[tilespmem:v1+s8+$0x0] =	vst.idx.add.f32.msk $0xffff, v0  }
0x14c: {  	v1 =	vld [tilespmem:$0x16CD0];
	_ =	sdelay $0x7  }
0x14d: {  	[tilespmem:v1+s8+$0x0] =	vst.idx.add.f32.msk $0xffff, v0  }
0x14e: {  	v1 =	vld [tilespmem:$0x16CE0];
	_ =	sdelay $0x7  }
0x14f: {  	[tilespmem:v1+s8+$0x0] =	vst.idx.add.f32.msk $0xffff, v0  }
0x150: {  	v1 =	vld [tilespmem:$0x16CF0];
	_ =	sdelay $0x7  }
0x151: {  	s11 =	simm.s32 $0x3;
	[tilespmem:v1+s8+$0x0] =	vst.idx.add.f32.msk $0xffff, v0  }
0x152: {  	_ =	swait.ge [sflag:s11], $0x40  }
0x153: {  	[sflag:s11] =	ssyncset.done $0x0  }
0x154: {  	[sflag:s11] =	ssyncadd.s32 $0xFFFFFFC0  }
0x155: {  	_ =	swait.ge [sflag:s11], $0x40  }
0x156: {  	[sflag:s11] =	ssyncset.done $0x0  }
0x157: {  	s26 =	simm.s32 $0x19000;
	s23 =	simm.s32 $0x16D00;
	[sflag:s11] =	ssyncadd.s32 $0xFFFFFFC0  }
0x158: {  	[tilespmem:s26], [sflag:$0xB] =	stream.indirect.gather [spmem:s17], $0x40, s23, s28, $0xb8;
	[tilespmem:$0x1F000] =	vst v63  }
0x159: {  	s22 =	sadd.s32 @!p0 $0x90, s14;
	s23 =	simm.s32 @!p0 $0x16900  }
0x15a: {  	[tilespmem:s23], [sflag:$0x3] =	stream.linear.gather @!p0 [hbm4b:s22+s5], $0x40, $0x38;
	[tilespmem:$0x1F000] =	vst v63  }
0x15b: {  	s22 =	sadd.s32 @!p0 $0xA090, s14;
	s23 =	simm.s32 @!p0 $0x16940  }
0x15c: {  	[tilespmem:s23], [sflag:$0x3] =	stream.linear.gather @!p0 [hbm4b:s22+s5], $0x40, $0x38;
	[tilespmem:$0x1F000] =	vst v63  }
0x15d: {  	v1 =	vld [tilespmem:$0x16D40];
	_ =	sdelay $0x7  }
0x15e: {  	[tilespmem:v1+s8+$0x0] =	vst.idx.add.f32.msk $0xffff, v0  }
0x15f: {  	v1 =	vld [tilespmem:$0x16D50];
	_ =	sdelay $0x7  }
0x160: {  	[tilespmem:v1+s8+$0x0] =	vst.idx.add.f32.msk $0xffff, v0  }
0x161: {  	v1 =	vld [tilespmem:$0x16D60];
	_ =	sdelay $0x7  }
0x162: {  	[tilespmem:v1+s8+$0x0] =	vst.idx.add.f32.msk $0xffff, v0  }
0x163: {  	v1 =	vld [tilespmem:$0x16D70];
	_ =	sdelay $0x7  }
0x164: {  	s19 =	simm.s32 $0x4;
	[tilespmem:v1+s8+$0x0] =	vst.idx.add.f32.msk $0xffff, v0  }
0x165: {  	_ =	swait.ge [sflag:s19], $0x40  }
0x166: {  	[sflag:s19] =	ssyncset.done $0x0  }
0x167: {  	[sflag:s19] =	ssyncadd.s32 $0xFFFFFFC0  }
0x168: {  	_ =	swait.ge [sflag:s19], $0x40  }
0x169: {  	[sflag:s19] =	ssyncset.done $0x0  }
0x16a: {  	s31 =	simm.s32 $0x1A000;
	s23 =	simm.s32 $0x16D80;
	[sflag:s19] =	ssyncadd.s32 $0xFFFFFFC0  }
0x16b: {  	[tilespmem:s31], [sflag:$0xC] =	stream.indirect.gather [spmem:s17], $0x40, s23, s28, $0xb8;
	[tilespmem:$0x1F000] =	vst v63  }
0x16c: {  	s22 =	sadd.s32 @!p0 $0x98, s14;
	s23 =	simm.s32 @!p0 $0x16980  }
0x16d: {  	[tilespmem:s23], [sflag:$0x4] =	stream.linear.gather @!p0 [hbm4b:s22+s5], $0x40, $0x38;
	[tilespmem:$0x1F000] =	vst v63  }
0x16e: {  	s22 =	sadd.s32 @!p0 $0xA098, s14;
	s23 =	simm.s32 @!p0 $0x169C0  }
0x16f: {  	[tilespmem:s23], [sflag:$0x4] =	stream.linear.gather @!p0 [hbm4b:s22+s5], $0x40, $0x38;
	[tilespmem:$0x1F000] =	vst v63  }
0x170: {  	v1 =	vld [tilespmem:$0x16DC0];
	_ =	sdelay $0x7  }
0x171: {  	[tilespmem:v1+s8+$0x0] =	vst.idx.add.f32.msk $0xffff, v0  }
0x172: {  	v1 =	vld [tilespmem:$0x16DD0];
	_ =	sdelay $0x7  }
0x173: {  	[tilespmem:v1+s8+$0x0] =	vst.idx.add.f32.msk $0xffff, v0  }
0x174: {  	v1 =	vld [tilespmem:$0x16DE0];
	_ =	sdelay $0x7  }
0x175: {  	[tilespmem:v1+s8+$0x0] =	vst.idx.add.f32.msk $0xffff, v0  }
0x176: {  	v1 =	vld [tilespmem:$0x16DF0];
	_ =	sdelay $0x7  }
0x177: {  	s19 =	simm.s32 $0x5;
	[tilespmem:v1+s8+$0x0] =	vst.idx.add.f32.msk $0xffff, v0  }
0x178: {  	_ =	swait.ge [sflag:s19], $0x40  }
0x179: {  	[sflag:s19] =	ssyncset.done $0x0  }
0x17a: {  	[sflag:s19] =	ssyncadd.s32 $0xFFFFFFC0  }
0x17b: {  	_ =	swait.ge [sflag:s19], $0x40  }
0x17c: {  	[sflag:s19] =	ssyncset.done $0x0  }
0x17d: {  	s26 =	simm.s32 $0x1B000;
	s31 =	simm.s32 $0x16E00;
	[sflag:s19] =	ssyncadd.s32 $0xFFFFFFC0  }
0x17e: {  	[tilespmem:s26], [sflag:$0xD] =	stream.indirect.gather [spmem:s17], $0x40, s31, s28, $0xb8;
	[tilespmem:$0x1F000] =	vst v63  }
0x17f: {  	s22 =	sadd.s32 @!p0 $0xA0, s14;
	s23 =	simm.s32 @!p0 $0x16A00  }
0x180: {  	[tilespmem:s23], [sflag:$0x5] =	stream.linear.gather @!p0 [hbm4b:s22+s5], $0x40, $0x38;
	[tilespmem:$0x1F000] =	vst v63  }
0x181: {  	s22 =	sadd.s32 @!p0 $0xA0A0, s14;
	s23 =	simm.s32 @!p0 $0x16A40  }
0x182: {  	[tilespmem:s23], [sflag:$0x5] =	stream.linear.gather @!p0 [hbm4b:s22+s5], $0x40, $0x38;
	[tilespmem:$0x1F000] =	vst v63  }
0x183: {  	v1 =	vld [tilespmem:$0x16E40];
	_ =	sdelay $0x7  }
0x184: {  	[tilespmem:v1+s8+$0x0] =	vst.idx.add.f32.msk $0xffff, v0  }
0x185: {  	v1 =	vld [tilespmem:$0x16E50];
	_ =	sdelay $0x7  }
0x186: {  	[tilespmem:v1+s8+$0x0] =	vst.idx.add.f32.msk $0xffff, v0  }
0x187: {  	v1 =	vld [tilespmem:$0x16E60];
	_ =	sdelay $0x7  }
0x188: {  	[tilespmem:v1+s8+$0x0] =	vst.idx.add.f32.msk $0xffff, v0  }
0x189: {  	v1 =	vld [tilespmem:$0x16E70];
	_ =	sdelay $0x7  }
0x18a: {  	s24 =	simm.s32 $0x6;
	[tilespmem:v1+s8+$0x0] =	vst.idx.add.f32.msk $0xffff, v0  }
0x18b: {  	_ =	swait.ge [sflag:s24], $0x40  }
0x18c: {  	[sflag:s24] =	ssyncset.done $0x0  }
0x18d: {  	[sflag:s24] =	ssyncadd.s32 $0xFFFFFFC0  }
0x18e: {  	_ =	swait.ge [sflag:s24], $0x40  }
0x18f: {  	[sflag:s24] =	ssyncset.done $0x0  }
0x190: {  	s31 =	simm.s32 $0x1C000;
	s26 =	simm.s32 $0x16E80;
	[sflag:s24] =	ssyncadd.s32 $0xFFFFFFC0  }
0x191: {  	[tilespmem:s31], [sflag:$0xE] =	stream.indirect.gather [spmem:s17], $0x40, s26, s28, $0xb8;
	[tilespmem:$0x1F000] =	vst v63  }
0x192: {  	s22 =	sadd.s32 @!p0 $0xA8, s14;
	s23 =	simm.s32 @!p0 $0x16A80  }
0x193: {  	[tilespmem:s23], [sflag:$0x6] =	stream.linear.gather @!p0 [hbm4b:s22+s5], $0x40, $0x38;
	[tilespmem:$0x1F000] =	vst v63  }
0x194: {  	s22 =	sadd.s32 @!p0 $0xA0A8, s14;
	s23 =	simm.s32 @!p0 $0x16AC0  }
0x195: {  	[tilespmem:s23], [sflag:$0x6] =	stream.linear.gather @!p0 [hbm4b:s22+s5], $0x40, $0x38;
	[tilespmem:$0x1F000] =	vst v63  }
0x196: {  	v1 =	vld [tilespmem:$0x16EC0];
	_ =	sdelay $0x7  }
0x197: {  	[tilespmem:v1+s8+$0x0] =	vst.idx.add.f32.msk $0xffff, v0  }
0x198: {  	v1 =	vld [tilespmem:$0x16ED0];
	_ =	sdelay $0x7  }
0x199: {  	[tilespmem:v1+s8+$0x0] =	vst.idx.add.f32.msk $0xffff, v0  }
0x19a: {  	v1 =	vld [tilespmem:$0x16EE0];
	_ =	sdelay $0x7  }
0x19b: {  	[tilespmem:v1+s8+$0x0] =	vst.idx.add.f32.msk $0xffff, v0  }
0x19c: {  	v1 =	vld [tilespmem:$0x16EF0];
	_ =	sdelay $0x7  }
0x19d: {  	s2 =	simm.s32 $0x7;
	[tilespmem:v1+s8+$0x0] =	vst.idx.add.f32.msk $0xffff, v0  }
0x19e: {  	_ =	swait.ge [sflag:s2], $0x40  }
0x19f: {  	[sflag:s2] =	ssyncset.done $0x0  }
0x1a0: {  	[sflag:s2] =	ssyncadd.s32 $0xFFFFFFC0  }
0x1a1: {  	_ =	swait.ge [sflag:s2], $0x40  }
0x1a2: {  	[sflag:s2] =	ssyncset.done $0x0  }
0x1a3: {  	s26 =	simm.s32 $0x1D000;
	s22 =	simm.s32 $0x16F00;
	[sflag:s2] =	ssyncadd.s32 $0xFFFFFFC0  }
0x1a4: {  	[tilespmem:s26], [sflag:$0xF] =	stream.indirect.gather [spmem:s17], $0x40, s22, s28, $0xb8;
	[tilespmem:$0x1F000] =	vst v63  }
0x1a5: {  	s23 =	simm.s32 @!p0 $0x16B00;
	s22 =	sadd.s32 @!p0 $0xB0, s14  }
0x1a6: {  	[tilespmem:s23], [sflag:$0x7] =	stream.linear.gather @!p0 [hbm4b:s22+s5], $0x40, $0x38;
	[tilespmem:$0x1F000] =	vst v63  }
0x1a7: {  	s22 =	sadd.s32 @!p0 $0xA0B0, s14;
	s23 =	simm.s32 @!p0 $0x16B40  }
0x1a8: {  	[tilespmem:s23], [sflag:$0x7] =	stream.linear.gather @!p0 [hbm4b:s22+s5], $0x40, $0x38;
	[tilespmem:$0x1F000] =	vst v63  }
0x1a9: {  	v1 =	vld [tilespmem:$0x16F40];
	_ =	sdelay $0x7  }
0x1aa: {  	[tilespmem:v1+s8+$0x0] =	vst.idx.add.f32.msk $0xffff, v0  }
0x1ab: {  	v1 =	vld [tilespmem:$0x16F50];
	_ =	sdelay $0x7  }
0x1ac: {  	[tilespmem:v1+s8+$0x0] =	vst.idx.add.f32.msk $0xffff, v0  }
0x1ad: {  	v1 =	vld [tilespmem:$0x16F60];
	_ =	sdelay $0x7  }
0x1ae: {  	[tilespmem:v1+s8+$0x0] =	vst.idx.add.f32.msk $0xffff, v0  }
0x1af: {  	v1 =	vld [tilespmem:$0x16F70];
	_ =	sdelay $0x7  }
0x1b0: {  	s9 =	simm.s32 $0x8;
	[tilespmem:v1+s8+$0x0] =	vst.idx.add.f32.msk $0xffff, v0  }
0x1b1: {  	_ =	swait.ge [sflag:s9], $0x40  }
0x1b2: {  	[sflag:s9] =	ssyncset.done $0x0  }
0x1b3: {  	[sflag:s9] =	ssyncadd.s32 $0xFFFFFFC0  }
0x1b4: {  	_ =	swait.ge [sflag:s9], $0x40  }
0x1b5: {  	[sflag:s9] =	ssyncset.done $0x0  }
0x1b6: {  	s2 =	simm.s32 $0x1E000;
	s23 =	simm.s32 $0x16F80;
	[sflag:s9] =	ssyncadd.s32 $0xFFFFFFC0  }
0x1b7: {  	[tilespmem:s2], [sflag:$0x10] =	stream.indirect.gather [spmem:s17], $0x40, s23, s28, $0xb8;
	[tilespmem:$0x1F000] =	vst v63  }
0x1b8: {  	s22 =	sadd.s32 @!p0 $0xB8, s14;
	s23 =	simm.s32 @!p0 $0x16B80  }
0x1b9: {  	[tilespmem:s23], [sflag:$0x8] =	stream.linear.gather @!p0 [hbm4b:s22+s5], $0x40, $0x38;
	[tilespmem:$0x1F000] =	vst v63  }
0x1ba: {  	s14 =	sadd.s32 @!p0 $0xA0B8, s14;
	s22 =	simm.s32 @!p0 $0x16BC0  }
0x1bb: {  	[tilespmem:s22], [sflag:$0x8] =	stream.linear.gather @!p0 [hbm4b:s14+s5], $0x40, $0x38;
	[tilespmem:$0x1F000] =	vst v63  }
0x1bc: {  	v1 =	vld [tilespmem:$0x16FC0];
	_ =	sdelay $0x7  }
0x1bd: {  	[tilespmem:v1+s8+$0x0] =	vst.idx.add.f32.msk $0xffff, v0  }
0x1be: {  	v1 =	vld [tilespmem:$0x16FD0];
	_ =	sdelay $0x7  }
0x1bf: {  	[tilespmem:v1+s8+$0x0] =	vst.idx.add.f32.msk $0xffff, v0  }
0x1c0: {  	v1 =	vld [tilespmem:$0x16FE0];
	_ =	sdelay $0x7  }
0x1c1: {  	[tilespmem:v1+s8+$0x0] =	vst.idx.add.f32.msk $0xffff, v0  }
0x1c2: {  	v1 =	vld [tilespmem:$0x16FF0];
	_ =	sdelay $0x7  }
0x1c3: {  	[tilespmem:v1+s8+$0x0] =	vst.idx.add.f32.msk $0xffff, v0  }
0x1c4: {  	s22 =	sld [smem:$0x7FD];
	_ =	swait.ge [sflag:s30], $0x1000  }
0x1c5: {  	[sflag:s30] =	ssyncset.done $0x0  }
0x1c6: {  	s5 =	simm.s32 $0x17000;
	[sflag:s30] =	ssyncadd.s32 $0xFFFFF000;
	s30 =	simm.s32 $0x16C40  }
0x1c7: {  	[spmem:s18] =	stream.indirect.scatter.add.f32 [tilespmem:s5], [sflag:$0x11], $0x40, s30, s28, $0xb8;
	[tilespmem:$0x1F000] =	vst v63  }
0x1c8: {  	_ =	swait.ge [sflag:s0], $0x1000  }
0x1c9: {  	[sflag:s0] =	ssyncset.done $0x0  }
0x1ca: {  	s14 =	simm.s32 $0x16CC0;
	s30 =	simm.s32 $0x18000;
	[sflag:s0] =	ssyncadd.s32 $0xFFFFF000  }
0x1cb: {  	[spmem:s18] =	stream.indirect.scatter.add.f32 [tilespmem:s30], [sflag:$0x12], $0x40, s14, s28, $0xb8;
	[tilespmem:$0x1F000] =	vst v63  }
0x1cc: {  	_ =	swait.ge [sflag:s15], $0x1000  }
0x1cd: {  	[sflag:s15] =	ssyncset.done $0x0  }
0x1ce: {  	s30 =	simm.s32 $0x19000;
	[sflag:s15] =	ssyncadd.s32 $0xFFFFF000;
	s15 =	simm.s32 $0x16D40  }
0x1cf: {  	[spmem:s18] =	stream.indirect.scatter.add.f32 [tilespmem:s30], [sflag:$0x13], $0x40, s15, s28, $0xb8;
	[tilespmem:$0x1F000] =	vst v63  }
0x1d0: {  	_ =	swait.ge [sflag:s10], $0x1000  }
0x1d1: {  	[sflag:s10] =	ssyncset.done $0x0  }
0x1d2: {  	s15 =	simm.s32 $0x16DC0;
	s30 =	simm.s32 $0x1A000;
	[sflag:s10] =	ssyncadd.s32 $0xFFFFF000  }
0x1d3: {  	[spmem:s18] =	stream.indirect.scatter.add.f32 [tilespmem:s30], [sflag:$0x14], $0x40, s15, s28, $0xb8;
	[tilespmem:$0x1F000] =	vst v63  }
0x1d4: {  	_ =	swait.ge [sflag:s13], $0x1000  }
0x1d5: {  	[sflag:s13] =	ssyncset.done $0x0  }
0x1d6: {  	s14 =	simm.s32 $0x1B000;
	[sflag:s13] =	ssyncadd.s32 $0xFFFFF000;
	s13 =	simm.s32 $0x16E40  }
0x1d7: {  	[spmem:s18] =	stream.indirect.scatter.add.f32 [tilespmem:s14], [sflag:$0x15], $0x40, s13, s28, $0xb8;
	[tilespmem:$0x1F000] =	vst v63  }
0x1d8: {  	_ =	swait.ge [sflag:s1], $0x1000  }
0x1d9: {  	[sflag:s1] =	ssyncset.done $0x0  }
0x1da: {  	s15 =	simm.s32 $0x16EC0;
	[sflag:s1] =	ssyncadd.s32 $0xFFFFF000  }
0x1db: {  	[spmem:s18] =	stream.indirect.scatter.add.f32 [tilespmem:s31], [sflag:$0x16], $0x40, s15, s28, $0xb8;
	[tilespmem:$0x1F000] =	vst v63  }
0x1dc: {  	_ =	swait.ge [sflag:s4], $0x1000  }
0x1dd: {  	[sflag:s4] =	ssyncset.done $0x0  }
0x1de: {  	s23 =	simm.s32 $0x10;
	s30 =	simm.s32 $0x16F40;
	[sflag:s4] =	ssyncadd.s32 $0xFFFFF000  }
0x1df: {  	[spmem:s18] =	stream.indirect.scatter.add.f32 [tilespmem:s26], [sflag:$0x17], $0x40, s30, s28, $0xb8;
	[tilespmem:$0x1F000] =	vst v63  }
0x1e0: {  	_ =	swait.ge [sflag:s23], $0x1000  }
0x1e1: {  	[sflag:s23] =	ssyncset.done $0x0  }
0x1e2: {  	s31 =	simm.s32 $0x16FC0;
	[sflag:s23] =	ssyncadd.s32 $0xFFFFF000  }
0x1e3: {  	[spmem:s18] =	stream.indirect.scatter.add.f32 [tilespmem:s2], [sflag:$0x18], $0x40, s31, s28, $0xb8;
	[tilespmem:$0x1F000] =	vst v63  }
0x1e4: {  	_ =	swait.ge [sflag:s21], $0x1000  }
0x1e5: {  	[sflag:s21] =	ssyncset.done $0x0  }
0x1e6: {  	[sflag:s21] =	ssyncadd.s32 $0xFFFFF000  }
0x1e7: {  	_ =	swait.ge [sflag:s29], $0x1000  }
0x1e8: {  	[sflag:s29] =	ssyncset.done $0x0  }
0x1e9: {  	[sflag:s29] =	ssyncadd.s32 $0xFFFFF000  }
0x1ea: {  	_ =	swait.ge [sflag:s7], $0x1000  }
0x1eb: {  	[sflag:s7] =	ssyncset.done $0x0  }
0x1ec: {  	[sflag:s7] =	ssyncadd.s32 $0xFFFFF000  }
0x1ed: {  	_ =	swait.ge [sflag:s3], $0x1000  }
0x1ee: {  	[sflag:s3] =	ssyncset.done $0x0  }
0x1ef: {  	[sflag:s3] =	ssyncadd.s32 $0xFFFFF000  }
0x1f0: {  	_ =	swait.ge [sflag:s12], $0x1000  }
0x1f1: {  	[sflag:s12] =	ssyncset.done $0x0  }
0x1f2: {  	[sflag:s12] =	ssyncadd.s32 $0xFFFFF000  }
0x1f3: {  	_ =	swait.ge [sflag:s16], $0x1000  }
0x1f4: {  	[sflag:s16] =	ssyncset.done $0x0  }
0x1f5: {  	s6 =	sadd.s32 $0x80, s6;
	[sflag:s16] =	ssyncadd.s32 $0xFFFFF000  }
0x1f6: {  	p0 =	sne.s32 s6, $0xA00;
	_ =	swait.ge [sflag:s20], $0x1000  }
.Ltmp0:
0x1f7: {  	[sflag:s20] =	ssyncset.done $0x0;
	(pc) =	sbr.rel @p0 .LBB2_2-.Ltmp0, $4  }
0x1f8: {  	[sflag:s20] =	ssyncadd.s32 $0xFFFFF000  }
0x1f9: {  	s9 =	simm.s32 $0x4;
	_ =	swait.ge [sflag:s25], $0x1000  }
0x1fa: {  	s0 =	simm.s32 $0x8;
	s10 =	simm.s32 $0x7;
	[sflag:s25] =	ssyncset.done $0x0  }
0x1fb: {  	s1 =	simm.s32 $0x1;
	s7 =	simm.s32 $0x2;
	[sflag:s25] =	ssyncadd.s32 $0xFFFFF000  }
0x1fc: {  	[bflag:$0x0] =	sbarrier.arrive $0xFFFF  }
0x1fd: {  	s6 =	sld [smem:$0x7FC]  }
0x1fe: {  	s14 =	rddreg [dreg:$0x8]  }
0x1ff: {  	s2 =	simm.s32 $0x19;
	s5 =	rddreg [dreg:$0x14]  }
0x200: {  	[hbm:s5], [sflag:s14] =	dma.local [spmem:s6], $0x1400  }
0x201: {  	_ =	swait.ge [sflag:s2], $0x1400  }
0x202: {  	[sflag:s2] =	ssyncset.done $0x0  }
0x203: {  	s3 =	simm.s32 $0x0;
	s26 =	rddreg [dreg:$0x17];
	[sflag:s2] =	ssyncadd.s32 $0xFFFFEC00  }
0x204: {  	[hbm4b:s26+s3] =	stream.linear.scatter [tilespmem:s8], [sflag:$0x19], $0x2800, $0x38;
	[tilespmem:$0x1F000] =	vst v63  }
0x205: {  	_ =	swait.ge [sflag:s2], $0x2800  }
0x206: {  	s30 =	rddreg [dreg:$0x1f]  }
0x207: {  	s31 =	rddreg [dreg:$0x18];
	s6 =	sadd.s32 $0x1, s30  }
0x208: {  	p0 =	sne.s32 s6, s31  }
.Ltmp1:
0x209: {  	_ = 	snop;
	(pc) =	sbr.rel @p0 .LBB2_1-.Ltmp1, $3  }
0x20a: {  	_ =	sdelay $0x1  }
0x20b: {  	[sflag:s2] =	ssyncset.done $0x0  }
0x20c: {  	[sflag:s2] =	ssyncadd.s32 $0xFFFFD800  }
0x20d: {  	_ =	sfence.sel $0x180000  }
0x20e: {  	[bflag:$0x0] =	sbarrier.arrive $0xFFFF  }
0x20f: {  	_ =	strace $0x90000047  }
0x210: {  	s0 =	stileid.u32;
	[bflag:$0x2] =	sbarrier.arrive $0xFFFF  }
0x211: {  	p0 =	sne.s32 s0, $0x0;
	s0 =	rddreg [dreg:$0x5]  }
0x212: {  	s0 =	sadd.s32 @!p0 $0x100000, s0  }
0x213: {  	[sflag:s0] =	ssyncadd.tile.s32 @!p0 $0x1;
	_ =	shalt  }
.Lfunc_end2:
_tile_overlayer_lowered:
.L_overlay_start_2:
0x214: {  	(tag) =	ssettag $0x2  }
0x215: {  	s0 =	rddreg [dreg:$0x0];
	s2 =	stileid.u32  }
0x216: {  	s1 =	rddreg [dreg:$0x1];
	p0 =	sne.s32 s2, $0x0  }
0x217: {  	s3 =	rddreg [dreg:$0x2];
	[bflag:$0x3] =	sbarrier.arrive $0xFFFF;
	s2 =	simm.s32 @!p0 $0x1C19  }
0x218: {  	[timem:s3], [sflag:s2] =	dma.local @!p0 [hbm:s0], s1  }
0x219: {  	s0 =	simm.s32 @!p0 $0x19  }
0x21a: {  	_ =	swait.ge @!p0 [sflag:s0], s1  }
0x21b: {  	s1 =	ssub.s32 @!p0 $0x0, s1;
	[sflag:s0] =	ssyncset.done @!p0 $0x0  }
0x21c: {  	[sflag:s0] =	ssyncadd.s32 @!p0 s1  }
0x21d: {  	[bflag:$0x3] =	sbarrier.arrive $0xFFFF  }
0x21e: {  	_ =	shalt  }

</sc_bundles>
